<compile_context>
chip_gen: v7x
topology: tpu7x:2x2x1
jax: 0.10.2.dev20260603
libtpu: 0.0.44.dev20260713+nightly
codegen_flags: <defaults>
</compile_context>

<pallas_src>
import functools

import jax
import jax.numpy as jnp
from jax import lax
from jax.experimental import pallas as pl
from jax.experimental.pallas import tpu as pltpu
from jax.experimental.pallas import tpu_sc as plsc

_N = 10000
_D = 128
_E = 320000
_LANES = 112
_ROWS_T = 90
_EPAD = _LANES * _ROWS_T * 32
_NC = 2
_NS = 16
_NPAD = 10240
_RPS = _NPAD // _NS
_CPS = [80] * 8
_BLK = 400
_GRID = _N // _BLK

_mesh = plsc.VectorSubcoreMesh(core_axis_name="c", subcore_axis_name="s")


def _sc_body(with_cnt, *refs):
    if with_cnt:
        (table, src1d, dst1d, parts_out, cnt_out,
         acc_sh, cnt_sh, srcb0, srcb1, dstb0, dstb1, dstb2, rows0, rows1,
         onesb, cvec,
         semg0, semg1, sems0, sems1, semc0, semc1, semi0, semi1) = refs
        semc = (semc0, semc1)
    else:
        (table, src1d, dst1d, parts_out,
         acc_sh, srcb0, srcb1, dstb0, dstb1, dstb2, rows0, rows1,
         semg0, semg1, sems0, sems1, semi0, semi1) = refs
    srcb = (srcb0, srcb1)
    dstb = (dstb0, dstb1, dstb2)
    rows = (rows0, rows1)
    semg = (semg0, semg1)
    sems = (sems0, sems1)
    semi = (semi0, semi1)

    cid = lax.axis_index("c")
    sid = lax.axis_index("s")
    base = sid * _RPS

    def _zrow(i, c):
        for j in range(_D // 16):
            rows0[i, pl.ds(j * 16, 16)] = jnp.zeros((16,), jnp.float32)
        return c
    lax.fori_loop(0, _LANES, _zrow, 0)
    off = 0
    for w in _CPS:
        pltpu.sync_copy(rows0.at[pl.ds(0, w)], acc_sh.at[pl.ds(base + off, w)])
        off += w
    if with_cnt:
        def _zc(i, c):
            cvec[pl.ds(i * 16, 16)] = jnp.zeros((16,), jnp.float32)
            return c
        lax.fori_loop(0, _RPS // 16, _zc, 0)
        pltpu.sync_copy(cvec, cnt_sh.at[pl.ds(base, _RPS)])
        def _oc(i, c):
            onesb[pl.ds(i * 16, 16)] = jnp.ones((16,), jnp.float32)
            return c
        lax.fori_loop(0, _LANES // 16, _oc, 0)
    plsc.subcore_barrier()

    def _zrow1(i, c):
        for j in range(_D // 16):
            rows1[i, pl.ds(j * 16, 16)] = jnp.zeros((16,), jnp.float32)
        return c
    lax.fori_loop(0, _LANES, _zrow1, 0)
    def _zd2(i, c):
        dstb2[pl.ds(i * 16, 16)] = jnp.zeros((16,), jnp.int32)
        return c
    lax.fori_loop(0, _LANES // 16, _zd2, 0)
    plsc.subcore_barrier()

    ebase = (cid * _NS + sid) * _ROWS_T * _LANES
    _LAST = _ROWS_T - 1

    def _load(j, sb, db, sem):
        off = ebase + jnp.minimum(j, _LAST) * _LANES
        pltpu.async_copy(src1d.at[pl.ds(off, _LANES)], sb, sem)
        pltpu.async_copy(dst1d.at[pl.ds(off, _LANES)], db, sem)

    def _wload(sb, db, sem):
        pltpu.make_async_copy(src1d.at[pl.ds(0, _LANES)], sb, sem).wait()
        pltpu.make_async_copy(dst1d.at[pl.ds(0, _LANES)], db, sem).wait()

    _load(0, srcb0, dstb0, semi0)
    _wload(srcb0, dstb0, semi0)
    pltpu.async_copy(table.at[srcb0], rows0, semg0)
    _load(1, srcb1, dstb1, semi1)
    pltpu.async_copy(rows1, acc_sh.at[dstb2], sems1, add=True)
    if with_cnt:
        pltpu.async_copy(cvec.at[pl.ds(0, _LANES)], cnt_sh.at[dstb2],
                         semc1, add=True)

    def _step(jj, u):
        p, q = u % 2, (u + 1) % 2
        d, dn, dp = u % 3, (u + 1) % 3, (u + 2) % 3
        _wload(srcb[q], dstb[dn], semi[q])
        pltpu.make_async_copy(table.at[srcb[p]], rows[p], semg[p]).wait()
        pltpu.make_async_copy(rows[q], acc_sh.at[dstb[dp]], sems[q]).wait()
        if with_cnt:
            pltpu.make_async_copy(onesb, cnt_sh.at[dstb[dp]], semc[q]).wait()
        pltpu.async_copy(rows[p], acc_sh.at[dstb[d]], sems[p], add=True)
        if with_cnt:
            pltpu.async_copy(onesb, cnt_sh.at[dstb[d]], semc[p], add=True)
        pltpu.async_copy(table.at[srcb[q]], rows[q], semg[q])
        _load(jj + 2, srcb[p], dstb[dp], semi[p])

    def _six(g, c):
        for u in range(6):
            _step(6 * g + u, u)
        return c
    lax.fori_loop(0, _ROWS_T // 6, _six, 0)
    for u in range(_ROWS_T % 6):
        _step((_ROWS_T // 6) * 6 + u, u)

    _p, _q = _LAST % 2, (_LAST + 1) % 2
    _d, _dn = _LAST % 3, (_LAST + 2) % 3
    pltpu.make_async_copy(table.at[srcb[_q]], rows[_q], semg[_q]).wait()
    pltpu.make_async_copy(rows[_p], acc_sh.at[dstb[_d]], sems[_p]).wait()
    if with_cnt:
        pltpu.make_async_copy(onesb, cnt_sh.at[dstb[_d]], semc[_p]).wait()
    _wload(srcb[_p], dstb[_dn], semi[_p])

    plsc.subcore_barrier()

    obase = cid * _NPAD + base
    off = 0
    for w in _CPS:
        pltpu.sync_copy(acc_sh.at[pl.ds(base + off, w)], rows0.at[pl.ds(0, w)])
        pltpu.sync_copy(rows0.at[pl.ds(0, w)],
                        parts_out.at[pl.ds(obase + off, w)])
        off += w
    if with_cnt:
        pltpu.sync_copy(cnt_sh.at[pl.ds(base, _RPS)], cvec)
        pltpu.sync_copy(cvec, cnt_out.at[pl.ds(obase, _RPS)])


def _make_sc(with_cnt):
    out_type = [jax.ShapeDtypeStruct((_NC * _NPAD, _D), jnp.float32)]
    scratch = [
        pltpu.VMEM_SHARED((_NPAD, _D), jnp.float32),
    ]
    if with_cnt:
        out_type.append(jax.ShapeDtypeStruct((_NC * _NPAD,), jnp.float32))
        scratch.append(pltpu.VMEM_SHARED((_NPAD,), jnp.float32))
    scratch += [
        pltpu.VMEM((_LANES,), jnp.int32),
        pltpu.VMEM((_LANES,), jnp.int32),
        pltpu.VMEM((_LANES,), jnp.int32),
        pltpu.VMEM((_LANES,), jnp.int32),
        pltpu.VMEM((_LANES,), jnp.int32),
        pltpu.VMEM((_LANES, _D), jnp.float32),
        pltpu.VMEM((_LANES, _D), jnp.float32),
    ]
    if with_cnt:
        scratch.append(pltpu.VMEM((_LANES,), jnp.float32))
        scratch.append(pltpu.VMEM((_RPS,), jnp.float32))
    scratch += [pltpu.SemaphoreType.DMA] * (8 if with_cnt else 6)
    return pl.kernel(
        functools.partial(_sc_body, with_cnt),
        out_type=tuple(out_type) if with_cnt else out_type[0],
        mesh=_mesh,
        scratch_types=tuple(scratch),
    )


_sc_agg_cnt = _make_sc(True)
_sc_agg = _make_sc(False)


def _l0_body(parts, cnt, x, wl, wr, b, h_out):
    a = parts[0] + parts[1]
    c = cnt[0, 0] + cnt[0, 1]
    inv = (1.0 / jnp.maximum(c, 1.0))[:, None]
    h = (jnp.dot(a * inv, wl[...], preferred_element_type=jnp.float32) + b[...]
         + jnp.dot(x[...], wr[...], preferred_element_type=jnp.float32))
    h_out[...] = jnp.maximum(h, 0.0)


def _l1_body(parts, cnt, h0, wl, wr, b, wg, bg, wo, bo, out, acc):
    i = pl.program_id(0)
    a = parts[0] + parts[1]
    c = cnt[0, 0] + cnt[0, 1]
    inv = (1.0 / jnp.maximum(c, 1.0))[:, None]
    h = (jnp.dot(a * inv, wl[...], preferred_element_type=jnp.float32) + b[...]
         + jnp.dot(h0[...], wr[...], preferred_element_type=jnp.float32))
    h = jnp.maximum(h, 0.0)
    s = jnp.sum(h, axis=0, keepdims=True)

    @pl.when(i == 0)
    def _():
        acc[...] = s

    @pl.when(i > 0)
    def _():
        acc[...] = acc[...] + s

    g = acc[...] * (1.0 / _N)
    z = jnp.maximum(
        jnp.dot(g, wg[...], preferred_element_type=jnp.float32) + bg[...], 0.0)
    out[...] = jnp.dot(z, wo[...], preferred_element_type=jnp.float32) + bo[...]


def _l0_call(parts, cnt, x, wlT, wrT, bl):
    return pl.pallas_call(
        _l0_body,
        grid=(_GRID,),
        in_specs=[
            pl.BlockSpec((_NC, _BLK, _D), lambda i: (0, i, 0)),
            pl.BlockSpec((1, _NC, _BLK), lambda i: (i, 0, 0)),
            pl.BlockSpec((_BLK, _D), lambda i: (i, 0)),
            pl.BlockSpec((_D, _D), lambda i: (0, 0)),
            pl.BlockSpec((_D, _D), lambda i: (0, 0)),
            pl.BlockSpec((1, _D), lambda i: (0, 0)),
        ],
        out_specs=pl.BlockSpec((_BLK, _D), lambda i: (i, 0)),
        out_shape=jax.ShapeDtypeStruct((_N, _D), jnp.float32),
    )(parts, cnt, x, wlT, wrT, bl)


def _l1_call(parts, cnt, h0, wlT, wrT, bl, wgT, bg, woT, bo):
    return pl.pallas_call(
        _l1_body,
        grid=(_GRID,),
        in_specs=[
            pl.BlockSpec((_NC, _BLK, _D), lambda i: (0, i, 0)),
            pl.BlockSpec((1, _NC, _BLK), lambda i: (i, 0, 0)),
            pl.BlockSpec((_BLK, _D), lambda i: (i, 0)),
            pl.BlockSpec((_D, _D), lambda i: (0, 0)),
            pl.BlockSpec((_D, _D), lambda i: (0, 0)),
            pl.BlockSpec((1, _D), lambda i: (0, 0)),
            pl.BlockSpec((_D, _D), lambda i: (0, 0)),
            pl.BlockSpec((1, _D), lambda i: (0, 0)),
            pl.BlockSpec((_D, 16), lambda i: (0, 0)),
            pl.BlockSpec((1, 16), lambda i: (0, 0)),
        ],
        out_specs=pl.BlockSpec((1, 16), lambda i: (0, 0)),
        out_shape=jax.ShapeDtypeStruct((1, 16), jnp.float32),
        scratch_shapes=[pltpu.VMEM((1, _D), jnp.float32)],
    )(parts, cnt, h0, wlT, wrT, bl, wgT, bg, woT, bo)


def kernel(x, edge_index, batch, Wl0, bl0, Wr0, Wl1, bl1, Wr1, Wlin0, blin0, Wout, bout):
    pad_e = _EPAD - _E
    ar = jnp.arange(pad_e, dtype=jnp.int32)
    src = jnp.concatenate([edge_index[0], ar % _N])
    dst = jnp.concatenate([edge_index[1], _N + ar % (_NPAD - _N)])
    parts0, cnt = _sc_agg_cnt(x, src, dst)
    parts0 = parts0.reshape(_NC, _NPAD, _D)
    cnt = (cnt.reshape(_NC, _NPAD)[:, :_N]
           .reshape(_NC, _GRID, _BLK).transpose(1, 0, 2))
    h0 = _l0_call(parts0, cnt, x, Wl0.T, Wr0.T, bl0[None, :])
    parts1 = _sc_agg(h0, src, dst).reshape(_NC, _NPAD, _D)
    out = _l1_call(parts1, cnt, h0, Wl1.T, Wr1.T, bl1[None, :],
                   Wlin0.T, blin0[None, :], Wout.T, bout[None, :])
    return out

# --- scband reference (transcript-rebuilt; emitter-appended) ---
"""Pipeline reference for scband-gnn-44736379355524 (READ-ONLY COPY).

The authoritative reference and input builder live on the scoring server;
editing this copy changes nothing except your own understanding.
"""

import jax, jax.numpy as jnp
import numpy as np

N = 10000
E = 320000
D = 128
H = 128
LIN = 128
OUT = 16
NUM_GRAPHS = 1


def setup_inputs(seed: int = 0) -> dict:
    key = jax.random.key(seed)
    ks = jax.random.split(key, 14)
    x = jax.random.normal(ks[0], (N, D), dtype=jnp.float32)
    edge_index = jax.random.randint(ks[1], (2, E), 0, N, dtype=jnp.int32)
    batch = jnp.zeros((N,), dtype=jnp.int32)
    s0 = 1.0 / np.sqrt(D)
    s1 = 1.0 / np.sqrt(H)
    # SAGEConv 0: lin_l (aggregated neighbors, with bias) and lin_r (root, no bias)
    Wl0 = jax.random.normal(ks[2], (H, D), dtype=jnp.float32) * s0
    bl0 = jnp.zeros((H,), dtype=jnp.float32)
    Wr0 = jax.random.normal(ks[3], (H, D), dtype=jnp.float32) * s0
    # SAGEConv 1
    Wl1 = jax.random.normal(ks[4], (H, H), dtype=jnp.float32) * s1
    bl1 = jnp.zeros((H,), dtype=jnp.float32)
    Wr1 = jax.random.normal(ks[5], (H, H), dtype=jnp.float32) * s1
    # Lin_0
    Wlin0 = jax.random.normal(ks[6], (LIN, H), dtype=jnp.float32) * s1
    blin0 = jnp.zeros((LIN,), dtype=jnp.float32)
    # Output
    Wout = jax.random.normal(ks[7], (OUT, LIN), dtype=jnp.float32) * (1.0 / np.sqrt(LIN))
    bout = jnp.zeros((OUT,), dtype=jnp.float32)
    return {
        'x': x, 'edge_index': edge_index, 'batch': batch,
        'Wl0': Wl0, 'bl0': bl0, 'Wr0': Wr0,
        'Wl1': Wl1, 'bl1': bl1, 'Wr1': Wr1,
        'Wlin0': Wlin0, 'blin0': blin0,
        'Wout': Wout, 'bout': bout,
    }


def _sage_conv(x, edge_index, Wl, bl, Wr):
    # PyG SAGEConv (aggr='mean'): out = lin_l(mean_{j in N(i)} x_j) + lin_r(x_i)
    src = edge_index[0]
    dst = edge_index[1]
    msg = x[src]
    agg_sum = jax.ops.segment_sum(msg, dst, num_segments=N)
    cnt = jax.ops.segment_sum(jnp.ones((edge_index.shape[1],), dtype=x.dtype), dst, num_segments=N)
    agg_mean = agg_sum / jnp.clip(cnt, 1.0)[:, None]
    return agg_mean @ Wl.T + bl + x @ Wr.T


def reference(x, edge_index, batch, Wl0, bl0, Wr0, Wl1, bl1, Wr1, Wlin0, blin0, Wout, bout):
    h = jax.nn.relu(_sage_conv(x, edge_index, Wl0, bl0, Wr0))
    h = jax.nn.relu(_sage_conv(h, edge_index, Wl1, bl1, Wr1))
    # global mean aggregation over batch (single graph here)
    g_sum = jax.ops.segment_sum(h, batch, num_segments=NUM_GRAPHS)
    g_cnt = jax.ops.segment_sum(jnp.ones((N,), dtype=h.dtype), batch, num_segments=NUM_GRAPHS)
    g = g_sum / jnp.clip(g_cnt, 1.0)[:, None]
    g = jax.nn.relu(g @ Wlin0.T + blin0)
    out = g @ Wout.T + bout
    return out

if __name__ == "__main__":
    import jax
    _d = setup_inputs()
    print(jax.jit(kernel)(*tuple(_d.values())))

</pallas_src>

<mosaic_0001>
#map = affine_map<(d0, d1) -> (0, 0)>
#map1 = affine_map<(d0, d1) -> (0)>
module attributes {stable_mosaic.version = 14 : i64} {
  func.func @_sc_body(%arg0: i32, %arg1: i32, %arg2: memref<10000x128xf32, #tpu.memory_space<hbm>>, %arg3: memref<322560xi32, #tpu.memory_space<hbm>>, %arg4: memref<322560xi32, #tpu.memory_space<hbm>>, %arg5: memref<20480x128xf32, #tpu.memory_space<hbm>>, %arg6: memref<20480xf32, #tpu.memory_space<hbm>>, %arg7: memref<10240x128xf32, #tpu.memory_space<vmem_shared>>, %arg8: memref<10240xf32, #tpu.memory_space<vmem_shared>>, %arg9: memref<112xi32, #tpu.memory_space<vmem>>, %arg10: memref<112xi32, #tpu.memory_space<vmem>>, %arg11: memref<112xi32, #tpu.memory_space<vmem>>, %arg12: memref<112xi32, #tpu.memory_space<vmem>>, %arg13: memref<112xi32, #tpu.memory_space<vmem>>, %arg14: memref<112x128xf32, #tpu.memory_space<vmem>>, %arg15: memref<112x128xf32, #tpu.memory_space<vmem>>, %arg16: memref<112xf32, #tpu.memory_space<vmem>>, %arg17: memref<640xf32, #tpu.memory_space<vmem>>, %arg18: memref<!tpu.dma_semaphore, #tpu.memory_space<semaphore_mem>>, %arg19: memref<!tpu.dma_semaphore, #tpu.memory_space<semaphore_mem>>, %arg20: memref<!tpu.dma_semaphore, #tpu.memory_space<semaphore_mem>>, %arg21: memref<!tpu.dma_semaphore, #tpu.memory_space<semaphore_mem>>, %arg22: memref<!tpu.dma_semaphore, #tpu.memory_space<semaphore_mem>>, %arg23: memref<!tpu.dma_semaphore, #tpu.memory_space<semaphore_mem>>, %arg24: memref<!tpu.dma_semaphore, #tpu.memory_space<semaphore_mem>>, %arg25: memref<!tpu.dma_semaphore, #tpu.memory_space<semaphore_mem>>) attributes {dimension_semantics = [#tpu.dimension_semantics<core_parallel>, #tpu.dimension_semantics<subcore_parallel>], iteration_bounds = array<i64: 2, 16>, scalar_prefetch = 0 : i64, scratch_operands = 19 : i64, tpu.core_type = #tpu.core_type<sc_vector_subcore>, window_params = [{transform_indices = #map}, {transform_indices = #map1}, {transform_indices = #map1}, {transform_indices = #map}, {transform_indices = #map1}]} {
    %mul3A = arith.constant 640 : i32
    %mul3A_0 = arith.muli %arg1, %mul3A : i32
    %scan3A = arith.constant 0 : i32
    %scan3A_1 = arith.constant 0 : i32
    %scan3A_2 = arith.constant 112 : i32
    %scan3A_3 = arith.addi %scan3A_1, %scan3A_2 : i32
    %scan3A_4 = arith.constant 1 : i32
    scf.for %scan3A_146 = %scan3A_1 to %scan3A_3 step %scan3A_4  : i32 {
      %broadcast_in_dim3A = arith.constant 0.000000e+00 : f32
      %broadcast_in_dim3A_147 = vector.broadcast %broadcast_in_dim3A : f32 to vector<16xf32>
      %swap3A = arith.index_cast %scan3A_146 : i32 to index
      %swap3A_148 = arith.constant 0 : index
      %swap3A_149 = tpu.vector_load %arg14[%swap3A, %swap3A_148] {strides = array<i32>} : memref<112x128xf32, #tpu.memory_space<vmem>>, vector<1x16xf32>,
      %swap3A_150 = vector.shape_cast %swap3A_149 : vector<1x16xf32> to vector<16xf32>
      %swap3A_151 = vector.shape_cast %broadcast_in_dim3A_147 : vector<16xf32> to vector<1x16xf32>
      tpu.vector_store %arg14[%swap3A, %swap3A_148], %swap3A_151 {strides = array<i32>} : memref<112x128xf32, #tpu.memory_space<vmem>>, vector<1x16xf32>,
      %broadcast_in_dim3A_152 = arith.constant 0.000000e+00 : f32
      %broadcast_in_dim3A_153 = vector.broadcast %broadcast_in_dim3A_152 : f32 to vector<16xf32>
      %swap3A_154 = arith.index_cast %scan3A_146 : i32 to index
      %swap3A_155 = arith.constant 16 : index
      %swap3A_156 = tpu.vector_load %arg14[%swap3A_154, %swap3A_155] {strides = array<i32>} : memref<112x128xf32, #tpu.memory_space<vmem>>, vector<1x16xf32>,
      %swap3A_157 = vector.shape_cast %swap3A_156 : vector<1x16xf32> to vector<16xf32>
      %swap3A_158 = vector.shape_cast %broadcast_in_dim3A_153 : vector<16xf32> to vector<1x16xf32>
      tpu.vector_store %arg14[%swap3A_154, %swap3A_155], %swap3A_158 {strides = array<i32>} : memref<112x128xf32, #tpu.memory_space<vmem>>, vector<1x16xf32>,
      %broadcast_in_dim3A_159 = arith.constant 0.000000e+00 : f32
      %broadcast_in_dim3A_160 = vector.broadcast %broadcast_in_dim3A_159 : f32 to vector<16xf32>
      %swap3A_161 = arith.index_cast %scan3A_146 : i32 to index
      %swap3A_162 = arith.constant 32 : index
      %swap3A_163 = tpu.vector_load %arg14[%swap3A_161, %swap3A_162] {strides = array<i32>} : memref<112x128xf32, #tpu.memory_space<vmem>>, vector<1x16xf32>,
      %swap3A_164 = vector.shape_cast %swap3A_163 : vector<1x16xf32> to vector<16xf32>
      %swap3A_165 = vector.shape_cast %broadcast_in_dim3A_160 : vector<16xf32> to vector<1x16xf32>
      tpu.vector_store %arg14[%swap3A_161, %swap3A_162], %swap3A_165 {strides = array<i32>} : memref<112x128xf32, #tpu.memory_space<vmem>>, vector<1x16xf32>,
      %broadcast_in_dim3A_166 = arith.constant 0.000000e+00 : f32
      %broadcast_in_dim3A_167 = vector.broadcast %broadcast_in_dim3A_166 : f32 to vector<16xf32>
      %swap3A_168 = arith.index_cast %scan3A_146 : i32 to index
      %swap3A_169 = arith.constant 48 : index
      %swap3A_170 = tpu.vector_load %arg14[%swap3A_168, %swap3A_169] {strides = array<i32>} : memref<112x128xf32, #tpu.memory_space<vmem>>, vector<1x16xf32>,
      %swap3A_171 = vector.shape_cast %swap3A_170 : vector<1x16xf32> to vector<16xf32>
      %swap3A_172 = vector.shape_cast %broadcast_in_dim3A_167 : vector<16xf32> to vector<1x16xf32>
      tpu.vector_store %arg14[%swap3A_168, %swap3A_169], %swap3A_172 {strides = array<i32>} : memref<112x128xf32, #tpu.memory_space<vmem>>, vector<1x16xf32>,
      %broadcast_in_dim3A_173 = arith.constant 0.000000e+00 : f32
      %broadcast_in_dim3A_174 = vector.broadcast %broadcast_in_dim3A_173 : f32 to vector<16xf32>
      %swap3A_175 = arith.index_cast %scan3A_146 : i32 to index
      %swap3A_176 = arith.constant 64 : index
      %swap3A_177 = tpu.vector_load %arg14[%swap3A_175, %swap3A_176] {strides = array<i32>} : memref<112x128xf32, #tpu.memory_space<vmem>>, vector<1x16xf32>,
      %swap3A_178 = vector.shape_cast %swap3A_177 : vector<1x16xf32> to vector<16xf32>
      %swap3A_179 = vector.shape_cast %broadcast_in_dim3A_174 : vector<16xf32> to vector<1x16xf32>
      tpu.vector_store %arg14[%swap3A_175, %swap3A_176], %swap3A_179 {strides = array<i32>} : memref<112x128xf32, #tpu.memory_space<vmem>>, vector<1x16xf32>,
      %broadcast_in_dim3A_180 = arith.constant 0.000000e+00 : f32
      %broadcast_in_dim3A_181 = vector.broadcast %broadcast_in_dim3A_180 : f32 to vector<16xf32>
      %swap3A_182 = arith.index_cast %scan3A_146 : i32 to index
      %swap3A_183 = arith.constant 80 : index
      %swap3A_184 = tpu.vector_load %arg14[%swap3A_182, %swap3A_183] {strides = array<i32>} : memref<112x128xf32, #tpu.memory_space<vmem>>, vector<1x16xf32>,
      %swap3A_185 = vector.shape_cast %swap3A_184 : vector<1x16xf32> to vector<16xf32>
      %swap3A_186 = vector.shape_cast %broadcast_in_dim3A_181 : vector<16xf32> to vector<1x16xf32>
      tpu.vector_store %arg14[%swap3A_182, %swap3A_183], %swap3A_186 {strides = array<i32>} : memref<112x128xf32, #tpu.memory_space<vmem>>, vector<1x16xf32>,
      %broadcast_in_dim3A_187 = arith.constant 0.000000e+00 : f32
      %broadcast_in_dim3A_188 = vector.broadcast %broadcast_in_dim3A_187 : f32 to vector<16xf32>
      %swap3A_189 = arith.index_cast %scan3A_146 : i32 to index
      %swap3A_190 = arith.constant 96 : index
      %swap3A_191 = tpu.vector_load %arg14[%swap3A_189, %swap3A_190] {strides = array<i32>} : memref<112x128xf32, #tpu.memory_space<vmem>>, vector<1x16xf32>,
      %swap3A_192 = vector.shape_cast %swap3A_191 : vector<1x16xf32> to vector<16xf32>
      %swap3A_193 = vector.shape_cast %broadcast_in_dim3A_188 : vector<16xf32> to vector<1x16xf32>
      tpu.vector_store %arg14[%swap3A_189, %swap3A_190], %swap3A_193 {strides = array<i32>} : memref<112x128xf32, #tpu.memory_space<vmem>>, vector<1x16xf32>,
      %broadcast_in_dim3A_194 = arith.constant 0.000000e+00 : f32
      %broadcast_in_dim3A_195 = vector.broadcast %broadcast_in_dim3A_194 : f32 to vector<16xf32>
      %swap3A_196 = arith.index_cast %scan3A_146 : i32 to index
      %swap3A_197 = arith.constant 112 : index
      %swap3A_198 = tpu.vector_load %arg14[%swap3A_196, %swap3A_197] {strides = array<i32>} : memref<112x128xf32, #tpu.memory_space<vmem>>, vector<1x16xf32>,
      %swap3A_199 = vector.shape_cast %swap3A_198 : vector<1x16xf32> to vector<16xf32>
      %swap3A_200 = vector.shape_cast %broadcast_in_dim3A_195 : vector<16xf32> to vector<1x16xf32>
      tpu.vector_store %arg14[%swap3A_196, %swap3A_197], %swap3A_200 {strides = array<i32>} : memref<112x128xf32, #tpu.memory_space<vmem>>, vector<1x16xf32>,
    }
    %scan3A_5 = arith.constant 112 : i32
    %add3A = arith.constant 0 : i32
    %add3A_6 = arith.addi %mul3A_0, %add3A : i32
    "tpu.region"() ({
      %run_scoped3A = tpu.sem_alloc : memref<!tpu.dma_semaphore, #tpu.memory_space<semaphore_mem>>
      %dma_start3A_146 = arith.constant 0 : i32
      %dma_start3A_147 = arith.constant 0 : i32
      %dma_start3A_148 = tpu.memref_slice %arg14[%dma_start3A_146, %dma_start3A_147] : memref<112x128xf32, #tpu.memory_space<vmem>> -> memref<80x128xf32, #tpu.memory_space<vmem>>
      %dma_start3A_149 = arith.constant 0 : i32
      %dma_start3A_150 = tpu.memref_slice %arg7[%add3A_6, %dma_start3A_149] : memref<10240x128xf32, #tpu.memory_space<vmem_shared>> -> memref<80x128xf32, #tpu.memory_space<vmem_shared>>
      %dma_start3A_151 = arith.constant 0 : i32
      %dma_start3A_152 = tpu.memref_slice %arg7[%add3A_6, %dma_start3A_151] : memref<10240x128xf32, #tpu.memory_space<vmem_shared>> -> memref<80x128xf32, #tpu.memory_space<vmem_shared>>
      %dma_start3A_153 = arith.constant 0 : i32
      %dma_start3A_154 = arith.constant 0 : i32
      %dma_start3A_155 = tpu.memref_slice %arg14[%dma_start3A_153, %dma_start3A_154] : memref<112x128xf32, #tpu.memory_space<vmem>> -> memref<80x128xf32, #tpu.memory_space<vmem>>
      tpu.enqueue_dma source(%dma_start3A_155 : memref<80x128xf32, #tpu.memory_space<vmem>>) target(%dma_start3A_152 : memref<80x128xf32, #tpu.memory_space<vmem_shared>>) target_semaphore(%run_scoped3A : memref<!tpu.dma_semaphore, #tpu.memory_space<semaphore_mem>>)
      %dma_wait3A_156 = arith.constant 0 : i32
      %dma_wait3A_157 = arith.constant 0 : i32
      %dma_wait3A_158 = tpu.memref_slice %arg14[%dma_wait3A_156, %dma_wait3A_157] : memref<112x128xf32, #tpu.memory_space<vmem>> -> memref<80x128xf32, #tpu.memory_space<vmem>>
      %dma_wait3A_159 = arith.constant 0 : i32
      %dma_wait3A_160 = tpu.memref_slice %arg7[%add3A_6, %dma_wait3A_159] : memref<10240x128xf32, #tpu.memory_space<vmem_shared>> -> memref<80x128xf32, #tpu.memory_space<vmem_shared>>
      %dma_wait3A_161 = arith.constant 0 : i32
      %dma_wait3A_162 = tpu.memref_slice %arg7[%add3A_6, %dma_wait3A_161] : memref<10240x128xf32, #tpu.memory_space<vmem_shared>> -> memref<80x128xf32, #tpu.memory_space<vmem_shared>>
      %dma_wait3A_163 = arith.constant 0 : i32
      %dma_wait3A_164 = arith.constant 0 : i32
      %dma_wait3A_165 = tpu.memref_slice %arg14[%dma_wait3A_163, %dma_wait3A_164] : memref<112x128xf32, #tpu.memory_space<vmem>> -> memref<80x128xf32, #tpu.memory_space<vmem>>
      tpu.wait_dma2 semaphore(%run_scoped3A : memref<!tpu.dma_semaphore, #tpu.memory_space<semaphore_mem>>) src(%dma_wait3A_165 : memref<80x128xf32, #tpu.memory_space<vmem>>) dst(%dma_wait3A_162 : memref<80x128xf32, #tpu.memory_space<vmem_shared>>)
      tpu.yield
    }) : () -> ()
    %add3A_7 = arith.constant 80 : i32
    %add3A_8 = arith.addi %mul3A_0, %add3A_7 : i32
    "tpu.region"() ({
      %run_scoped3A = tpu.sem_alloc : memref<!tpu.dma_semaphore, #tpu.memory_space<semaphore_mem>>
      %dma_start3A_146 = arith.constant 0 : i32
      %dma_start3A_147 = arith.constant 0 : i32
      %dma_start3A_148 = tpu.memref_slice %arg14[%dma_start3A_146, %dma_start3A_147] : memref<112x128xf32, #tpu.memory_space<vmem>> -> memref<80x128xf32, #tpu.memory_space<vmem>>
      %dma_start3A_149 = arith.constant 0 : i32
      %dma_start3A_150 = tpu.memref_slice %arg7[%add3A_8, %dma_start3A_149] : memref<10240x128xf32, #tpu.memory_space<vmem_shared>> -> memref<80x128xf32, #tpu.memory_space<vmem_shared>>
      %dma_start3A_151 = arith.constant 0 : i32
      %dma_start3A_152 = tpu.memref_slice %arg7[%add3A_8, %dma_start3A_151] : memref<10240x128xf32, #tpu.memory_space<vmem_shared>> -> memref<80x128xf32, #tpu.memory_space<vmem_shared>>
      %dma_start3A_153 = arith.constant 0 : i32
      %dma_start3A_154 = arith.constant 0 : i32
      %dma_start3A_155 = tpu.memref_slice %arg14[%dma_start3A_153, %dma_start3A_154] : memref<112x128xf32, #tpu.memory_space<vmem>> -> memref<80x128xf32, #tpu.memory_space<vmem>>
      tpu.enqueue_dma source(%dma_start3A_155 : memref<80x128xf32, #tpu.memory_space<vmem>>) target(%dma_start3A_152 : memref<80x128xf32, #tpu.memory_space<vmem_shared>>) target_semaphore(%run_scoped3A : memref<!tpu.dma_semaphore, #tpu.memory_space<semaphore_mem>>)
      %dma_wait3A_156 = arith.constant 0 : i32
      %dma_wait3A_157 = arith.constant 0 : i32
      %dma_wait3A_158 = tpu.memref_slice %arg14[%dma_wait3A_156, %dma_wait3A_157] : memref<112x128xf32, #tpu.memory_space<vmem>> -> memref<80x128xf32, #tpu.memory_space<vmem>>
      %dma_wait3A_159 = arith.constant 0 : i32
      %dma_wait3A_160 = tpu.memref_slice %arg7[%add3A_8, %dma_wait3A_159] : memref<10240x128xf32, #tpu.memory_space<vmem_shared>> -> memref<80x128xf32, #tpu.memory_space<vmem_shared>>
      %dma_wait3A_161 = arith.constant 0 : i32
      %dma_wait3A_162 = tpu.memref_slice %arg7[%add3A_8, %dma_wait3A_161] : memref<10240x128xf32, #tpu.memory_space<vmem_shared>> -> memref<80x128xf32, #tpu.memory_space<vmem_shared>>
      %dma_wait3A_163 = arith.constant 0 : i32
      %dma_wait3A_164 = arith.constant 0 : i32
      %dma_wait3A_165 = tpu.memref_slice %arg14[%dma_wait3A_163, %dma_wait3A_164] : memref<112x128xf32, #tpu.memory_space<vmem>> -> memref<80x128xf32, #tpu.memory_space<vmem>>
      tpu.wait_dma2 semaphore(%run_scoped3A : memref<!tpu.dma_semaphore, #tpu.memory_space<semaphore_mem>>) src(%dma_wait3A_165 : memref<80x128xf32, #tpu.memory_space<vmem>>) dst(%dma_wait3A_162 : memref<80x128xf32, #tpu.memory_space<vmem_shared>>)
      tpu.yield
    }) : () -> ()
    %add3A_9 = arith.constant 160 : i32
    %add3A_10 = arith.addi %mul3A_0, %add3A_9 : i32
    "tpu.region"() ({
      %run_scoped3A = tpu.sem_alloc : memref<!tpu.dma_semaphore, #tpu.memory_space<semaphore_mem>>
      %dma_start3A_146 = arith.constant 0 : i32
      %dma_start3A_147 = arith.constant 0 : i32
      %dma_start3A_148 = tpu.memref_slice %arg14[%dma_start3A_146, %dma_start3A_147] : memref<112x128xf32, #tpu.memory_space<vmem>> -> memref<80x128xf32, #tpu.memory_space<vmem>>
      %dma_start3A_149 = arith.constant 0 : i32
      %dma_start3A_150 = tpu.memref_slice %arg7[%add3A_10, %dma_start3A_149] : memref<10240x128xf32, #tpu.memory_space<vmem_shared>> -> memref<80x128xf32, #tpu.memory_space<vmem_shared>>
      %dma_start3A_151 = arith.constant 0 : i32
      %dma_start3A_152 = tpu.memref_slice %arg7[%add3A_10, %dma_start3A_151] : memref<10240x128xf32, #tpu.memory_space<vmem_shared>> -> memref<80x128xf32, #tpu.memory_space<vmem_shared>>
      %dma_start3A_153 = arith.constant 0 : i32
      %dma_start3A_154 = arith.constant 0 : i32
      %dma_start3A_155 = tpu.memref_slice %arg14[%dma_start3A_153, %dma_start3A_154] : memref<112x128xf32, #tpu.memory_space<vmem>> -> memref<80x128xf32, #tpu.memory_space<vmem>>
      tpu.enqueue_dma source(%dma_start3A_155 : memref<80x128xf32, #tpu.memory_space<vmem>>) target(%dma_start3A_152 : memref<80x128xf32, #tpu.memory_space<vmem_shared>>) target_semaphore(%run_scoped3A : memref<!tpu.dma_semaphore, #tpu.memory_space<semaphore_mem>>)
      %dma_wait3A_156 = arith.constant 0 : i32
      %dma_wait3A_157 = arith.constant 0 : i32
      %dma_wait3A_158 = tpu.memref_slice %arg14[%dma_wait3A_156, %dma_wait3A_157] : memref<112x128xf32, #tpu.memory_space<vmem>> -> memref<80x128xf32, #tpu.memory_space<vmem>>
      %dma_wait3A_159 = arith.constant 0 : i32
      %dma_wait3A_160 = tpu.memref_slice %arg7[%add3A_10, %dma_wait3A_159] : memref<10240x128xf32, #tpu.memory_space<vmem_shared>> -> memref<80x128xf32, #tpu.memory_space<vmem_shared>>
      %dma_wait3A_161 = arith.constant 0 : i32
      %dma_wait3A_162 = tpu.memref_slice %arg7[%add3A_10, %dma_wait3A_161] : memref<10240x128xf32, #tpu.memory_space<vmem_shared>> -> memref<80x128xf32, #tpu.memory_space<vmem_shared>>
      %dma_wait3A_163 = arith.constant 0 : i32
      %dma_wait3A_164 = arith.constant 0 : i32
      %dma_wait3A_165 = tpu.memref_slice %arg14[%dma_wait3A_163, %dma_wait3A_164] : memref<112x128xf32, #tpu.memory_space<vmem>> -> memref<80x128xf32, #tpu.memory_space<vmem>>
      tpu.wait_dma2 semaphore(%run_scoped3A : memref<!tpu.dma_semaphore, #tpu.memory_space<semaphore_mem>>) src(%dma_wait3A_165 : memref<80x128xf32, #tpu.memory_space<vmem>>) dst(%dma_wait3A_162 : memref<80x128xf32, #tpu.memory_space<vmem_shared>>)
      tpu.yield
    }) : () -> ()
    %add3A_11 = arith.constant 240 : i32
    %add3A_12 = arith.addi %mul3A_0, %add3A_11 : i32
    "tpu.region"() ({
      %run_scoped3A = tpu.sem_alloc : memref<!tpu.dma_semaphore, #tpu.memory_space<semaphore_mem>>
      %dma_start3A_146 = arith.constant 0 : i32
      %dma_start3A_147 = arith.constant 0 : i32
      %dma_start3A_148 = tpu.memref_slice %arg14[%dma_start3A_146, %dma_start3A_147] : memref<112x128xf32, #tpu.memory_space<vmem>> -> memref<80x128xf32, #tpu.memory_space<vmem>>
      %dma_start3A_149 = arith.constant 0 : i32
      %dma_start3A_150 = tpu.memref_slice %arg7[%add3A_12, %dma_start3A_149] : memref<10240x128xf32, #tpu.memory_space<vmem_shared>> -> memref<80x128xf32, #tpu.memory_space<vmem_shared>>
      %dma_start3A_151 = arith.constant 0 : i32
      %dma_start3A_152 = tpu.memref_slice %arg7[%add3A_12, %dma_start3A_151] : memref<10240x128xf32, #tpu.memory_space<vmem_shared>> -> memref<80x128xf32, #tpu.memory_space<vmem_shared>>
      %dma_start3A_153 = arith.constant 0 : i32
      %dma_start3A_154 = arith.constant 0 : i32
      %dma_start3A_155 = tpu.memref_slice %arg14[%dma_start3A_153, %dma_start3A_154] : memref<112x128xf32, #tpu.memory_space<vmem>> -> memref<80x128xf32, #tpu.memory_space<vmem>>
      tpu.enqueue_dma source(%dma_start3A_155 : memref<80x128xf32, #tpu.memory_space<vmem>>) target(%dma_start3A_152 : memref<80x128xf32, #tpu.memory_space<vmem_shared>>) target_semaphore(%run_scoped3A : memref<!tpu.dma_semaphore, #tpu.memory_space<semaphore_mem>>)
      %dma_wait3A_156 = arith.constant 0 : i32
      %dma_wait3A_157 = arith.constant 0 : i32
      %dma_wait3A_158 = tpu.memref_slice %arg14[%dma_wait3A_156, %dma_wait3A_157] : memref<112x128xf32, #tpu.memory_space<vmem>> -> memref<80x128xf32, #tpu.memory_space<vmem>>
      %dma_wait3A_159 = arith.constant 0 : i32
      %dma_wait3A_160 = tpu.memref_slice %arg7[%add3A_12, %dma_wait3A_159] : memref<10240x128xf32, #tpu.memory_space<vmem_shared>> -> memref<80x128xf32, #tpu.memory_space<vmem_shared>>
      %dma_wait3A_161 = arith.constant 0 : i32
      %dma_wait3A_162 = tpu.memref_slice %arg7[%add3A_12, %dma_wait3A_161] : memref<10240x128xf32, #tpu.memory_space<vmem_shared>> -> memref<80x128xf32, #tpu.memory_space<vmem_shared>>
      %dma_wait3A_163 = arith.constant 0 : i32
      %dma_wait3A_164 = arith.constant 0 : i32
      %dma_wait3A_165 = tpu.memref_slice %arg14[%dma_wait3A_163, %dma_wait3A_164] : memref<112x128xf32, #tpu.memory_space<vmem>> -> memref<80x128xf32, #tpu.memory_space<vmem>>
      tpu.wait_dma2 semaphore(%run_scoped3A : memref<!tpu.dma_semaphore, #tpu.memory_space<semaphore_mem>>) src(%dma_wait3A_165 : memref<80x128xf32, #tpu.memory_space<vmem>>) dst(%dma_wait3A_162 : memref<80x128xf32, #tpu.memory_space<vmem_shared>>)
      tpu.yield
    }) : () -> ()
    %add3A_13 = arith.constant 320 : i32
    %add3A_14 = arith.addi %mul3A_0, %add3A_13 : i32
    "tpu.region"() ({
      %run_scoped3A = tpu.sem_alloc : memref<!tpu.dma_semaphore, #tpu.memory_space<semaphore_mem>>
      %dma_start3A_146 = arith.constant 0 : i32
      %dma_start3A_147 = arith.constant 0 : i32
      %dma_start3A_148 = tpu.memref_slice %arg14[%dma_start3A_146, %dma_start3A_147] : memref<112x128xf32, #tpu.memory_space<vmem>> -> memref<80x128xf32, #tpu.memory_space<vmem>>
      %dma_start3A_149 = arith.constant 0 : i32
      %dma_start3A_150 = tpu.memref_slice %arg7[%add3A_14, %dma_start3A_149] : memref<10240x128xf32, #tpu.memory_space<vmem_shared>> -> memref<80x128xf32, #tpu.memory_space<vmem_shared>>
      %dma_start3A_151 = arith.constant 0 : i32
      %dma_start3A_152 = tpu.memref_slice %arg7[%add3A_14, %dma_start3A_151] : memref<10240x128xf32, #tpu.memory_space<vmem_shared>> -> memref<80x128xf32, #tpu.memory_space<vmem_shared>>
      %dma_start3A_153 = arith.constant 0 : i32
      %dma_start3A_154 = arith.constant 0 : i32
      %dma_start3A_155 = tpu.memref_slice %arg14[%dma_start3A_153, %dma_start3A_154] : memref<112x128xf32, #tpu.memory_space<vmem>> -> memref<80x128xf32, #tpu.memory_space<vmem>>
      tpu.enqueue_dma source(%dma_start3A_155 : memref<80x128xf32, #tpu.memory_space<vmem>>) target(%dma_start3A_152 : memref<80x128xf32, #tpu.memory_space<vmem_shared>>) target_semaphore(%run_scoped3A : memref<!tpu.dma_semaphore, #tpu.memory_space<semaphore_mem>>)
      %dma_wait3A_156 = arith.constant 0 : i32
      %dma_wait3A_157 = arith.constant 0 : i32
      %dma_wait3A_158 = tpu.memref_slice %arg14[%dma_wait3A_156, %dma_wait3A_157] : memref<112x128xf32, #tpu.memory_space<vmem>> -> memref<80x128xf32, #tpu.memory_space<vmem>>
      %dma_wait3A_159 = arith.constant 0 : i32
      %dma_wait3A_160 = tpu.memref_slice %arg7[%add3A_14, %dma_wait3A_159] : memref<10240x128xf32, #tpu.memory_space<vmem_shared>> -> memref<80x128xf32, #tpu.memory_space<vmem_shared>>
      %dma_wait3A_161 = arith.constant 0 : i32
      %dma_wait3A_162 = tpu.memref_slice %arg7[%add3A_14, %dma_wait3A_161] : memref<10240x128xf32, #tpu.memory_space<vmem_shared>> -> memref<80x128xf32, #tpu.memory_space<vmem_shared>>
      %dma_wait3A_163 = arith.constant 0 : i32
      %dma_wait3A_164 = arith.constant 0 : i32
      %dma_wait3A_165 = tpu.memref_slice %arg14[%dma_wait3A_163, %dma_wait3A_164] : memref<112x128xf32, #tpu.memory_space<vmem>> -> memref<80x128xf32, #tpu.memory_space<vmem>>
      tpu.wait_dma2 semaphore(%run_scoped3A : memref<!tpu.dma_semaphore, #tpu.memory_space<semaphore_mem>>) src(%dma_wait3A_165 : memref<80x128xf32, #tpu.memory_space<vmem>>) dst(%dma_wait3A_162 : memref<80x128xf32, #tpu.memory_space<vmem_shared>>)
      tpu.yield
    }) : () -> ()
    %add3A_15 = arith.constant 400 : i32
    %add3A_16 = arith.addi %mul3A_0, %add3A_15 : i32
    "tpu.region"() ({
      %run_scoped3A = tpu.sem_alloc : memref<!tpu.dma_semaphore, #tpu.memory_space<semaphore_mem>>
      %dma_start3A_146 = arith.constant 0 : i32
      %dma_start3A_147 = arith.constant 0 : i32
      %dma_start3A_148 = tpu.memref_slice %arg14[%dma_start3A_146, %dma_start3A_147] : memref<112x128xf32, #tpu.memory_space<vmem>> -> memref<80x128xf32, #tpu.memory_space<vmem>>
      %dma_start3A_149 = arith.constant 0 : i32
      %dma_start3A_150 = tpu.memref_slice %arg7[%add3A_16, %dma_start3A_149] : memref<10240x128xf32, #tpu.memory_space<vmem_shared>> -> memref<80x128xf32, #tpu.memory_space<vmem_shared>>
      %dma_start3A_151 = arith.constant 0 : i32
      %dma_start3A_152 = tpu.memref_slice %arg7[%add3A_16, %dma_start3A_151] : memref<10240x128xf32, #tpu.memory_space<vmem_shared>> -> memref<80x128xf32, #tpu.memory_space<vmem_shared>>
      %dma_start3A_153 = arith.constant 0 : i32
      %dma_start3A_154 = arith.constant 0 : i32
      %dma_start3A_155 = tpu.memref_slice %arg14[%dma_start3A_153, %dma_start3A_154] : memref<112x128xf32, #tpu.memory_space<vmem>> -> memref<80x128xf32, #tpu.memory_space<vmem>>
      tpu.enqueue_dma source(%dma_start3A_155 : memref<80x128xf32, #tpu.memory_space<vmem>>) target(%dma_start3A_152 : memref<80x128xf32, #tpu.memory_space<vmem_shared>>) target_semaphore(%run_scoped3A : memref<!tpu.dma_semaphore, #tpu.memory_space<semaphore_mem>>)
      %dma_wait3A_156 = arith.constant 0 : i32
      %dma_wait3A_157 = arith.constant 0 : i32
      %dma_wait3A_158 = tpu.memref_slice %arg14[%dma_wait3A_156, %dma_wait3A_157] : memref<112x128xf32, #tpu.memory_space<vmem>> -> memref<80x128xf32, #tpu.memory_space<vmem>>
      %dma_wait3A_159 = arith.constant 0 : i32
      %dma_wait3A_160 = tpu.memref_slice %arg7[%add3A_16, %dma_wait3A_159] : memref<10240x128xf32, #tpu.memory_space<vmem_shared>> -> memref<80x128xf32, #tpu.memory_space<vmem_shared>>
      %dma_wait3A_161 = arith.constant 0 : i32
      %dma_wait3A_162 = tpu.memref_slice %arg7[%add3A_16, %dma_wait3A_161] : memref<10240x128xf32, #tpu.memory_space<vmem_shared>> -> memref<80x128xf32, #tpu.memory_space<vmem_shared>>
      %dma_wait3A_163 = arith.constant 0 : i32
      %dma_wait3A_164 = arith.constant 0 : i32
      %dma_wait3A_165 = tpu.memref_slice %arg14[%dma_wait3A_163, %dma_wait3A_164] : memref<112x128xf32, #tpu.memory_space<vmem>> -> memref<80x128xf32, #tpu.memory_space<vmem>>
      tpu.wait_dma2 semaphore(%run_scoped3A : memref<!tpu.dma_semaphore, #tpu.memory_space<semaphore_mem>>) src(%dma_wait3A_165 : memref<80x128xf32, #tpu.memory_space<vmem>>) dst(%dma_wait3A_162 : memref<80x128xf32, #tpu.memory_space<vmem_shared>>)
      tpu.yield
    }) : () -> ()
    %add3A_17 = arith.constant 480 : i32
    %add3A_18 = arith.addi %mul3A_0, %add3A_17 : i32
    "tpu.region"() ({
      %run_scoped3A = tpu.sem_alloc : memref<!tpu.dma_semaphore, #tpu.memory_space<semaphore_mem>>
      %dma_start3A_146 = arith.constant 0 : i32
      %dma_start3A_147 = arith.constant 0 : i32
      %dma_start3A_148 = tpu.memref_slice %arg14[%dma_start3A_146, %dma_start3A_147] : memref<112x128xf32, #tpu.memory_space<vmem>> -> memref<80x128xf32, #tpu.memory_space<vmem>>
      %dma_start3A_149 = arith.constant 0 : i32
      %dma_start3A_150 = tpu.memref_slice %arg7[%add3A_18, %dma_start3A_149] : memref<10240x128xf32, #tpu.memory_space<vmem_shared>> -> memref<80x128xf32, #tpu.memory_space<vmem_shared>>
      %dma_start3A_151 = arith.constant 0 : i32
      %dma_start3A_152 = tpu.memref_slice %arg7[%add3A_18, %dma_start3A_151] : memref<10240x128xf32, #tpu.memory_space<vmem_shared>> -> memref<80x128xf32, #tpu.memory_space<vmem_shared>>
      %dma_start3A_153 = arith.constant 0 : i32
      %dma_start3A_154 = arith.constant 0 : i32
      %dma_start3A_155 = tpu.memref_slice %arg14[%dma_start3A_153, %dma_start3A_154] : memref<112x128xf32, #tpu.memory_space<vmem>> -> memref<80x128xf32, #tpu.memory_space<vmem>>
      tpu.enqueue_dma source(%dma_start3A_155 : memref<80x128xf32, #tpu.memory_space<vmem>>) target(%dma_start3A_152 : memref<80x128xf32, #tpu.memory_space<vmem_shared>>) target_semaphore(%run_scoped3A : memref<!tpu.dma_semaphore, #tpu.memory_space<semaphore_mem>>)
      %dma_wait3A_156 = arith.constant 0 : i32
      %dma_wait3A_157 = arith.constant 0 : i32
      %dma_wait3A_158 = tpu.memref_slice %arg14[%dma_wait3A_156, %dma_wait3A_157] : memref<112x128xf32, #tpu.memory_space<vmem>> -> memref<80x128xf32, #tpu.memory_space<vmem>>
      %dma_wait3A_159 = arith.constant 0 : i32
      %dma_wait3A_160 = tpu.memref_slice %arg7[%add3A_18, %dma_wait3A_159] : memref<10240x128xf32, #tpu.memory_space<vmem_shared>> -> memref<80x128xf32, #tpu.memory_space<vmem_shared>>
      %dma_wait3A_161 = arith.constant 0 : i32
      %dma_wait3A_162 = tpu.memref_slice %arg7[%add3A_18, %dma_wait3A_161] : memref<10240x128xf32, #tpu.memory_space<vmem_shared>> -> memref<80x128xf32, #tpu.memory_space<vmem_shared>>
      %dma_wait3A_163 = arith.constant 0 : i32
      %dma_wait3A_164 = arith.constant 0 : i32
      %dma_wait3A_165 = tpu.memref_slice %arg14[%dma_wait3A_163, %dma_wait3A_164] : memref<112x128xf32, #tpu.memory_space<vmem>> -> memref<80x128xf32, #tpu.memory_space<vmem>>
      tpu.wait_dma2 semaphore(%run_scoped3A : memref<!tpu.dma_semaphore, #tpu.memory_space<semaphore_mem>>) src(%dma_wait3A_165 : memref<80x128xf32, #tpu.memory_space<vmem>>) dst(%dma_wait3A_162 : memref<80x128xf32, #tpu.memory_space<vmem_shared>>)
      tpu.yield
    }) : () -> ()
    %add3A_19 = arith.constant 560 : i32
    %add3A_20 = arith.addi %mul3A_0, %add3A_19 : i32
    "tpu.region"() ({
      %run_scoped3A = tpu.sem_alloc : memref<!tpu.dma_semaphore, #tpu.memory_space<semaphore_mem>>
      %dma_start3A_146 = arith.constant 0 : i32
      %dma_start3A_147 = arith.constant 0 : i32
      %dma_start3A_148 = tpu.memref_slice %arg14[%dma_start3A_146, %dma_start3A_147] : memref<112x128xf32, #tpu.memory_space<vmem>> -> memref<80x128xf32, #tpu.memory_space<vmem>>
      %dma_start3A_149 = arith.constant 0 : i32
      %dma_start3A_150 = tpu.memref_slice %arg7[%add3A_20, %dma_start3A_149] : memref<10240x128xf32, #tpu.memory_space<vmem_shared>> -> memref<80x128xf32, #tpu.memory_space<vmem_shared>>
      %dma_start3A_151 = arith.constant 0 : i32
      %dma_start3A_152 = tpu.memref_slice %arg7[%add3A_20, %dma_start3A_151] : memref<10240x128xf32, #tpu.memory_space<vmem_shared>> -> memref<80x128xf32, #tpu.memory_space<vmem_shared>>
      %dma_start3A_153 = arith.constant 0 : i32
      %dma_start3A_154 = arith.constant 0 : i32
      %dma_start3A_155 = tpu.memref_slice %arg14[%dma_start3A_153, %dma_start3A_154] : memref<112x128xf32, #tpu.memory_space<vmem>> -> memref<80x128xf32, #tpu.memory_space<vmem>>
      tpu.enqueue_dma source(%dma_start3A_155 : memref<80x128xf32, #tpu.memory_space<vmem>>) target(%dma_start3A_152 : memref<80x128xf32, #tpu.memory_space<vmem_shared>>) target_semaphore(%run_scoped3A : memref<!tpu.dma_semaphore, #tpu.memory_space<semaphore_mem>>)
      %dma_wait3A_156 = arith.constant 0 : i32
      %dma_wait3A_157 = arith.constant 0 : i32
      %dma_wait3A_158 = tpu.memref_slice %arg14[%dma_wait3A_156, %dma_wait3A_157] : memref<112x128xf32, #tpu.memory_space<vmem>> -> memref<80x128xf32, #tpu.memory_space<vmem>>
      %dma_wait3A_159 = arith.constant 0 : i32
      %dma_wait3A_160 = tpu.memref_slice %arg7[%add3A_20, %dma_wait3A_159] : memref<10240x128xf32, #tpu.memory_space<vmem_shared>> -> memref<80x128xf32, #tpu.memory_space<vmem_shared>>
      %dma_wait3A_161 = arith.constant 0 : i32
      %dma_wait3A_162 = tpu.memref_slice %arg7[%add3A_20, %dma_wait3A_161] : memref<10240x128xf32, #tpu.memory_space<vmem_shared>> -> memref<80x128xf32, #tpu.memory_space<vmem_shared>>
      %dma_wait3A_163 = arith.constant 0 : i32
      %dma_wait3A_164 = arith.constant 0 : i32
      %dma_wait3A_165 = tpu.memref_slice %arg14[%dma_wait3A_163, %dma_wait3A_164] : memref<112x128xf32, #tpu.memory_space<vmem>> -> memref<80x128xf32, #tpu.memory_space<vmem>>
      tpu.wait_dma2 semaphore(%run_scoped3A : memref<!tpu.dma_semaphore, #tpu.memory_space<semaphore_mem>>) src(%dma_wait3A_165 : memref<80x128xf32, #tpu.memory_space<vmem>>) dst(%dma_wait3A_162 : memref<80x128xf32, #tpu.memory_space<vmem_shared>>)
      tpu.yield
    }) : () -> ()
    %scan3A_21 = arith.constant 0 : i32
    %scan3A_22 = arith.constant 0 : i32
    %scan3A_23 = arith.constant 40 : i32
    %scan3A_24 = arith.addi %scan3A_22, %scan3A_23 : i32
    %scan3A_25 = arith.constant 1 : i32
    scf.for %scan3A_146 = %scan3A_22 to %scan3A_24 step %scan3A_25  : i32 {
      %broadcast_in_dim3A = arith.constant 0.000000e+00 : f32
      %broadcast_in_dim3A_147 = vector.broadcast %broadcast_in_dim3A : f32 to vector<16xf32>
      %mul3A_148 = arith.constant 16 : i32
      %mul3A_149 = arith.muli %scan3A_146, %mul3A_148 : i32
      %swap3A = arith.index_cast %mul3A_149 : i32 to index
      %swap3A_150 = tpu.vector_load %arg17[%swap3A] {strides = array<i32>} : memref<640xf32, #tpu.memory_space<vmem>>, vector<16xf32>,
      %swap3A_151 = vector.shape_cast %swap3A_150 : vector<16xf32> to vector<16xf32>
      %swap3A_152 = vector.shape_cast %broadcast_in_dim3A_147 : vector<16xf32> to vector<16xf32>
      tpu.vector_store %arg17[%swap3A], %swap3A_152 {strides = array<i32>} : memref<640xf32, #tpu.memory_space<vmem>>, vector<16xf32>,
    }
    %scan3A_26 = arith.constant 40 : i32
    "tpu.region"() ({
      %run_scoped3A = tpu.sem_alloc : memref<!tpu.dma_semaphore, #tpu.memory_space<semaphore_mem>>
      %dma_start3A_146 = tpu.memref_slice %arg8[%mul3A_0] : memref<10240xf32, #tpu.memory_space<vmem_shared>> -> memref<640xf32, #tpu.memory_space<vmem_shared>>
      %dma_start3A_147 = tpu.memref_slice %arg8[%mul3A_0] : memref<10240xf32, #tpu.memory_space<vmem_shared>> -> memref<640xf32, #tpu.memory_space<vmem_shared>>
      tpu.enqueue_dma source(%arg17 : memref<640xf32, #tpu.memory_space<vmem>>) target(%dma_start3A_147 : memref<640xf32, #tpu.memory_space<vmem_shared>>) target_semaphore(%run_scoped3A : memref<!tpu.dma_semaphore, #tpu.memory_space<semaphore_mem>>)
      %dma_wait3A_148 = tpu.memref_slice %arg8[%mul3A_0] : memref<10240xf32, #tpu.memory_space<vmem_shared>> -> memref<640xf32, #tpu.memory_space<vmem_shared>>
      %dma_wait3A_149 = tpu.memref_slice %arg8[%mul3A_0] : memref<10240xf32, #tpu.memory_space<vmem_shared>> -> memref<640xf32, #tpu.memory_space<vmem_shared>>
      tpu.wait_dma2 semaphore(%run_scoped3A : memref<!tpu.dma_semaphore, #tpu.memory_space<semaphore_mem>>) src(%arg17 : memref<640xf32, #tpu.memory_space<vmem>>) dst(%dma_wait3A_149 : memref<640xf32, #tpu.memory_space<vmem_shared>>)
      tpu.yield
    }) : () -> ()
    %scan3A_27 = arith.constant 0 : i32
    %scan3A_28 = arith.constant 0 : i32
    %scan3A_29 = arith.constant 7 : i32
    %scan3A_30 = arith.addi %scan3A_28, %scan3A_29 : i32
    %scan3A_31 = arith.constant 1 : i32
    scf.for %scan3A_146 = %scan3A_28 to %scan3A_30 step %scan3A_31  : i32 {
      %broadcast_in_dim3A = arith.constant 1.000000e+00 : f32
      %broadcast_in_dim3A_147 = vector.broadcast %broadcast_in_dim3A : f32 to vector<16xf32>
      %mul3A_148 = arith.constant 16 : i32
      %mul3A_149 = arith.muli %scan3A_146, %mul3A_148 : i32
      %swap3A = arith.index_cast %mul3A_149 : i32 to index
      %swap3A_150 = tpu.vector_load %arg16[%swap3A] {strides = array<i32>} : memref<112xf32, #tpu.memory_space<vmem>>, vector<16xf32>,
      %swap3A_151 = vector.shape_cast %swap3A_150 : vector<16xf32> to vector<16xf32>
      %swap3A_152 = vector.shape_cast %broadcast_in_dim3A_147 : vector<16xf32> to vector<16xf32>
      tpu.vector_store %arg16[%swap3A], %swap3A_152 {strides = array<i32>} : memref<112xf32, #tpu.memory_space<vmem>>, vector<16xf32>,
    }
    %scan3A_32 = arith.constant 7 : i32
    %barrier3A = arith.constant 0 : index
    tpu.barrier barrier_id(%barrier3A)
    %scan3A_33 = arith.constant 0 : i32
    %scan3A_34 = arith.constant 0 : i32
    %scan3A_35 = arith.constant 112 : i32
    %scan3A_36 = arith.addi %scan3A_34, %scan3A_35 : i32
    %scan3A_37 = arith.constant 1 : i32
    scf.for %scan3A_146 = %scan3A_34 to %scan3A_36 step %scan3A_37  : i32 {
      %broadcast_in_dim3A = arith.constant 0.000000e+00 : f32
      %broadcast_in_dim3A_147 = vector.broadcast %broadcast_in_dim3A : f32 to vector<16xf32>
      %swap3A = arith.index_cast %scan3A_146 : i32 to index
      %swap3A_148 = arith.constant 0 : index
      %swap3A_149 = tpu.vector_load %arg15[%swap3A, %swap3A_148] {strides = array<i32>} : memref<112x128xf32, #tpu.memory_space<vmem>>, vector<1x16xf32>,
      %swap3A_150 = vector.shape_cast %swap3A_149 : vector<1x16xf32> to vector<16xf32>
      %swap3A_151 = vector.shape_cast %broadcast_in_dim3A_147 : vector<16xf32> to vector<1x16xf32>
      tpu.vector_store %arg15[%swap3A, %swap3A_148], %swap3A_151 {strides = array<i32>} : memref<112x128xf32, #tpu.memory_space<vmem>>, vector<1x16xf32>,
      %broadcast_in_dim3A_152 = arith.constant 0.000000e+00 : f32
      %broadcast_in_dim3A_153 = vector.broadcast %broadcast_in_dim3A_152 : f32 to vector<16xf32>
      %swap3A_154 = arith.index_cast %scan3A_146 : i32 to index
      %swap3A_155 = arith.constant 16 : index
      %swap3A_156 = tpu.vector_load %arg15[%swap3A_154, %swap3A_155] {strides = array<i32>} : memref<112x128xf32, #tpu.memory_space<vmem>>, vector<1x16xf32>,
      %swap3A_157 = vector.shape_cast %swap3A_156 : vector<1x16xf32> to vector<16xf32>
      %swap3A_158 = vector.shape_cast %broadcast_in_dim3A_153 : vector<16xf32> to vector<1x16xf32>
      tpu.vector_store %arg15[%swap3A_154, %swap3A_155], %swap3A_158 {strides = array<i32>} : memref<112x128xf32, #tpu.memory_space<vmem>>, vector<1x16xf32>,
      %broadcast_in_dim3A_159 = arith.constant 0.000000e+00 : f32
      %broadcast_in_dim3A_160 = vector.broadcast %broadcast_in_dim3A_159 : f32 to vector<16xf32>
      %swap3A_161 = arith.index_cast %scan3A_146 : i32 to index
      %swap3A_162 = arith.constant 32 : index
      %swap3A_163 = tpu.vector_load %arg15[%swap3A_161, %swap3A_162] {strides = array<i32>} : memref<112x128xf32, #tpu.memory_space<vmem>>, vector<1x16xf32>,
      %swap3A_164 = vector.shape_cast %swap3A_163 : vector<1x16xf32> to vector<16xf32>
      %swap3A_165 = vector.shape_cast %broadcast_in_dim3A_160 : vector<16xf32> to vector<1x16xf32>
      tpu.vector_store %arg15[%swap3A_161, %swap3A_162], %swap3A_165 {strides = array<i32>} : memref<112x128xf32, #tpu.memory_space<vmem>>, vector<1x16xf32>,
      %broadcast_in_dim3A_166 = arith.constant 0.000000e+00 : f32
      %broadcast_in_dim3A_167 = vector.broadcast %broadcast_in_dim3A_166 : f32 to vector<16xf32>
      %swap3A_168 = arith.index_cast %scan3A_146 : i32 to index
      %swap3A_169 = arith.constant 48 : index
      %swap3A_170 = tpu.vector_load %arg15[%swap3A_168, %swap3A_169] {strides = array<i32>} : memref<112x128xf32, #tpu.memory_space<vmem>>, vector<1x16xf32>,
      %swap3A_171 = vector.shape_cast %swap3A_170 : vector<1x16xf32> to vector<16xf32>
      %swap3A_172 = vector.shape_cast %broadcast_in_dim3A_167 : vector<16xf32> to vector<1x16xf32>
      tpu.vector_store %arg15[%swap3A_168, %swap3A_169], %swap3A_172 {strides = array<i32>} : memref<112x128xf32, #tpu.memory_space<vmem>>, vector<1x16xf32>,
      %broadcast_in_dim3A_173 = arith.constant 0.000000e+00 : f32
      %broadcast_in_dim3A_174 = vector.broadcast %broadcast_in_dim3A_173 : f32 to vector<16xf32>
      %swap3A_175 = arith.index_cast %scan3A_146 : i32 to index
      %swap3A_176 = arith.constant 64 : index
      %swap3A_177 = tpu.vector_load %arg15[%swap3A_175, %swap3A_176] {strides = array<i32>} : memref<112x128xf32, #tpu.memory_space<vmem>>, vector<1x16xf32>,
      %swap3A_178 = vector.shape_cast %swap3A_177 : vector<1x16xf32> to vector<16xf32>
      %swap3A_179 = vector.shape_cast %broadcast_in_dim3A_174 : vector<16xf32> to vector<1x16xf32>
      tpu.vector_store %arg15[%swap3A_175, %swap3A_176], %swap3A_179 {strides = array<i32>} : memref<112x128xf32, #tpu.memory_space<vmem>>, vector<1x16xf32>,
      %broadcast_in_dim3A_180 = arith.constant 0.000000e+00 : f32
      %broadcast_in_dim3A_181 = vector.broadcast %broadcast_in_dim3A_180 : f32 to vector<16xf32>
      %swap3A_182 = arith.index_cast %scan3A_146 : i32 to index
      %swap3A_183 = arith.constant 80 : index
      %swap3A_184 = tpu.vector_load %arg15[%swap3A_182, %swap3A_183] {strides = array<i32>} : memref<112x128xf32, #tpu.memory_space<vmem>>, vector<1x16xf32>,
      %swap3A_185 = vector.shape_cast %swap3A_184 : vector<1x16xf32> to vector<16xf32>
      %swap3A_186 = vector.shape_cast %broadcast_in_dim3A_181 : vector<16xf32> to vector<1x16xf32>
      tpu.vector_store %arg15[%swap3A_182, %swap3A_183], %swap3A_186 {strides = array<i32>} : memref<112x128xf32, #tpu.memory_space<vmem>>, vector<1x16xf32>,
      %broadcast_in_dim3A_187 = arith.constant 0.000000e+00 : f32
      %broadcast_in_dim3A_188 = vector.broadcast %broadcast_in_dim3A_187 : f32 to vector<16xf32>
      %swap3A_189 = arith.index_cast %scan3A_146 : i32 to index
      %swap3A_190 = arith.constant 96 : index
      %swap3A_191 = tpu.vector_load %arg15[%swap3A_189, %swap3A_190] {strides = array<i32>} : memref<112x128xf32, #tpu.memory_space<vmem>>, vector<1x16xf32>,
      %swap3A_192 = vector.shape_cast %swap3A_191 : vector<1x16xf32> to vector<16xf32>
      %swap3A_193 = vector.shape_cast %broadcast_in_dim3A_188 : vector<16xf32> to vector<1x16xf32>
      tpu.vector_store %arg15[%swap3A_189, %swap3A_190], %swap3A_193 {strides = array<i32>} : memref<112x128xf32, #tpu.memory_space<vmem>>, vector<1x16xf32>,
      %broadcast_in_dim3A_194 = arith.constant 0.000000e+00 : f32
      %broadcast_in_dim3A_195 = vector.broadcast %broadcast_in_dim3A_194 : f32 to vector<16xf32>
      %swap3A_196 = arith.index_cast %scan3A_146 : i32 to index
      %swap3A_197 = arith.constant 112 : index
      %swap3A_198 = tpu.vector_load %arg15[%swap3A_196, %swap3A_197] {strides = array<i32>} : memref<112x128xf32, #tpu.memory_space<vmem>>, vector<1x16xf32>,
      %swap3A_199 = vector.shape_cast %swap3A_198 : vector<1x16xf32> to vector<16xf32>
      %swap3A_200 = vector.shape_cast %broadcast_in_dim3A_195 : vector<16xf32> to vector<1x16xf32>
      tpu.vector_store %arg15[%swap3A_196, %swap3A_197], %swap3A_200 {strides = array<i32>} : memref<112x128xf32, #tpu.memory_space<vmem>>, vector<1x16xf32>,
    }
    %scan3A_38 = arith.constant 112 : i32
    %scan3A_39 = arith.constant 0 : i32
    %scan3A_40 = arith.constant 0 : i32
    %scan3A_41 = arith.constant 7 : i32
    %scan3A_42 = arith.addi %scan3A_40, %scan3A_41 : i32
    %scan3A_43 = arith.constant 1 : i32
    scf.for %scan3A_146 = %scan3A_40 to %scan3A_42 step %scan3A_43  : i32 {
      %broadcast_in_dim3A = arith.constant 0 : i32
      %broadcast_in_dim3A_147 = vector.broadcast %broadcast_in_dim3A : i32 to vector<16xi32>
      %mul3A_148 = arith.constant 16 : i32
      %mul3A_149 = arith.muli %scan3A_146, %mul3A_148 : i32
      %swap3A = arith.index_cast %mul3A_149 : i32 to index
      %swap3A_150 = tpu.vector_load %arg13[%swap3A] {strides = array<i32>} : memref<112xi32, #tpu.memory_space<vmem>>, vector<16xi32>,
      %swap3A_151 = vector.shape_cast %swap3A_150 : vector<16xi32> to vector<16xi32>
      %swap3A_152 = vector.shape_cast %broadcast_in_dim3A_147 : vector<16xi32> to vector<16xi32>
      tpu.vector_store %arg13[%swap3A], %swap3A_152 {strides = array<i32>} : memref<112xi32, #tpu.memory_space<vmem>>, vector<16xi32>,
    }
    %scan3A_44 = arith.constant 7 : i32
    %barrier3A_45 = arith.constant 0 : index
    tpu.barrier barrier_id(%barrier3A_45)
    %mul3A_46 = arith.constant 16 : i32
    %mul3A_47 = arith.muli %arg0, %mul3A_46 : i32
    %add3A_48 = arith.addi %mul3A_47, %arg1 : i32
    %mul3A_49 = arith.constant 90 : i32
    %mul3A_50 = arith.muli %add3A_48, %mul3A_49 : i32
    %mul3A_51 = arith.constant 112 : i32
    %mul3A_52 = arith.muli %mul3A_50, %mul3A_51 : i32
    %min3A = arith.constant 0 : i32
    %min3A_53 = arith.constant 89 : i32
    %min3A_54 = arith.minsi %min3A, %min3A_53 : i32
    %mul3A_55 = arith.constant 112 : i32
    %mul3A_56 = arith.muli %min3A_54, %mul3A_55 : i32
    %add3A_57 = arith.addi %mul3A_52, %mul3A_56 : i32
    %dma_start3A = tpu.memref_slice %arg3[%add3A_57] : memref<322560xi32, #tpu.memory_space<hbm>> -> memref<112xi32, #tpu.memory_space<hbm>>
    %dma_start3A_58 = tpu.memref_slice %arg3[%add3A_57] : memref<322560xi32, #tpu.memory_space<hbm>> -> memref<112xi32, #tpu.memory_space<hbm>>
    tpu.enqueue_dma source(%dma_start3A_58 : memref<112xi32, #tpu.memory_space<hbm>>) target(%arg9 : memref<112xi32, #tpu.memory_space<vmem>>) target_semaphore(%arg24 : memref<!tpu.dma_semaphore, #tpu.memory_space<semaphore_mem>>)
    %dma_start3A_59 = tpu.memref_slice %arg4[%add3A_57] : memref<322560xi32, #tpu.memory_space<hbm>> -> memref<112xi32, #tpu.memory_space<hbm>>
    %dma_start3A_60 = tpu.memref_slice %arg4[%add3A_57] : memref<322560xi32, #tpu.memory_space<hbm>> -> memref<112xi32, #tpu.memory_space<hbm>>
    tpu.enqueue_dma source(%dma_start3A_60 : memref<112xi32, #tpu.memory_space<hbm>>) target(%arg11 : memref<112xi32, #tpu.memory_space<vmem>>) target_semaphore(%arg24 : memref<!tpu.dma_semaphore, #tpu.memory_space<semaphore_mem>>)
    %dma_wait3A = arith.constant 0 : i32
    %dma_wait3A_61 = tpu.memref_slice %arg3[%dma_wait3A] : memref<322560xi32, #tpu.memory_space<hbm>> -> memref<112xi32, #tpu.memory_space<hbm>>
    %dma_wait3A_62 = arith.constant 0 : i32
    %dma_wait3A_63 = tpu.memref_slice %arg3[%dma_wait3A_62] : memref<322560xi32, #tpu.memory_space<hbm>> -> memref<112xi32, #tpu.memory_space<hbm>>
    tpu.wait_dma2 semaphore(%arg24 : memref<!tpu.dma_semaphore, #tpu.memory_space<semaphore_mem>>) src(%dma_wait3A_63 : memref<112xi32, #tpu.memory_space<hbm>>) dst(%arg9 : memref<112xi32, #tpu.memory_space<vmem>>)
    %dma_wait3A_64 = arith.constant 0 : i32
    %dma_wait3A_65 = tpu.memref_slice %arg4[%dma_wait3A_64] : memref<322560xi32, #tpu.memory_space<hbm>> -> memref<112xi32, #tpu.memory_space<hbm>>
    %dma_wait3A_66 = arith.constant 0 : i32
    %dma_wait3A_67 = tpu.memref_slice %arg4[%dma_wait3A_66] : memref<322560xi32, #tpu.memory_space<hbm>> -> memref<112xi32, #tpu.memory_space<hbm>>
    tpu.wait_dma2 semaphore(%arg24 : memref<!tpu.dma_semaphore, #tpu.memory_space<semaphore_mem>>) src(%dma_wait3A_67 : memref<112xi32, #tpu.memory_space<hbm>>) dst(%arg11 : memref<112xi32, #tpu.memory_space<vmem>>)
    %dma_start3A_68 = arith.constant 0 : i32
    %dma_start3A_69 = arith.constant 0 : i32
    %dma_start3A_70 = tpu.memref_slice %arg2[%dma_start3A_68, %dma_start3A_69] : memref<10000x128xf32, #tpu.memory_space<hbm>> -> memref<10000x128xf32, #tpu.memory_space<hbm>>
    tpu.enqueue_indirect_dma source(%dma_start3A_70 : memref<10000x128xf32, #tpu.memory_space<hbm>>) target(%arg14 : memref<112x128xf32, #tpu.memory_space<vmem>>) offsets(%arg9 : memref<112xi32, #tpu.memory_space<vmem>>) semaphore(%arg18 : memref<!tpu.dma_semaphore, #tpu.memory_space<semaphore_mem>>)
    %min3A_71 = arith.constant 1 : i32
    %min3A_72 = arith.constant 89 : i32
    %min3A_73 = arith.minsi %min3A_71, %min3A_72 : i32
    %mul3A_74 = arith.constant 112 : i32
    %mul3A_75 = arith.muli %min3A_73, %mul3A_74 : i32
    %add3A_76 = arith.addi %mul3A_52, %mul3A_75 : i32
    %dma_start3A_77 = tpu.memref_slice %arg3[%add3A_76] : memref<322560xi32, #tpu.memory_space<hbm>> -> memref<112xi32, #tpu.memory_space<hbm>>
    %dma_start3A_78 = tpu.memref_slice %arg3[%add3A_76] : memref<322560xi32, #tpu.memory_space<hbm>> -> memref<112xi32, #tpu.memory_space<hbm>>
    tpu.enqueue_dma source(%dma_start3A_78 : memref<112xi32, #tpu.memory_space<hbm>>) target(%arg10 : memref<112xi32, #tpu.memory_space<vmem>>) target_semaphore(%arg25 : memref<!tpu.dma_semaphore, #tpu.memory_space<semaphore_mem>>)
    %dma_start3A_79 = tpu.memref_slice %arg4[%add3A_76] : memref<322560xi32, #tpu.memory_space<hbm>> -> memref<112xi32, #tpu.memory_space<hbm>>
    %dma_start3A_80 = tpu.memref_slice %arg4[%add3A_76] : memref<322560xi32, #tpu.memory_space<hbm>> -> memref<112xi32, #tpu.memory_space<hbm>>
    tpu.enqueue_dma source(%dma_start3A_80 : memref<112xi32, #tpu.memory_space<hbm>>) target(%arg12 : memref<112xi32, #tpu.memory_space<vmem>>) target_semaphore(%arg25 : memref<!tpu.dma_semaphore, #tpu.memory_space<semaphore_mem>>)
    %dma_start3A_81 = arith.constant 0 : i32
    %dma_start3A_82 = arith.constant 0 : i32
    %dma_start3A_83 = tpu.memref_slice %arg7[%dma_start3A_81, %dma_start3A_82] : memref<10240x128xf32, #tpu.memory_space<vmem_shared>> -> memref<10240x128xf32, #tpu.memory_space<vmem_shared>>
    tpu.enqueue_indirect_dma source(%arg15 : memref<112x128xf32, #tpu.memory_space<vmem>>) target(%dma_start3A_83 : memref<10240x128xf32, #tpu.memory_space<vmem_shared>>) offsets(%arg13 : memref<112xi32, #tpu.memory_space<vmem>>) semaphore(%arg21 : memref<!tpu.dma_semaphore, #tpu.memory_space<semaphore_mem>>) {add = true}
    %dma_start3A_84 = arith.constant 0 : i32
    %dma_start3A_85 = tpu.memref_slice %arg17[%dma_start3A_84] : memref<640xf32, #tpu.memory_space<vmem>> -> memref<112xf32, #tpu.memory_space<vmem>>
    %dma_start3A_86 = arith.constant 0 : i32
    %dma_start3A_87 = tpu.memref_slice %arg8[%dma_start3A_86] : memref<10240xf32, #tpu.memory_space<vmem_shared>> -> memref<10240xf32, #tpu.memory_space<vmem_shared>>
    tpu.enqueue_indirect_dma source(%dma_start3A_85 : memref<112xf32, #tpu.memory_space<vmem>>) target(%dma_start3A_87 : memref<10240xf32, #tpu.memory_space<vmem_shared>>) offsets(%arg13 : memref<112xi32, #tpu.memory_space<vmem>>) semaphore(%arg23 : memref<!tpu.dma_semaphore, #tpu.memory_space<semaphore_mem>>) {add = true}
    %scan3A_88 = arith.constant 0 : i32
    %scan3A_89 = arith.constant 0 : i32
    %scan3A_90 = arith.constant 15 : i32
    %scan3A_91 = arith.addi %scan3A_89, %scan3A_90 : i32
    %scan3A_92 = arith.constant 1 : i32
    scf.for %scan3A_146 = %scan3A_89 to %scan3A_91 step %scan3A_92  : i32 {
      %mul3A_147 = arith.constant 6 : i32
      %mul3A_148 = arith.muli %mul3A_147, %scan3A_146 : i32
      %add3A_149 = arith.constant 0 : i32
      %add3A_150 = arith.addi %mul3A_148, %add3A_149 : i32
      %dma_wait3A_151 = arith.constant 0 : i32
      %dma_wait3A_152 = tpu.memref_slice %arg3[%dma_wait3A_151] : memref<322560xi32, #tpu.memory_space<hbm>> -> memref<112xi32, #tpu.memory_space<hbm>>
      %dma_wait3A_153 = arith.constant 0 : i32
      %dma_wait3A_154 = tpu.memref_slice %arg3[%dma_wait3A_153] : memref<322560xi32, #tpu.memory_space<hbm>> -> memref<112xi32, #tpu.memory_space<hbm>>
      tpu.wait_dma2 semaphore(%arg25 : memref<!tpu.dma_semaphore, #tpu.memory_space<semaphore_mem>>) src(%dma_wait3A_154 : memref<112xi32, #tpu.memory_space<hbm>>) dst(%arg10 : memref<112xi32, #tpu.memory_space<vmem>>)
      %dma_wait3A_155 = arith.constant 0 : i32
      %dma_wait3A_156 = tpu.memref_slice %arg4[%dma_wait3A_155] : memref<322560xi32, #tpu.memory_space<hbm>> -> memref<112xi32, #tpu.memory_space<hbm>>
      %dma_wait3A_157 = arith.constant 0 : i32
      %dma_wait3A_158 = tpu.memref_slice %arg4[%dma_wait3A_157] : memref<322560xi32, #tpu.memory_space<hbm>> -> memref<112xi32, #tpu.memory_space<hbm>>
      tpu.wait_dma2 semaphore(%arg25 : memref<!tpu.dma_semaphore, #tpu.memory_space<semaphore_mem>>) src(%dma_wait3A_158 : memref<112xi32, #tpu.memory_space<hbm>>) dst(%arg12 : memref<112xi32, #tpu.memory_space<vmem>>)
      %dma_wait3A_159 = arith.constant 0 : i32
      %dma_wait3A_160 = arith.constant 0 : i32
      %dma_wait3A_161 = tpu.memref_slice %arg2[%dma_wait3A_159, %dma_wait3A_160] : memref<10000x128xf32, #tpu.memory_space<hbm>> -> memref<10000x128xf32, #tpu.memory_space<hbm>>
      tpu.wait_indirect_dma semaphore(%arg18 : memref<!tpu.dma_semaphore, #tpu.memory_space<semaphore_mem>>) src(%dma_wait3A_161 : memref<10000x128xf32, #tpu.memory_space<hbm>>) dst(%arg14 : memref<112x128xf32, #tpu.memory_space<vmem>>)
      %dma_wait3A_162 = arith.constant 0 : i32
      %dma_wait3A_163 = arith.constant 0 : i32
      %dma_wait3A_164 = tpu.memref_slice %arg7[%dma_wait3A_162, %dma_wait3A_163] : memref<10240x128xf32, #tpu.memory_space<vmem_shared>> -> memref<10240x128xf32, #tpu.memory_space<vmem_shared>>
      tpu.wait_indirect_dma semaphore(%arg21 : memref<!tpu.dma_semaphore, #tpu.memory_space<semaphore_mem>>) src(%arg15 : memref<112x128xf32, #tpu.memory_space<vmem>>) dst(%dma_wait3A_164 : memref<10240x128xf32, #tpu.memory_space<vmem_shared>>)
      %dma_wait3A_165 = arith.constant 0 : i32
      %dma_wait3A_166 = tpu.memref_slice %arg8[%dma_wait3A_165] : memref<10240xf32, #tpu.memory_space<vmem_shared>> -> memref<10240xf32, #tpu.memory_space<vmem_shared>>
      tpu.wait_indirect_dma semaphore(%arg23 : memref<!tpu.dma_semaphore, #tpu.memory_space<semaphore_mem>>) src(%arg16 : memref<112xf32, #tpu.memory_space<vmem>>) dst(%dma_wait3A_166 : memref<10240xf32, #tpu.memory_space<vmem_shared>>)
      %dma_start3A_167 = arith.constant 0 : i32
      %dma_start3A_168 = arith.constant 0 : i32
      %dma_start3A_169 = tpu.memref_slice %arg7[%dma_start3A_167, %dma_start3A_168] : memref<10240x128xf32, #tpu.memory_space<vmem_shared>> -> memref<10240x128xf32, #tpu.memory_space<vmem_shared>>
      tpu.enqueue_indirect_dma source(%arg14 : memref<112x128xf32, #tpu.memory_space<vmem>>) target(%dma_start3A_169 : memref<10240x128xf32, #tpu.memory_space<vmem_shared>>) offsets(%arg11 : memref<112xi32, #tpu.memory_space<vmem>>) semaphore(%arg20 : memref<!tpu.dma_semaphore, #tpu.memory_space<semaphore_mem>>) {add = true}
      %dma_start3A_170 = arith.constant 0 : i32
      %dma_start3A_171 = tpu.memref_slice %arg8[%dma_start3A_170] : memref<10240xf32, #tpu.memory_space<vmem_shared>> -> memref<10240xf32, #tpu.memory_space<vmem_shared>>
      tpu.enqueue_indirect_dma source(%arg16 : memref<112xf32, #tpu.memory_space<vmem>>) target(%dma_start3A_171 : memref<10240xf32, #tpu.memory_space<vmem_shared>>) offsets(%arg11 : memref<112xi32, #tpu.memory_space<vmem>>) semaphore(%arg22 : memref<!tpu.dma_semaphore, #tpu.memory_space<semaphore_mem>>) {add = true}
      %dma_start3A_172 = arith.constant 0 : i32
      %dma_start3A_173 = arith.constant 0 : i32
      %dma_start3A_174 = tpu.memref_slice %arg2[%dma_start3A_172, %dma_start3A_173] : memref<10000x128xf32, #tpu.memory_space<hbm>> -> memref<10000x128xf32, #tpu.memory_space<hbm>>
      tpu.enqueue_indirect_dma source(%dma_start3A_174 : memref<10000x128xf32, #tpu.memory_space<hbm>>) target(%arg15 : memref<112x128xf32, #tpu.memory_space<vmem>>) offsets(%arg10 : memref<112xi32, #tpu.memory_space<vmem>>) semaphore(%arg19 : memref<!tpu.dma_semaphore, #tpu.memory_space<semaphore_mem>>)
      %add3A_175 = arith.constant 2 : i32
      %add3A_176 = arith.addi %add3A_150, %add3A_175 : i32
      %min3A_177 = arith.constant 89 : i32
      %min3A_178 = arith.minsi %add3A_176, %min3A_177 : i32
      %mul3A_179 = arith.constant 112 : i32
      %mul3A_180 = arith.muli %min3A_178, %mul3A_179 : i32
      %add3A_181 = arith.addi %mul3A_52, %mul3A_180 : i32
      %dma_start3A_182 = tpu.memref_slice %arg3[%add3A_181] : memref<322560xi32, #tpu.memory_space<hbm>> -> memref<112xi32, #tpu.memory_space<hbm>>
      %dma_start3A_183 = tpu.memref_slice %arg3[%add3A_181] : memref<322560xi32, #tpu.memory_space<hbm>> -> memref<112xi32, #tpu.memory_space<hbm>>
      tpu.enqueue_dma source(%dma_start3A_183 : memref<112xi32, #tpu.memory_space<hbm>>) target(%arg9 : memref<112xi32, #tpu.memory_space<vmem>>) target_semaphore(%arg24 : memref<!tpu.dma_semaphore, #tpu.memory_space<semaphore_mem>>)
      %dma_start3A_184 = tpu.memref_slice %arg4[%add3A_181] : memref<322560xi32, #tpu.memory_space<hbm>> -> memref<112xi32, #tpu.memory_space<hbm>>
      %dma_start3A_185 = tpu.memref_slice %arg4[%add3A_181] : memref<322560xi32, #tpu.memory_space<hbm>> -> memref<112xi32, #tpu.memory_space<hbm>>
      tpu.enqueue_dma source(%dma_start3A_185 : memref<112xi32, #tpu.memory_space<hbm>>) target(%arg13 : memref<112xi32, #tpu.memory_space<vmem>>) target_semaphore(%arg24 : memref<!tpu.dma_semaphore, #tpu.memory_space<semaphore_mem>>)
      %mul3A_186 = arith.constant 6 : i32
      %mul3A_187 = arith.muli %mul3A_186, %scan3A_146 : i32
      %add3A_188 = arith.constant 1 : i32
      %add3A_189 = arith.addi %mul3A_187, %add3A_188 : i32
      %dma_wait3A_190 = arith.constant 0 : i32
      %dma_wait3A_191 = tpu.memref_slice %arg3[%dma_wait3A_190] : memref<322560xi32, #tpu.memory_space<hbm>> -> memref<112xi32, #tpu.memory_space<hbm>>
      %dma_wait3A_192 = arith.constant 0 : i32
      %dma_wait3A_193 = tpu.memref_slice %arg3[%dma_wait3A_192] : memref<322560xi32, #tpu.memory_space<hbm>> -> memref<112xi32, #tpu.memory_space<hbm>>
      tpu.wait_dma2 semaphore(%arg24 : memref<!tpu.dma_semaphore, #tpu.memory_space<semaphore_mem>>) src(%dma_wait3A_193 : memref<112xi32, #tpu.memory_space<hbm>>) dst(%arg9 : memref<112xi32, #tpu.memory_space<vmem>>)
      %dma_wait3A_194 = arith.constant 0 : i32
      %dma_wait3A_195 = tpu.memref_slice %arg4[%dma_wait3A_194] : memref<322560xi32, #tpu.memory_space<hbm>> -> memref<112xi32, #tpu.memory_space<hbm>>
      %dma_wait3A_196 = arith.constant 0 : i32
      %dma_wait3A_197 = tpu.memref_slice %arg4[%dma_wait3A_196] : memref<322560xi32, #tpu.memory_space<hbm>> -> memref<112xi32, #tpu.memory_space<hbm>>
      tpu.wait_dma2 semaphore(%arg24 : memref<!tpu.dma_semaphore, #tpu.memory_space<semaphore_mem>>) src(%dma_wait3A_197 : memref<112xi32, #tpu.memory_space<hbm>>) dst(%arg13 : memref<112xi32, #tpu.memory_space<vmem>>)
      %dma_wait3A_198 = arith.constant 0 : i32
      %dma_wait3A_199 = arith.constant 0 : i32
      %dma_wait3A_200 = tpu.memref_slice %arg2[%dma_wait3A_198, %dma_wait3A_199] : memref<10000x128xf32, #tpu.memory_space<hbm>> -> memref<10000x128xf32, #tpu.memory_space<hbm>>
      tpu.wait_indirect_dma semaphore(%arg19 : memref<!tpu.dma_semaphore, #tpu.memory_space<semaphore_mem>>) src(%dma_wait3A_200 : memref<10000x128xf32, #tpu.memory_space<hbm>>) dst(%arg15 : memref<112x128xf32, #tpu.memory_space<vmem>>)
      %dma_wait3A_201 = arith.constant 0 : i32
      %dma_wait3A_202 = arith.constant 0 : i32
      %dma_wait3A_203 = tpu.memref_slice %arg7[%dma_wait3A_201, %dma_wait3A_202] : memref<10240x128xf32, #tpu.memory_space<vmem_shared>> -> memref<10240x128xf32, #tpu.memory_space<vmem_shared>>
      tpu.wait_indirect_dma semaphore(%arg20 : memref<!tpu.dma_semaphore, #tpu.memory_space<semaphore_mem>>) src(%arg14 : memref<112x128xf32, #tpu.memory_space<vmem>>) dst(%dma_wait3A_203 : memref<10240x128xf32, #tpu.memory_space<vmem_shared>>)
      %dma_wait3A_204 = arith.constant 0 : i32
      %dma_wait3A_205 = tpu.memref_slice %arg8[%dma_wait3A_204] : memref<10240xf32, #tpu.memory_space<vmem_shared>> -> memref<10240xf32, #tpu.memory_space<vmem_shared>>
      tpu.wait_indirect_dma semaphore(%arg22 : memref<!tpu.dma_semaphore, #tpu.memory_space<semaphore_mem>>) src(%arg16 : memref<112xf32, #tpu.memory_space<vmem>>) dst(%dma_wait3A_205 : memref<10240xf32, #tpu.memory_space<vmem_shared>>)
      %dma_start3A_206 = arith.constant 0 : i32
      %dma_start3A_207 = arith.constant 0 : i32
      %dma_start3A_208 = tpu.memref_slice %arg7[%dma_start3A_206, %dma_start3A_207] : memref<10240x128xf32, #tpu.memory_space<vmem_shared>> -> memref<10240x128xf32, #tpu.memory_space<vmem_shared>>
      tpu.enqueue_indirect_dma source(%arg15 : memref<112x128xf32, #tpu.memory_space<vmem>>) target(%dma_start3A_208 : memref<10240x128xf32, #tpu.memory_space<vmem_shared>>) offsets(%arg12 : memref<112xi32, #tpu.memory_space<vmem>>) semaphore(%arg21 : memref<!tpu.dma_semaphore, #tpu.memory_space<semaphore_mem>>) {add = true}
      %dma_start3A_209 = arith.constant 0 : i32
      %dma_start3A_210 = tpu.memref_slice %arg8[%dma_start3A_209] : memref<10240xf32, #tpu.memory_space<vmem_shared>> -> memref<10240xf32, #tpu.memory_space<vmem_shared>>
      tpu.enqueue_indirect_dma source(%arg16 : memref<112xf32, #tpu.memory_space<vmem>>) target(%dma_start3A_210 : memref<10240xf32, #tpu.memory_space<vmem_shared>>) offsets(%arg12 : memref<112xi32, #tpu.memory_space<vmem>>) semaphore(%arg23 : memref<!tpu.dma_semaphore, #tpu.memory_space<semaphore_mem>>) {add = true}
      %dma_start3A_211 = arith.constant 0 : i32
      %dma_start3A_212 = arith.constant 0 : i32
      %dma_start3A_213 = tpu.memref_slice %arg2[%dma_start3A_211, %dma_start3A_212] : memref<10000x128xf32, #tpu.memory_space<hbm>> -> memref<10000x128xf32, #tpu.memory_space<hbm>>
      tpu.enqueue_indirect_dma source(%dma_start3A_213 : memref<10000x128xf32, #tpu.memory_space<hbm>>) target(%arg14 : memref<112x128xf32, #tpu.memory_space<vmem>>) offsets(%arg9 : memref<112xi32, #tpu.memory_space<vmem>>) semaphore(%arg18 : memref<!tpu.dma_semaphore, #tpu.memory_space<semaphore_mem>>)
      %add3A_214 = arith.constant 2 : i32
      %add3A_215 = arith.addi %add3A_189, %add3A_214 : i32
      %min3A_216 = arith.constant 89 : i32
      %min3A_217 = arith.minsi %add3A_215, %min3A_216 : i32
      %mul3A_218 = arith.constant 112 : i32
      %mul3A_219 = arith.muli %min3A_217, %mul3A_218 : i32
      %add3A_220 = arith.addi %mul3A_52, %mul3A_219 : i32
      %dma_start3A_221 = tpu.memref_slice %arg3[%add3A_220] : memref<322560xi32, #tpu.memory_space<hbm>> -> memref<112xi32, #tpu.memory_space<hbm>>
      %dma_start3A_222 = tpu.memref_slice %arg3[%add3A_220] : memref<322560xi32, #tpu.memory_space<hbm>> -> memref<112xi32, #tpu.memory_space<hbm>>
      tpu.enqueue_dma source(%dma_start3A_222 : memref<112xi32, #tpu.memory_space<hbm>>) target(%arg10 : memref<112xi32, #tpu.memory_space<vmem>>) target_semaphore(%arg25 : memref<!tpu.dma_semaphore, #tpu.memory_space<semaphore_mem>>)
      %dma_start3A_223 = tpu.memref_slice %arg4[%add3A_220] : memref<322560xi32, #tpu.memory_space<hbm>> -> memref<112xi32, #tpu.memory_space<hbm>>
      %dma_start3A_224 = tpu.memref_slice %arg4[%add3A_220] : memref<322560xi32, #tpu.memory_space<hbm>> -> memref<112xi32, #tpu.memory_space<hbm>>
      tpu.enqueue_dma source(%dma_start3A_224 : memref<112xi32, #tpu.memory_space<hbm>>) target(%arg11 : memref<112xi32, #tpu.memory_space<vmem>>) target_semaphore(%arg25 : memref<!tpu.dma_semaphore, #tpu.memory_space<semaphore_mem>>)
      %mul3A_225 = arith.constant 6 : i32
      %mul3A_226 = arith.muli %mul3A_225, %scan3A_146 : i32
      %add3A_227 = arith.constant 2 : i32
      %add3A_228 = arith.addi %mul3A_226, %add3A_227 : i32
      %dma_wait3A_229 = arith.constant 0 : i32
      %dma_wait3A_230 = tpu.memref_slice %arg3[%dma_wait3A_229] : memref<322560xi32, #tpu.memory_space<hbm>> -> memref<112xi32, #tpu.memory_space<hbm>>
      %dma_wait3A_231 = arith.constant 0 : i32
      %dma_wait3A_232 = tpu.memref_slice %arg3[%dma_wait3A_231] : memref<322560xi32, #tpu.memory_space<hbm>> -> memref<112xi32, #tpu.memory_space<hbm>>
      tpu.wait_dma2 semaphore(%arg25 : memref<!tpu.dma_semaphore, #tpu.memory_space<semaphore_mem>>) src(%dma_wait3A_232 : memref<112xi32, #tpu.memory_space<hbm>>) dst(%arg10 : memref<112xi32, #tpu.memory_space<vmem>>)
      %dma_wait3A_233 = arith.constant 0 : i32
      %dma_wait3A_234 = tpu.memref_slice %arg4[%dma_wait3A_233] : memref<322560xi32, #tpu.memory_space<hbm>> -> memref<112xi32, #tpu.memory_space<hbm>>
      %dma_wait3A_235 = arith.constant 0 : i32
      %dma_wait3A_236 = tpu.memref_slice %arg4[%dma_wait3A_235] : memref<322560xi32, #tpu.memory_space<hbm>> -> memref<112xi32, #tpu.memory_space<hbm>>
      tpu.wait_dma2 semaphore(%arg25 : memref<!tpu.dma_semaphore, #tpu.memory_space<semaphore_mem>>) src(%dma_wait3A_236 : memref<112xi32, #tpu.memory_space<hbm>>) dst(%arg11 : memref<112xi32, #tpu.memory_space<vmem>>)
      %dma_wait3A_237 = arith.constant 0 : i32
      %dma_wait3A_238 = arith.constant 0 : i32
      %dma_wait3A_239 = tpu.memref_slice %arg2[%dma_wait3A_237, %dma_wait3A_238] : memref<10000x128xf32, #tpu.memory_space<hbm>> -> memref<10000x128xf32, #tpu.memory_space<hbm>>
      tpu.wait_indirect_dma semaphore(%arg18 : memref<!tpu.dma_semaphore, #tpu.memory_space<semaphore_mem>>) src(%dma_wait3A_239 : memref<10000x128xf32, #tpu.memory_space<hbm>>) dst(%arg14 : memref<112x128xf32, #tpu.memory_space<vmem>>)
      %dma_wait3A_240 = arith.constant 0 : i32
      %dma_wait3A_241 = arith.constant 0 : i32
      %dma_wait3A_242 = tpu.memref_slice %arg7[%dma_wait3A_240, %dma_wait3A_241] : memref<10240x128xf32, #tpu.memory_space<vmem_shared>> -> memref<10240x128xf32, #tpu.memory_space<vmem_shared>>
      tpu.wait_indirect_dma semaphore(%arg21 : memref<!tpu.dma_semaphore, #tpu.memory_space<semaphore_mem>>) src(%arg15 : memref<112x128xf32, #tpu.memory_space<vmem>>) dst(%dma_wait3A_242 : memref<10240x128xf32, #tpu.memory_space<vmem_shared>>)
      %dma_wait3A_243 = arith.constant 0 : i32
      %dma_wait3A_244 = tpu.memref_slice %arg8[%dma_wait3A_243] : memref<10240xf32, #tpu.memory_space<vmem_shared>> -> memref<10240xf32, #tpu.memory_space<vmem_shared>>
      tpu.wait_indirect_dma semaphore(%arg23 : memref<!tpu.dma_semaphore, #tpu.memory_space<semaphore_mem>>) src(%arg16 : memref<112xf32, #tpu.memory_space<vmem>>) dst(%dma_wait3A_244 : memref<10240xf32, #tpu.memory_space<vmem_shared>>)
      %dma_start3A_245 = arith.constant 0 : i32
      %dma_start3A_246 = arith.constant 0 : i32
      %dma_start3A_247 = tpu.memref_slice %arg7[%dma_start3A_245, %dma_start3A_246] : memref<10240x128xf32, #tpu.memory_space<vmem_shared>> -> memref<10240x128xf32, #tpu.memory_space<vmem_shared>>
      tpu.enqueue_indirect_dma source(%arg14 : memref<112x128xf32, #tpu.memory_space<vmem>>) target(%dma_start3A_247 : memref<10240x128xf32, #tpu.memory_space<vmem_shared>>) offsets(%arg13 : memref<112xi32, #tpu.memory_space<vmem>>) semaphore(%arg20 : memref<!tpu.dma_semaphore, #tpu.memory_space<semaphore_mem>>) {add = true}
      %dma_start3A_248 = arith.constant 0 : i32
      %dma_start3A_249 = tpu.memref_slice %arg8[%dma_start3A_248] : memref<10240xf32, #tpu.memory_space<vmem_shared>> -> memref<10240xf32, #tpu.memory_space<vmem_shared>>
      tpu.enqueue_indirect_dma source(%arg16 : memref<112xf32, #tpu.memory_space<vmem>>) target(%dma_start3A_249 : memref<10240xf32, #tpu.memory_space<vmem_shared>>) offsets(%arg13 : memref<112xi32, #tpu.memory_space<vmem>>) semaphore(%arg22 : memref<!tpu.dma_semaphore, #tpu.memory_space<semaphore_mem>>) {add = true}
      %dma_start3A_250 = arith.constant 0 : i32
      %dma_start3A_251 = arith.constant 0 : i32
      %dma_start3A_252 = tpu.memref_slice %arg2[%dma_start3A_250, %dma_start3A_251] : memref<10000x128xf32, #tpu.memory_space<hbm>> -> memref<10000x128xf32, #tpu.memory_space<hbm>>
      tpu.enqueue_indirect_dma source(%dma_start3A_252 : memref<10000x128xf32, #tpu.memory_space<hbm>>) target(%arg15 : memref<112x128xf32, #tpu.memory_space<vmem>>) offsets(%arg10 : memref<112xi32, #tpu.memory_space<vmem>>) semaphore(%arg19 : memref<!tpu.dma_semaphore, #tpu.memory_space<semaphore_mem>>)
      %add3A_253 = arith.constant 2 : i32
      %add3A_254 = arith.addi %add3A_228, %add3A_253 : i32
      %min3A_255 = arith.constant 89 : i32
      %min3A_256 = arith.minsi %add3A_254, %min3A_255 : i32
      %mul3A_257 = arith.constant 112 : i32
      %mul3A_258 = arith.muli %min3A_256, %mul3A_257 : i32
      %add3A_259 = arith.addi %mul3A_52, %mul3A_258 : i32
      %dma_start3A_260 = tpu.memref_slice %arg3[%add3A_259] : memref<322560xi32, #tpu.memory_space<hbm>> -> memref<112xi32, #tpu.memory_space<hbm>>
      %dma_start3A_261 = tpu.memref_slice %arg3[%add3A_259] : memref<322560xi32, #tpu.memory_space<hbm>> -> memref<112xi32, #tpu.memory_space<hbm>>
      tpu.enqueue_dma source(%dma_start3A_261 : memref<112xi32, #tpu.memory_space<hbm>>) target(%arg9 : memref<112xi32, #tpu.memory_space<vmem>>) target_semaphore(%arg24 : memref<!tpu.dma_semaphore, #tpu.memory_space<semaphore_mem>>)
      %dma_start3A_262 = tpu.memref_slice %arg4[%add3A_259] : memref<322560xi32, #tpu.memory_space<hbm>> -> memref<112xi32, #tpu.memory_space<hbm>>
      %dma_start3A_263 = tpu.memref_slice %arg4[%add3A_259] : memref<322560xi32, #tpu.memory_space<hbm>> -> memref<112xi32, #tpu.memory_space<hbm>>
      tpu.enqueue_dma source(%dma_start3A_263 : memref<112xi32, #tpu.memory_space<hbm>>) target(%arg12 : memref<112xi32, #tpu.memory_space<vmem>>) target_semaphore(%arg24 : memref<!tpu.dma_semaphore, #tpu.memory_space<semaphore_mem>>)
      %mul3A_264 = arith.constant 6 : i32
      %mul3A_265 = arith.muli %mul3A_264, %scan3A_146 : i32
      %add3A_266 = arith.constant 3 : i32
      %add3A_267 = arith.addi %mul3A_265, %add3A_266 : i32
      %dma_wait3A_268 = arith.constant 0 : i32
      %dma_wait3A_269 = tpu.memref_slice %arg3[%dma_wait3A_268] : memref<322560xi32, #tpu.memory_space<hbm>> -> memref<112xi32, #tpu.memory_space<hbm>>
      %dma_wait3A_270 = arith.constant 0 : i32
      %dma_wait3A_271 = tpu.memref_slice %arg3[%dma_wait3A_270] : memref<322560xi32, #tpu.memory_space<hbm>> -> memref<112xi32, #tpu.memory_space<hbm>>
      tpu.wait_dma2 semaphore(%arg24 : memref<!tpu.dma_semaphore, #tpu.memory_space<semaphore_mem>>) src(%dma_wait3A_271 : memref<112xi32, #tpu.memory_space<hbm>>) dst(%arg9 : memref<112xi32, #tpu.memory_space<vmem>>)
      %dma_wait3A_272 = arith.constant 0 : i32
      %dma_wait3A_273 = tpu.memref_slice %arg4[%dma_wait3A_272] : memref<322560xi32, #tpu.memory_space<hbm>> -> memref<112xi32, #tpu.memory_space<hbm>>
      %dma_wait3A_274 = arith.constant 0 : i32
      %dma_wait3A_275 = tpu.memref_slice %arg4[%dma_wait3A_274] : memref<322560xi32, #tpu.memory_space<hbm>> -> memref<112xi32, #tpu.memory_space<hbm>>
      tpu.wait_dma2 semaphore(%arg24 : memref<!tpu.dma_semaphore, #tpu.memory_space<semaphore_mem>>) src(%dma_wait3A_275 : memref<112xi32, #tpu.memory_space<hbm>>) dst(%arg12 : memref<112xi32, #tpu.memory_space<vmem>>)
      %dma_wait3A_276 = arith.constant 0 : i32
      %dma_wait3A_277 = arith.constant 0 : i32
      %dma_wait3A_278 = tpu.memref_slice %arg2[%dma_wait3A_276, %dma_wait3A_277] : memref<10000x128xf32, #tpu.memory_space<hbm>> -> memref<10000x128xf32, #tpu.memory_space<hbm>>
      tpu.wait_indirect_dma semaphore(%arg19 : memref<!tpu.dma_semaphore, #tpu.memory_space<semaphore_mem>>) src(%dma_wait3A_278 : memref<10000x128xf32, #tpu.memory_space<hbm>>) dst(%arg15 : memref<112x128xf32, #tpu.memory_space<vmem>>)
      %dma_wait3A_279 = arith.constant 0 : i32
      %dma_wait3A_280 = arith.constant 0 : i32
      %dma_wait3A_281 = tpu.memref_slice %arg7[%dma_wait3A_279, %dma_wait3A_280] : memref<10240x128xf32, #tpu.memory_space<vmem_shared>> -> memref<10240x128xf32, #tpu.memory_space<vmem_shared>>
      tpu.wait_indirect_dma semaphore(%arg20 : memref<!tpu.dma_semaphore, #tpu.memory_space<semaphore_mem>>) src(%arg14 : memref<112x128xf32, #tpu.memory_space<vmem>>) dst(%dma_wait3A_281 : memref<10240x128xf32, #tpu.memory_space<vmem_shared>>)
      %dma_wait3A_282 = arith.constant 0 : i32
      %dma_wait3A_283 = tpu.memref_slice %arg8[%dma_wait3A_282] : memref<10240xf32, #tpu.memory_space<vmem_shared>> -> memref<10240xf32, #tpu.memory_space<vmem_shared>>
      tpu.wait_indirect_dma semaphore(%arg22 : memref<!tpu.dma_semaphore, #tpu.memory_space<semaphore_mem>>) src(%arg16 : memref<112xf32, #tpu.memory_space<vmem>>) dst(%dma_wait3A_283 : memref<10240xf32, #tpu.memory_space<vmem_shared>>)
      %dma_start3A_284 = arith.constant 0 : i32
      %dma_start3A_285 = arith.constant 0 : i32
      %dma_start3A_286 = tpu.memref_slice %arg7[%dma_start3A_284, %dma_start3A_285] : memref<10240x128xf32, #tpu.memory_space<vmem_shared>> -> memref<10240x128xf32, #tpu.memory_space<vmem_shared>>
      tpu.enqueue_indirect_dma source(%arg15 : memref<112x128xf32, #tpu.memory_space<vmem>>) target(%dma_start3A_286 : memref<10240x128xf32, #tpu.memory_space<vmem_shared>>) offsets(%arg11 : memref<112xi32, #tpu.memory_space<vmem>>) semaphore(%arg21 : memref<!tpu.dma_semaphore, #tpu.memory_space<semaphore_mem>>) {add = true}
      %dma_start3A_287 = arith.constant 0 : i32
      %dma_start3A_288 = tpu.memref_slice %arg8[%dma_start3A_287] : memref<10240xf32, #tpu.memory_space<vmem_shared>> -> memref<10240xf32, #tpu.memory_space<vmem_shared>>
      tpu.enqueue_indirect_dma source(%arg16 : memref<112xf32, #tpu.memory_space<vmem>>) target(%dma_start3A_288 : memref<10240xf32, #tpu.memory_space<vmem_shared>>) offsets(%arg11 : memref<112xi32, #tpu.memory_space<vmem>>) semaphore(%arg23 : memref<!tpu.dma_semaphore, #tpu.memory_space<semaphore_mem>>) {add = true}
      %dma_start3A_289 = arith.constant 0 : i32
      %dma_start3A_290 = arith.constant 0 : i32
      %dma_start3A_291 = tpu.memref_slice %arg2[%dma_start3A_289, %dma_start3A_290] : memref<10000x128xf32, #tpu.memory_space<hbm>> -> memref<10000x128xf32, #tpu.memory_space<hbm>>
      tpu.enqueue_indirect_dma source(%dma_start3A_291 : memref<10000x128xf32, #tpu.memory_space<hbm>>) target(%arg14 : memref<112x128xf32, #tpu.memory_space<vmem>>) offsets(%arg9 : memref<112xi32, #tpu.memory_space<vmem>>) semaphore(%arg18 : memref<!tpu.dma_semaphore, #tpu.memory_space<semaphore_mem>>)
      %add3A_292 = arith.constant 2 : i32
      %add3A_293 = arith.addi %add3A_267, %add3A_292 : i32
      %min3A_294 = arith.constant 89 : i32
      %min3A_295 = arith.minsi %add3A_293, %min3A_294 : i32
      %mul3A_296 = arith.constant 112 : i32
      %mul3A_297 = arith.muli %min3A_295, %mul3A_296 : i32
      %add3A_298 = arith.addi %mul3A_52, %mul3A_297 : i32
      %dma_start3A_299 = tpu.memref_slice %arg3[%add3A_298] : memref<322560xi32, #tpu.memory_space<hbm>> -> memref<112xi32, #tpu.memory_space<hbm>>
      %dma_start3A_300 = tpu.memref_slice %arg3[%add3A_298] : memref<322560xi32, #tpu.memory_space<hbm>> -> memref<112xi32, #tpu.memory_space<hbm>>
      tpu.enqueue_dma source(%dma_start3A_300 : memref<112xi32, #tpu.memory_space<hbm>>) target(%arg10 : memref<112xi32, #tpu.memory_space<vmem>>) target_semaphore(%arg25 : memref<!tpu.dma_semaphore, #tpu.memory_space<semaphore_mem>>)
      %dma_start3A_301 = tpu.memref_slice %arg4[%add3A_298] : memref<322560xi32, #tpu.memory_space<hbm>> -> memref<112xi32, #tpu.memory_space<hbm>>
      %dma_start3A_302 = tpu.memref_slice %arg4[%add3A_298] : memref<322560xi32, #tpu.memory_space<hbm>> -> memref<112xi32, #tpu.memory_space<hbm>>
      tpu.enqueue_dma source(%dma_start3A_302 : memref<112xi32, #tpu.memory_space<hbm>>) target(%arg13 : memref<112xi32, #tpu.memory_space<vmem>>) target_semaphore(%arg25 : memref<!tpu.dma_semaphore, #tpu.memory_space<semaphore_mem>>)
      %mul3A_303 = arith.constant 6 : i32
      %mul3A_304 = arith.muli %mul3A_303, %scan3A_146 : i32
      %add3A_305 = arith.constant 4 : i32
      %add3A_306 = arith.addi %mul3A_304, %add3A_305 : i32
      %dma_wait3A_307 = arith.constant 0 : i32
      %dma_wait3A_308 = tpu.memref_slice %arg3[%dma_wait3A_307] : memref<322560xi32, #tpu.memory_space<hbm>> -> memref<112xi32, #tpu.memory_space<hbm>>
      %dma_wait3A_309 = arith.constant 0 : i32
      %dma_wait3A_310 = tpu.memref_slice %arg3[%dma_wait3A_309] : memref<322560xi32, #tpu.memory_space<hbm>> -> memref<112xi32, #tpu.memory_space<hbm>>
      tpu.wait_dma2 semaphore(%arg25 : memref<!tpu.dma_semaphore, #tpu.memory_space<semaphore_mem>>) src(%dma_wait3A_310 : memref<112xi32, #tpu.memory_space<hbm>>) dst(%arg10 : memref<112xi32, #tpu.memory_space<vmem>>)
      %dma_wait3A_311 = arith.constant 0 : i32
      %dma_wait3A_312 = tpu.memref_slice %arg4[%dma_wait3A_311] : memref<322560xi32, #tpu.memory_space<hbm>> -> memref<112xi32, #tpu.memory_space<hbm>>
      %dma_wait3A_313 = arith.constant 0 : i32
      %dma_wait3A_314 = tpu.memref_slice %arg4[%dma_wait3A_313] : memref<322560xi32, #tpu.memory_space<hbm>> -> memref<112xi32, #tpu.memory_space<hbm>>
      tpu.wait_dma2 semaphore(%arg25 : memref<!tpu.dma_semaphore, #tpu.memory_space<semaphore_mem>>) src(%dma_wait3A_314 : memref<112xi32, #tpu.memory_space<hbm>>) dst(%arg13 : memref<112xi32, #tpu.memory_space<vmem>>)
      %dma_wait3A_315 = arith.constant 0 : i32
      %dma_wait3A_316 = arith.constant 0 : i32
      %dma_wait3A_317 = tpu.memref_slice %arg2[%dma_wait3A_315, %dma_wait3A_316] : memref<10000x128xf32, #tpu.memory_space<hbm>> -> memref<10000x128xf32, #tpu.memory_space<hbm>>
      tpu.wait_indirect_dma semaphore(%arg18 : memref<!tpu.dma_semaphore, #tpu.memory_space<semaphore_mem>>) src(%dma_wait3A_317 : memref<10000x128xf32, #tpu.memory_space<hbm>>) dst(%arg14 : memref<112x128xf32, #tpu.memory_space<vmem>>)
      %dma_wait3A_318 = arith.constant 0 : i32
      %dma_wait3A_319 = arith.constant 0 : i32
      %dma_wait3A_320 = tpu.memref_slice %arg7[%dma_wait3A_318, %dma_wait3A_319] : memref<10240x128xf32, #tpu.memory_space<vmem_shared>> -> memref<10240x128xf32, #tpu.memory_space<vmem_shared>>
      tpu.wait_indirect_dma semaphore(%arg21 : memref<!tpu.dma_semaphore, #tpu.memory_space<semaphore_mem>>) src(%arg15 : memref<112x128xf32, #tpu.memory_space<vmem>>) dst(%dma_wait3A_320 : memref<10240x128xf32, #tpu.memory_space<vmem_shared>>)
      %dma_wait3A_321 = arith.constant 0 : i32
      %dma_wait3A_322 = tpu.memref_slice %arg8[%dma_wait3A_321] : memref<10240xf32, #tpu.memory_space<vmem_shared>> -> memref<10240xf32, #tpu.memory_space<vmem_shared>>
      tpu.wait_indirect_dma semaphore(%arg23 : memref<!tpu.dma_semaphore, #tpu.memory_space<semaphore_mem>>) src(%arg16 : memref<112xf32, #tpu.memory_space<vmem>>) dst(%dma_wait3A_322 : memref<10240xf32, #tpu.memory_space<vmem_shared>>)
      %dma_start3A_323 = arith.constant 0 : i32
      %dma_start3A_324 = arith.constant 0 : i32
      %dma_start3A_325 = tpu.memref_slice %arg7[%dma_start3A_323, %dma_start3A_324] : memref<10240x128xf32, #tpu.memory_space<vmem_shared>> -> memref<10240x128xf32, #tpu.memory_space<vmem_shared>>
      tpu.enqueue_indirect_dma source(%arg14 : memref<112x128xf32, #tpu.memory_space<vmem>>) target(%dma_start3A_325 : memref<10240x128xf32, #tpu.memory_space<vmem_shared>>) offsets(%arg12 : memref<112xi32, #tpu.memory_space<vmem>>) semaphore(%arg20 : memref<!tpu.dma_semaphore, #tpu.memory_space<semaphore_mem>>) {add = true}
      %dma_start3A_326 = arith.constant 0 : i32
      %dma_start3A_327 = tpu.memref_slice %arg8[%dma_start3A_326] : memref<10240xf32, #tpu.memory_space<vmem_shared>> -> memref<10240xf32, #tpu.memory_space<vmem_shared>>
      tpu.enqueue_indirect_dma source(%arg16 : memref<112xf32, #tpu.memory_space<vmem>>) target(%dma_start3A_327 : memref<10240xf32, #tpu.memory_space<vmem_shared>>) offsets(%arg12 : memref<112xi32, #tpu.memory_space<vmem>>) semaphore(%arg22 : memref<!tpu.dma_semaphore, #tpu.memory_space<semaphore_mem>>) {add = true}
      %dma_start3A_328 = arith.constant 0 : i32
      %dma_start3A_329 = arith.constant 0 : i32
      %dma_start3A_330 = tpu.memref_slice %arg2[%dma_start3A_328, %dma_start3A_329] : memref<10000x128xf32, #tpu.memory_space<hbm>> -> memref<10000x128xf32, #tpu.memory_space<hbm>>
      tpu.enqueue_indirect_dma source(%dma_start3A_330 : memref<10000x128xf32, #tpu.memory_space<hbm>>) target(%arg15 : memref<112x128xf32, #tpu.memory_space<vmem>>) offsets(%arg10 : memref<112xi32, #tpu.memory_space<vmem>>) semaphore(%arg19 : memref<!tpu.dma_semaphore, #tpu.memory_space<semaphore_mem>>)
      %add3A_331 = arith.constant 2 : i32
      %add3A_332 = arith.addi %add3A_306, %add3A_331 : i32
      %min3A_333 = arith.constant 89 : i32
      %min3A_334 = arith.minsi %add3A_332, %min3A_333 : i32
      %mul3A_335 = arith.constant 112 : i32
      %mul3A_336 = arith.muli %min3A_334, %mul3A_335 : i32
      %add3A_337 = arith.addi %mul3A_52, %mul3A_336 : i32
      %dma_start3A_338 = tpu.memref_slice %arg3[%add3A_337] : memref<322560xi32, #tpu.memory_space<hbm>> -> memref<112xi32, #tpu.memory_space<hbm>>
      %dma_start3A_339 = tpu.memref_slice %arg3[%add3A_337] : memref<322560xi32, #tpu.memory_space<hbm>> -> memref<112xi32, #tpu.memory_space<hbm>>
      tpu.enqueue_dma source(%dma_start3A_339 : memref<112xi32, #tpu.memory_space<hbm>>) target(%arg9 : memref<112xi32, #tpu.memory_space<vmem>>) target_semaphore(%arg24 : memref<!tpu.dma_semaphore, #tpu.memory_space<semaphore_mem>>)
      %dma_start3A_340 = tpu.memref_slice %arg4[%add3A_337] : memref<322560xi32, #tpu.memory_space<hbm>> -> memref<112xi32, #tpu.memory_space<hbm>>
      %dma_start3A_341 = tpu.memref_slice %arg4[%add3A_337] : memref<322560xi32, #tpu.memory_space<hbm>> -> memref<112xi32, #tpu.memory_space<hbm>>
      tpu.enqueue_dma source(%dma_start3A_341 : memref<112xi32, #tpu.memory_space<hbm>>) target(%arg11 : memref<112xi32, #tpu.memory_space<vmem>>) target_semaphore(%arg24 : memref<!tpu.dma_semaphore, #tpu.memory_space<semaphore_mem>>)
      %mul3A_342 = arith.constant 6 : i32
      %mul3A_343 = arith.muli %mul3A_342, %scan3A_146 : i32
      %add3A_344 = arith.constant 5 : i32
      %add3A_345 = arith.addi %mul3A_343, %add3A_344 : i32
      %dma_wait3A_346 = arith.constant 0 : i32
      %dma_wait3A_347 = tpu.memref_slice %arg3[%dma_wait3A_346] : memref<322560xi32, #tpu.memory_space<hbm>> -> memref<112xi32, #tpu.memory_space<hbm>>
      %dma_wait3A_348 = arith.constant 0 : i32
      %dma_wait3A_349 = tpu.memref_slice %arg3[%dma_wait3A_348] : memref<322560xi32, #tpu.memory_space<hbm>> -> memref<112xi32, #tpu.memory_space<hbm>>
      tpu.wait_dma2 semaphore(%arg24 : memref<!tpu.dma_semaphore, #tpu.memory_space<semaphore_mem>>) src(%dma_wait3A_349 : memref<112xi32, #tpu.memory_space<hbm>>) dst(%arg9 : memref<112xi32, #tpu.memory_space<vmem>>)
      %dma_wait3A_350 = arith.constant 0 : i32
      %dma_wait3A_351 = tpu.memref_slice %arg4[%dma_wait3A_350] : memref<322560xi32, #tpu.memory_space<hbm>> -> memref<112xi32, #tpu.memory_space<hbm>>
      %dma_wait3A_352 = arith.constant 0 : i32
      %dma_wait3A_353 = tpu.memref_slice %arg4[%dma_wait3A_352] : memref<322560xi32, #tpu.memory_space<hbm>> -> memref<112xi32, #tpu.memory_space<hbm>>
      tpu.wait_dma2 semaphore(%arg24 : memref<!tpu.dma_semaphore, #tpu.memory_space<semaphore_mem>>) src(%dma_wait3A_353 : memref<112xi32, #tpu.memory_space<hbm>>) dst(%arg11 : memref<112xi32, #tpu.memory_space<vmem>>)
      %dma_wait3A_354 = arith.constant 0 : i32
      %dma_wait3A_355 = arith.constant 0 : i32
      %dma_wait3A_356 = tpu.memref_slice %arg2[%dma_wait3A_354, %dma_wait3A_355] : memref<10000x128xf32, #tpu.memory_space<hbm>> -> memref<10000x128xf32, #tpu.memory_space<hbm>>
      tpu.wait_indirect_dma semaphore(%arg19 : memref<!tpu.dma_semaphore, #tpu.memory_space<semaphore_mem>>) src(%dma_wait3A_356 : memref<10000x128xf32, #tpu.memory_space<hbm>>) dst(%arg15 : memref<112x128xf32, #tpu.memory_space<vmem>>)
      %dma_wait3A_357 = arith.constant 0 : i32
      %dma_wait3A_358 = arith.constant 0 : i32
      %dma_wait3A_359 = tpu.memref_slice %arg7[%dma_wait3A_357, %dma_wait3A_358] : memref<10240x128xf32, #tpu.memory_space<vmem_shared>> -> memref<10240x128xf32, #tpu.memory_space<vmem_shared>>
      tpu.wait_indirect_dma semaphore(%arg20 : memref<!tpu.dma_semaphore, #tpu.memory_space<semaphore_mem>>) src(%arg14 : memref<112x128xf32, #tpu.memory_space<vmem>>) dst(%dma_wait3A_359 : memref<10240x128xf32, #tpu.memory_space<vmem_shared>>)
      %dma_wait3A_360 = arith.constant 0 : i32
      %dma_wait3A_361 = tpu.memref_slice %arg8[%dma_wait3A_360] : memref<10240xf32, #tpu.memory_space<vmem_shared>> -> memref<10240xf32, #tpu.memory_space<vmem_shared>>
      tpu.wait_indirect_dma semaphore(%arg22 : memref<!tpu.dma_semaphore, #tpu.memory_space<semaphore_mem>>) src(%arg16 : memref<112xf32, #tpu.memory_space<vmem>>) dst(%dma_wait3A_361 : memref<10240xf32, #tpu.memory_space<vmem_shared>>)
      %dma_start3A_362 = arith.constant 0 : i32
      %dma_start3A_363 = arith.constant 0 : i32
      %dma_start3A_364 = tpu.memref_slice %arg7[%dma_start3A_362, %dma_start3A_363] : memref<10240x128xf32, #tpu.memory_space<vmem_shared>> -> memref<10240x128xf32, #tpu.memory_space<vmem_shared>>
      tpu.enqueue_indirect_dma source(%arg15 : memref<112x128xf32, #tpu.memory_space<vmem>>) target(%dma_start3A_364 : memref<10240x128xf32, #tpu.memory_space<vmem_shared>>) offsets(%arg13 : memref<112xi32, #tpu.memory_space<vmem>>) semaphore(%arg21 : memref<!tpu.dma_semaphore, #tpu.memory_space<semaphore_mem>>) {add = true}
      %dma_start3A_365 = arith.constant 0 : i32
      %dma_start3A_366 = tpu.memref_slice %arg8[%dma_start3A_365] : memref<10240xf32, #tpu.memory_space<vmem_shared>> -> memref<10240xf32, #tpu.memory_space<vmem_shared>>
      tpu.enqueue_indirect_dma source(%arg16 : memref<112xf32, #tpu.memory_space<vmem>>) target(%dma_start3A_366 : memref<10240xf32, #tpu.memory_space<vmem_shared>>) offsets(%arg13 : memref<112xi32, #tpu.memory_space<vmem>>) semaphore(%arg23 : memref<!tpu.dma_semaphore, #tpu.memory_space<semaphore_mem>>) {add = true}
      %dma_start3A_367 = arith.constant 0 : i32
      %dma_start3A_368 = arith.constant 0 : i32
      %dma_start3A_369 = tpu.memref_slice %arg2[%dma_start3A_367, %dma_start3A_368] : memref<10000x128xf32, #tpu.memory_space<hbm>> -> memref<10000x128xf32, #tpu.memory_space<hbm>>
      tpu.enqueue_indirect_dma source(%dma_start3A_369 : memref<10000x128xf32, #tpu.memory_space<hbm>>) target(%arg14 : memref<112x128xf32, #tpu.memory_space<vmem>>) offsets(%arg9 : memref<112xi32, #tpu.memory_space<vmem>>) semaphore(%arg18 : memref<!tpu.dma_semaphore, #tpu.memory_space<semaphore_mem>>)
      %add3A_370 = arith.constant 2 : i32
      %add3A_371 = arith.addi %add3A_345, %add3A_370 : i32
      %min3A_372 = arith.constant 89 : i32
      %min3A_373 = arith.minsi %add3A_371, %min3A_372 : i32
      %mul3A_374 = arith.constant 112 : i32
      %mul3A_375 = arith.muli %min3A_373, %mul3A_374 : i32
      %add3A_376 = arith.addi %mul3A_52, %mul3A_375 : i32
      %dma_start3A_377 = tpu.memref_slice %arg3[%add3A_376] : memref<322560xi32, #tpu.memory_space<hbm>> -> memref<112xi32, #tpu.memory_space<hbm>>
      %dma_start3A_378 = tpu.memref_slice %arg3[%add3A_376] : memref<322560xi32, #tpu.memory_space<hbm>> -> memref<112xi32, #tpu.memory_space<hbm>>
      tpu.enqueue_dma source(%dma_start3A_378 : memref<112xi32, #tpu.memory_space<hbm>>) target(%arg10 : memref<112xi32, #tpu.memory_space<vmem>>) target_semaphore(%arg25 : memref<!tpu.dma_semaphore, #tpu.memory_space<semaphore_mem>>)
      %dma_start3A_379 = tpu.memref_slice %arg4[%add3A_376] : memref<322560xi32, #tpu.memory_space<hbm>> -> memref<112xi32, #tpu.memory_space<hbm>>
      %dma_start3A_380 = tpu.memref_slice %arg4[%add3A_376] : memref<322560xi32, #tpu.memory_space<hbm>> -> memref<112xi32, #tpu.memory_space<hbm>>
      tpu.enqueue_dma source(%dma_start3A_380 : memref<112xi32, #tpu.memory_space<hbm>>) target(%arg12 : memref<112xi32, #tpu.memory_space<vmem>>) target_semaphore(%arg25 : memref<!tpu.dma_semaphore, #tpu.memory_space<semaphore_mem>>)
    }
    %scan3A_93 = arith.constant 15 : i32
    %dma_wait3A_94 = arith.constant 0 : i32
    %dma_wait3A_95 = arith.constant 0 : i32
    %dma_wait3A_96 = tpu.memref_slice %arg2[%dma_wait3A_94, %dma_wait3A_95] : memref<10000x128xf32, #tpu.memory_space<hbm>> -> memref<10000x128xf32, #tpu.memory_space<hbm>>
    tpu.wait_indirect_dma semaphore(%arg18 : memref<!tpu.dma_semaphore, #tpu.memory_space<semaphore_mem>>) src(%dma_wait3A_96 : memref<10000x128xf32, #tpu.memory_space<hbm>>) dst(%arg14 : memref<112x128xf32, #tpu.memory_space<vmem>>)
    %dma_wait3A_97 = arith.constant 0 : i32
    %dma_wait3A_98 = arith.constant 0 : i32
    %dma_wait3A_99 = tpu.memref_slice %arg7[%dma_wait3A_97, %dma_wait3A_98] : memref<10240x128xf32, #tpu.memory_space<vmem_shared>> -> memref<10240x128xf32, #tpu.memory_space<vmem_shared>>
    tpu.wait_indirect_dma semaphore(%arg21 : memref<!tpu.dma_semaphore, #tpu.memory_space<semaphore_mem>>) src(%arg15 : memref<112x128xf32, #tpu.memory_space<vmem>>) dst(%dma_wait3A_99 : memref<10240x128xf32, #tpu.memory_space<vmem_shared>>)
    %dma_wait3A_100 = arith.constant 0 : i32
    %dma_wait3A_101 = tpu.memref_slice %arg8[%dma_wait3A_100] : memref<10240xf32, #tpu.memory_space<vmem_shared>> -> memref<10240xf32, #tpu.memory_space<vmem_shared>>
    tpu.wait_indirect_dma semaphore(%arg23 : memref<!tpu.dma_semaphore, #tpu.memory_space<semaphore_mem>>) src(%arg16 : memref<112xf32, #tpu.memory_space<vmem>>) dst(%dma_wait3A_101 : memref<10240xf32, #tpu.memory_space<vmem_shared>>)
    %dma_wait3A_102 = arith.constant 0 : i32
    %dma_wait3A_103 = tpu.memref_slice %arg3[%dma_wait3A_102] : memref<322560xi32, #tpu.memory_space<hbm>> -> memref<112xi32, #tpu.memory_space<hbm>>
    %dma_wait3A_104 = arith.constant 0 : i32
    %dma_wait3A_105 = tpu.memref_slice %arg3[%dma_wait3A_104] : memref<322560xi32, #tpu.memory_space<hbm>> -> memref<112xi32, #tpu.memory_space<hbm>>
    tpu.wait_dma2 semaphore(%arg25 : memref<!tpu.dma_semaphore, #tpu.memory_space<semaphore_mem>>) src(%dma_wait3A_105 : memref<112xi32, #tpu.memory_space<hbm>>) dst(%arg10 : memref<112xi32, #tpu.memory_space<vmem>>)
    %dma_wait3A_106 = arith.constant 0 : i32
    %dma_wait3A_107 = tpu.memref_slice %arg4[%dma_wait3A_106] : memref<322560xi32, #tpu.memory_space<hbm>> -> memref<112xi32, #tpu.memory_space<hbm>>
    %dma_wait3A_108 = arith.constant 0 : i32
    %dma_wait3A_109 = tpu.memref_slice %arg4[%dma_wait3A_108] : memref<322560xi32, #tpu.memory_space<hbm>> -> memref<112xi32, #tpu.memory_space<hbm>>
    tpu.wait_dma2 semaphore(%arg25 : memref<!tpu.dma_semaphore, #tpu.memory_space<semaphore_mem>>) src(%dma_wait3A_109 : memref<112xi32, #tpu.memory_space<hbm>>) dst(%arg12 : memref<112xi32, #tpu.memory_space<vmem>>)
    %barrier3A_110 = arith.constant 0 : index
    tpu.barrier barrier_id(%barrier3A_110)
    %mul3A_111 = arith.constant 10240 : i32
    %mul3A_112 = arith.muli %arg0, %mul3A_111 : i32
    %add3A_113 = arith.addi %mul3A_112, %mul3A_0 : i32
    %add3A_114 = arith.constant 0 : i32
    %add3A_115 = arith.addi %mul3A_0, %add3A_114 : i32
    "tpu.region"() ({
      %run_scoped3A = tpu.sem_alloc : memref<!tpu.dma_semaphore, #tpu.memory_space<semaphore_mem>>
      %dma_start3A_146 = arith.constant 0 : i32
      %dma_start3A_147 = arith.constant 0 : i32
      %dma_start3A_148 = tpu.memref_slice %arg14[%dma_start3A_146, %dma_start3A_147] : memref<112x128xf32, #tpu.memory_space<vmem>> -> memref<80x128xf32, #tpu.memory_space<vmem>>
      %dma_start3A_149 = arith.constant 0 : i32
      %dma_start3A_150 = tpu.memref_slice %arg7[%add3A_115, %dma_start3A_149] : memref<10240x128xf32, #tpu.memory_space<vmem_shared>> -> memref<80x128xf32, #tpu.memory_space<vmem_shared>>
      %dma_start3A_151 = arith.constant 0 : i32
      %dma_start3A_152 = arith.constant 0 : i32
      %dma_start3A_153 = tpu.memref_slice %arg14[%dma_start3A_151, %dma_start3A_152] : memref<112x128xf32, #tpu.memory_space<vmem>> -> memref<80x128xf32, #tpu.memory_space<vmem>>
      %dma_start3A_154 = arith.constant 0 : i32
      %dma_start3A_155 = tpu.memref_slice %arg7[%add3A_115, %dma_start3A_154] : memref<10240x128xf32, #tpu.memory_space<vmem_shared>> -> memref<80x128xf32, #tpu.memory_space<vmem_shared>>
      tpu.enqueue_dma source(%dma_start3A_155 : memref<80x128xf32, #tpu.memory_space<vmem_shared>>) target(%dma_start3A_153 : memref<80x128xf32, #tpu.memory_space<vmem>>) target_semaphore(%run_scoped3A : memref<!tpu.dma_semaphore, #tpu.memory_space<semaphore_mem>>)
      %dma_wait3A_156 = arith.constant 0 : i32
      %dma_wait3A_157 = arith.constant 0 : i32
      %dma_wait3A_158 = tpu.memref_slice %arg14[%dma_wait3A_156, %dma_wait3A_157] : memref<112x128xf32, #tpu.memory_space<vmem>> -> memref<80x128xf32, #tpu.memory_space<vmem>>
      %dma_wait3A_159 = arith.constant 0 : i32
      %dma_wait3A_160 = tpu.memref_slice %arg7[%add3A_115, %dma_wait3A_159] : memref<10240x128xf32, #tpu.memory_space<vmem_shared>> -> memref<80x128xf32, #tpu.memory_space<vmem_shared>>
      %dma_wait3A_161 = arith.constant 0 : i32
      %dma_wait3A_162 = arith.constant 0 : i32
      %dma_wait3A_163 = tpu.memref_slice %arg14[%dma_wait3A_161, %dma_wait3A_162] : memref<112x128xf32, #tpu.memory_space<vmem>> -> memref<80x128xf32, #tpu.memory_space<vmem>>
      %dma_wait3A_164 = arith.constant 0 : i32
      %dma_wait3A_165 = tpu.memref_slice %arg7[%add3A_115, %dma_wait3A_164] : memref<10240x128xf32, #tpu.memory_space<vmem_shared>> -> memref<80x128xf32, #tpu.memory_space<vmem_shared>>
      tpu.wait_dma2 semaphore(%run_scoped3A : memref<!tpu.dma_semaphore, #tpu.memory_space<semaphore_mem>>) src(%dma_wait3A_165 : memref<80x128xf32, #tpu.memory_space<vmem_shared>>) dst(%dma_wait3A_163 : memref<80x128xf32, #tpu.memory_space<vmem>>)
      tpu.yield
    }) : () -> ()
    %add3A_116 = arith.constant 0 : i32
    %add3A_117 = arith.addi %add3A_113, %add3A_116 : i32
    "tpu.region"() ({
      %run_scoped3A = tpu.sem_alloc : memref<!tpu.dma_semaphore, #tpu.memory_space<semaphore_mem>>
      %dma_start3A_146 = arith.constant 0 : i32
      %dma_start3A_147 = arith.constant 0 : i32
      %dma_start3A_148 = tpu.memref_slice %arg14[%dma_start3A_146, %dma_start3A_147] : memref<112x128xf32, #tpu.memory_space<vmem>> -> memref<80x128xf32, #tpu.memory_space<vmem>>
      %dma_start3A_149 = arith.constant 0 : i32
      %dma_start3A_150 = tpu.memref_slice %arg5[%add3A_117, %dma_start3A_149] : memref<20480x128xf32, #tpu.memory_space<hbm>> -> memref<80x128xf32, #tpu.memory_space<hbm>>
      %dma_start3A_151 = arith.constant 0 : i32
      %dma_start3A_152 = tpu.memref_slice %arg5[%add3A_117, %dma_start3A_151] : memref<20480x128xf32, #tpu.memory_space<hbm>> -> memref<80x128xf32, #tpu.memory_space<hbm>>
      %dma_start3A_153 = arith.constant 0 : i32
      %dma_start3A_154 = arith.constant 0 : i32
      %dma_start3A_155 = tpu.memref_slice %arg14[%dma_start3A_153, %dma_start3A_154] : memref<112x128xf32, #tpu.memory_space<vmem>> -> memref<80x128xf32, #tpu.memory_space<vmem>>
      tpu.enqueue_dma source(%dma_start3A_155 : memref<80x128xf32, #tpu.memory_space<vmem>>) target(%dma_start3A_152 : memref<80x128xf32, #tpu.memory_space<hbm>>) target_semaphore(%run_scoped3A : memref<!tpu.dma_semaphore, #tpu.memory_space<semaphore_mem>>)
      %dma_wait3A_156 = arith.constant 0 : i32
      %dma_wait3A_157 = arith.constant 0 : i32
      %dma_wait3A_158 = tpu.memref_slice %arg14[%dma_wait3A_156, %dma_wait3A_157] : memref<112x128xf32, #tpu.memory_space<vmem>> -> memref<80x128xf32, #tpu.memory_space<vmem>>
      %dma_wait3A_159 = arith.constant 0 : i32
      %dma_wait3A_160 = tpu.memref_slice %arg5[%add3A_117, %dma_wait3A_159] : memref<20480x128xf32, #tpu.memory_space<hbm>> -> memref<80x128xf32, #tpu.memory_space<hbm>>
      %dma_wait3A_161 = arith.constant 0 : i32
      %dma_wait3A_162 = tpu.memref_slice %arg5[%add3A_117, %dma_wait3A_161] : memref<20480x128xf32, #tpu.memory_space<hbm>> -> memref<80x128xf32, #tpu.memory_space<hbm>>
      %dma_wait3A_163 = arith.constant 0 : i32
      %dma_wait3A_164 = arith.constant 0 : i32
      %dma_wait3A_165 = tpu.memref_slice %arg14[%dma_wait3A_163, %dma_wait3A_164] : memref<112x128xf32, #tpu.memory_space<vmem>> -> memref<80x128xf32, #tpu.memory_space<vmem>>
      tpu.wait_dma2 semaphore(%run_scoped3A : memref<!tpu.dma_semaphore, #tpu.memory_space<semaphore_mem>>) src(%dma_wait3A_165 : memref<80x128xf32, #tpu.memory_space<vmem>>) dst(%dma_wait3A_162 : memref<80x128xf32, #tpu.memory_space<hbm>>)
      tpu.yield
    }) : () -> ()
    %add3A_118 = arith.constant 80 : i32
    %add3A_119 = arith.addi %mul3A_0, %add3A_118 : i32
    "tpu.region"() ({
      %run_scoped3A = tpu.sem_alloc : memref<!tpu.dma_semaphore, #tpu.memory_space<semaphore_mem>>
      %dma_start3A_146 = arith.constant 0 : i32
      %dma_start3A_147 = arith.constant 0 : i32
      %dma_start3A_148 = tpu.memref_slice %arg14[%dma_start3A_146, %dma_start3A_147] : memref<112x128xf32, #tpu.memory_space<vmem>> -> memref<80x128xf32, #tpu.memory_space<vmem>>
      %dma_start3A_149 = arith.constant 0 : i32
      %dma_start3A_150 = tpu.memref_slice %arg7[%add3A_119, %dma_start3A_149] : memref<10240x128xf32, #tpu.memory_space<vmem_shared>> -> memref<80x128xf32, #tpu.memory_space<vmem_shared>>
      %dma_start3A_151 = arith.constant 0 : i32
      %dma_start3A_152 = arith.constant 0 : i32
      %dma_start3A_153 = tpu.memref_slice %arg14[%dma_start3A_151, %dma_start3A_152] : memref<112x128xf32, #tpu.memory_space<vmem>> -> memref<80x128xf32, #tpu.memory_space<vmem>>
      %dma_start3A_154 = arith.constant 0 : i32
      %dma_start3A_155 = tpu.memref_slice %arg7[%add3A_119, %dma_start3A_154] : memref<10240x128xf32, #tpu.memory_space<vmem_shared>> -> memref<80x128xf32, #tpu.memory_space<vmem_shared>>
      tpu.enqueue_dma source(%dma_start3A_155 : memref<80x128xf32, #tpu.memory_space<vmem_shared>>) target(%dma_start3A_153 : memref<80x128xf32, #tpu.memory_space<vmem>>) target_semaphore(%run_scoped3A : memref<!tpu.dma_semaphore, #tpu.memory_space<semaphore_mem>>)
      %dma_wait3A_156 = arith.constant 0 : i32
      %dma_wait3A_157 = arith.constant 0 : i32
      %dma_wait3A_158 = tpu.memref_slice %arg14[%dma_wait3A_156, %dma_wait3A_157] : memref<112x128xf32, #tpu.memory_space<vmem>> -> memref<80x128xf32, #tpu.memory_space<vmem>>
      %dma_wait3A_159 = arith.constant 0 : i32
      %dma_wait3A_160 = tpu.memref_slice %arg7[%add3A_119, %dma_wait3A_159] : memref<10240x128xf32, #tpu.memory_space<vmem_shared>> -> memref<80x128xf32, #tpu.memory_space<vmem_shared>>
      %dma_wait3A_161 = arith.constant 0 : i32
      %dma_wait3A_162 = arith.constant 0 : i32
      %dma_wait3A_163 = tpu.memref_slice %arg14[%dma_wait3A_161, %dma_wait3A_162] : memref<112x128xf32, #tpu.memory_space<vmem>> -> memref<80x128xf32, #tpu.memory_space<vmem>>
      %dma_wait3A_164 = arith.constant 0 : i32
      %dma_wait3A_165 = tpu.memref_slice %arg7[%add3A_119, %dma_wait3A_164] : memref<10240x128xf32, #tpu.memory_space<vmem_shared>> -> memref<80x128xf32, #tpu.memory_space<vmem_shared>>
      tpu.wait_dma2 semaphore(%run_scoped3A : memref<!tpu.dma_semaphore, #tpu.memory_space<semaphore_mem>>) src(%dma_wait3A_165 : memref<80x128xf32, #tpu.memory_space<vmem_shared>>) dst(%dma_wait3A_163 : memref<80x128xf32, #tpu.memory_space<vmem>>)
      tpu.yield
    }) : () -> ()
    %add3A_120 = arith.constant 80 : i32
    %add3A_121 = arith.addi %add3A_113, %add3A_120 : i32
    "tpu.region"() ({
      %run_scoped3A = tpu.sem_alloc : memref<!tpu.dma_semaphore, #tpu.memory_space<semaphore_mem>>
      %dma_start3A_146 = arith.constant 0 : i32
      %dma_start3A_147 = arith.constant 0 : i32
      %dma_start3A_148 = tpu.memref_slice %arg14[%dma_start3A_146, %dma_start3A_147] : memref<112x128xf32, #tpu.memory_space<vmem>> -> memref<80x128xf32, #tpu.memory_space<vmem>>
      %dma_start3A_149 = arith.constant 0 : i32
      %dma_start3A_150 = tpu.memref_slice %arg5[%add3A_121, %dma_start3A_149] : memref<20480x128xf32, #tpu.memory_space<hbm>> -> memref<80x128xf32, #tpu.memory_space<hbm>>
      %dma_start3A_151 = arith.constant 0 : i32
      %dma_start3A_152 = tpu.memref_slice %arg5[%add3A_121, %dma_start3A_151] : memref<20480x128xf32, #tpu.memory_space<hbm>> -> memref<80x128xf32, #tpu.memory_space<hbm>>
      %dma_start3A_153 = arith.constant 0 : i32
      %dma_start3A_154 = arith.constant 0 : i32
      %dma_start3A_155 = tpu.memref_slice %arg14[%dma_start3A_153, %dma_start3A_154] : memref<112x128xf32, #tpu.memory_space<vmem>> -> memref<80x128xf32, #tpu.memory_space<vmem>>
      tpu.enqueue_dma source(%dma_start3A_155 : memref<80x128xf32, #tpu.memory_space<vmem>>) target(%dma_start3A_152 : memref<80x128xf32, #tpu.memory_space<hbm>>) target_semaphore(%run_scoped3A : memref<!tpu.dma_semaphore, #tpu.memory_space<semaphore_mem>>)
      %dma_wait3A_156 = arith.constant 0 : i32
      %dma_wait3A_157 = arith.constant 0 : i32
      %dma_wait3A_158 = tpu.memref_slice %arg14[%dma_wait3A_156, %dma_wait3A_157] : memref<112x128xf32, #tpu.memory_space<vmem>> -> memref<80x128xf32, #tpu.memory_space<vmem>>
      %dma_wait3A_159 = arith.constant 0 : i32
      %dma_wait3A_160 = tpu.memref_slice %arg5[%add3A_121, %dma_wait3A_159] : memref<20480x128xf32, #tpu.memory_space<hbm>> -> memref<80x128xf32, #tpu.memory_space<hbm>>
      %dma_wait3A_161 = arith.constant 0 : i32
      %dma_wait3A_162 = tpu.memref_slice %arg5[%add3A_121, %dma_wait3A_161] : memref<20480x128xf32, #tpu.memory_space<hbm>> -> memref<80x128xf32, #tpu.memory_space<hbm>>
      %dma_wait3A_163 = arith.constant 0 : i32
      %dma_wait3A_164 = arith.constant 0 : i32
      %dma_wait3A_165 = tpu.memref_slice %arg14[%dma_wait3A_163, %dma_wait3A_164] : memref<112x128xf32, #tpu.memory_space<vmem>> -> memref<80x128xf32, #tpu.memory_space<vmem>>
      tpu.wait_dma2 semaphore(%run_scoped3A : memref<!tpu.dma_semaphore, #tpu.memory_space<semaphore_mem>>) src(%dma_wait3A_165 : memref<80x128xf32, #tpu.memory_space<vmem>>) dst(%dma_wait3A_162 : memref<80x128xf32, #tpu.memory_space<hbm>>)
      tpu.yield
    }) : () -> ()
    %add3A_122 = arith.constant 160 : i32
    %add3A_123 = arith.addi %mul3A_0, %add3A_122 : i32
    "tpu.region"() ({
      %run_scoped3A = tpu.sem_alloc : memref<!tpu.dma_semaphore, #tpu.memory_space<semaphore_mem>>
      %dma_start3A_146 = arith.constant 0 : i32
      %dma_start3A_147 = arith.constant 0 : i32
      %dma_start3A_148 = tpu.memref_slice %arg14[%dma_start3A_146, %dma_start3A_147] : memref<112x128xf32, #tpu.memory_space<vmem>> -> memref<80x128xf32, #tpu.memory_space<vmem>>
      %dma_start3A_149 = arith.constant 0 : i32
      %dma_start3A_150 = tpu.memref_slice %arg7[%add3A_123, %dma_start3A_149] : memref<10240x128xf32, #tpu.memory_space<vmem_shared>> -> memref<80x128xf32, #tpu.memory_space<vmem_shared>>
      %dma_start3A_151 = arith.constant 0 : i32
      %dma_start3A_152 = arith.constant 0 : i32
      %dma_start3A_153 = tpu.memref_slice %arg14[%dma_start3A_151, %dma_start3A_152] : memref<112x128xf32, #tpu.memory_space<vmem>> -> memref<80x128xf32, #tpu.memory_space<vmem>>
      %dma_start3A_154 = arith.constant 0 : i32
      %dma_start3A_155 = tpu.memref_slice %arg7[%add3A_123, %dma_start3A_154] : memref<10240x128xf32, #tpu.memory_space<vmem_shared>> -> memref<80x128xf32, #tpu.memory_space<vmem_shared>>
      tpu.enqueue_dma source(%dma_start3A_155 : memref<80x128xf32, #tpu.memory_space<vmem_shared>>) target(%dma_start3A_153 : memref<80x128xf32, #tpu.memory_space<vmem>>) target_semaphore(%run_scoped3A : memref<!tpu.dma_semaphore, #tpu.memory_space<semaphore_mem>>)
      %dma_wait3A_156 = arith.constant 0 : i32
      %dma_wait3A_157 = arith.constant 0 : i32
      %dma_wait3A_158 = tpu.memref_slice %arg14[%dma_wait3A_156, %dma_wait3A_157] : memref<112x128xf32, #tpu.memory_space<vmem>> -> memref<80x128xf32, #tpu.memory_space<vmem>>
      %dma_wait3A_159 = arith.constant 0 : i32
      %dma_wait3A_160 = tpu.memref_slice %arg7[%add3A_123, %dma_wait3A_159] : memref<10240x128xf32, #tpu.memory_space<vmem_shared>> -> memref<80x128xf32, #tpu.memory_space<vmem_shared>>
      %dma_wait3A_161 = arith.constant 0 : i32
      %dma_wait3A_162 = arith.constant 0 : i32
      %dma_wait3A_163 = tpu.memref_slice %arg14[%dma_wait3A_161, %dma_wait3A_162] : memref<112x128xf32, #tpu.memory_space<vmem>> -> memref<80x128xf32, #tpu.memory_space<vmem>>
      %dma_wait3A_164 = arith.constant 0 : i32
      %dma_wait3A_165 = tpu.memref_slice %arg7[%add3A_123, %dma_wait3A_164] : memref<10240x128xf32, #tpu.memory_space<vmem_shared>> -> memref<80x128xf32, #tpu.memory_space<vmem_shared>>
      tpu.wait_dma2 semaphore(%run_scoped3A : memref<!tpu.dma_semaphore, #tpu.memory_space<semaphore_mem>>) src(%dma_wait3A_165 : memref<80x128xf32, #tpu.memory_space<vmem_shared>>) dst(%dma_wait3A_163 : memref<80x128xf32, #tpu.memory_space<vmem>>)
      tpu.yield
    }) : () -> ()
    %add3A_124 = arith.constant 160 : i32
    %add3A_125 = arith.addi %add3A_113, %add3A_124 : i32
    "tpu.region"() ({
      %run_scoped3A = tpu.sem_alloc : memref<!tpu.dma_semaphore, #tpu.memory_space<semaphore_mem>>
      %dma_start3A_146 = arith.constant 0 : i32
      %dma_start3A_147 = arith.constant 0 : i32
      %dma_start3A_148 = tpu.memref_slice %arg14[%dma_start3A_146, %dma_start3A_147] : memref<112x128xf32, #tpu.memory_space<vmem>> -> memref<80x128xf32, #tpu.memory_space<vmem>>
      %dma_start3A_149 = arith.constant 0 : i32
      %dma_start3A_150 = tpu.memref_slice %arg5[%add3A_125, %dma_start3A_149] : memref<20480x128xf32, #tpu.memory_space<hbm>> -> memref<80x128xf32, #tpu.memory_space<hbm>>
      %dma_start3A_151 = arith.constant 0 : i32
      %dma_start3A_152 = tpu.memref_slice %arg5[%add3A_125, %dma_start3A_151] : memref<20480x128xf32, #tpu.memory_space<hbm>> -> memref<80x128xf32, #tpu.memory_space<hbm>>
      %dma_start3A_153 = arith.constant 0 : i32
      %dma_start3A_154 = arith.constant 0 : i32
      %dma_start3A_155 = tpu.memref_slice %arg14[%dma_start3A_153, %dma_start3A_154] : memref<112x128xf32, #tpu.memory_space<vmem>> -> memref<80x128xf32, #tpu.memory_space<vmem>>
      tpu.enqueue_dma source(%dma_start3A_155 : memref<80x128xf32, #tpu.memory_space<vmem>>) target(%dma_start3A_152 : memref<80x128xf32, #tpu.memory_space<hbm>>) target_semaphore(%run_scoped3A : memref<!tpu.dma_semaphore, #tpu.memory_space<semaphore_mem>>)
      %dma_wait3A_156 = arith.constant 0 : i32
      %dma_wait3A_157 = arith.constant 0 : i32
      %dma_wait3A_158 = tpu.memref_slice %arg14[%dma_wait3A_156, %dma_wait3A_157] : memref<112x128xf32, #tpu.memory_space<vmem>> -> memref<80x128xf32, #tpu.memory_space<vmem>>
      %dma_wait3A_159 = arith.constant 0 : i32
      %dma_wait3A_160 = tpu.memref_slice %arg5[%add3A_125, %dma_wait3A_159] : memref<20480x128xf32, #tpu.memory_space<hbm>> -> memref<80x128xf32, #tpu.memory_space<hbm>>
      %dma_wait3A_161 = arith.constant 0 : i32
      %dma_wait3A_162 = tpu.memref_slice %arg5[%add3A_125, %dma_wait3A_161] : memref<20480x128xf32, #tpu.memory_space<hbm>> -> memref<80x128xf32, #tpu.memory_space<hbm>>
      %dma_wait3A_163 = arith.constant 0 : i32
      %dma_wait3A_164 = arith.constant 0 : i32
      %dma_wait3A_165 = tpu.memref_slice %arg14[%dma_wait3A_163, %dma_wait3A_164] : memref<112x128xf32, #tpu.memory_space<vmem>> -> memref<80x128xf32, #tpu.memory_space<vmem>>
      tpu.wait_dma2 semaphore(%run_scoped3A : memref<!tpu.dma_semaphore, #tpu.memory_space<semaphore_mem>>) src(%dma_wait3A_165 : memref<80x128xf32, #tpu.memory_space<vmem>>) dst(%dma_wait3A_162 : memref<80x128xf32, #tpu.memory_space<hbm>>)
      tpu.yield
    }) : () -> ()
    %add3A_126 = arith.constant 240 : i32
    %add3A_127 = arith.addi %mul3A_0, %add3A_126 : i32
    "tpu.region"() ({
      %run_scoped3A = tpu.sem_alloc : memref<!tpu.dma_semaphore, #tpu.memory_space<semaphore_mem>>
      %dma_start3A_146 = arith.constant 0 : i32
      %dma_start3A_147 = arith.constant 0 : i32
      %dma_start3A_148 = tpu.memref_slice %arg14[%dma_start3A_146, %dma_start3A_147] : memref<112x128xf32, #tpu.memory_space<vmem>> -> memref<80x128xf32, #tpu.memory_space<vmem>>
      %dma_start3A_149 = arith.constant 0 : i32
      %dma_start3A_150 = tpu.memref_slice %arg7[%add3A_127, %dma_start3A_149] : memref<10240x128xf32, #tpu.memory_space<vmem_shared>> -> memref<80x128xf32, #tpu.memory_space<vmem_shared>>
      %dma_start3A_151 = arith.constant 0 : i32
      %dma_start3A_152 = arith.constant 0 : i32
      %dma_start3A_153 = tpu.memref_slice %arg14[%dma_start3A_151, %dma_start3A_152] : memref<112x128xf32, #tpu.memory_space<vmem>> -> memref<80x128xf32, #tpu.memory_space<vmem>>
      %dma_start3A_154 = arith.constant 0 : i32
      %dma_start3A_155 = tpu.memref_slice %arg7[%add3A_127, %dma_start3A_154] : memref<10240x128xf32, #tpu.memory_space<vmem_shared>> -> memref<80x128xf32, #tpu.memory_space<vmem_shared>>
      tpu.enqueue_dma source(%dma_start3A_155 : memref<80x128xf32, #tpu.memory_space<vmem_shared>>) target(%dma_start3A_153 : memref<80x128xf32, #tpu.memory_space<vmem>>) target_semaphore(%run_scoped3A : memref<!tpu.dma_semaphore, #tpu.memory_space<semaphore_mem>>)
      %dma_wait3A_156 = arith.constant 0 : i32
      %dma_wait3A_157 = arith.constant 0 : i32
      %dma_wait3A_158 = tpu.memref_slice %arg14[%dma_wait3A_156, %dma_wait3A_157] : memref<112x128xf32, #tpu.memory_space<vmem>> -> memref<80x128xf32, #tpu.memory_space<vmem>>
      %dma_wait3A_159 = arith.constant 0 : i32
      %dma_wait3A_160 = tpu.memref_slice %arg7[%add3A_127, %dma_wait3A_159] : memref<10240x128xf32, #tpu.memory_space<vmem_shared>> -> memref<80x128xf32, #tpu.memory_space<vmem_shared>>
      %dma_wait3A_161 = arith.constant 0 : i32
      %dma_wait3A_162 = arith.constant 0 : i32
      %dma_wait3A_163 = tpu.memref_slice %arg14[%dma_wait3A_161, %dma_wait3A_162] : memref<112x128xf32, #tpu.memory_space<vmem>> -> memref<80x128xf32, #tpu.memory_space<vmem>>
      %dma_wait3A_164 = arith.constant 0 : i32
      %dma_wait3A_165 = tpu.memref_slice %arg7[%add3A_127, %dma_wait3A_164] : memref<10240x128xf32, #tpu.memory_space<vmem_shared>> -> memref<80x128xf32, #tpu.memory_space<vmem_shared>>
      tpu.wait_dma2 semaphore(%run_scoped3A : memref<!tpu.dma_semaphore, #tpu.memory_space<semaphore_mem>>) src(%dma_wait3A_165 : memref<80x128xf32, #tpu.memory_space<vmem_shared>>) dst(%dma_wait3A_163 : memref<80x128xf32, #tpu.memory_space<vmem>>)
      tpu.yield
    }) : () -> ()
    %add3A_128 = arith.constant 240 : i32
    %add3A_129 = arith.addi %add3A_113, %add3A_128 : i32
    "tpu.region"() ({
      %run_scoped3A = tpu.sem_alloc : memref<!tpu.dma_semaphore, #tpu.memory_space<semaphore_mem>>
      %dma_start3A_146 = arith.constant 0 : i32
      %dma_start3A_147 = arith.constant 0 : i32
      %dma_start3A_148 = tpu.memref_slice %arg14[%dma_start3A_146, %dma_start3A_147] : memref<112x128xf32, #tpu.memory_space<vmem>> -> memref<80x128xf32, #tpu.memory_space<vmem>>
      %dma_start3A_149 = arith.constant 0 : i32
      %dma_start3A_150 = tpu.memref_slice %arg5[%add3A_129, %dma_start3A_149] : memref<20480x128xf32, #tpu.memory_space<hbm>> -> memref<80x128xf32, #tpu.memory_space<hbm>>
      %dma_start3A_151 = arith.constant 0 : i32
      %dma_start3A_152 = tpu.memref_slice %arg5[%add3A_129, %dma_start3A_151] : memref<20480x128xf32, #tpu.memory_space<hbm>> -> memref<80x128xf32, #tpu.memory_space<hbm>>
      %dma_start3A_153 = arith.constant 0 : i32
      %dma_start3A_154 = arith.constant 0 : i32
      %dma_start3A_155 = tpu.memref_slice %arg14[%dma_start3A_153, %dma_start3A_154] : memref<112x128xf32, #tpu.memory_space<vmem>> -> memref<80x128xf32, #tpu.memory_space<vmem>>
      tpu.enqueue_dma source(%dma_start3A_155 : memref<80x128xf32, #tpu.memory_space<vmem>>) target(%dma_start3A_152 : memref<80x128xf32, #tpu.memory_space<hbm>>) target_semaphore(%run_scoped3A : memref<!tpu.dma_semaphore, #tpu.memory_space<semaphore_mem>>)
      %dma_wait3A_156 = arith.constant 0 : i32
      %dma_wait3A_157 = arith.constant 0 : i32
      %dma_wait3A_158 = tpu.memref_slice %arg14[%dma_wait3A_156, %dma_wait3A_157] : memref<112x128xf32, #tpu.memory_space<vmem>> -> memref<80x128xf32, #tpu.memory_space<vmem>>
      %dma_wait3A_159 = arith.constant 0 : i32
      %dma_wait3A_160 = tpu.memref_slice %arg5[%add3A_129, %dma_wait3A_159] : memref<20480x128xf32, #tpu.memory_space<hbm>> -> memref<80x128xf32, #tpu.memory_space<hbm>>
      %dma_wait3A_161 = arith.constant 0 : i32
      %dma_wait3A_162 = tpu.memref_slice %arg5[%add3A_129, %dma_wait3A_161] : memref<20480x128xf32, #tpu.memory_space<hbm>> -> memref<80x128xf32, #tpu.memory_space<hbm>>
      %dma_wait3A_163 = arith.constant 0 : i32
      %dma_wait3A_164 = arith.constant 0 : i32
      %dma_wait3A_165 = tpu.memref_slice %arg14[%dma_wait3A_163, %dma_wait3A_164] : memref<112x128xf32, #tpu.memory_space<vmem>> -> memref<80x128xf32, #tpu.memory_space<vmem>>
      tpu.wait_dma2 semaphore(%run_scoped3A : memref<!tpu.dma_semaphore, #tpu.memory_space<semaphore_mem>>) src(%dma_wait3A_165 : memref<80x128xf32, #tpu.memory_space<vmem>>) dst(%dma_wait3A_162 : memref<80x128xf32, #tpu.memory_space<hbm>>)
      tpu.yield
    }) : () -> ()
    %add3A_130 = arith.constant 320 : i32
    %add3A_131 = arith.addi %mul3A_0, %add3A_130 : i32
    "tpu.region"() ({
      %run_scoped3A = tpu.sem_alloc : memref<!tpu.dma_semaphore, #tpu.memory_space<semaphore_mem>>
      %dma_start3A_146 = arith.constant 0 : i32
      %dma_start3A_147 = arith.constant 0 : i32
      %dma_start3A_148 = tpu.memref_slice %arg14[%dma_start3A_146, %dma_start3A_147] : memref<112x128xf32, #tpu.memory_space<vmem>> -> memref<80x128xf32, #tpu.memory_space<vmem>>
      %dma_start3A_149 = arith.constant 0 : i32
      %dma_start3A_150 = tpu.memref_slice %arg7[%add3A_131, %dma_start3A_149] : memref<10240x128xf32, #tpu.memory_space<vmem_shared>> -> memref<80x128xf32, #tpu.memory_space<vmem_shared>>
      %dma_start3A_151 = arith.constant 0 : i32
      %dma_start3A_152 = arith.constant 0 : i32
      %dma_start3A_153 = tpu.memref_slice %arg14[%dma_start3A_151, %dma_start3A_152] : memref<112x128xf32, #tpu.memory_space<vmem>> -> memref<80x128xf32, #tpu.memory_space<vmem>>
      %dma_start3A_154 = arith.constant 0 : i32
      %dma_start3A_155 = tpu.memref_slice %arg7[%add3A_131, %dma_start3A_154] : memref<10240x128xf32, #tpu.memory_space<vmem_shared>> -> memref<80x128xf32, #tpu.memory_space<vmem_shared>>
      tpu.enqueue_dma source(%dma_start3A_155 : memref<80x128xf32, #tpu.memory_space<vmem_shared>>) target(%dma_start3A_153 : memref<80x128xf32, #tpu.memory_space<vmem>>) target_semaphore(%run_scoped3A : memref<!tpu.dma_semaphore, #tpu.memory_space<semaphore_mem>>)
      %dma_wait3A_156 = arith.constant 0 : i32
      %dma_wait3A_157 = arith.constant 0 : i32
      %dma_wait3A_158 = tpu.memref_slice %arg14[%dma_wait3A_156, %dma_wait3A_157] : memref<112x128xf32, #tpu.memory_space<vmem>> -> memref<80x128xf32, #tpu.memory_space<vmem>>
      %dma_wait3A_159 = arith.constant 0 : i32
      %dma_wait3A_160 = tpu.memref_slice %arg7[%add3A_131, %dma_wait3A_159] : memref<10240x128xf32, #tpu.memory_space<vmem_shared>> -> memref<80x128xf32, #tpu.memory_space<vmem_shared>>
      %dma_wait3A_161 = arith.constant 0 : i32
      %dma_wait3A_162 = arith.constant 0 : i32
      %dma_wait3A_163 = tpu.memref_slice %arg14[%dma_wait3A_161, %dma_wait3A_162] : memref<112x128xf32, #tpu.memory_space<vmem>> -> memref<80x128xf32, #tpu.memory_space<vmem>>
      %dma_wait3A_164 = arith.constant 0 : i32
      %dma_wait3A_165 = tpu.memref_slice %arg7[%add3A_131, %dma_wait3A_164] : memref<10240x128xf32, #tpu.memory_space<vmem_shared>> -> memref<80x128xf32, #tpu.memory_space<vmem_shared>>
      tpu.wait_dma2 semaphore(%run_scoped3A : memref<!tpu.dma_semaphore, #tpu.memory_space<semaphore_mem>>) src(%dma_wait3A_165 : memref<80x128xf32, #tpu.memory_space<vmem_shared>>) dst(%dma_wait3A_163 : memref<80x128xf32, #tpu.memory_space<vmem>>)
      tpu.yield
    }) : () -> ()
    %add3A_132 = arith.constant 320 : i32
    %add3A_133 = arith.addi %add3A_113, %add3A_132 : i32
    "tpu.region"() ({
      %run_scoped3A = tpu.sem_alloc : memref<!tpu.dma_semaphore, #tpu.memory_space<semaphore_mem>>
      %dma_start3A_146 = arith.constant 0 : i32
      %dma_start3A_147 = arith.constant 0 : i32
      %dma_start3A_148 = tpu.memref_slice %arg14[%dma_start3A_146, %dma_start3A_147] : memref<112x128xf32, #tpu.memory_space<vmem>> -> memref<80x128xf32, #tpu.memory_space<vmem>>
      %dma_start3A_149 = arith.constant 0 : i32
      %dma_start3A_150 = tpu.memref_slice %arg5[%add3A_133, %dma_start3A_149] : memref<20480x128xf32, #tpu.memory_space<hbm>> -> memref<80x128xf32, #tpu.memory_space<hbm>>
      %dma_start3A_151 = arith.constant 0 : i32
      %dma_start3A_152 = tpu.memref_slice %arg5[%add3A_133, %dma_start3A_151] : memref<20480x128xf32, #tpu.memory_space<hbm>> -> memref<80x128xf32, #tpu.memory_space<hbm>>
      %dma_start3A_153 = arith.constant 0 : i32
      %dma_start3A_154 = arith.constant 0 : i32
      %dma_start3A_155 = tpu.memref_slice %arg14[%dma_start3A_153, %dma_start3A_154] : memref<112x128xf32, #tpu.memory_space<vmem>> -> memref<80x128xf32, #tpu.memory_space<vmem>>
      tpu.enqueue_dma source(%dma_start3A_155 : memref<80x128xf32, #tpu.memory_space<vmem>>) target(%dma_start3A_152 : memref<80x128xf32, #tpu.memory_space<hbm>>) target_semaphore(%run_scoped3A : memref<!tpu.dma_semaphore, #tpu.memory_space<semaphore_mem>>)
      %dma_wait3A_156 = arith.constant 0 : i32
      %dma_wait3A_157 = arith.constant 0 : i32
      %dma_wait3A_158 = tpu.memref_slice %arg14[%dma_wait3A_156, %dma_wait3A_157] : memref<112x128xf32, #tpu.memory_space<vmem>> -> memref<80x128xf32, #tpu.memory_space<vmem>>
      %dma_wait3A_159 = arith.constant 0 : i32
      %dma_wait3A_160 = tpu.memref_slice %arg5[%add3A_133, %dma_wait3A_159] : memref<20480x128xf32, #tpu.memory_space<hbm>> -> memref<80x128xf32, #tpu.memory_space<hbm>>
      %dma_wait3A_161 = arith.constant 0 : i32
      %dma_wait3A_162 = tpu.memref_slice %arg5[%add3A_133, %dma_wait3A_161] : memref<20480x128xf32, #tpu.memory_space<hbm>> -> memref<80x128xf32, #tpu.memory_space<hbm>>
      %dma_wait3A_163 = arith.constant 0 : i32
      %dma_wait3A_164 = arith.constant 0 : i32
      %dma_wait3A_165 = tpu.memref_slice %arg14[%dma_wait3A_163, %dma_wait3A_164] : memref<112x128xf32, #tpu.memory_space<vmem>> -> memref<80x128xf32, #tpu.memory_space<vmem>>
      tpu.wait_dma2 semaphore(%run_scoped3A : memref<!tpu.dma_semaphore, #tpu.memory_space<semaphore_mem>>) src(%dma_wait3A_165 : memref<80x128xf32, #tpu.memory_space<vmem>>) dst(%dma_wait3A_162 : memref<80x128xf32, #tpu.memory_space<hbm>>)
      tpu.yield
    }) : () -> ()
    %add3A_134 = arith.constant 400 : i32
    %add3A_135 = arith.addi %mul3A_0, %add3A_134 : i32
    "tpu.region"() ({
      %run_scoped3A = tpu.sem_alloc : memref<!tpu.dma_semaphore, #tpu.memory_space<semaphore_mem>>
      %dma_start3A_146 = arith.constant 0 : i32
      %dma_start3A_147 = arith.constant 0 : i32
      %dma_start3A_148 = tpu.memref_slice %arg14[%dma_start3A_146, %dma_start3A_147] : memref<112x128xf32, #tpu.memory_space<vmem>> -> memref<80x128xf32, #tpu.memory_space<vmem>>
      %dma_start3A_149 = arith.constant 0 : i32
      %dma_start3A_150 = tpu.memref_slice %arg7[%add3A_135, %dma_start3A_149] : memref<10240x128xf32, #tpu.memory_space<vmem_shared>> -> memref<80x128xf32, #tpu.memory_space<vmem_shared>>
      %dma_start3A_151 = arith.constant 0 : i32
      %dma_start3A_152 = arith.constant 0 : i32
      %dma_start3A_153 = tpu.memref_slice %arg14[%dma_start3A_151, %dma_start3A_152] : memref<112x128xf32, #tpu.memory_space<vmem>> -> memref<80x128xf32, #tpu.memory_space<vmem>>
      %dma_start3A_154 = arith.constant 0 : i32
      %dma_start3A_155 = tpu.memref_slice %arg7[%add3A_135, %dma_start3A_154] : memref<10240x128xf32, #tpu.memory_space<vmem_shared>> -> memref<80x128xf32, #tpu.memory_space<vmem_shared>>
      tpu.enqueue_dma source(%dma_start3A_155 : memref<80x128xf32, #tpu.memory_space<vmem_shared>>) target(%dma_start3A_153 : memref<80x128xf32, #tpu.memory_space<vmem>>) target_semaphore(%run_scoped3A : memref<!tpu.dma_semaphore, #tpu.memory_space<semaphore_mem>>)
      %dma_wait3A_156 = arith.constant 0 : i32
      %dma_wait3A_157 = arith.constant 0 : i32
      %dma_wait3A_158 = tpu.memref_slice %arg14[%dma_wait3A_156, %dma_wait3A_157] : memref<112x128xf32, #tpu.memory_space<vmem>> -> memref<80x128xf32, #tpu.memory_space<vmem>>
      %dma_wait3A_159 = arith.constant 0 : i32
      %dma_wait3A_160 = tpu.memref_slice %arg7[%add3A_135, %dma_wait3A_159] : memref<10240x128xf32, #tpu.memory_space<vmem_shared>> -> memref<80x128xf32, #tpu.memory_space<vmem_shared>>
      %dma_wait3A_161 = arith.constant 0 : i32
      %dma_wait3A_162 = arith.constant 0 : i32
      %dma_wait3A_163 = tpu.memref_slice %arg14[%dma_wait3A_161, %dma_wait3A_162] : memref<112x128xf32, #tpu.memory_space<vmem>> -> memref<80x128xf32, #tpu.memory_space<vmem>>
      %dma_wait3A_164 = arith.constant 0 : i32
      %dma_wait3A_165 = tpu.memref_slice %arg7[%add3A_135, %dma_wait3A_164] : memref<10240x128xf32, #tpu.memory_space<vmem_shared>> -> memref<80x128xf32, #tpu.memory_space<vmem_shared>>
      tpu.wait_dma2 semaphore(%run_scoped3A : memref<!tpu.dma_semaphore, #tpu.memory_space<semaphore_mem>>) src(%dma_wait3A_165 : memref<80x128xf32, #tpu.memory_space<vmem_shared>>) dst(%dma_wait3A_163 : memref<80x128xf32, #tpu.memory_space<vmem>>)
      tpu.yield
    }) : () -> ()
    %add3A_136 = arith.constant 400 : i32
    %add3A_137 = arith.addi %add3A_113, %add3A_136 : i32
    "tpu.region"() ({
      %run_scoped3A = tpu.sem_alloc : memref<!tpu.dma_semaphore, #tpu.memory_space<semaphore_mem>>
      %dma_start3A_146 = arith.constant 0 : i32
      %dma_start3A_147 = arith.constant 0 : i32
      %dma_start3A_148 = tpu.memref_slice %arg14[%dma_start3A_146, %dma_start3A_147] : memref<112x128xf32, #tpu.memory_space<vmem>> -> memref<80x128xf32, #tpu.memory_space<vmem>>
      %dma_start3A_149 = arith.constant 0 : i32
      %dma_start3A_150 = tpu.memref_slice %arg5[%add3A_137, %dma_start3A_149] : memref<20480x128xf32, #tpu.memory_space<hbm>> -> memref<80x128xf32, #tpu.memory_space<hbm>>
      %dma_start3A_151 = arith.constant 0 : i32
      %dma_start3A_152 = tpu.memref_slice %arg5[%add3A_137, %dma_start3A_151] : memref<20480x128xf32, #tpu.memory_space<hbm>> -> memref<80x128xf32, #tpu.memory_space<hbm>>
      %dma_start3A_153 = arith.constant 0 : i32
      %dma_start3A_154 = arith.constant 0 : i32
      %dma_start3A_155 = tpu.memref_slice %arg14[%dma_start3A_153, %dma_start3A_154] : memref<112x128xf32, #tpu.memory_space<vmem>> -> memref<80x128xf32, #tpu.memory_space<vmem>>
      tpu.enqueue_dma source(%dma_start3A_155 : memref<80x128xf32, #tpu.memory_space<vmem>>) target(%dma_start3A_152 : memref<80x128xf32, #tpu.memory_space<hbm>>) target_semaphore(%run_scoped3A : memref<!tpu.dma_semaphore, #tpu.memory_space<semaphore_mem>>)
      %dma_wait3A_156 = arith.constant 0 : i32
      %dma_wait3A_157 = arith.constant 0 : i32
      %dma_wait3A_158 = tpu.memref_slice %arg14[%dma_wait3A_156, %dma_wait3A_157] : memref<112x128xf32, #tpu.memory_space<vmem>> -> memref<80x128xf32, #tpu.memory_space<vmem>>
      %dma_wait3A_159 = arith.constant 0 : i32
      %dma_wait3A_160 = tpu.memref_slice %arg5[%add3A_137, %dma_wait3A_159] : memref<20480x128xf32, #tpu.memory_space<hbm>> -> memref<80x128xf32, #tpu.memory_space<hbm>>
      %dma_wait3A_161 = arith.constant 0 : i32
      %dma_wait3A_162 = tpu.memref_slice %arg5[%add3A_137, %dma_wait3A_161] : memref<20480x128xf32, #tpu.memory_space<hbm>> -> memref<80x128xf32, #tpu.memory_space<hbm>>
      %dma_wait3A_163 = arith.constant 0 : i32
      %dma_wait3A_164 = arith.constant 0 : i32
      %dma_wait3A_165 = tpu.memref_slice %arg14[%dma_wait3A_163, %dma_wait3A_164] : memref<112x128xf32, #tpu.memory_space<vmem>> -> memref<80x128xf32, #tpu.memory_space<vmem>>
      tpu.wait_dma2 semaphore(%run_scoped3A : memref<!tpu.dma_semaphore, #tpu.memory_space<semaphore_mem>>) src(%dma_wait3A_165 : memref<80x128xf32, #tpu.memory_space<vmem>>) dst(%dma_wait3A_162 : memref<80x128xf32, #tpu.memory_space<hbm>>)
      tpu.yield
    }) : () -> ()
    %add3A_138 = arith.constant 480 : i32
    %add3A_139 = arith.addi %mul3A_0, %add3A_138 : i32
    "tpu.region"() ({
      %run_scoped3A = tpu.sem_alloc : memref<!tpu.dma_semaphore, #tpu.memory_space<semaphore_mem>>
      %dma_start3A_146 = arith.constant 0 : i32
      %dma_start3A_147 = arith.constant 0 : i32
      %dma_start3A_148 = tpu.memref_slice %arg14[%dma_start3A_146, %dma_start3A_147] : memref<112x128xf32, #tpu.memory_space<vmem>> -> memref<80x128xf32, #tpu.memory_space<vmem>>
      %dma_start3A_149 = arith.constant 0 : i32
      %dma_start3A_150 = tpu.memref_slice %arg7[%add3A_139, %dma_start3A_149] : memref<10240x128xf32, #tpu.memory_space<vmem_shared>> -> memref<80x128xf32, #tpu.memory_space<vmem_shared>>
      %dma_start3A_151 = arith.constant 0 : i32
      %dma_start3A_152 = arith.constant 0 : i32
      %dma_start3A_153 = tpu.memref_slice %arg14[%dma_start3A_151, %dma_start3A_152] : memref<112x128xf32, #tpu.memory_space<vmem>> -> memref<80x128xf32, #tpu.memory_space<vmem>>
      %dma_start3A_154 = arith.constant 0 : i32
      %dma_start3A_155 = tpu.memref_slice %arg7[%add3A_139, %dma_start3A_154] : memref<10240x128xf32, #tpu.memory_space<vmem_shared>> -> memref<80x128xf32, #tpu.memory_space<vmem_shared>>
      tpu.enqueue_dma source(%dma_start3A_155 : memref<80x128xf32, #tpu.memory_space<vmem_shared>>) target(%dma_start3A_153 : memref<80x128xf32, #tpu.memory_space<vmem>>) target_semaphore(%run_scoped3A : memref<!tpu.dma_semaphore, #tpu.memory_space<semaphore_mem>>)
      %dma_wait3A_156 = arith.constant 0 : i32
      %dma_wait3A_157 = arith.constant 0 : i32
      %dma_wait3A_158 = tpu.memref_slice %arg14[%dma_wait3A_156, %dma_wait3A_157] : memref<112x128xf32, #tpu.memory_space<vmem>> -> memref<80x128xf32, #tpu.memory_space<vmem>>
      %dma_wait3A_159 = arith.constant 0 : i32
      %dma_wait3A_160 = tpu.memref_slice %arg7[%add3A_139, %dma_wait3A_159] : memref<10240x128xf32, #tpu.memory_space<vmem_shared>> -> memref<80x128xf32, #tpu.memory_space<vmem_shared>>
      %dma_wait3A_161 = arith.constant 0 : i32
      %dma_wait3A_162 = arith.constant 0 : i32
      %dma_wait3A_163 = tpu.memref_slice %arg14[%dma_wait3A_161, %dma_wait3A_162] : memref<112x128xf32, #tpu.memory_space<vmem>> -> memref<80x128xf32, #tpu.memory_space<vmem>>
      %dma_wait3A_164 = arith.constant 0 : i32
      %dma_wait3A_165 = tpu.memref_slice %arg7[%add3A_139, %dma_wait3A_164] : memref<10240x128xf32, #tpu.memory_space<vmem_shared>> -> memref<80x128xf32, #tpu.memory_space<vmem_shared>>
      tpu.wait_dma2 semaphore(%run_scoped3A : memref<!tpu.dma_semaphore, #tpu.memory_space<semaphore_mem>>) src(%dma_wait3A_165 : memref<80x128xf32, #tpu.memory_space<vmem_shared>>) dst(%dma_wait3A_163 : memref<80x128xf32, #tpu.memory_space<vmem>>)
      tpu.yield
    }) : () -> ()
    %add3A_140 = arith.constant 480 : i32
    %add3A_141 = arith.addi %add3A_113, %add3A_140 : i32
    "tpu.region"() ({
      %run_scoped3A = tpu.sem_alloc : memref<!tpu.dma_semaphore, #tpu.memory_space<semaphore_mem>>
      %dma_start3A_146 = arith.constant 0 : i32
      %dma_start3A_147 = arith.constant 0 : i32
      %dma_start3A_148 = tpu.memref_slice %arg14[%dma_start3A_146, %dma_start3A_147] : memref<112x128xf32, #tpu.memory_space<vmem>> -> memref<80x128xf32, #tpu.memory_space<vmem>>
      %dma_start3A_149 = arith.constant 0 : i32
      %dma_start3A_150 = tpu.memref_slice %arg5[%add3A_141, %dma_start3A_149] : memref<20480x128xf32, #tpu.memory_space<hbm>> -> memref<80x128xf32, #tpu.memory_space<hbm>>
      %dma_start3A_151 = arith.constant 0 : i32
      %dma_start3A_152 = tpu.memref_slice %arg5[%add3A_141, %dma_start3A_151] : memref<20480x128xf32, #tpu.memory_space<hbm>> -> memref<80x128xf32, #tpu.memory_space<hbm>>
      %dma_start3A_153 = arith.constant 0 : i32
      %dma_start3A_154 = arith.constant 0 : i32
      %dma_start3A_155 = tpu.memref_slice %arg14[%dma_start3A_153, %dma_start3A_154] : memref<112x128xf32, #tpu.memory_space<vmem>> -> memref<80x128xf32, #tpu.memory_space<vmem>>
      tpu.enqueue_dma source(%dma_start3A_155 : memref<80x128xf32, #tpu.memory_space<vmem>>) target(%dma_start3A_152 : memref<80x128xf32, #tpu.memory_space<hbm>>) target_semaphore(%run_scoped3A : memref<!tpu.dma_semaphore, #tpu.memory_space<semaphore_mem>>)
      %dma_wait3A_156 = arith.constant 0 : i32
      %dma_wait3A_157 = arith.constant 0 : i32
      %dma_wait3A_158 = tpu.memref_slice %arg14[%dma_wait3A_156, %dma_wait3A_157] : memref<112x128xf32, #tpu.memory_space<vmem>> -> memref<80x128xf32, #tpu.memory_space<vmem>>
      %dma_wait3A_159 = arith.constant 0 : i32
      %dma_wait3A_160 = tpu.memref_slice %arg5[%add3A_141, %dma_wait3A_159] : memref<20480x128xf32, #tpu.memory_space<hbm>> -> memref<80x128xf32, #tpu.memory_space<hbm>>
      %dma_wait3A_161 = arith.constant 0 : i32
      %dma_wait3A_162 = tpu.memref_slice %arg5[%add3A_141, %dma_wait3A_161] : memref<20480x128xf32, #tpu.memory_space<hbm>> -> memref<80x128xf32, #tpu.memory_space<hbm>>
      %dma_wait3A_163 = arith.constant 0 : i32
      %dma_wait3A_164 = arith.constant 0 : i32
      %dma_wait3A_165 = tpu.memref_slice %arg14[%dma_wait3A_163, %dma_wait3A_164] : memref<112x128xf32, #tpu.memory_space<vmem>> -> memref<80x128xf32, #tpu.memory_space<vmem>>
      tpu.wait_dma2 semaphore(%run_scoped3A : memref<!tpu.dma_semaphore, #tpu.memory_space<semaphore_mem>>) src(%dma_wait3A_165 : memref<80x128xf32, #tpu.memory_space<vmem>>) dst(%dma_wait3A_162 : memref<80x128xf32, #tpu.memory_space<hbm>>)
      tpu.yield
    }) : () -> ()
    %add3A_142 = arith.constant 560 : i32
    %add3A_143 = arith.addi %mul3A_0, %add3A_142 : i32
    "tpu.region"() ({
      %run_scoped3A = tpu.sem_alloc : memref<!tpu.dma_semaphore, #tpu.memory_space<semaphore_mem>>
      %dma_start3A_146 = arith.constant 0 : i32
      %dma_start3A_147 = arith.constant 0 : i32
      %dma_start3A_148 = tpu.memref_slice %arg14[%dma_start3A_146, %dma_start3A_147] : memref<112x128xf32, #tpu.memory_space<vmem>> -> memref<80x128xf32, #tpu.memory_space<vmem>>
      %dma_start3A_149 = arith.constant 0 : i32
      %dma_start3A_150 = tpu.memref_slice %arg7[%add3A_143, %dma_start3A_149] : memref<10240x128xf32, #tpu.memory_space<vmem_shared>> -> memref<80x128xf32, #tpu.memory_space<vmem_shared>>
      %dma_start3A_151 = arith.constant 0 : i32
      %dma_start3A_152 = arith.constant 0 : i32
      %dma_start3A_153 = tpu.memref_slice %arg14[%dma_start3A_151, %dma_start3A_152] : memref<112x128xf32, #tpu.memory_space<vmem>> -> memref<80x128xf32, #tpu.memory_space<vmem>>
      %dma_start3A_154 = arith.constant 0 : i32
      %dma_start3A_155 = tpu.memref_slice %arg7[%add3A_143, %dma_start3A_154] : memref<10240x128xf32, #tpu.memory_space<vmem_shared>> -> memref<80x128xf32, #tpu.memory_space<vmem_shared>>
      tpu.enqueue_dma source(%dma_start3A_155 : memref<80x128xf32, #tpu.memory_space<vmem_shared>>) target(%dma_start3A_153 : memref<80x128xf32, #tpu.memory_space<vmem>>) target_semaphore(%run_scoped3A : memref<!tpu.dma_semaphore, #tpu.memory_space<semaphore_mem>>)
      %dma_wait3A_156 = arith.constant 0 : i32
      %dma_wait3A_157 = arith.constant 0 : i32
      %dma_wait3A_158 = tpu.memref_slice %arg14[%dma_wait3A_156, %dma_wait3A_157] : memref<112x128xf32, #tpu.memory_space<vmem>> -> memref<80x128xf32, #tpu.memory_space<vmem>>
      %dma_wait3A_159 = arith.constant 0 : i32
      %dma_wait3A_160 = tpu.memref_slice %arg7[%add3A_143, %dma_wait3A_159] : memref<10240x128xf32, #tpu.memory_space<vmem_shared>> -> memref<80x128xf32, #tpu.memory_space<vmem_shared>>
      %dma_wait3A_161 = arith.constant 0 : i32
      %dma_wait3A_162 = arith.constant 0 : i32
      %dma_wait3A_163 = tpu.memref_slice %arg14[%dma_wait3A_161, %dma_wait3A_162] : memref<112x128xf32, #tpu.memory_space<vmem>> -> memref<80x128xf32, #tpu.memory_space<vmem>>
      %dma_wait3A_164 = arith.constant 0 : i32
      %dma_wait3A_165 = tpu.memref_slice %arg7[%add3A_143, %dma_wait3A_164] : memref<10240x128xf32, #tpu.memory_space<vmem_shared>> -> memref<80x128xf32, #tpu.memory_space<vmem_shared>>
      tpu.wait_dma2 semaphore(%run_scoped3A : memref<!tpu.dma_semaphore, #tpu.memory_space<semaphore_mem>>) src(%dma_wait3A_165 : memref<80x128xf32, #tpu.memory_space<vmem_shared>>) dst(%dma_wait3A_163 : memref<80x128xf32, #tpu.memory_space<vmem>>)
      tpu.yield
    }) : () -> ()
    %add3A_144 = arith.constant 560 : i32
    %add3A_145 = arith.addi %add3A_113, %add3A_144 : i32
    "tpu.region"() ({
      %run_scoped3A = tpu.sem_alloc : memref<!tpu.dma_semaphore, #tpu.memory_space<semaphore_mem>>
      %dma_start3A_146 = arith.constant 0 : i32
      %dma_start3A_147 = arith.constant 0 : i32
      %dma_start3A_148 = tpu.memref_slice %arg14[%dma_start3A_146, %dma_start3A_147] : memref<112x128xf32, #tpu.memory_space<vmem>> -> memref<80x128xf32, #tpu.memory_space<vmem>>
      %dma_start3A_149 = arith.constant 0 : i32
      %dma_start3A_150 = tpu.memref_slice %arg5[%add3A_145, %dma_start3A_149] : memref<20480x128xf32, #tpu.memory_space<hbm>> -> memref<80x128xf32, #tpu.memory_space<hbm>>
      %dma_start3A_151 = arith.constant 0 : i32
      %dma_start3A_152 = tpu.memref_slice %arg5[%add3A_145, %dma_start3A_151] : memref<20480x128xf32, #tpu.memory_space<hbm>> -> memref<80x128xf32, #tpu.memory_space<hbm>>
      %dma_start3A_153 = arith.constant 0 : i32
      %dma_start3A_154 = arith.constant 0 : i32
      %dma_start3A_155 = tpu.memref_slice %arg14[%dma_start3A_153, %dma_start3A_154] : memref<112x128xf32, #tpu.memory_space<vmem>> -> memref<80x128xf32, #tpu.memory_space<vmem>>
      tpu.enqueue_dma source(%dma_start3A_155 : memref<80x128xf32, #tpu.memory_space<vmem>>) target(%dma_start3A_152 : memref<80x128xf32, #tpu.memory_space<hbm>>) target_semaphore(%run_scoped3A : memref<!tpu.dma_semaphore, #tpu.memory_space<semaphore_mem>>)
      %dma_wait3A_156 = arith.constant 0 : i32
      %dma_wait3A_157 = arith.constant 0 : i32
      %dma_wait3A_158 = tpu.memref_slice %arg14[%dma_wait3A_156, %dma_wait3A_157] : memref<112x128xf32, #tpu.memory_space<vmem>> -> memref<80x128xf32, #tpu.memory_space<vmem>>
      %dma_wait3A_159 = arith.constant 0 : i32
      %dma_wait3A_160 = tpu.memref_slice %arg5[%add3A_145, %dma_wait3A_159] : memref<20480x128xf32, #tpu.memory_space<hbm>> -> memref<80x128xf32, #tpu.memory_space<hbm>>
      %dma_wait3A_161 = arith.constant 0 : i32
      %dma_wait3A_162 = tpu.memref_slice %arg5[%add3A_145, %dma_wait3A_161] : memref<20480x128xf32, #tpu.memory_space<hbm>> -> memref<80x128xf32, #tpu.memory_space<hbm>>
      %dma_wait3A_163 = arith.constant 0 : i32
      %dma_wait3A_164 = arith.constant 0 : i32
      %dma_wait3A_165 = tpu.memref_slice %arg14[%dma_wait3A_163, %dma_wait3A_164] : memref<112x128xf32, #tpu.memory_space<vmem>> -> memref<80x128xf32, #tpu.memory_space<vmem>>
      tpu.wait_dma2 semaphore(%run_scoped3A : memref<!tpu.dma_semaphore, #tpu.memory_space<semaphore_mem>>) src(%dma_wait3A_165 : memref<80x128xf32, #tpu.memory_space<vmem>>) dst(%dma_wait3A_162 : memref<80x128xf32, #tpu.memory_space<hbm>>)
      tpu.yield
    }) : () -> ()
    "tpu.region"() ({
      %run_scoped3A = tpu.sem_alloc : memref<!tpu.dma_semaphore, #tpu.memory_space<semaphore_mem>>
      %dma_start3A_146 = tpu.memref_slice %arg8[%mul3A_0] : memref<10240xf32, #tpu.memory_space<vmem_shared>> -> memref<640xf32, #tpu.memory_space<vmem_shared>>
      %dma_start3A_147 = tpu.memref_slice %arg8[%mul3A_0] : memref<10240xf32, #tpu.memory_space<vmem_shared>> -> memref<640xf32, #tpu.memory_space<vmem_shared>>
      tpu.enqueue_dma source(%dma_start3A_147 : memref<640xf32, #tpu.memory_space<vmem_shared>>) target(%arg17 : memref<640xf32, #tpu.memory_space<vmem>>) target_semaphore(%run_scoped3A : memref<!tpu.dma_semaphore, #tpu.memory_space<semaphore_mem>>)
      %dma_wait3A_148 = tpu.memref_slice %arg8[%mul3A_0] : memref<10240xf32, #tpu.memory_space<vmem_shared>> -> memref<640xf32, #tpu.memory_space<vmem_shared>>
      %dma_wait3A_149 = tpu.memref_slice %arg8[%mul3A_0] : memref<10240xf32, #tpu.memory_space<vmem_shared>> -> memref<640xf32, #tpu.memory_space<vmem_shared>>
      tpu.wait_dma2 semaphore(%run_scoped3A : memref<!tpu.dma_semaphore, #tpu.memory_space<semaphore_mem>>) src(%dma_wait3A_149 : memref<640xf32, #tpu.memory_space<vmem_shared>>) dst(%arg17 : memref<640xf32, #tpu.memory_space<vmem>>)
      tpu.yield
    }) : () -> ()
    "tpu.region"() ({
      %run_scoped3A = tpu.sem_alloc : memref<!tpu.dma_semaphore, #tpu.memory_space<semaphore_mem>>
      %dma_start3A_146 = tpu.memref_slice %arg6[%add3A_113] : memref<20480xf32, #tpu.memory_space<hbm>> -> memref<640xf32, #tpu.memory_space<hbm>>
      %dma_start3A_147 = tpu.memref_slice %arg6[%add3A_113] : memref<20480xf32, #tpu.memory_space<hbm>> -> memref<640xf32, #tpu.memory_space<hbm>>
      tpu.enqueue_dma source(%arg17 : memref<640xf32, #tpu.memory_space<vmem>>) target(%dma_start3A_147 : memref<640xf32, #tpu.memory_space<hbm>>) target_semaphore(%run_scoped3A : memref<!tpu.dma_semaphore, #tpu.memory_space<semaphore_mem>>)
      %dma_wait3A_148 = tpu.memref_slice %arg6[%add3A_113] : memref<20480xf32, #tpu.memory_space<hbm>> -> memref<640xf32, #tpu.memory_space<hbm>>
      %dma_wait3A_149 = tpu.memref_slice %arg6[%add3A_113] : memref<20480xf32, #tpu.memory_space<hbm>> -> memref<640xf32, #tpu.memory_space<hbm>>
      tpu.wait_dma2 semaphore(%run_scoped3A : memref<!tpu.dma_semaphore, #tpu.memory_space<semaphore_mem>>) src(%arg17 : memref<640xf32, #tpu.memory_space<vmem>>) dst(%dma_wait3A_149 : memref<640xf32, #tpu.memory_space<hbm>>)
      tpu.yield
    }) : () -> ()
    return
  }
}

#map = affine_map<(d0, d1) -> (0, 0)>
#map1 = affine_map<(d0, d1) -> (0)>
module attributes {stable_mosaic.version = 14 : i64} {
  func.func @_sc_body(%arg0: i32, %arg1: i32, %arg2: memref<10000x128xf32, #tpu.memory_space<hbm>>, %arg3: memref<322560xi32, #tpu.memory_space<hbm>>, %arg4: memref<322560xi32, #tpu.memory_space<hbm>>, %arg5: memref<20480x128xf32, #tpu.memory_space<hbm>>, %arg6: memref<10240x128xf32, #tpu.memory_space<vmem_shared>>, %arg7: memref<112xi32, #tpu.memory_space<vmem>>, %arg8: memref<112xi32, #tpu.memory_space<vmem>>, %arg9: memref<112xi32, #tpu.memory_space<vmem>>, %arg10: memref<112xi32, #tpu.memory_space<vmem>>, %arg11: memref<112xi32, #tpu.memory_space<vmem>>, %arg12: memref<112x128xf32, #tpu.memory_space<vmem>>, %arg13: memref<112x128xf32, #tpu.memory_space<vmem>>, %arg14: memref<!tpu.dma_semaphore, #tpu.memory_space<semaphore_mem>>, %arg15: memref<!tpu.dma_semaphore, #tpu.memory_space<semaphore_mem>>, %arg16: memref<!tpu.dma_semaphore, #tpu.memory_space<semaphore_mem>>, %arg17: memref<!tpu.dma_semaphore, #tpu.memory_space<semaphore_mem>>, %arg18: memref<!tpu.dma_semaphore, #tpu.memory_space<semaphore_mem>>, %arg19: memref<!tpu.dma_semaphore, #tpu.memory_space<semaphore_mem>>) attributes {dimension_semantics = [#tpu.dimension_semantics<core_parallel>, #tpu.dimension_semantics<subcore_parallel>], iteration_bounds = array<i64: 2, 16>, scalar_prefetch = 0 : i64, scratch_operands = 14 : i64, tpu.core_type = #tpu.core_type<sc_vector_subcore>, window_params = [{transform_indices = #map}, {transform_indices = #map1}, {transform_indices = #map1}, {transform_indices = #map}]} {
    %mul3A = arith.constant 640 : i32
    %mul3A_0 = arith.muli %arg1, %mul3A : i32
    %scan3A = arith.constant 0 : i32
    %scan3A_1 = arith.constant 0 : i32
    %scan3A_2 = arith.constant 112 : i32
    %scan3A_3 = arith.addi %scan3A_1, %scan3A_2 : i32
    %scan3A_4 = arith.constant 1 : i32
    scf.for %scan3A_128 = %scan3A_1 to %scan3A_3 step %scan3A_4  : i32 {
      %broadcast_in_dim3A = arith.constant 0.000000e+00 : f32
      %broadcast_in_dim3A_129 = vector.broadcast %broadcast_in_dim3A : f32 to vector<16xf32>
      %swap3A = arith.index_cast %scan3A_128 : i32 to index
      %swap3A_130 = arith.constant 0 : index
      %swap3A_131 = tpu.vector_load %arg12[%swap3A, %swap3A_130] {strides = array<i32>} : memref<112x128xf32, #tpu.memory_space<vmem>>, vector<1x16xf32>,
      %swap3A_132 = vector.shape_cast %swap3A_131 : vector<1x16xf32> to vector<16xf32>
      %swap3A_133 = vector.shape_cast %broadcast_in_dim3A_129 : vector<16xf32> to vector<1x16xf32>
      tpu.vector_store %arg12[%swap3A, %swap3A_130], %swap3A_133 {strides = array<i32>} : memref<112x128xf32, #tpu.memory_space<vmem>>, vector<1x16xf32>,
      %broadcast_in_dim3A_134 = arith.constant 0.000000e+00 : f32
      %broadcast_in_dim3A_135 = vector.broadcast %broadcast_in_dim3A_134 : f32 to vector<16xf32>
      %swap3A_136 = arith.index_cast %scan3A_128 : i32 to index
      %swap3A_137 = arith.constant 16 : index
      %swap3A_138 = tpu.vector_load %arg12[%swap3A_136, %swap3A_137] {strides = array<i32>} : memref<112x128xf32, #tpu.memory_space<vmem>>, vector<1x16xf32>,
      %swap3A_139 = vector.shape_cast %swap3A_138 : vector<1x16xf32> to vector<16xf32>
      %swap3A_140 = vector.shape_cast %broadcast_in_dim3A_135 : vector<16xf32> to vector<1x16xf32>
      tpu.vector_store %arg12[%swap3A_136, %swap3A_137], %swap3A_140 {strides = array<i32>} : memref<112x128xf32, #tpu.memory_space<vmem>>, vector<1x16xf32>,
      %broadcast_in_dim3A_141 = arith.constant 0.000000e+00 : f32
      %broadcast_in_dim3A_142 = vector.broadcast %broadcast_in_dim3A_141 : f32 to vector<16xf32>
      %swap3A_143 = arith.index_cast %scan3A_128 : i32 to index
      %swap3A_144 = arith.constant 32 : index
      %swap3A_145 = tpu.vector_load %arg12[%swap3A_143, %swap3A_144] {strides = array<i32>} : memref<112x128xf32, #tpu.memory_space<vmem>>, vector<1x16xf32>,
      %swap3A_146 = vector.shape_cast %swap3A_145 : vector<1x16xf32> to vector<16xf32>
      %swap3A_147 = vector.shape_cast %broadcast_in_dim3A_142 : vector<16xf32> to vector<1x16xf32>
      tpu.vector_store %arg12[%swap3A_143, %swap3A_144], %swap3A_147 {strides = array<i32>} : memref<112x128xf32, #tpu.memory_space<vmem>>, vector<1x16xf32>,
      %broadcast_in_dim3A_148 = arith.constant 0.000000e+00 : f32
      %broadcast_in_dim3A_149 = vector.broadcast %broadcast_in_dim3A_148 : f32 to vector<16xf32>
      %swap3A_150 = arith.index_cast %scan3A_128 : i32 to index
      %swap3A_151 = arith.constant 48 : index
      %swap3A_152 = tpu.vector_load %arg12[%swap3A_150, %swap3A_151] {strides = array<i32>} : memref<112x128xf32, #tpu.memory_space<vmem>>, vector<1x16xf32>,
      %swap3A_153 = vector.shape_cast %swap3A_152 : vector<1x16xf32> to vector<16xf32>
      %swap3A_154 = vector.shape_cast %broadcast_in_dim3A_149 : vector<16xf32> to vector<1x16xf32>
      tpu.vector_store %arg12[%swap3A_150, %swap3A_151], %swap3A_154 {strides = array<i32>} : memref<112x128xf32, #tpu.memory_space<vmem>>, vector<1x16xf32>,
      %broadcast_in_dim3A_155 = arith.constant 0.000000e+00 : f32
      %broadcast_in_dim3A_156 = vector.broadcast %broadcast_in_dim3A_155 : f32 to vector<16xf32>
      %swap3A_157 = arith.index_cast %scan3A_128 : i32 to index
      %swap3A_158 = arith.constant 64 : index
      %swap3A_159 = tpu.vector_load %arg12[%swap3A_157, %swap3A_158] {strides = array<i32>} : memref<112x128xf32, #tpu.memory_space<vmem>>, vector<1x16xf32>,
      %swap3A_160 = vector.shape_cast %swap3A_159 : vector<1x16xf32> to vector<16xf32>
      %swap3A_161 = vector.shape_cast %broadcast_in_dim3A_156 : vector<16xf32> to vector<1x16xf32>
      tpu.vector_store %arg12[%swap3A_157, %swap3A_158], %swap3A_161 {strides = array<i32>} : memref<112x128xf32, #tpu.memory_space<vmem>>, vector<1x16xf32>,
      %broadcast_in_dim3A_162 = arith.constant 0.000000e+00 : f32
      %broadcast_in_dim3A_163 = vector.broadcast %broadcast_in_dim3A_162 : f32 to vector<16xf32>
      %swap3A_164 = arith.index_cast %scan3A_128 : i32 to index
      %swap3A_165 = arith.constant 80 : index
      %swap3A_166 = tpu.vector_load %arg12[%swap3A_164, %swap3A_165] {strides = array<i32>} : memref<112x128xf32, #tpu.memory_space<vmem>>, vector<1x16xf32>,
      %swap3A_167 = vector.shape_cast %swap3A_166 : vector<1x16xf32> to vector<16xf32>
      %swap3A_168 = vector.shape_cast %broadcast_in_dim3A_163 : vector<16xf32> to vector<1x16xf32>
      tpu.vector_store %arg12[%swap3A_164, %swap3A_165], %swap3A_168 {strides = array<i32>} : memref<112x128xf32, #tpu.memory_space<vmem>>, vector<1x16xf32>,
      %broadcast_in_dim3A_169 = arith.constant 0.000000e+00 : f32
      %broadcast_in_dim3A_170 = vector.broadcast %broadcast_in_dim3A_169 : f32 to vector<16xf32>
      %swap3A_171 = arith.index_cast %scan3A_128 : i32 to index
      %swap3A_172 = arith.constant 96 : index
      %swap3A_173 = tpu.vector_load %arg12[%swap3A_171, %swap3A_172] {strides = array<i32>} : memref<112x128xf32, #tpu.memory_space<vmem>>, vector<1x16xf32>,
      %swap3A_174 = vector.shape_cast %swap3A_173 : vector<1x16xf32> to vector<16xf32>
      %swap3A_175 = vector.shape_cast %broadcast_in_dim3A_170 : vector<16xf32> to vector<1x16xf32>
      tpu.vector_store %arg12[%swap3A_171, %swap3A_172], %swap3A_175 {strides = array<i32>} : memref<112x128xf32, #tpu.memory_space<vmem>>, vector<1x16xf32>,
      %broadcast_in_dim3A_176 = arith.constant 0.000000e+00 : f32
      %broadcast_in_dim3A_177 = vector.broadcast %broadcast_in_dim3A_176 : f32 to vector<16xf32>
      %swap3A_178 = arith.index_cast %scan3A_128 : i32 to index
      %swap3A_179 = arith.constant 112 : index
      %swap3A_180 = tpu.vector_load %arg12[%swap3A_178, %swap3A_179] {strides = array<i32>} : memref<112x128xf32, #tpu.memory_space<vmem>>, vector<1x16xf32>,
      %swap3A_181 = vector.shape_cast %swap3A_180 : vector<1x16xf32> to vector<16xf32>
      %swap3A_182 = vector.shape_cast %broadcast_in_dim3A_177 : vector<16xf32> to vector<1x16xf32>
      tpu.vector_store %arg12[%swap3A_178, %swap3A_179], %swap3A_182 {strides = array<i32>} : memref<112x128xf32, #tpu.memory_space<vmem>>, vector<1x16xf32>,
    }
    %scan3A_5 = arith.constant 112 : i32
    %add3A = arith.constant 0 : i32
    %add3A_6 = arith.addi %mul3A_0, %add3A : i32
    "tpu.region"() ({
      %run_scoped3A = tpu.sem_alloc : memref<!tpu.dma_semaphore, #tpu.memory_space<semaphore_mem>>
      %dma_start3A_128 = arith.constant 0 : i32
      %dma_start3A_129 = arith.constant 0 : i32
      %dma_start3A_130 = tpu.memref_slice %arg12[%dma_start3A_128, %dma_start3A_129] : memref<112x128xf32, #tpu.memory_space<vmem>> -> memref<80x128xf32, #tpu.memory_space<vmem>>
      %dma_start3A_131 = arith.constant 0 : i32
      %dma_start3A_132 = tpu.memref_slice %arg6[%add3A_6, %dma_start3A_131] : memref<10240x128xf32, #tpu.memory_space<vmem_shared>> -> memref<80x128xf32, #tpu.memory_space<vmem_shared>>
      %dma_start3A_133 = arith.constant 0 : i32
      %dma_start3A_134 = tpu.memref_slice %arg6[%add3A_6, %dma_start3A_133] : memref<10240x128xf32, #tpu.memory_space<vmem_shared>> -> memref<80x128xf32, #tpu.memory_space<vmem_shared>>
      %dma_start3A_135 = arith.constant 0 : i32
      %dma_start3A_136 = arith.constant 0 : i32
      %dma_start3A_137 = tpu.memref_slice %arg12[%dma_start3A_135, %dma_start3A_136] : memref<112x128xf32, #tpu.memory_space<vmem>> -> memref<80x128xf32, #tpu.memory_space<vmem>>
      tpu.enqueue_dma source(%dma_start3A_137 : memref<80x128xf32, #tpu.memory_space<vmem>>) target(%dma_start3A_134 : memref<80x128xf32, #tpu.memory_space<vmem_shared>>) target_semaphore(%run_scoped3A : memref<!tpu.dma_semaphore, #tpu.memory_space<semaphore_mem>>)
      %dma_wait3A_138 = arith.constant 0 : i32
      %dma_wait3A_139 = arith.constant 0 : i32
      %dma_wait3A_140 = tpu.memref_slice %arg12[%dma_wait3A_138, %dma_wait3A_139] : memref<112x128xf32, #tpu.memory_space<vmem>> -> memref<80x128xf32, #tpu.memory_space<vmem>>
      %dma_wait3A_141 = arith.constant 0 : i32
      %dma_wait3A_142 = tpu.memref_slice %arg6[%add3A_6, %dma_wait3A_141] : memref<10240x128xf32, #tpu.memory_space<vmem_shared>> -> memref<80x128xf32, #tpu.memory_space<vmem_shared>>
      %dma_wait3A_143 = arith.constant 0 : i32
      %dma_wait3A_144 = tpu.memref_slice %arg6[%add3A_6, %dma_wait3A_143] : memref<10240x128xf32, #tpu.memory_space<vmem_shared>> -> memref<80x128xf32, #tpu.memory_space<vmem_shared>>
      %dma_wait3A_145 = arith.constant 0 : i32
      %dma_wait3A_146 = arith.constant 0 : i32
      %dma_wait3A_147 = tpu.memref_slice %arg12[%dma_wait3A_145, %dma_wait3A_146] : memref<112x128xf32, #tpu.memory_space<vmem>> -> memref<80x128xf32, #tpu.memory_space<vmem>>
      tpu.wait_dma2 semaphore(%run_scoped3A : memref<!tpu.dma_semaphore, #tpu.memory_space<semaphore_mem>>) src(%dma_wait3A_147 : memref<80x128xf32, #tpu.memory_space<vmem>>) dst(%dma_wait3A_144 : memref<80x128xf32, #tpu.memory_space<vmem_shared>>)
      tpu.yield
    }) : () -> ()
    %add3A_7 = arith.constant 80 : i32
    %add3A_8 = arith.addi %mul3A_0, %add3A_7 : i32
    "tpu.region"() ({
      %run_scoped3A = tpu.sem_alloc : memref<!tpu.dma_semaphore, #tpu.memory_space<semaphore_mem>>
      %dma_start3A_128 = arith.constant 0 : i32
      %dma_start3A_129 = arith.constant 0 : i32
      %dma_start3A_130 = tpu.memref_slice %arg12[%dma_start3A_128, %dma_start3A_129] : memref<112x128xf32, #tpu.memory_space<vmem>> -> memref<80x128xf32, #tpu.memory_space<vmem>>
      %dma_start3A_131 = arith.constant 0 : i32
      %dma_start3A_132 = tpu.memref_slice %arg6[%add3A_8, %dma_start3A_131] : memref<10240x128xf32, #tpu.memory_space<vmem_shared>> -> memref<80x128xf32, #tpu.memory_space<vmem_shared>>
      %dma_start3A_133 = arith.constant 0 : i32
      %dma_start3A_134 = tpu.memref_slice %arg6[%add3A_8, %dma_start3A_133] : memref<10240x128xf32, #tpu.memory_space<vmem_shared>> -> memref<80x128xf32, #tpu.memory_space<vmem_shared>>
      %dma_start3A_135 = arith.constant 0 : i32
      %dma_start3A_136 = arith.constant 0 : i32
      %dma_start3A_137 = tpu.memref_slice %arg12[%dma_start3A_135, %dma_start3A_136] : memref<112x128xf32, #tpu.memory_space<vmem>> -> memref<80x128xf32, #tpu.memory_space<vmem>>
      tpu.enqueue_dma source(%dma_start3A_137 : memref<80x128xf32, #tpu.memory_space<vmem>>) target(%dma_start3A_134 : memref<80x128xf32, #tpu.memory_space<vmem_shared>>) target_semaphore(%run_scoped3A : memref<!tpu.dma_semaphore, #tpu.memory_space<semaphore_mem>>)
      %dma_wait3A_138 = arith.constant 0 : i32
      %dma_wait3A_139 = arith.constant 0 : i32
      %dma_wait3A_140 = tpu.memref_slice %arg12[%dma_wait3A_138, %dma_wait3A_139] : memref<112x128xf32, #tpu.memory_space<vmem>> -> memref<80x128xf32, #tpu.memory_space<vmem>>
      %dma_wait3A_141 = arith.constant 0 : i32
      %dma_wait3A_142 = tpu.memref_slice %arg6[%add3A_8, %dma_wait3A_141] : memref<10240x128xf32, #tpu.memory_space<vmem_shared>> -> memref<80x128xf32, #tpu.memory_space<vmem_shared>>
      %dma_wait3A_143 = arith.constant 0 : i32
      %dma_wait3A_144 = tpu.memref_slice %arg6[%add3A_8, %dma_wait3A_143] : memref<10240x128xf32, #tpu.memory_space<vmem_shared>> -> memref<80x128xf32, #tpu.memory_space<vmem_shared>>
      %dma_wait3A_145 = arith.constant 0 : i32
      %dma_wait3A_146 = arith.constant 0 : i32
      %dma_wait3A_147 = tpu.memref_slice %arg12[%dma_wait3A_145, %dma_wait3A_146] : memref<112x128xf32, #tpu.memory_space<vmem>> -> memref<80x128xf32, #tpu.memory_space<vmem>>
      tpu.wait_dma2 semaphore(%run_scoped3A : memref<!tpu.dma_semaphore, #tpu.memory_space<semaphore_mem>>) src(%dma_wait3A_147 : memref<80x128xf32, #tpu.memory_space<vmem>>) dst(%dma_wait3A_144 : memref<80x128xf32, #tpu.memory_space<vmem_shared>>)
      tpu.yield
    }) : () -> ()
    %add3A_9 = arith.constant 160 : i32
    %add3A_10 = arith.addi %mul3A_0, %add3A_9 : i32
    "tpu.region"() ({
      %run_scoped3A = tpu.sem_alloc : memref<!tpu.dma_semaphore, #tpu.memory_space<semaphore_mem>>
      %dma_start3A_128 = arith.constant 0 : i32
      %dma_start3A_129 = arith.constant 0 : i32
      %dma_start3A_130 = tpu.memref_slice %arg12[%dma_start3A_128, %dma_start3A_129] : memref<112x128xf32, #tpu.memory_space<vmem>> -> memref<80x128xf32, #tpu.memory_space<vmem>>
      %dma_start3A_131 = arith.constant 0 : i32
      %dma_start3A_132 = tpu.memref_slice %arg6[%add3A_10, %dma_start3A_131] : memref<10240x128xf32, #tpu.memory_space<vmem_shared>> -> memref<80x128xf32, #tpu.memory_space<vmem_shared>>
      %dma_start3A_133 = arith.constant 0 : i32
      %dma_start3A_134 = tpu.memref_slice %arg6[%add3A_10, %dma_start3A_133] : memref<10240x128xf32, #tpu.memory_space<vmem_shared>> -> memref<80x128xf32, #tpu.memory_space<vmem_shared>>
      %dma_start3A_135 = arith.constant 0 : i32
      %dma_start3A_136 = arith.constant 0 : i32
      %dma_start3A_137 = tpu.memref_slice %arg12[%dma_start3A_135, %dma_start3A_136] : memref<112x128xf32, #tpu.memory_space<vmem>> -> memref<80x128xf32, #tpu.memory_space<vmem>>
      tpu.enqueue_dma source(%dma_start3A_137 : memref<80x128xf32, #tpu.memory_space<vmem>>) target(%dma_start3A_134 : memref<80x128xf32, #tpu.memory_space<vmem_shared>>) target_semaphore(%run_scoped3A : memref<!tpu.dma_semaphore, #tpu.memory_space<semaphore_mem>>)
      %dma_wait3A_138 = arith.constant 0 : i32
      %dma_wait3A_139 = arith.constant 0 : i32
      %dma_wait3A_140 = tpu.memref_slice %arg12[%dma_wait3A_138, %dma_wait3A_139] : memref<112x128xf32, #tpu.memory_space<vmem>> -> memref<80x128xf32, #tpu.memory_space<vmem>>
      %dma_wait3A_141 = arith.constant 0 : i32
      %dma_wait3A_142 = tpu.memref_slice %arg6[%add3A_10, %dma_wait3A_141] : memref<10240x128xf32, #tpu.memory_space<vmem_shared>> -> memref<80x128xf32, #tpu.memory_space<vmem_shared>>
      %dma_wait3A_143 = arith.constant 0 : i32
      %dma_wait3A_144 = tpu.memref_slice %arg6[%add3A_10, %dma_wait3A_143] : memref<10240x128xf32, #tpu.memory_space<vmem_shared>> -> memref<80x128xf32, #tpu.memory_space<vmem_shared>>
      %dma_wait3A_145 = arith.constant 0 : i32
      %dma_wait3A_146 = arith.constant 0 : i32
      %dma_wait3A_147 = tpu.memref_slice %arg12[%dma_wait3A_145, %dma_wait3A_146] : memref<112x128xf32, #tpu.memory_space<vmem>> -> memref<80x128xf32, #tpu.memory_space<vmem>>
      tpu.wait_dma2 semaphore(%run_scoped3A : memref<!tpu.dma_semaphore, #tpu.memory_space<semaphore_mem>>) src(%dma_wait3A_147 : memref<80x128xf32, #tpu.memory_space<vmem>>) dst(%dma_wait3A_144 : memref<80x128xf32, #tpu.memory_space<vmem_shared>>)
      tpu.yield
    }) : () -> ()
    %add3A_11 = arith.constant 240 : i32
    %add3A_12 = arith.addi %mul3A_0, %add3A_11 : i32
    "tpu.region"() ({
      %run_scoped3A = tpu.sem_alloc : memref<!tpu.dma_semaphore, #tpu.memory_space<semaphore_mem>>
      %dma_start3A_128 = arith.constant 0 : i32
      %dma_start3A_129 = arith.constant 0 : i32
      %dma_start3A_130 = tpu.memref_slice %arg12[%dma_start3A_128, %dma_start3A_129] : memref<112x128xf32, #tpu.memory_space<vmem>> -> memref<80x128xf32, #tpu.memory_space<vmem>>
      %dma_start3A_131 = arith.constant 0 : i32
      %dma_start3A_132 = tpu.memref_slice %arg6[%add3A_12, %dma_start3A_131] : memref<10240x128xf32, #tpu.memory_space<vmem_shared>> -> memref<80x128xf32, #tpu.memory_space<vmem_shared>>
      %dma_start3A_133 = arith.constant 0 : i32
      %dma_start3A_134 = tpu.memref_slice %arg6[%add3A_12, %dma_start3A_133] : memref<10240x128xf32, #tpu.memory_space<vmem_shared>> -> memref<80x128xf32, #tpu.memory_space<vmem_shared>>
      %dma_start3A_135 = arith.constant 0 : i32
      %dma_start3A_136 = arith.constant 0 : i32
      %dma_start3A_137 = tpu.memref_slice %arg12[%dma_start3A_135, %dma_start3A_136] : memref<112x128xf32, #tpu.memory_space<vmem>> -> memref<80x128xf32, #tpu.memory_space<vmem>>
      tpu.enqueue_dma source(%dma_start3A_137 : memref<80x128xf32, #tpu.memory_space<vmem>>) target(%dma_start3A_134 : memref<80x128xf32, #tpu.memory_space<vmem_shared>>) target_semaphore(%run_scoped3A : memref<!tpu.dma_semaphore, #tpu.memory_space<semaphore_mem>>)
      %dma_wait3A_138 = arith.constant 0 : i32
      %dma_wait3A_139 = arith.constant 0 : i32
      %dma_wait3A_140 = tpu.memref_slice %arg12[%dma_wait3A_138, %dma_wait3A_139] : memref<112x128xf32, #tpu.memory_space<vmem>> -> memref<80x128xf32, #tpu.memory_space<vmem>>
      %dma_wait3A_141 = arith.constant 0 : i32
      %dma_wait3A_142 = tpu.memref_slice %arg6[%add3A_12, %dma_wait3A_141] : memref<10240x128xf32, #tpu.memory_space<vmem_shared>> -> memref<80x128xf32, #tpu.memory_space<vmem_shared>>
      %dma_wait3A_143 = arith.constant 0 : i32
      %dma_wait3A_144 = tpu.memref_slice %arg6[%add3A_12, %dma_wait3A_143] : memref<10240x128xf32, #tpu.memory_space<vmem_shared>> -> memref<80x128xf32, #tpu.memory_space<vmem_shared>>
      %dma_wait3A_145 = arith.constant 0 : i32
      %dma_wait3A_146 = arith.constant 0 : i32
      %dma_wait3A_147 = tpu.memref_slice %arg12[%dma_wait3A_145, %dma_wait3A_146] : memref<112x128xf32, #tpu.memory_space<vmem>> -> memref<80x128xf32, #tpu.memory_space<vmem>>
      tpu.wait_dma2 semaphore(%run_scoped3A : memref<!tpu.dma_semaphore, #tpu.memory_space<semaphore_mem>>) src(%dma_wait3A_147 : memref<80x128xf32, #tpu.memory_space<vmem>>) dst(%dma_wait3A_144 : memref<80x128xf32, #tpu.memory_space<vmem_shared>>)
      tpu.yield
    }) : () -> ()
    %add3A_13 = arith.constant 320 : i32
    %add3A_14 = arith.addi %mul3A_0, %add3A_13 : i32
    "tpu.region"() ({
      %run_scoped3A = tpu.sem_alloc : memref<!tpu.dma_semaphore, #tpu.memory_space<semaphore_mem>>
      %dma_start3A_128 = arith.constant 0 : i32
      %dma_start3A_129 = arith.constant 0 : i32
      %dma_start3A_130 = tpu.memref_slice %arg12[%dma_start3A_128, %dma_start3A_129] : memref<112x128xf32, #tpu.memory_space<vmem>> -> memref<80x128xf32, #tpu.memory_space<vmem>>
      %dma_start3A_131 = arith.constant 0 : i32
      %dma_start3A_132 = tpu.memref_slice %arg6[%add3A_14, %dma_start3A_131] : memref<10240x128xf32, #tpu.memory_space<vmem_shared>> -> memref<80x128xf32, #tpu.memory_space<vmem_shared>>
      %dma_start3A_133 = arith.constant 0 : i32
      %dma_start3A_134 = tpu.memref_slice %arg6[%add3A_14, %dma_start3A_133] : memref<10240x128xf32, #tpu.memory_space<vmem_shared>> -> memref<80x128xf32, #tpu.memory_space<vmem_shared>>
      %dma_start3A_135 = arith.constant 0 : i32
      %dma_start3A_136 = arith.constant 0 : i32
      %dma_start3A_137 = tpu.memref_slice %arg12[%dma_start3A_135, %dma_start3A_136] : memref<112x128xf32, #tpu.memory_space<vmem>> -> memref<80x128xf32, #tpu.memory_space<vmem>>
      tpu.enqueue_dma source(%dma_start3A_137 : memref<80x128xf32, #tpu.memory_space<vmem>>) target(%dma_start3A_134 : memref<80x128xf32, #tpu.memory_space<vmem_shared>>) target_semaphore(%run_scoped3A : memref<!tpu.dma_semaphore, #tpu.memory_space<semaphore_mem>>)
      %dma_wait3A_138 = arith.constant 0 : i32
      %dma_wait3A_139 = arith.constant 0 : i32
      %dma_wait3A_140 = tpu.memref_slice %arg12[%dma_wait3A_138, %dma_wait3A_139] : memref<112x128xf32, #tpu.memory_space<vmem>> -> memref<80x128xf32, #tpu.memory_space<vmem>>
      %dma_wait3A_141 = arith.constant 0 : i32
      %dma_wait3A_142 = tpu.memref_slice %arg6[%add3A_14, %dma_wait3A_141] : memref<10240x128xf32, #tpu.memory_space<vmem_shared>> -> memref<80x128xf32, #tpu.memory_space<vmem_shared>>
      %dma_wait3A_143 = arith.constant 0 : i32
      %dma_wait3A_144 = tpu.memref_slice %arg6[%add3A_14, %dma_wait3A_143] : memref<10240x128xf32, #tpu.memory_space<vmem_shared>> -> memref<80x128xf32, #tpu.memory_space<vmem_shared>>
      %dma_wait3A_145 = arith.constant 0 : i32
      %dma_wait3A_146 = arith.constant 0 : i32
      %dma_wait3A_147 = tpu.memref_slice %arg12[%dma_wait3A_145, %dma_wait3A_146] : memref<112x128xf32, #tpu.memory_space<vmem>> -> memref<80x128xf32, #tpu.memory_space<vmem>>
      tpu.wait_dma2 semaphore(%run_scoped3A : memref<!tpu.dma_semaphore, #tpu.memory_space<semaphore_mem>>) src(%dma_wait3A_147 : memref<80x128xf32, #tpu.memory_space<vmem>>) dst(%dma_wait3A_144 : memref<80x128xf32, #tpu.memory_space<vmem_shared>>)
      tpu.yield
    }) : () -> ()
    %add3A_15 = arith.constant 400 : i32
    %add3A_16 = arith.addi %mul3A_0, %add3A_15 : i32
    "tpu.region"() ({
      %run_scoped3A = tpu.sem_alloc : memref<!tpu.dma_semaphore, #tpu.memory_space<semaphore_mem>>
      %dma_start3A_128 = arith.constant 0 : i32
      %dma_start3A_129 = arith.constant 0 : i32
      %dma_start3A_130 = tpu.memref_slice %arg12[%dma_start3A_128, %dma_start3A_129] : memref<112x128xf32, #tpu.memory_space<vmem>> -> memref<80x128xf32, #tpu.memory_space<vmem>>
      %dma_start3A_131 = arith.constant 0 : i32
      %dma_start3A_132 = tpu.memref_slice %arg6[%add3A_16, %dma_start3A_131] : memref<10240x128xf32, #tpu.memory_space<vmem_shared>> -> memref<80x128xf32, #tpu.memory_space<vmem_shared>>
      %dma_start3A_133 = arith.constant 0 : i32
      %dma_start3A_134 = tpu.memref_slice %arg6[%add3A_16, %dma_start3A_133] : memref<10240x128xf32, #tpu.memory_space<vmem_shared>> -> memref<80x128xf32, #tpu.memory_space<vmem_shared>>
      %dma_start3A_135 = arith.constant 0 : i32
      %dma_start3A_136 = arith.constant 0 : i32
      %dma_start3A_137 = tpu.memref_slice %arg12[%dma_start3A_135, %dma_start3A_136] : memref<112x128xf32, #tpu.memory_space<vmem>> -> memref<80x128xf32, #tpu.memory_space<vmem>>
      tpu.enqueue_dma source(%dma_start3A_137 : memref<80x128xf32, #tpu.memory_space<vmem>>) target(%dma_start3A_134 : memref<80x128xf32, #tpu.memory_space<vmem_shared>>) target_semaphore(%run_scoped3A : memref<!tpu.dma_semaphore, #tpu.memory_space<semaphore_mem>>)
      %dma_wait3A_138 = arith.constant 0 : i32
      %dma_wait3A_139 = arith.constant 0 : i32
      %dma_wait3A_140 = tpu.memref_slice %arg12[%dma_wait3A_138, %dma_wait3A_139] : memref<112x128xf32, #tpu.memory_space<vmem>> -> memref<80x128xf32, #tpu.memory_space<vmem>>
      %dma_wait3A_141 = arith.constant 0 : i32
      %dma_wait3A_142 = tpu.memref_slice %arg6[%add3A_16, %dma_wait3A_141] : memref<10240x128xf32, #tpu.memory_space<vmem_shared>> -> memref<80x128xf32, #tpu.memory_space<vmem_shared>>
      %dma_wait3A_143 = arith.constant 0 : i32
      %dma_wait3A_144 = tpu.memref_slice %arg6[%add3A_16, %dma_wait3A_143] : memref<10240x128xf32, #tpu.memory_space<vmem_shared>> -> memref<80x128xf32, #tpu.memory_space<vmem_shared>>
      %dma_wait3A_145 = arith.constant 0 : i32
      %dma_wait3A_146 = arith.constant 0 : i32
      %dma_wait3A_147 = tpu.memref_slice %arg12[%dma_wait3A_145, %dma_wait3A_146] : memref<112x128xf32, #tpu.memory_space<vmem>> -> memref<80x128xf32, #tpu.memory_space<vmem>>
      tpu.wait_dma2 semaphore(%run_scoped3A : memref<!tpu.dma_semaphore, #tpu.memory_space<semaphore_mem>>) src(%dma_wait3A_147 : memref<80x128xf32, #tpu.memory_space<vmem>>) dst(%dma_wait3A_144 : memref<80x128xf32, #tpu.memory_space<vmem_shared>>)
      tpu.yield
    }) : () -> ()
    %add3A_17 = arith.constant 480 : i32
    %add3A_18 = arith.addi %mul3A_0, %add3A_17 : i32
    "tpu.region"() ({
      %run_scoped3A = tpu.sem_alloc : memref<!tpu.dma_semaphore, #tpu.memory_space<semaphore_mem>>
      %dma_start3A_128 = arith.constant 0 : i32
      %dma_start3A_129 = arith.constant 0 : i32
      %dma_start3A_130 = tpu.memref_slice %arg12[%dma_start3A_128, %dma_start3A_129] : memref<112x128xf32, #tpu.memory_space<vmem>> -> memref<80x128xf32, #tpu.memory_space<vmem>>
      %dma_start3A_131 = arith.constant 0 : i32
      %dma_start3A_132 = tpu.memref_slice %arg6[%add3A_18, %dma_start3A_131] : memref<10240x128xf32, #tpu.memory_space<vmem_shared>> -> memref<80x128xf32, #tpu.memory_space<vmem_shared>>
      %dma_start3A_133 = arith.constant 0 : i32
      %dma_start3A_134 = tpu.memref_slice %arg6[%add3A_18, %dma_start3A_133] : memref<10240x128xf32, #tpu.memory_space<vmem_shared>> -> memref<80x128xf32, #tpu.memory_space<vmem_shared>>
      %dma_start3A_135 = arith.constant 0 : i32
      %dma_start3A_136 = arith.constant 0 : i32
      %dma_start3A_137 = tpu.memref_slice %arg12[%dma_start3A_135, %dma_start3A_136] : memref<112x128xf32, #tpu.memory_space<vmem>> -> memref<80x128xf32, #tpu.memory_space<vmem>>
      tpu.enqueue_dma source(%dma_start3A_137 : memref<80x128xf32, #tpu.memory_space<vmem>>) target(%dma_start3A_134 : memref<80x128xf32, #tpu.memory_space<vmem_shared>>) target_semaphore(%run_scoped3A : memref<!tpu.dma_semaphore, #tpu.memory_space<semaphore_mem>>)
      %dma_wait3A_138 = arith.constant 0 : i32
      %dma_wait3A_139 = arith.constant 0 : i32
      %dma_wait3A_140 = tpu.memref_slice %arg12[%dma_wait3A_138, %dma_wait3A_139] : memref<112x128xf32, #tpu.memory_space<vmem>> -> memref<80x128xf32, #tpu.memory_space<vmem>>
      %dma_wait3A_141 = arith.constant 0 : i32
      %dma_wait3A_142 = tpu.memref_slice %arg6[%add3A_18, %dma_wait3A_141] : memref<10240x128xf32, #tpu.memory_space<vmem_shared>> -> memref<80x128xf32, #tpu.memory_space<vmem_shared>>
      %dma_wait3A_143 = arith.constant 0 : i32
      %dma_wait3A_144 = tpu.memref_slice %arg6[%add3A_18, %dma_wait3A_143] : memref<10240x128xf32, #tpu.memory_space<vmem_shared>> -> memref<80x128xf32, #tpu.memory_space<vmem_shared>>
      %dma_wait3A_145 = arith.constant 0 : i32
      %dma_wait3A_146 = arith.constant 0 : i32
      %dma_wait3A_147 = tpu.memref_slice %arg12[%dma_wait3A_145, %dma_wait3A_146] : memref<112x128xf32, #tpu.memory_space<vmem>> -> memref<80x128xf32, #tpu.memory_space<vmem>>
      tpu.wait_dma2 semaphore(%run_scoped3A : memref<!tpu.dma_semaphore, #tpu.memory_space<semaphore_mem>>) src(%dma_wait3A_147 : memref<80x128xf32, #tpu.memory_space<vmem>>) dst(%dma_wait3A_144 : memref<80x128xf32, #tpu.memory_space<vmem_shared>>)
      tpu.yield
    }) : () -> ()
    %add3A_19 = arith.constant 560 : i32
    %add3A_20 = arith.addi %mul3A_0, %add3A_19 : i32
    "tpu.region"() ({
      %run_scoped3A = tpu.sem_alloc : memref<!tpu.dma_semaphore, #tpu.memory_space<semaphore_mem>>
      %dma_start3A_128 = arith.constant 0 : i32
      %dma_start3A_129 = arith.constant 0 : i32
      %dma_start3A_130 = tpu.memref_slice %arg12[%dma_start3A_128, %dma_start3A_129] : memref<112x128xf32, #tpu.memory_space<vmem>> -> memref<80x128xf32, #tpu.memory_space<vmem>>
      %dma_start3A_131 = arith.constant 0 : i32
      %dma_start3A_132 = tpu.memref_slice %arg6[%add3A_20, %dma_start3A_131] : memref<10240x128xf32, #tpu.memory_space<vmem_shared>> -> memref<80x128xf32, #tpu.memory_space<vmem_shared>>
      %dma_start3A_133 = arith.constant 0 : i32
      %dma_start3A_134 = tpu.memref_slice %arg6[%add3A_20, %dma_start3A_133] : memref<10240x128xf32, #tpu.memory_space<vmem_shared>> -> memref<80x128xf32, #tpu.memory_space<vmem_shared>>
      %dma_start3A_135 = arith.constant 0 : i32
      %dma_start3A_136 = arith.constant 0 : i32
      %dma_start3A_137 = tpu.memref_slice %arg12[%dma_start3A_135, %dma_start3A_136] : memref<112x128xf32, #tpu.memory_space<vmem>> -> memref<80x128xf32, #tpu.memory_space<vmem>>
      tpu.enqueue_dma source(%dma_start3A_137 : memref<80x128xf32, #tpu.memory_space<vmem>>) target(%dma_start3A_134 : memref<80x128xf32, #tpu.memory_space<vmem_shared>>) target_semaphore(%run_scoped3A : memref<!tpu.dma_semaphore, #tpu.memory_space<semaphore_mem>>)
      %dma_wait3A_138 = arith.constant 0 : i32
      %dma_wait3A_139 = arith.constant 0 : i32
      %dma_wait3A_140 = tpu.memref_slice %arg12[%dma_wait3A_138, %dma_wait3A_139] : memref<112x128xf32, #tpu.memory_space<vmem>> -> memref<80x128xf32, #tpu.memory_space<vmem>>
      %dma_wait3A_141 = arith.constant 0 : i32
      %dma_wait3A_142 = tpu.memref_slice %arg6[%add3A_20, %dma_wait3A_141] : memref<10240x128xf32, #tpu.memory_space<vmem_shared>> -> memref<80x128xf32, #tpu.memory_space<vmem_shared>>
      %dma_wait3A_143 = arith.constant 0 : i32
      %dma_wait3A_144 = tpu.memref_slice %arg6[%add3A_20, %dma_wait3A_143] : memref<10240x128xf32, #tpu.memory_space<vmem_shared>> -> memref<80x128xf32, #tpu.memory_space<vmem_shared>>
      %dma_wait3A_145 = arith.constant 0 : i32
      %dma_wait3A_146 = arith.constant 0 : i32
      %dma_wait3A_147 = tpu.memref_slice %arg12[%dma_wait3A_145, %dma_wait3A_146] : memref<112x128xf32, #tpu.memory_space<vmem>> -> memref<80x128xf32, #tpu.memory_space<vmem>>
      tpu.wait_dma2 semaphore(%run_scoped3A : memref<!tpu.dma_semaphore, #tpu.memory_space<semaphore_mem>>) src(%dma_wait3A_147 : memref<80x128xf32, #tpu.memory_space<vmem>>) dst(%dma_wait3A_144 : memref<80x128xf32, #tpu.memory_space<vmem_shared>>)
      tpu.yield
    }) : () -> ()
    %barrier3A = arith.constant 0 : index
    tpu.barrier barrier_id(%barrier3A)
    %scan3A_21 = arith.constant 0 : i32
    %scan3A_22 = arith.constant 0 : i32
    %scan3A_23 = arith.constant 112 : i32
    %scan3A_24 = arith.addi %scan3A_22, %scan3A_23 : i32
    %scan3A_25 = arith.constant 1 : i32
    scf.for %scan3A_128 = %scan3A_22 to %scan3A_24 step %scan3A_25  : i32 {
      %broadcast_in_dim3A = arith.constant 0.000000e+00 : f32
      %broadcast_in_dim3A_129 = vector.broadcast %broadcast_in_dim3A : f32 to vector<16xf32>
      %swap3A = arith.index_cast %scan3A_128 : i32 to index
      %swap3A_130 = arith.constant 0 : index
      %swap3A_131 = tpu.vector_load %arg13[%swap3A, %swap3A_130] {strides = array<i32>} : memref<112x128xf32, #tpu.memory_space<vmem>>, vector<1x16xf32>,
      %swap3A_132 = vector.shape_cast %swap3A_131 : vector<1x16xf32> to vector<16xf32>
      %swap3A_133 = vector.shape_cast %broadcast_in_dim3A_129 : vector<16xf32> to vector<1x16xf32>
      tpu.vector_store %arg13[%swap3A, %swap3A_130], %swap3A_133 {strides = array<i32>} : memref<112x128xf32, #tpu.memory_space<vmem>>, vector<1x16xf32>,
      %broadcast_in_dim3A_134 = arith.constant 0.000000e+00 : f32
      %broadcast_in_dim3A_135 = vector.broadcast %broadcast_in_dim3A_134 : f32 to vector<16xf32>
      %swap3A_136 = arith.index_cast %scan3A_128 : i32 to index
      %swap3A_137 = arith.constant 16 : index
      %swap3A_138 = tpu.vector_load %arg13[%swap3A_136, %swap3A_137] {strides = array<i32>} : memref<112x128xf32, #tpu.memory_space<vmem>>, vector<1x16xf32>,
      %swap3A_139 = vector.shape_cast %swap3A_138 : vector<1x16xf32> to vector<16xf32>
      %swap3A_140 = vector.shape_cast %broadcast_in_dim3A_135 : vector<16xf32> to vector<1x16xf32>
      tpu.vector_store %arg13[%swap3A_136, %swap3A_137], %swap3A_140 {strides = array<i32>} : memref<112x128xf32, #tpu.memory_space<vmem>>, vector<1x16xf32>,
      %broadcast_in_dim3A_141 = arith.constant 0.000000e+00 : f32
      %broadcast_in_dim3A_142 = vector.broadcast %broadcast_in_dim3A_141 : f32 to vector<16xf32>
      %swap3A_143 = arith.index_cast %scan3A_128 : i32 to index
      %swap3A_144 = arith.constant 32 : index
      %swap3A_145 = tpu.vector_load %arg13[%swap3A_143, %swap3A_144] {strides = array<i32>} : memref<112x128xf32, #tpu.memory_space<vmem>>, vector<1x16xf32>,
      %swap3A_146 = vector.shape_cast %swap3A_145 : vector<1x16xf32> to vector<16xf32>
      %swap3A_147 = vector.shape_cast %broadcast_in_dim3A_142 : vector<16xf32> to vector<1x16xf32>
      tpu.vector_store %arg13[%swap3A_143, %swap3A_144], %swap3A_147 {strides = array<i32>} : memref<112x128xf32, #tpu.memory_space<vmem>>, vector<1x16xf32>,
      %broadcast_in_dim3A_148 = arith.constant 0.000000e+00 : f32
      %broadcast_in_dim3A_149 = vector.broadcast %broadcast_in_dim3A_148 : f32 to vector<16xf32>
      %swap3A_150 = arith.index_cast %scan3A_128 : i32 to index
      %swap3A_151 = arith.constant 48 : index
      %swap3A_152 = tpu.vector_load %arg13[%swap3A_150, %swap3A_151] {strides = array<i32>} : memref<112x128xf32, #tpu.memory_space<vmem>>, vector<1x16xf32>,
      %swap3A_153 = vector.shape_cast %swap3A_152 : vector<1x16xf32> to vector<16xf32>
      %swap3A_154 = vector.shape_cast %broadcast_in_dim3A_149 : vector<16xf32> to vector<1x16xf32>
      tpu.vector_store %arg13[%swap3A_150, %swap3A_151], %swap3A_154 {strides = array<i32>} : memref<112x128xf32, #tpu.memory_space<vmem>>, vector<1x16xf32>,
      %broadcast_in_dim3A_155 = arith.constant 0.000000e+00 : f32
      %broadcast_in_dim3A_156 = vector.broadcast %broadcast_in_dim3A_155 : f32 to vector<16xf32>
      %swap3A_157 = arith.index_cast %scan3A_128 : i32 to index
      %swap3A_158 = arith.constant 64 : index
      %swap3A_159 = tpu.vector_load %arg13[%swap3A_157, %swap3A_158] {strides = array<i32>} : memref<112x128xf32, #tpu.memory_space<vmem>>, vector<1x16xf32>,
      %swap3A_160 = vector.shape_cast %swap3A_159 : vector<1x16xf32> to vector<16xf32>
      %swap3A_161 = vector.shape_cast %broadcast_in_dim3A_156 : vector<16xf32> to vector<1x16xf32>
      tpu.vector_store %arg13[%swap3A_157, %swap3A_158], %swap3A_161 {strides = array<i32>} : memref<112x128xf32, #tpu.memory_space<vmem>>, vector<1x16xf32>,
      %broadcast_in_dim3A_162 = arith.constant 0.000000e+00 : f32
      %broadcast_in_dim3A_163 = vector.broadcast %broadcast_in_dim3A_162 : f32 to vector<16xf32>
      %swap3A_164 = arith.index_cast %scan3A_128 : i32 to index
      %swap3A_165 = arith.constant 80 : index
      %swap3A_166 = tpu.vector_load %arg13[%swap3A_164, %swap3A_165] {strides = array<i32>} : memref<112x128xf32, #tpu.memory_space<vmem>>, vector<1x16xf32>,
      %swap3A_167 = vector.shape_cast %swap3A_166 : vector<1x16xf32> to vector<16xf32>
      %swap3A_168 = vector.shape_cast %broadcast_in_dim3A_163 : vector<16xf32> to vector<1x16xf32>
      tpu.vector_store %arg13[%swap3A_164, %swap3A_165], %swap3A_168 {strides = array<i32>} : memref<112x128xf32, #tpu.memory_space<vmem>>, vector<1x16xf32>,
      %broadcast_in_dim3A_169 = arith.constant 0.000000e+00 : f32
      %broadcast_in_dim3A_170 = vector.broadcast %broadcast_in_dim3A_169 : f32 to vector<16xf32>
      %swap3A_171 = arith.index_cast %scan3A_128 : i32 to index
      %swap3A_172 = arith.constant 96 : index
      %swap3A_173 = tpu.vector_load %arg13[%swap3A_171, %swap3A_172] {strides = array<i32>} : memref<112x128xf32, #tpu.memory_space<vmem>>, vector<1x16xf32>,
      %swap3A_174 = vector.shape_cast %swap3A_173 : vector<1x16xf32> to vector<16xf32>
      %swap3A_175 = vector.shape_cast %broadcast_in_dim3A_170 : vector<16xf32> to vector<1x16xf32>
      tpu.vector_store %arg13[%swap3A_171, %swap3A_172], %swap3A_175 {strides = array<i32>} : memref<112x128xf32, #tpu.memory_space<vmem>>, vector<1x16xf32>,
      %broadcast_in_dim3A_176 = arith.constant 0.000000e+00 : f32
      %broadcast_in_dim3A_177 = vector.broadcast %broadcast_in_dim3A_176 : f32 to vector<16xf32>
      %swap3A_178 = arith.index_cast %scan3A_128 : i32 to index
      %swap3A_179 = arith.constant 112 : index
      %swap3A_180 = tpu.vector_load %arg13[%swap3A_178, %swap3A_179] {strides = array<i32>} : memref<112x128xf32, #tpu.memory_space<vmem>>, vector<1x16xf32>,
      %swap3A_181 = vector.shape_cast %swap3A_180 : vector<1x16xf32> to vector<16xf32>
      %swap3A_182 = vector.shape_cast %broadcast_in_dim3A_177 : vector<16xf32> to vector<1x16xf32>
      tpu.vector_store %arg13[%swap3A_178, %swap3A_179], %swap3A_182 {strides = array<i32>} : memref<112x128xf32, #tpu.memory_space<vmem>>, vector<1x16xf32>,
    }
    %scan3A_26 = arith.constant 112 : i32
    %scan3A_27 = arith.constant 0 : i32
    %scan3A_28 = arith.constant 0 : i32
    %scan3A_29 = arith.constant 7 : i32
    %scan3A_30 = arith.addi %scan3A_28, %scan3A_29 : i32
    %scan3A_31 = arith.constant 1 : i32
    scf.for %scan3A_128 = %scan3A_28 to %scan3A_30 step %scan3A_31  : i32 {
      %broadcast_in_dim3A = arith.constant 0 : i32
      %broadcast_in_dim3A_129 = vector.broadcast %broadcast_in_dim3A : i32 to vector<16xi32>
      %mul3A_130 = arith.constant 16 : i32
      %mul3A_131 = arith.muli %scan3A_128, %mul3A_130 : i32
      %swap3A = arith.index_cast %mul3A_131 : i32 to index
      %swap3A_132 = tpu.vector_load %arg11[%swap3A] {strides = array<i32>} : memref<112xi32, #tpu.memory_space<vmem>>, vector<16xi32>,
      %swap3A_133 = vector.shape_cast %swap3A_132 : vector<16xi32> to vector<16xi32>
      %swap3A_134 = vector.shape_cast %broadcast_in_dim3A_129 : vector<16xi32> to vector<16xi32>
      tpu.vector_store %arg11[%swap3A], %swap3A_134 {strides = array<i32>} : memref<112xi32, #tpu.memory_space<vmem>>, vector<16xi32>,
    }
    %scan3A_32 = arith.constant 7 : i32
    %barrier3A_33 = arith.constant 0 : index
    tpu.barrier barrier_id(%barrier3A_33)
    %mul3A_34 = arith.constant 16 : i32
    %mul3A_35 = arith.muli %arg0, %mul3A_34 : i32
    %add3A_36 = arith.addi %mul3A_35, %arg1 : i32
    %mul3A_37 = arith.constant 90 : i32
    %mul3A_38 = arith.muli %add3A_36, %mul3A_37 : i32
    %mul3A_39 = arith.constant 112 : i32
    %mul3A_40 = arith.muli %mul3A_38, %mul3A_39 : i32
    %min3A = arith.constant 0 : i32
    %min3A_41 = arith.constant 89 : i32
    %min3A_42 = arith.minsi %min3A, %min3A_41 : i32
    %mul3A_43 = arith.constant 112 : i32
    %mul3A_44 = arith.muli %min3A_42, %mul3A_43 : i32
    %add3A_45 = arith.addi %mul3A_40, %mul3A_44 : i32
    %dma_start3A = tpu.memref_slice %arg3[%add3A_45] : memref<322560xi32, #tpu.memory_space<hbm>> -> memref<112xi32, #tpu.memory_space<hbm>>
    %dma_start3A_46 = tpu.memref_slice %arg3[%add3A_45] : memref<322560xi32, #tpu.memory_space<hbm>> -> memref<112xi32, #tpu.memory_space<hbm>>
    tpu.enqueue_dma source(%dma_start3A_46 : memref<112xi32, #tpu.memory_space<hbm>>) target(%arg7 : memref<112xi32, #tpu.memory_space<vmem>>) target_semaphore(%arg18 : memref<!tpu.dma_semaphore, #tpu.memory_space<semaphore_mem>>)
    %dma_start3A_47 = tpu.memref_slice %arg4[%add3A_45] : memref<322560xi32, #tpu.memory_space<hbm>> -> memref<112xi32, #tpu.memory_space<hbm>>
    %dma_start3A_48 = tpu.memref_slice %arg4[%add3A_45] : memref<322560xi32, #tpu.memory_space<hbm>> -> memref<112xi32, #tpu.memory_space<hbm>>
    tpu.enqueue_dma source(%dma_start3A_48 : memref<112xi32, #tpu.memory_space<hbm>>) target(%arg9 : memref<112xi32, #tpu.memory_space<vmem>>) target_semaphore(%arg18 : memref<!tpu.dma_semaphore, #tpu.memory_space<semaphore_mem>>)
    %dma_wait3A = arith.constant 0 : i32
    %dma_wait3A_49 = tpu.memref_slice %arg3[%dma_wait3A] : memref<322560xi32, #tpu.memory_space<hbm>> -> memref<112xi32, #tpu.memory_space<hbm>>
    %dma_wait3A_50 = arith.constant 0 : i32
    %dma_wait3A_51 = tpu.memref_slice %arg3[%dma_wait3A_50] : memref<322560xi32, #tpu.memory_space<hbm>> -> memref<112xi32, #tpu.memory_space<hbm>>
    tpu.wait_dma2 semaphore(%arg18 : memref<!tpu.dma_semaphore, #tpu.memory_space<semaphore_mem>>) src(%dma_wait3A_51 : memref<112xi32, #tpu.memory_space<hbm>>) dst(%arg7 : memref<112xi32, #tpu.memory_space<vmem>>)
    %dma_wait3A_52 = arith.constant 0 : i32
    %dma_wait3A_53 = tpu.memref_slice %arg4[%dma_wait3A_52] : memref<322560xi32, #tpu.memory_space<hbm>> -> memref<112xi32, #tpu.memory_space<hbm>>
    %dma_wait3A_54 = arith.constant 0 : i32
    %dma_wait3A_55 = tpu.memref_slice %arg4[%dma_wait3A_54] : memref<322560xi32, #tpu.memory_space<hbm>> -> memref<112xi32, #tpu.memory_space<hbm>>
    tpu.wait_dma2 semaphore(%arg18 : memref<!tpu.dma_semaphore, #tpu.memory_space<semaphore_mem>>) src(%dma_wait3A_55 : memref<112xi32, #tpu.memory_space<hbm>>) dst(%arg9 : memref<112xi32, #tpu.memory_space<vmem>>)
    %dma_start3A_56 = arith.constant 0 : i32
    %dma_start3A_57 = arith.constant 0 : i32
    %dma_start3A_58 = tpu.memref_slice %arg2[%dma_start3A_56, %dma_start3A_57] : memref<10000x128xf32, #tpu.memory_space<hbm>> -> memref<10000x128xf32, #tpu.memory_space<hbm>>
    tpu.enqueue_indirect_dma source(%dma_start3A_58 : memref<10000x128xf32, #tpu.memory_space<hbm>>) target(%arg12 : memref<112x128xf32, #tpu.memory_space<vmem>>) offsets(%arg7 : memref<112xi32, #tpu.memory_space<vmem>>) semaphore(%arg14 : memref<!tpu.dma_semaphore, #tpu.memory_space<semaphore_mem>>)
    %min3A_59 = arith.constant 1 : i32
    %min3A_60 = arith.constant 89 : i32
    %min3A_61 = arith.minsi %min3A_59, %min3A_60 : i32
    %mul3A_62 = arith.constant 112 : i32
    %mul3A_63 = arith.muli %min3A_61, %mul3A_62 : i32
    %add3A_64 = arith.addi %mul3A_40, %mul3A_63 : i32
    %dma_start3A_65 = tpu.memref_slice %arg3[%add3A_64] : memref<322560xi32, #tpu.memory_space<hbm>> -> memref<112xi32, #tpu.memory_space<hbm>>
    %dma_start3A_66 = tpu.memref_slice %arg3[%add3A_64] : memref<322560xi32, #tpu.memory_space<hbm>> -> memref<112xi32, #tpu.memory_space<hbm>>
    tpu.enqueue_dma source(%dma_start3A_66 : memref<112xi32, #tpu.memory_space<hbm>>) target(%arg8 : memref<112xi32, #tpu.memory_space<vmem>>) target_semaphore(%arg19 : memref<!tpu.dma_semaphore, #tpu.memory_space<semaphore_mem>>)
    %dma_start3A_67 = tpu.memref_slice %arg4[%add3A_64] : memref<322560xi32, #tpu.memory_space<hbm>> -> memref<112xi32, #tpu.memory_space<hbm>>
    %dma_start3A_68 = tpu.memref_slice %arg4[%add3A_64] : memref<322560xi32, #tpu.memory_space<hbm>> -> memref<112xi32, #tpu.memory_space<hbm>>
    tpu.enqueue_dma source(%dma_start3A_68 : memref<112xi32, #tpu.memory_space<hbm>>) target(%arg10 : memref<112xi32, #tpu.memory_space<vmem>>) target_semaphore(%arg19 : memref<!tpu.dma_semaphore, #tpu.memory_space<semaphore_mem>>)
    %dma_start3A_69 = arith.constant 0 : i32
    %dma_start3A_70 = arith.constant 0 : i32
    %dma_start3A_71 = tpu.memref_slice %arg6[%dma_start3A_69, %dma_start3A_70] : memref<10240x128xf32, #tpu.memory_space<vmem_shared>> -> memref<10240x128xf32, #tpu.memory_space<vmem_shared>>
    tpu.enqueue_indirect_dma source(%arg13 : memref<112x128xf32, #tpu.memory_space<vmem>>) target(%dma_start3A_71 : memref<10240x128xf32, #tpu.memory_space<vmem_shared>>) offsets(%arg11 : memref<112xi32, #tpu.memory_space<vmem>>) semaphore(%arg17 : memref<!tpu.dma_semaphore, #tpu.memory_space<semaphore_mem>>) {add = true}
    %scan3A_72 = arith.constant 0 : i32
    %scan3A_73 = arith.constant 0 : i32
    %scan3A_74 = arith.constant 15 : i32
    %scan3A_75 = arith.addi %scan3A_73, %scan3A_74 : i32
    %scan3A_76 = arith.constant 1 : i32
    scf.for %scan3A_128 = %scan3A_73 to %scan3A_75 step %scan3A_76  : i32 {
      %mul3A_129 = arith.constant 6 : i32
      %mul3A_130 = arith.muli %mul3A_129, %scan3A_128 : i32
      %add3A_131 = arith.constant 0 : i32
      %add3A_132 = arith.addi %mul3A_130, %add3A_131 : i32
      %dma_wait3A_133 = arith.constant 0 : i32
      %dma_wait3A_134 = tpu.memref_slice %arg3[%dma_wait3A_133] : memref<322560xi32, #tpu.memory_space<hbm>> -> memref<112xi32, #tpu.memory_space<hbm>>
      %dma_wait3A_135 = arith.constant 0 : i32
      %dma_wait3A_136 = tpu.memref_slice %arg3[%dma_wait3A_135] : memref<322560xi32, #tpu.memory_space<hbm>> -> memref<112xi32, #tpu.memory_space<hbm>>
      tpu.wait_dma2 semaphore(%arg19 : memref<!tpu.dma_semaphore, #tpu.memory_space<semaphore_mem>>) src(%dma_wait3A_136 : memref<112xi32, #tpu.memory_space<hbm>>) dst(%arg8 : memref<112xi32, #tpu.memory_space<vmem>>)
      %dma_wait3A_137 = arith.constant 0 : i32
      %dma_wait3A_138 = tpu.memref_slice %arg4[%dma_wait3A_137] : memref<322560xi32, #tpu.memory_space<hbm>> -> memref<112xi32, #tpu.memory_space<hbm>>
      %dma_wait3A_139 = arith.constant 0 : i32
      %dma_wait3A_140 = tpu.memref_slice %arg4[%dma_wait3A_139] : memref<322560xi32, #tpu.memory_space<hbm>> -> memref<112xi32, #tpu.memory_space<hbm>>
      tpu.wait_dma2 semaphore(%arg19 : memref<!tpu.dma_semaphore, #tpu.memory_space<semaphore_mem>>) src(%dma_wait3A_140 : memref<112xi32, #tpu.memory_space<hbm>>) dst(%arg10 : memref<112xi32, #tpu.memory_space<vmem>>)
      %dma_wait3A_141 = arith.constant 0 : i32
      %dma_wait3A_142 = arith.constant 0 : i32
      %dma_wait3A_143 = tpu.memref_slice %arg2[%dma_wait3A_141, %dma_wait3A_142] : memref<10000x128xf32, #tpu.memory_space<hbm>> -> memref<10000x128xf32, #tpu.memory_space<hbm>>
      tpu.wait_indirect_dma semaphore(%arg14 : memref<!tpu.dma_semaphore, #tpu.memory_space<semaphore_mem>>) src(%dma_wait3A_143 : memref<10000x128xf32, #tpu.memory_space<hbm>>) dst(%arg12 : memref<112x128xf32, #tpu.memory_space<vmem>>)
      %dma_wait3A_144 = arith.constant 0 : i32
      %dma_wait3A_145 = arith.constant 0 : i32
      %dma_wait3A_146 = tpu.memref_slice %arg6[%dma_wait3A_144, %dma_wait3A_145] : memref<10240x128xf32, #tpu.memory_space<vmem_shared>> -> memref<10240x128xf32, #tpu.memory_space<vmem_shared>>
      tpu.wait_indirect_dma semaphore(%arg17 : memref<!tpu.dma_semaphore, #tpu.memory_space<semaphore_mem>>) src(%arg13 : memref<112x128xf32, #tpu.memory_space<vmem>>) dst(%dma_wait3A_146 : memref<10240x128xf32, #tpu.memory_space<vmem_shared>>)
      %dma_start3A_147 = arith.constant 0 : i32
      %dma_start3A_148 = arith.constant 0 : i32
      %dma_start3A_149 = tpu.memref_slice %arg6[%dma_start3A_147, %dma_start3A_148] : memref<10240x128xf32, #tpu.memory_space<vmem_shared>> -> memref<10240x128xf32, #tpu.memory_space<vmem_shared>>
      tpu.enqueue_indirect_dma source(%arg12 : memref<112x128xf32, #tpu.memory_space<vmem>>) target(%dma_start3A_149 : memref<10240x128xf32, #tpu.memory_space<vmem_shared>>) offsets(%arg9 : memref<112xi32, #tpu.memory_space<vmem>>) semaphore(%arg16 : memref<!tpu.dma_semaphore, #tpu.memory_space<semaphore_mem>>) {add = true}
      %dma_start3A_150 = arith.constant 0 : i32
      %dma_start3A_151 = arith.constant 0 : i32
      %dma_start3A_152 = tpu.memref_slice %arg2[%dma_start3A_150, %dma_start3A_151] : memref<10000x128xf32, #tpu.memory_space<hbm>> -> memref<10000x128xf32, #tpu.memory_space<hbm>>
      tpu.enqueue_indirect_dma source(%dma_start3A_152 : memref<10000x128xf32, #tpu.memory_space<hbm>>) target(%arg13 : memref<112x128xf32, #tpu.memory_space<vmem>>) offsets(%arg8 : memref<112xi32, #tpu.memory_space<vmem>>) semaphore(%arg15 : memref<!tpu.dma_semaphore, #tpu.memory_space<semaphore_mem>>)
      %add3A_153 = arith.constant 2 : i32
      %add3A_154 = arith.addi %add3A_132, %add3A_153 : i32
      %min3A_155 = arith.constant 89 : i32
      %min3A_156 = arith.minsi %add3A_154, %min3A_155 : i32
      %mul3A_157 = arith.constant 112 : i32
      %mul3A_158 = arith.muli %min3A_156, %mul3A_157 : i32
      %add3A_159 = arith.addi %mul3A_40, %mul3A_158 : i32
      %dma_start3A_160 = tpu.memref_slice %arg3[%add3A_159] : memref<322560xi32, #tpu.memory_space<hbm>> -> memref<112xi32, #tpu.memory_space<hbm>>
      %dma_start3A_161 = tpu.memref_slice %arg3[%add3A_159] : memref<322560xi32, #tpu.memory_space<hbm>> -> memref<112xi32, #tpu.memory_space<hbm>>
      tpu.enqueue_dma source(%dma_start3A_161 : memref<112xi32, #tpu.memory_space<hbm>>) target(%arg7 : memref<112xi32, #tpu.memory_space<vmem>>) target_semaphore(%arg18 : memref<!tpu.dma_semaphore, #tpu.memory_space<semaphore_mem>>)
      %dma_start3A_162 = tpu.memref_slice %arg4[%add3A_159] : memref<322560xi32, #tpu.memory_space<hbm>> -> memref<112xi32, #tpu.memory_space<hbm>>
      %dma_start3A_163 = tpu.memref_slice %arg4[%add3A_159] : memref<322560xi32, #tpu.memory_space<hbm>> -> memref<112xi32, #tpu.memory_space<hbm>>
      tpu.enqueue_dma source(%dma_start3A_163 : memref<112xi32, #tpu.memory_space<hbm>>) target(%arg11 : memref<112xi32, #tpu.memory_space<vmem>>) target_semaphore(%arg18 : memref<!tpu.dma_semaphore, #tpu.memory_space<semaphore_mem>>)
      %mul3A_164 = arith.constant 6 : i32
      %mul3A_165 = arith.muli %mul3A_164, %scan3A_128 : i32
      %add3A_166 = arith.constant 1 : i32
      %add3A_167 = arith.addi %mul3A_165, %add3A_166 : i32
      %dma_wait3A_168 = arith.constant 0 : i32
      %dma_wait3A_169 = tpu.memref_slice %arg3[%dma_wait3A_168] : memref<322560xi32, #tpu.memory_space<hbm>> -> memref<112xi32, #tpu.memory_space<hbm>>
      %dma_wait3A_170 = arith.constant 0 : i32
      %dma_wait3A_171 = tpu.memref_slice %arg3[%dma_wait3A_170] : memref<322560xi32, #tpu.memory_space<hbm>> -> memref<112xi32, #tpu.memory_space<hbm>>
      tpu.wait_dma2 semaphore(%arg18 : memref<!tpu.dma_semaphore, #tpu.memory_space<semaphore_mem>>) src(%dma_wait3A_171 : memref<112xi32, #tpu.memory_space<hbm>>) dst(%arg7 : memref<112xi32, #tpu.memory_space<vmem>>)
      %dma_wait3A_172 = arith.constant 0 : i32
      %dma_wait3A_173 = tpu.memref_slice %arg4[%dma_wait3A_172] : memref<322560xi32, #tpu.memory_space<hbm>> -> memref<112xi32, #tpu.memory_space<hbm>>
      %dma_wait3A_174 = arith.constant 0 : i32
      %dma_wait3A_175 = tpu.memref_slice %arg4[%dma_wait3A_174] : memref<322560xi32, #tpu.memory_space<hbm>> -> memref<112xi32, #tpu.memory_space<hbm>>
      tpu.wait_dma2 semaphore(%arg18 : memref<!tpu.dma_semaphore, #tpu.memory_space<semaphore_mem>>) src(%dma_wait3A_175 : memref<112xi32, #tpu.memory_space<hbm>>) dst(%arg11 : memref<112xi32, #tpu.memory_space<vmem>>)
      %dma_wait3A_176 = arith.constant 0 : i32
      %dma_wait3A_177 = arith.constant 0 : i32
      %dma_wait3A_178 = tpu.memref_slice %arg2[%dma_wait3A_176, %dma_wait3A_177] : memref<10000x128xf32, #tpu.memory_space<hbm>> -> memref<10000x128xf32, #tpu.memory_space<hbm>>
      tpu.wait_indirect_dma semaphore(%arg15 : memref<!tpu.dma_semaphore, #tpu.memory_space<semaphore_mem>>) src(%dma_wait3A_178 : memref<10000x128xf32, #tpu.memory_space<hbm>>) dst(%arg13 : memref<112x128xf32, #tpu.memory_space<vmem>>)
      %dma_wait3A_179 = arith.constant 0 : i32
      %dma_wait3A_180 = arith.constant 0 : i32
      %dma_wait3A_181 = tpu.memref_slice %arg6[%dma_wait3A_179, %dma_wait3A_180] : memref<10240x128xf32, #tpu.memory_space<vmem_shared>> -> memref<10240x128xf32, #tpu.memory_space<vmem_shared>>
      tpu.wait_indirect_dma semaphore(%arg16 : memref<!tpu.dma_semaphore, #tpu.memory_space<semaphore_mem>>) src(%arg12 : memref<112x128xf32, #tpu.memory_space<vmem>>) dst(%dma_wait3A_181 : memref<10240x128xf32, #tpu.memory_space<vmem_shared>>)
      %dma_start3A_182 = arith.constant 0 : i32
      %dma_start3A_183 = arith.constant 0 : i32
      %dma_start3A_184 = tpu.memref_slice %arg6[%dma_start3A_182, %dma_start3A_183] : memref<10240x128xf32, #tpu.memory_space<vmem_shared>> -> memref<10240x128xf32, #tpu.memory_space<vmem_shared>>
      tpu.enqueue_indirect_dma source(%arg13 : memref<112x128xf32, #tpu.memory_space<vmem>>) target(%dma_start3A_184 : memref<10240x128xf32, #tpu.memory_space<vmem_shared>>) offsets(%arg10 : memref<112xi32, #tpu.memory_space<vmem>>) semaphore(%arg17 : memref<!tpu.dma_semaphore, #tpu.memory_space<semaphore_mem>>) {add = true}
      %dma_start3A_185 = arith.constant 0 : i32
      %dma_start3A_186 = arith.constant 0 : i32
      %dma_start3A_187 = tpu.memref_slice %arg2[%dma_start3A_185, %dma_start3A_186] : memref<10000x128xf32, #tpu.memory_space<hbm>> -> memref<10000x128xf32, #tpu.memory_space<hbm>>
      tpu.enqueue_indirect_dma source(%dma_start3A_187 : memref<10000x128xf32, #tpu.memory_space<hbm>>) target(%arg12 : memref<112x128xf32, #tpu.memory_space<vmem>>) offsets(%arg7 : memref<112xi32, #tpu.memory_space<vmem>>) semaphore(%arg14 : memref<!tpu.dma_semaphore, #tpu.memory_space<semaphore_mem>>)
      %add3A_188 = arith.constant 2 : i32
      %add3A_189 = arith.addi %add3A_167, %add3A_188 : i32
      %min3A_190 = arith.constant 89 : i32
      %min3A_191 = arith.minsi %add3A_189, %min3A_190 : i32
      %mul3A_192 = arith.constant 112 : i32
      %mul3A_193 = arith.muli %min3A_191, %mul3A_192 : i32
      %add3A_194 = arith.addi %mul3A_40, %mul3A_193 : i32
      %dma_start3A_195 = tpu.memref_slice %arg3[%add3A_194] : memref<322560xi32, #tpu.memory_space<hbm>> -> memref<112xi32, #tpu.memory_space<hbm>>
      %dma_start3A_196 = tpu.memref_slice %arg3[%add3A_194] : memref<322560xi32, #tpu.memory_space<hbm>> -> memref<112xi32, #tpu.memory_space<hbm>>
      tpu.enqueue_dma source(%dma_start3A_196 : memref<112xi32, #tpu.memory_space<hbm>>) target(%arg8 : memref<112xi32, #tpu.memory_space<vmem>>) target_semaphore(%arg19 : memref<!tpu.dma_semaphore, #tpu.memory_space<semaphore_mem>>)
      %dma_start3A_197 = tpu.memref_slice %arg4[%add3A_194] : memref<322560xi32, #tpu.memory_space<hbm>> -> memref<112xi32, #tpu.memory_space<hbm>>
      %dma_start3A_198 = tpu.memref_slice %arg4[%add3A_194] : memref<322560xi32, #tpu.memory_space<hbm>> -> memref<112xi32, #tpu.memory_space<hbm>>
      tpu.enqueue_dma source(%dma_start3A_198 : memref<112xi32, #tpu.memory_space<hbm>>) target(%arg9 : memref<112xi32, #tpu.memory_space<vmem>>) target_semaphore(%arg19 : memref<!tpu.dma_semaphore, #tpu.memory_space<semaphore_mem>>)
      %mul3A_199 = arith.constant 6 : i32
      %mul3A_200 = arith.muli %mul3A_199, %scan3A_128 : i32
      %add3A_201 = arith.constant 2 : i32
      %add3A_202 = arith.addi %mul3A_200, %add3A_201 : i32
      %dma_wait3A_203 = arith.constant 0 : i32
      %dma_wait3A_204 = tpu.memref_slice %arg3[%dma_wait3A_203] : memref<322560xi32, #tpu.memory_space<hbm>> -> memref<112xi32, #tpu.memory_space<hbm>>
      %dma_wait3A_205 = arith.constant 0 : i32
      %dma_wait3A_206 = tpu.memref_slice %arg3[%dma_wait3A_205] : memref<322560xi32, #tpu.memory_space<hbm>> -> memref<112xi32, #tpu.memory_space<hbm>>
      tpu.wait_dma2 semaphore(%arg19 : memref<!tpu.dma_semaphore, #tpu.memory_space<semaphore_mem>>) src(%dma_wait3A_206 : memref<112xi32, #tpu.memory_space<hbm>>) dst(%arg8 : memref<112xi32, #tpu.memory_space<vmem>>)
      %dma_wait3A_207 = arith.constant 0 : i32
      %dma_wait3A_208 = tpu.memref_slice %arg4[%dma_wait3A_207] : memref<322560xi32, #tpu.memory_space<hbm>> -> memref<112xi32, #tpu.memory_space<hbm>>
      %dma_wait3A_209 = arith.constant 0 : i32
      %dma_wait3A_210 = tpu.memref_slice %arg4[%dma_wait3A_209] : memref<322560xi32, #tpu.memory_space<hbm>> -> memref<112xi32, #tpu.memory_space<hbm>>
      tpu.wait_dma2 semaphore(%arg19 : memref<!tpu.dma_semaphore, #tpu.memory_space<semaphore_mem>>) src(%dma_wait3A_210 : memref<112xi32, #tpu.memory_space<hbm>>) dst(%arg9 : memref<112xi32, #tpu.memory_space<vmem>>)
      %dma_wait3A_211 = arith.constant 0 : i32
      %dma_wait3A_212 = arith.constant 0 : i32
      %dma_wait3A_213 = tpu.memref_slice %arg2[%dma_wait3A_211, %dma_wait3A_212] : memref<10000x128xf32, #tpu.memory_space<hbm>> -> memref<10000x128xf32, #tpu.memory_space<hbm>>
      tpu.wait_indirect_dma semaphore(%arg14 : memref<!tpu.dma_semaphore, #tpu.memory_space<semaphore_mem>>) src(%dma_wait3A_213 : memref<10000x128xf32, #tpu.memory_space<hbm>>) dst(%arg12 : memref<112x128xf32, #tpu.memory_space<vmem>>)
      %dma_wait3A_214 = arith.constant 0 : i32
      %dma_wait3A_215 = arith.constant 0 : i32
      %dma_wait3A_216 = tpu.memref_slice %arg6[%dma_wait3A_214, %dma_wait3A_215] : memref<10240x128xf32, #tpu.memory_space<vmem_shared>> -> memref<10240x128xf32, #tpu.memory_space<vmem_shared>>
      tpu.wait_indirect_dma semaphore(%arg17 : memref<!tpu.dma_semaphore, #tpu.memory_space<semaphore_mem>>) src(%arg13 : memref<112x128xf32, #tpu.memory_space<vmem>>) dst(%dma_wait3A_216 : memref<10240x128xf32, #tpu.memory_space<vmem_shared>>)
      %dma_start3A_217 = arith.constant 0 : i32
      %dma_start3A_218 = arith.constant 0 : i32
      %dma_start3A_219 = tpu.memref_slice %arg6[%dma_start3A_217, %dma_start3A_218] : memref<10240x128xf32, #tpu.memory_space<vmem_shared>> -> memref<10240x128xf32, #tpu.memory_space<vmem_shared>>
      tpu.enqueue_indirect_dma source(%arg12 : memref<112x128xf32, #tpu.memory_space<vmem>>) target(%dma_start3A_219 : memref<10240x128xf32, #tpu.memory_space<vmem_shared>>) offsets(%arg11 : memref<112xi32, #tpu.memory_space<vmem>>) semaphore(%arg16 : memref<!tpu.dma_semaphore, #tpu.memory_space<semaphore_mem>>) {add = true}
      %dma_start3A_220 = arith.constant 0 : i32
      %dma_start3A_221 = arith.constant 0 : i32
      %dma_start3A_222 = tpu.memref_slice %arg2[%dma_start3A_220, %dma_start3A_221] : memref<10000x128xf32, #tpu.memory_space<hbm>> -> memref<10000x128xf32, #tpu.memory_space<hbm>>
      tpu.enqueue_indirect_dma source(%dma_start3A_222 : memref<10000x128xf32, #tpu.memory_space<hbm>>) target(%arg13 : memref<112x128xf32, #tpu.memory_space<vmem>>) offsets(%arg8 : memref<112xi32, #tpu.memory_space<vmem>>) semaphore(%arg15 : memref<!tpu.dma_semaphore, #tpu.memory_space<semaphore_mem>>)
      %add3A_223 = arith.constant 2 : i32
      %add3A_224 = arith.addi %add3A_202, %add3A_223 : i32
      %min3A_225 = arith.constant 89 : i32
      %min3A_226 = arith.minsi %add3A_224, %min3A_225 : i32
      %mul3A_227 = arith.constant 112 : i32
      %mul3A_228 = arith.muli %min3A_226, %mul3A_227 : i32
      %add3A_229 = arith.addi %mul3A_40, %mul3A_228 : i32
      %dma_start3A_230 = tpu.memref_slice %arg3[%add3A_229] : memref<322560xi32, #tpu.memory_space<hbm>> -> memref<112xi32, #tpu.memory_space<hbm>>
      %dma_start3A_231 = tpu.memref_slice %arg3[%add3A_229] : memref<322560xi32, #tpu.memory_space<hbm>> -> memref<112xi32, #tpu.memory_space<hbm>>
      tpu.enqueue_dma source(%dma_start3A_231 : memref<112xi32, #tpu.memory_space<hbm>>) target(%arg7 : memref<112xi32, #tpu.memory_space<vmem>>) target_semaphore(%arg18 : memref<!tpu.dma_semaphore, #tpu.memory_space<semaphore_mem>>)
      %dma_start3A_232 = tpu.memref_slice %arg4[%add3A_229] : memref<322560xi32, #tpu.memory_space<hbm>> -> memref<112xi32, #tpu.memory_space<hbm>>
      %dma_start3A_233 = tpu.memref_slice %arg4[%add3A_229] : memref<322560xi32, #tpu.memory_space<hbm>> -> memref<112xi32, #tpu.memory_space<hbm>>
      tpu.enqueue_dma source(%dma_start3A_233 : memref<112xi32, #tpu.memory_space<hbm>>) target(%arg10 : memref<112xi32, #tpu.memory_space<vmem>>) target_semaphore(%arg18 : memref<!tpu.dma_semaphore, #tpu.memory_space<semaphore_mem>>)
      %mul3A_234 = arith.constant 6 : i32
      %mul3A_235 = arith.muli %mul3A_234, %scan3A_128 : i32
      %add3A_236 = arith.constant 3 : i32
      %add3A_237 = arith.addi %mul3A_235, %add3A_236 : i32
      %dma_wait3A_238 = arith.constant 0 : i32
      %dma_wait3A_239 = tpu.memref_slice %arg3[%dma_wait3A_238] : memref<322560xi32, #tpu.memory_space<hbm>> -> memref<112xi32, #tpu.memory_space<hbm>>
      %dma_wait3A_240 = arith.constant 0 : i32
      %dma_wait3A_241 = tpu.memref_slice %arg3[%dma_wait3A_240] : memref<322560xi32, #tpu.memory_space<hbm>> -> memref<112xi32, #tpu.memory_space<hbm>>
      tpu.wait_dma2 semaphore(%arg18 : memref<!tpu.dma_semaphore, #tpu.memory_space<semaphore_mem>>) src(%dma_wait3A_241 : memref<112xi32, #tpu.memory_space<hbm>>) dst(%arg7 : memref<112xi32, #tpu.memory_space<vmem>>)
      %dma_wait3A_242 = arith.constant 0 : i32
      %dma_wait3A_243 = tpu.memref_slice %arg4[%dma_wait3A_242] : memref<322560xi32, #tpu.memory_space<hbm>> -> memref<112xi32, #tpu.memory_space<hbm>>
      %dma_wait3A_244 = arith.constant 0 : i32
      %dma_wait3A_245 = tpu.memref_slice %arg4[%dma_wait3A_244] : memref<322560xi32, #tpu.memory_space<hbm>> -> memref<112xi32, #tpu.memory_space<hbm>>
      tpu.wait_dma2 semaphore(%arg18 : memref<!tpu.dma_semaphore, #tpu.memory_space<semaphore_mem>>) src(%dma_wait3A_245 : memref<112xi32, #tpu.memory_space<hbm>>) dst(%arg10 : memref<112xi32, #tpu.memory_space<vmem>>)
      %dma_wait3A_246 = arith.constant 0 : i32
      %dma_wait3A_247 = arith.constant 0 : i32
      %dma_wait3A_248 = tpu.memref_slice %arg2[%dma_wait3A_246, %dma_wait3A_247] : memref<10000x128xf32, #tpu.memory_space<hbm>> -> memref<10000x128xf32, #tpu.memory_space<hbm>>
      tpu.wait_indirect_dma semaphore(%arg15 : memref<!tpu.dma_semaphore, #tpu.memory_space<semaphore_mem>>) src(%dma_wait3A_248 : memref<10000x128xf32, #tpu.memory_space<hbm>>) dst(%arg13 : memref<112x128xf32, #tpu.memory_space<vmem>>)
      %dma_wait3A_249 = arith.constant 0 : i32
      %dma_wait3A_250 = arith.constant 0 : i32
      %dma_wait3A_251 = tpu.memref_slice %arg6[%dma_wait3A_249, %dma_wait3A_250] : memref<10240x128xf32, #tpu.memory_space<vmem_shared>> -> memref<10240x128xf32, #tpu.memory_space<vmem_shared>>
      tpu.wait_indirect_dma semaphore(%arg16 : memref<!tpu.dma_semaphore, #tpu.memory_space<semaphore_mem>>) src(%arg12 : memref<112x128xf32, #tpu.memory_space<vmem>>) dst(%dma_wait3A_251 : memref<10240x128xf32, #tpu.memory_space<vmem_shared>>)
      %dma_start3A_252 = arith.constant 0 : i32
      %dma_start3A_253 = arith.constant 0 : i32
      %dma_start3A_254 = tpu.memref_slice %arg6[%dma_start3A_252, %dma_start3A_253] : memref<10240x128xf32, #tpu.memory_space<vmem_shared>> -> memref<10240x128xf32, #tpu.memory_space<vmem_shared>>
      tpu.enqueue_indirect_dma source(%arg13 : memref<112x128xf32, #tpu.memory_space<vmem>>) target(%dma_start3A_254 : memref<10240x128xf32, #tpu.memory_space<vmem_shared>>) offsets(%arg9 : memref<112xi32, #tpu.memory_space<vmem>>) semaphore(%arg17 : memref<!tpu.dma_semaphore, #tpu.memory_space<semaphore_mem>>) {add = true}
      %dma_start3A_255 = arith.constant 0 : i32
      %dma_start3A_256 = arith.constant 0 : i32
      %dma_start3A_257 = tpu.memref_slice %arg2[%dma_start3A_255, %dma_start3A_256] : memref<10000x128xf32, #tpu.memory_space<hbm>> -> memref<10000x128xf32, #tpu.memory_space<hbm>>
      tpu.enqueue_indirect_dma source(%dma_start3A_257 : memref<10000x128xf32, #tpu.memory_space<hbm>>) target(%arg12 : memref<112x128xf32, #tpu.memory_space<vmem>>) offsets(%arg7 : memref<112xi32, #tpu.memory_space<vmem>>) semaphore(%arg14 : memref<!tpu.dma_semaphore, #tpu.memory_space<semaphore_mem>>)
      %add3A_258 = arith.constant 2 : i32
      %add3A_259 = arith.addi %add3A_237, %add3A_258 : i32
      %min3A_260 = arith.constant 89 : i32
      %min3A_261 = arith.minsi %add3A_259, %min3A_260 : i32
      %mul3A_262 = arith.constant 112 : i32
      %mul3A_263 = arith.muli %min3A_261, %mul3A_262 : i32
      %add3A_264 = arith.addi %mul3A_40, %mul3A_263 : i32
      %dma_start3A_265 = tpu.memref_slice %arg3[%add3A_264] : memref<322560xi32, #tpu.memory_space<hbm>> -> memref<112xi32, #tpu.memory_space<hbm>>
      %dma_start3A_266 = tpu.memref_slice %arg3[%add3A_264] : memref<322560xi32, #tpu.memory_space<hbm>> -> memref<112xi32, #tpu.memory_space<hbm>>
      tpu.enqueue_dma source(%dma_start3A_266 : memref<112xi32, #tpu.memory_space<hbm>>) target(%arg8 : memref<112xi32, #tpu.memory_space<vmem>>) target_semaphore(%arg19 : memref<!tpu.dma_semaphore, #tpu.memory_space<semaphore_mem>>)
      %dma_start3A_267 = tpu.memref_slice %arg4[%add3A_264] : memref<322560xi32, #tpu.memory_space<hbm>> -> memref<112xi32, #tpu.memory_space<hbm>>
      %dma_start3A_268 = tpu.memref_slice %arg4[%add3A_264] : memref<322560xi32, #tpu.memory_space<hbm>> -> memref<112xi32, #tpu.memory_space<hbm>>
      tpu.enqueue_dma source(%dma_start3A_268 : memref<112xi32, #tpu.memory_space<hbm>>) target(%arg11 : memref<112xi32, #tpu.memory_space<vmem>>) target_semaphore(%arg19 : memref<!tpu.dma_semaphore, #tpu.memory_space<semaphore_mem>>)
      %mul3A_269 = arith.constant 6 : i32
      %mul3A_270 = arith.muli %mul3A_269, %scan3A_128 : i32
      %add3A_271 = arith.constant 4 : i32
      %add3A_272 = arith.addi %mul3A_270, %add3A_271 : i32
      %dma_wait3A_273 = arith.constant 0 : i32
      %dma_wait3A_274 = tpu.memref_slice %arg3[%dma_wait3A_273] : memref<322560xi32, #tpu.memory_space<hbm>> -> memref<112xi32, #tpu.memory_space<hbm>>
      %dma_wait3A_275 = arith.constant 0 : i32
      %dma_wait3A_276 = tpu.memref_slice %arg3[%dma_wait3A_275] : memref<322560xi32, #tpu.memory_space<hbm>> -> memref<112xi32, #tpu.memory_space<hbm>>
      tpu.wait_dma2 semaphore(%arg19 : memref<!tpu.dma_semaphore, #tpu.memory_space<semaphore_mem>>) src(%dma_wait3A_276 : memref<112xi32, #tpu.memory_space<hbm>>) dst(%arg8 : memref<112xi32, #tpu.memory_space<vmem>>)
      %dma_wait3A_277 = arith.constant 0 : i32
      %dma_wait3A_278 = tpu.memref_slice %arg4[%dma_wait3A_277] : memref<322560xi32, #tpu.memory_space<hbm>> -> memref<112xi32, #tpu.memory_space<hbm>>
      %dma_wait3A_279 = arith.constant 0 : i32
      %dma_wait3A_280 = tpu.memref_slice %arg4[%dma_wait3A_279] : memref<322560xi32, #tpu.memory_space<hbm>> -> memref<112xi32, #tpu.memory_space<hbm>>
      tpu.wait_dma2 semaphore(%arg19 : memref<!tpu.dma_semaphore, #tpu.memory_space<semaphore_mem>>) src(%dma_wait3A_280 : memref<112xi32, #tpu.memory_space<hbm>>) dst(%arg11 : memref<112xi32, #tpu.memory_space<vmem>>)
      %dma_wait3A_281 = arith.constant 0 : i32
      %dma_wait3A_282 = arith.constant 0 : i32
      %dma_wait3A_283 = tpu.memref_slice %arg2[%dma_wait3A_281, %dma_wait3A_282] : memref<10000x128xf32, #tpu.memory_space<hbm>> -> memref<10000x128xf32, #tpu.memory_space<hbm>>
      tpu.wait_indirect_dma semaphore(%arg14 : memref<!tpu.dma_semaphore, #tpu.memory_space<semaphore_mem>>) src(%dma_wait3A_283 : memref<10000x128xf32, #tpu.memory_space<hbm>>) dst(%arg12 : memref<112x128xf32, #tpu.memory_space<vmem>>)
      %dma_wait3A_284 = arith.constant 0 : i32
      %dma_wait3A_285 = arith.constant 0 : i32
      %dma_wait3A_286 = tpu.memref_slice %arg6[%dma_wait3A_284, %dma_wait3A_285] : memref<10240x128xf32, #tpu.memory_space<vmem_shared>> -> memref<10240x128xf32, #tpu.memory_space<vmem_shared>>
      tpu.wait_indirect_dma semaphore(%arg17 : memref<!tpu.dma_semaphore, #tpu.memory_space<semaphore_mem>>) src(%arg13 : memref<112x128xf32, #tpu.memory_space<vmem>>) dst(%dma_wait3A_286 : memref<10240x128xf32, #tpu.memory_space<vmem_shared>>)
      %dma_start3A_287 = arith.constant 0 : i32
      %dma_start3A_288 = arith.constant 0 : i32
      %dma_start3A_289 = tpu.memref_slice %arg6[%dma_start3A_287, %dma_start3A_288] : memref<10240x128xf32, #tpu.memory_space<vmem_shared>> -> memref<10240x128xf32, #tpu.memory_space<vmem_shared>>
      tpu.enqueue_indirect_dma source(%arg12 : memref<112x128xf32, #tpu.memory_space<vmem>>) target(%dma_start3A_289 : memref<10240x128xf32, #tpu.memory_space<vmem_shared>>) offsets(%arg10 : memref<112xi32, #tpu.memory_space<vmem>>) semaphore(%arg16 : memref<!tpu.dma_semaphore, #tpu.memory_space<semaphore_mem>>) {add = true}
      %dma_start3A_290 = arith.constant 0 : i32
      %dma_start3A_291 = arith.constant 0 : i32
      %dma_start3A_292 = tpu.memref_slice %arg2[%dma_start3A_290, %dma_start3A_291] : memref<10000x128xf32, #tpu.memory_space<hbm>> -> memref<10000x128xf32, #tpu.memory_space<hbm>>
      tpu.enqueue_indirect_dma source(%dma_start3A_292 : memref<10000x128xf32, #tpu.memory_space<hbm>>) target(%arg13 : memref<112x128xf32, #tpu.memory_space<vmem>>) offsets(%arg8 : memref<112xi32, #tpu.memory_space<vmem>>) semaphore(%arg15 : memref<!tpu.dma_semaphore, #tpu.memory_space<semaphore_mem>>)
      %add3A_293 = arith.constant 2 : i32
      %add3A_294 = arith.addi %add3A_272, %add3A_293 : i32
      %min3A_295 = arith.constant 89 : i32
      %min3A_296 = arith.minsi %add3A_294, %min3A_295 : i32
      %mul3A_297 = arith.constant 112 : i32
      %mul3A_298 = arith.muli %min3A_296, %mul3A_297 : i32
      %add3A_299 = arith.addi %mul3A_40, %mul3A_298 : i32
      %dma_start3A_300 = tpu.memref_slice %arg3[%add3A_299] : memref<322560xi32, #tpu.memory_space<hbm>> -> memref<112xi32, #tpu.memory_space<hbm>>
      %dma_start3A_301 = tpu.memref_slice %arg3[%add3A_299] : memref<322560xi32, #tpu.memory_space<hbm>> -> memref<112xi32, #tpu.memory_space<hbm>>
      tpu.enqueue_dma source(%dma_start3A_301 : memref<112xi32, #tpu.memory_space<hbm>>) target(%arg7 : memref<112xi32, #tpu.memory_space<vmem>>) target_semaphore(%arg18 : memref<!tpu.dma_semaphore, #tpu.memory_space<semaphore_mem>>)
      %dma_start3A_302 = tpu.memref_slice %arg4[%add3A_299] : memref<322560xi32, #tpu.memory_space<hbm>> -> memref<112xi32, #tpu.memory_space<hbm>>
      %dma_start3A_303 = tpu.memref_slice %arg4[%add3A_299] : memref<322560xi32, #tpu.memory_space<hbm>> -> memref<112xi32, #tpu.memory_space<hbm>>
      tpu.enqueue_dma source(%dma_start3A_303 : memref<112xi32, #tpu.memory_space<hbm>>) target(%arg9 : memref<112xi32, #tpu.memory_space<vmem>>) target_semaphore(%arg18 : memref<!tpu.dma_semaphore, #tpu.memory_space<semaphore_mem>>)
      %mul3A_304 = arith.constant 6 : i32
      %mul3A_305 = arith.muli %mul3A_304, %scan3A_128 : i32
      %add3A_306 = arith.constant 5 : i32
      %add3A_307 = arith.addi %mul3A_305, %add3A_306 : i32
      %dma_wait3A_308 = arith.constant 0 : i32
      %dma_wait3A_309 = tpu.memref_slice %arg3[%dma_wait3A_308] : memref<322560xi32, #tpu.memory_space<hbm>> -> memref<112xi32, #tpu.memory_space<hbm>>
      %dma_wait3A_310 = arith.constant 0 : i32
      %dma_wait3A_311 = tpu.memref_slice %arg3[%dma_wait3A_310] : memref<322560xi32, #tpu.memory_space<hbm>> -> memref<112xi32, #tpu.memory_space<hbm>>
      tpu.wait_dma2 semaphore(%arg18 : memref<!tpu.dma_semaphore, #tpu.memory_space<semaphore_mem>>) src(%dma_wait3A_311 : memref<112xi32, #tpu.memory_space<hbm>>) dst(%arg7 : memref<112xi32, #tpu.memory_space<vmem>>)
      %dma_wait3A_312 = arith.constant 0 : i32
      %dma_wait3A_313 = tpu.memref_slice %arg4[%dma_wait3A_312] : memref<322560xi32, #tpu.memory_space<hbm>> -> memref<112xi32, #tpu.memory_space<hbm>>
      %dma_wait3A_314 = arith.constant 0 : i32
      %dma_wait3A_315 = tpu.memref_slice %arg4[%dma_wait3A_314] : memref<322560xi32, #tpu.memory_space<hbm>> -> memref<112xi32, #tpu.memory_space<hbm>>
      tpu.wait_dma2 semaphore(%arg18 : memref<!tpu.dma_semaphore, #tpu.memory_space<semaphore_mem>>) src(%dma_wait3A_315 : memref<112xi32, #tpu.memory_space<hbm>>) dst(%arg9 : memref<112xi32, #tpu.memory_space<vmem>>)
      %dma_wait3A_316 = arith.constant 0 : i32
      %dma_wait3A_317 = arith.constant 0 : i32
      %dma_wait3A_318 = tpu.memref_slice %arg2[%dma_wait3A_316, %dma_wait3A_317] : memref<10000x128xf32, #tpu.memory_space<hbm>> -> memref<10000x128xf32, #tpu.memory_space<hbm>>
      tpu.wait_indirect_dma semaphore(%arg15 : memref<!tpu.dma_semaphore, #tpu.memory_space<semaphore_mem>>) src(%dma_wait3A_318 : memref<10000x128xf32, #tpu.memory_space<hbm>>) dst(%arg13 : memref<112x128xf32, #tpu.memory_space<vmem>>)
      %dma_wait3A_319 = arith.constant 0 : i32
      %dma_wait3A_320 = arith.constant 0 : i32
      %dma_wait3A_321 = tpu.memref_slice %arg6[%dma_wait3A_319, %dma_wait3A_320] : memref<10240x128xf32, #tpu.memory_space<vmem_shared>> -> memref<10240x128xf32, #tpu.memory_space<vmem_shared>>
      tpu.wait_indirect_dma semaphore(%arg16 : memref<!tpu.dma_semaphore, #tpu.memory_space<semaphore_mem>>) src(%arg12 : memref<112x128xf32, #tpu.memory_space<vmem>>) dst(%dma_wait3A_321 : memref<10240x128xf32, #tpu.memory_space<vmem_shared>>)
      %dma_start3A_322 = arith.constant 0 : i32
      %dma_start3A_323 = arith.constant 0 : i32
      %dma_start3A_324 = tpu.memref_slice %arg6[%dma_start3A_322, %dma_start3A_323] : memref<10240x128xf32, #tpu.memory_space<vmem_shared>> -> memref<10240x128xf32, #tpu.memory_space<vmem_shared>>
      tpu.enqueue_indirect_dma source(%arg13 : memref<112x128xf32, #tpu.memory_space<vmem>>) target(%dma_start3A_324 : memref<10240x128xf32, #tpu.memory_space<vmem_shared>>) offsets(%arg11 : memref<112xi32, #tpu.memory_space<vmem>>) semaphore(%arg17 : memref<!tpu.dma_semaphore, #tpu.memory_space<semaphore_mem>>) {add = true}
      %dma_start3A_325 = arith.constant 0 : i32
      %dma_start3A_326 = arith.constant 0 : i32
      %dma_start3A_327 = tpu.memref_slice %arg2[%dma_start3A_325, %dma_start3A_326] : memref<10000x128xf32, #tpu.memory_space<hbm>> -> memref<10000x128xf32, #tpu.memory_space<hbm>>
      tpu.enqueue_indirect_dma source(%dma_start3A_327 : memref<10000x128xf32, #tpu.memory_space<hbm>>) target(%arg12 : memref<112x128xf32, #tpu.memory_space<vmem>>) offsets(%arg7 : memref<112xi32, #tpu.memory_space<vmem>>) semaphore(%arg14 : memref<!tpu.dma_semaphore, #tpu.memory_space<semaphore_mem>>)
      %add3A_328 = arith.constant 2 : i32
      %add3A_329 = arith.addi %add3A_307, %add3A_328 : i32
      %min3A_330 = arith.constant 89 : i32
      %min3A_331 = arith.minsi %add3A_329, %min3A_330 : i32
      %mul3A_332 = arith.constant 112 : i32
      %mul3A_333 = arith.muli %min3A_331, %mul3A_332 : i32
      %add3A_334 = arith.addi %mul3A_40, %mul3A_333 : i32
      %dma_start3A_335 = tpu.memref_slice %arg3[%add3A_334] : memref<322560xi32, #tpu.memory_space<hbm>> -> memref<112xi32, #tpu.memory_space<hbm>>
      %dma_start3A_336 = tpu.memref_slice %arg3[%add3A_334] : memref<322560xi32, #tpu.memory_space<hbm>> -> memref<112xi32, #tpu.memory_space<hbm>>
      tpu.enqueue_dma source(%dma_start3A_336 : memref<112xi32, #tpu.memory_space<hbm>>) target(%arg8 : memref<112xi32, #tpu.memory_space<vmem>>) target_semaphore(%arg19 : memref<!tpu.dma_semaphore, #tpu.memory_space<semaphore_mem>>)
      %dma_start3A_337 = tpu.memref_slice %arg4[%add3A_334] : memref<322560xi32, #tpu.memory_space<hbm>> -> memref<112xi32, #tpu.memory_space<hbm>>
      %dma_start3A_338 = tpu.memref_slice %arg4[%add3A_334] : memref<322560xi32, #tpu.memory_space<hbm>> -> memref<112xi32, #tpu.memory_space<hbm>>
      tpu.enqueue_dma source(%dma_start3A_338 : memref<112xi32, #tpu.memory_space<hbm>>) target(%arg10 : memref<112xi32, #tpu.memory_space<vmem>>) target_semaphore(%arg19 : memref<!tpu.dma_semaphore, #tpu.memory_space<semaphore_mem>>)
    }
    %scan3A_77 = arith.constant 15 : i32
    %dma_wait3A_78 = arith.constant 0 : i32
    %dma_wait3A_79 = arith.constant 0 : i32
    %dma_wait3A_80 = tpu.memref_slice %arg2[%dma_wait3A_78, %dma_wait3A_79] : memref<10000x128xf32, #tpu.memory_space<hbm>> -> memref<10000x128xf32, #tpu.memory_space<hbm>>
    tpu.wait_indirect_dma semaphore(%arg14 : memref<!tpu.dma_semaphore, #tpu.memory_space<semaphore_mem>>) src(%dma_wait3A_80 : memref<10000x128xf32, #tpu.memory_space<hbm>>) dst(%arg12 : memref<112x128xf32, #tpu.memory_space<vmem>>)
    %dma_wait3A_81 = arith.constant 0 : i32
    %dma_wait3A_82 = arith.constant 0 : i32
    %dma_wait3A_83 = tpu.memref_slice %arg6[%dma_wait3A_81, %dma_wait3A_82] : memref<10240x128xf32, #tpu.memory_space<vmem_shared>> -> memref<10240x128xf32, #tpu.memory_space<vmem_shared>>
    tpu.wait_indirect_dma semaphore(%arg17 : memref<!tpu.dma_semaphore, #tpu.memory_space<semaphore_mem>>) src(%arg13 : memref<112x128xf32, #tpu.memory_space<vmem>>) dst(%dma_wait3A_83 : memref<10240x128xf32, #tpu.memory_space<vmem_shared>>)
    %dma_wait3A_84 = arith.constant 0 : i32
    %dma_wait3A_85 = tpu.memref_slice %arg3[%dma_wait3A_84] : memref<322560xi32, #tpu.memory_space<hbm>> -> memref<112xi32, #tpu.memory_space<hbm>>
    %dma_wait3A_86 = arith.constant 0 : i32
    %dma_wait3A_87 = tpu.memref_slice %arg3[%dma_wait3A_86] : memref<322560xi32, #tpu.memory_space<hbm>> -> memref<112xi32, #tpu.memory_space<hbm>>
    tpu.wait_dma2 semaphore(%arg19 : memref<!tpu.dma_semaphore, #tpu.memory_space<semaphore_mem>>) src(%dma_wait3A_87 : memref<112xi32, #tpu.memory_space<hbm>>) dst(%arg8 : memref<112xi32, #tpu.memory_space<vmem>>)
    %dma_wait3A_88 = arith.constant 0 : i32
    %dma_wait3A_89 = tpu.memref_slice %arg4[%dma_wait3A_88] : memref<322560xi32, #tpu.memory_space<hbm>> -> memref<112xi32, #tpu.memory_space<hbm>>
    %dma_wait3A_90 = arith.constant 0 : i32
    %dma_wait3A_91 = tpu.memref_slice %arg4[%dma_wait3A_90] : memref<322560xi32, #tpu.memory_space<hbm>> -> memref<112xi32, #tpu.memory_space<hbm>>
    tpu.wait_dma2 semaphore(%arg19 : memref<!tpu.dma_semaphore, #tpu.memory_space<semaphore_mem>>) src(%dma_wait3A_91 : memref<112xi32, #tpu.memory_space<hbm>>) dst(%arg10 : memref<112xi32, #tpu.memory_space<vmem>>)
    %barrier3A_92 = arith.constant 0 : index
    tpu.barrier barrier_id(%barrier3A_92)
    %mul3A_93 = arith.constant 10240 : i32
    %mul3A_94 = arith.muli %arg0, %mul3A_93 : i32
    %add3A_95 = arith.addi %mul3A_94, %mul3A_0 : i32
    %add3A_96 = arith.constant 0 : i32
    %add3A_97 = arith.addi %mul3A_0, %add3A_96 : i32
    "tpu.region"() ({
      %run_scoped3A = tpu.sem_alloc : memref<!tpu.dma_semaphore, #tpu.memory_space<semaphore_mem>>
      %dma_start3A_128 = arith.constant 0 : i32
      %dma_start3A_129 = arith.constant 0 : i32
      %dma_start3A_130 = tpu.memref_slice %arg12[%dma_start3A_128, %dma_start3A_129] : memref<112x128xf32, #tpu.memory_space<vmem>> -> memref<80x128xf32, #tpu.memory_space<vmem>>
      %dma_start3A_131 = arith.constant 0 : i32
      %dma_start3A_132 = tpu.memref_slice %arg6[%add3A_97, %dma_start3A_131] : memref<10240x128xf32, #tpu.memory_space<vmem_shared>> -> memref<80x128xf32, #tpu.memory_space<vmem_shared>>
      %dma_start3A_133 = arith.constant 0 : i32
      %dma_start3A_134 = arith.constant 0 : i32
      %dma_start3A_135 = tpu.memref_slice %arg12[%dma_start3A_133, %dma_start3A_134] : memref<112x128xf32, #tpu.memory_space<vmem>> -> memref<80x128xf32, #tpu.memory_space<vmem>>
      %dma_start3A_136 = arith.constant 0 : i32
      %dma_start3A_137 = tpu.memref_slice %arg6[%add3A_97, %dma_start3A_136] : memref<10240x128xf32, #tpu.memory_space<vmem_shared>> -> memref<80x128xf32, #tpu.memory_space<vmem_shared>>
      tpu.enqueue_dma source(%dma_start3A_137 : memref<80x128xf32, #tpu.memory_space<vmem_shared>>) target(%dma_start3A_135 : memref<80x128xf32, #tpu.memory_space<vmem>>) target_semaphore(%run_scoped3A : memref<!tpu.dma_semaphore, #tpu.memory_space<semaphore_mem>>)
      %dma_wait3A_138 = arith.constant 0 : i32
      %dma_wait3A_139 = arith.constant 0 : i32
      %dma_wait3A_140 = tpu.memref_slice %arg12[%dma_wait3A_138, %dma_wait3A_139] : memref<112x128xf32, #tpu.memory_space<vmem>> -> memref<80x128xf32, #tpu.memory_space<vmem>>
      %dma_wait3A_141 = arith.constant 0 : i32
      %dma_wait3A_142 = tpu.memref_slice %arg6[%add3A_97, %dma_wait3A_141] : memref<10240x128xf32, #tpu.memory_space<vmem_shared>> -> memref<80x128xf32, #tpu.memory_space<vmem_shared>>
      %dma_wait3A_143 = arith.constant 0 : i32
      %dma_wait3A_144 = arith.constant 0 : i32
      %dma_wait3A_145 = tpu.memref_slice %arg12[%dma_wait3A_143, %dma_wait3A_144] : memref<112x128xf32, #tpu.memory_space<vmem>> -> memref<80x128xf32, #tpu.memory_space<vmem>>
      %dma_wait3A_146 = arith.constant 0 : i32
      %dma_wait3A_147 = tpu.memref_slice %arg6[%add3A_97, %dma_wait3A_146] : memref<10240x128xf32, #tpu.memory_space<vmem_shared>> -> memref<80x128xf32, #tpu.memory_space<vmem_shared>>
      tpu.wait_dma2 semaphore(%run_scoped3A : memref<!tpu.dma_semaphore, #tpu.memory_space<semaphore_mem>>) src(%dma_wait3A_147 : memref<80x128xf32, #tpu.memory_space<vmem_shared>>) dst(%dma_wait3A_145 : memref<80x128xf32, #tpu.memory_space<vmem>>)
      tpu.yield
    }) : () -> ()
    %add3A_98 = arith.constant 0 : i32
    %add3A_99 = arith.addi %add3A_95, %add3A_98 : i32
    "tpu.region"() ({
      %run_scoped3A = tpu.sem_alloc : memref<!tpu.dma_semaphore, #tpu.memory_space<semaphore_mem>>
      %dma_start3A_128 = arith.constant 0 : i32
      %dma_start3A_129 = arith.constant 0 : i32
      %dma_start3A_130 = tpu.memref_slice %arg12[%dma_start3A_128, %dma_start3A_129] : memref<112x128xf32, #tpu.memory_space<vmem>> -> memref<80x128xf32, #tpu.memory_space<vmem>>
      %dma_start3A_131 = arith.constant 0 : i32
      %dma_start3A_132 = tpu.memref_slice %arg5[%add3A_99, %dma_start3A_131] : memref<20480x128xf32, #tpu.memory_space<hbm>> -> memref<80x128xf32, #tpu.memory_space<hbm>>
      %dma_start3A_133 = arith.constant 0 : i32
      %dma_start3A_134 = tpu.memref_slice %arg5[%add3A_99, %dma_start3A_133] : memref<20480x128xf32, #tpu.memory_space<hbm>> -> memref<80x128xf32, #tpu.memory_space<hbm>>
      %dma_start3A_135 = arith.constant 0 : i32
      %dma_start3A_136 = arith.constant 0 : i32
      %dma_start3A_137 = tpu.memref_slice %arg12[%dma_start3A_135, %dma_start3A_136] : memref<112x128xf32, #tpu.memory_space<vmem>> -> memref<80x128xf32, #tpu.memory_space<vmem>>
      tpu.enqueue_dma source(%dma_start3A_137 : memref<80x128xf32, #tpu.memory_space<vmem>>) target(%dma_start3A_134 : memref<80x128xf32, #tpu.memory_space<hbm>>) target_semaphore(%run_scoped3A : memref<!tpu.dma_semaphore, #tpu.memory_space<semaphore_mem>>)
      %dma_wait3A_138 = arith.constant 0 : i32
      %dma_wait3A_139 = arith.constant 0 : i32
      %dma_wait3A_140 = tpu.memref_slice %arg12[%dma_wait3A_138, %dma_wait3A_139] : memref<112x128xf32, #tpu.memory_space<vmem>> -> memref<80x128xf32, #tpu.memory_space<vmem>>
      %dma_wait3A_141 = arith.constant 0 : i32
      %dma_wait3A_142 = tpu.memref_slice %arg5[%add3A_99, %dma_wait3A_141] : memref<20480x128xf32, #tpu.memory_space<hbm>> -> memref<80x128xf32, #tpu.memory_space<hbm>>
      %dma_wait3A_143 = arith.constant 0 : i32
      %dma_wait3A_144 = tpu.memref_slice %arg5[%add3A_99, %dma_wait3A_143] : memref<20480x128xf32, #tpu.memory_space<hbm>> -> memref<80x128xf32, #tpu.memory_space<hbm>>
      %dma_wait3A_145 = arith.constant 0 : i32
      %dma_wait3A_146 = arith.constant 0 : i32
      %dma_wait3A_147 = tpu.memref_slice %arg12[%dma_wait3A_145, %dma_wait3A_146] : memref<112x128xf32, #tpu.memory_space<vmem>> -> memref<80x128xf32, #tpu.memory_space<vmem>>
      tpu.wait_dma2 semaphore(%run_scoped3A : memref<!tpu.dma_semaphore, #tpu.memory_space<semaphore_mem>>) src(%dma_wait3A_147 : memref<80x128xf32, #tpu.memory_space<vmem>>) dst(%dma_wait3A_144 : memref<80x128xf32, #tpu.memory_space<hbm>>)
      tpu.yield
    }) : () -> ()
    %add3A_100 = arith.constant 80 : i32
    %add3A_101 = arith.addi %mul3A_0, %add3A_100 : i32
    "tpu.region"() ({
      %run_scoped3A = tpu.sem_alloc : memref<!tpu.dma_semaphore, #tpu.memory_space<semaphore_mem>>
      %dma_start3A_128 = arith.constant 0 : i32
      %dma_start3A_129 = arith.constant 0 : i32
      %dma_start3A_130 = tpu.memref_slice %arg12[%dma_start3A_128, %dma_start3A_129] : memref<112x128xf32, #tpu.memory_space<vmem>> -> memref<80x128xf32, #tpu.memory_space<vmem>>
      %dma_start3A_131 = arith.constant 0 : i32
      %dma_start3A_132 = tpu.memref_slice %arg6[%add3A_101, %dma_start3A_131] : memref<10240x128xf32, #tpu.memory_space<vmem_shared>> -> memref<80x128xf32, #tpu.memory_space<vmem_shared>>
      %dma_start3A_133 = arith.constant 0 : i32
      %dma_start3A_134 = arith.constant 0 : i32
      %dma_start3A_135 = tpu.memref_slice %arg12[%dma_start3A_133, %dma_start3A_134] : memref<112x128xf32, #tpu.memory_space<vmem>> -> memref<80x128xf32, #tpu.memory_space<vmem>>
      %dma_start3A_136 = arith.constant 0 : i32
      %dma_start3A_137 = tpu.memref_slice %arg6[%add3A_101, %dma_start3A_136] : memref<10240x128xf32, #tpu.memory_space<vmem_shared>> -> memref<80x128xf32, #tpu.memory_space<vmem_shared>>
      tpu.enqueue_dma source(%dma_start3A_137 : memref<80x128xf32, #tpu.memory_space<vmem_shared>>) target(%dma_start3A_135 : memref<80x128xf32, #tpu.memory_space<vmem>>) target_semaphore(%run_scoped3A : memref<!tpu.dma_semaphore, #tpu.memory_space<semaphore_mem>>)
      %dma_wait3A_138 = arith.constant 0 : i32
      %dma_wait3A_139 = arith.constant 0 : i32
      %dma_wait3A_140 = tpu.memref_slice %arg12[%dma_wait3A_138, %dma_wait3A_139] : memref<112x128xf32, #tpu.memory_space<vmem>> -> memref<80x128xf32, #tpu.memory_space<vmem>>
      %dma_wait3A_141 = arith.constant 0 : i32
      %dma_wait3A_142 = tpu.memref_slice %arg6[%add3A_101, %dma_wait3A_141] : memref<10240x128xf32, #tpu.memory_space<vmem_shared>> -> memref<80x128xf32, #tpu.memory_space<vmem_shared>>
      %dma_wait3A_143 = arith.constant 0 : i32
      %dma_wait3A_144 = arith.constant 0 : i32
      %dma_wait3A_145 = tpu.memref_slice %arg12[%dma_wait3A_143, %dma_wait3A_144] : memref<112x128xf32, #tpu.memory_space<vmem>> -> memref<80x128xf32, #tpu.memory_space<vmem>>
      %dma_wait3A_146 = arith.constant 0 : i32
      %dma_wait3A_147 = tpu.memref_slice %arg6[%add3A_101, %dma_wait3A_146] : memref<10240x128xf32, #tpu.memory_space<vmem_shared>> -> memref<80x128xf32, #tpu.memory_space<vmem_shared>>
      tpu.wait_dma2 semaphore(%run_scoped3A : memref<!tpu.dma_semaphore, #tpu.memory_space<semaphore_mem>>) src(%dma_wait3A_147 : memref<80x128xf32, #tpu.memory_space<vmem_shared>>) dst(%dma_wait3A_145 : memref<80x128xf32, #tpu.memory_space<vmem>>)
      tpu.yield
    }) : () -> ()
    %add3A_102 = arith.constant 80 : i32
    %add3A_103 = arith.addi %add3A_95, %add3A_102 : i32
    "tpu.region"() ({
      %run_scoped3A = tpu.sem_alloc : memref<!tpu.dma_semaphore, #tpu.memory_space<semaphore_mem>>
      %dma_start3A_128 = arith.constant 0 : i32
      %dma_start3A_129 = arith.constant 0 : i32
      %dma_start3A_130 = tpu.memref_slice %arg12[%dma_start3A_128, %dma_start3A_129] : memref<112x128xf32, #tpu.memory_space<vmem>> -> memref<80x128xf32, #tpu.memory_space<vmem>>
      %dma_start3A_131 = arith.constant 0 : i32
      %dma_start3A_132 = tpu.memref_slice %arg5[%add3A_103, %dma_start3A_131] : memref<20480x128xf32, #tpu.memory_space<hbm>> -> memref<80x128xf32, #tpu.memory_space<hbm>>
      %dma_start3A_133 = arith.constant 0 : i32
      %dma_start3A_134 = tpu.memref_slice %arg5[%add3A_103, %dma_start3A_133] : memref<20480x128xf32, #tpu.memory_space<hbm>> -> memref<80x128xf32, #tpu.memory_space<hbm>>
      %dma_start3A_135 = arith.constant 0 : i32
      %dma_start3A_136 = arith.constant 0 : i32
      %dma_start3A_137 = tpu.memref_slice %arg12[%dma_start3A_135, %dma_start3A_136] : memref<112x128xf32, #tpu.memory_space<vmem>> -> memref<80x128xf32, #tpu.memory_space<vmem>>
      tpu.enqueue_dma source(%dma_start3A_137 : memref<80x128xf32, #tpu.memory_space<vmem>>) target(%dma_start3A_134 : memref<80x128xf32, #tpu.memory_space<hbm>>) target_semaphore(%run_scoped3A : memref<!tpu.dma_semaphore, #tpu.memory_space<semaphore_mem>>)
      %dma_wait3A_138 = arith.constant 0 : i32
      %dma_wait3A_139 = arith.constant 0 : i32
      %dma_wait3A_140 = tpu.memref_slice %arg12[%dma_wait3A_138, %dma_wait3A_139] : memref<112x128xf32, #tpu.memory_space<vmem>> -> memref<80x128xf32, #tpu.memory_space<vmem>>
      %dma_wait3A_141 = arith.constant 0 : i32
      %dma_wait3A_142 = tpu.memref_slice %arg5[%add3A_103, %dma_wait3A_141] : memref<20480x128xf32, #tpu.memory_space<hbm>> -> memref<80x128xf32, #tpu.memory_space<hbm>>
      %dma_wait3A_143 = arith.constant 0 : i32
      %dma_wait3A_144 = tpu.memref_slice %arg5[%add3A_103, %dma_wait3A_143] : memref<20480x128xf32, #tpu.memory_space<hbm>> -> memref<80x128xf32, #tpu.memory_space<hbm>>
      %dma_wait3A_145 = arith.constant 0 : i32
      %dma_wait3A_146 = arith.constant 0 : i32
      %dma_wait3A_147 = tpu.memref_slice %arg12[%dma_wait3A_145, %dma_wait3A_146] : memref<112x128xf32, #tpu.memory_space<vmem>> -> memref<80x128xf32, #tpu.memory_space<vmem>>
      tpu.wait_dma2 semaphore(%run_scoped3A : memref<!tpu.dma_semaphore, #tpu.memory_space<semaphore_mem>>) src(%dma_wait3A_147 : memref<80x128xf32, #tpu.memory_space<vmem>>) dst(%dma_wait3A_144 : memref<80x128xf32, #tpu.memory_space<hbm>>)
      tpu.yield
    }) : () -> ()
    %add3A_104 = arith.constant 160 : i32
    %add3A_105 = arith.addi %mul3A_0, %add3A_104 : i32
    "tpu.region"() ({
      %run_scoped3A = tpu.sem_alloc : memref<!tpu.dma_semaphore, #tpu.memory_space<semaphore_mem>>
      %dma_start3A_128 = arith.constant 0 : i32
      %dma_start3A_129 = arith.constant 0 : i32
      %dma_start3A_130 = tpu.memref_slice %arg12[%dma_start3A_128, %dma_start3A_129] : memref<112x128xf32, #tpu.memory_space<vmem>> -> memref<80x128xf32, #tpu.memory_space<vmem>>
      %dma_start3A_131 = arith.constant 0 : i32
      %dma_start3A_132 = tpu.memref_slice %arg6[%add3A_105, %dma_start3A_131] : memref<10240x128xf32, #tpu.memory_space<vmem_shared>> -> memref<80x128xf32, #tpu.memory_space<vmem_shared>>
      %dma_start3A_133 = arith.constant 0 : i32
      %dma_start3A_134 = arith.constant 0 : i32
      %dma_start3A_135 = tpu.memref_slice %arg12[%dma_start3A_133, %dma_start3A_134] : memref<112x128xf32, #tpu.memory_space<vmem>> -> memref<80x128xf32, #tpu.memory_space<vmem>>
      %dma_start3A_136 = arith.constant 0 : i32
      %dma_start3A_137 = tpu.memref_slice %arg6[%add3A_105, %dma_start3A_136] : memref<10240x128xf32, #tpu.memory_space<vmem_shared>> -> memref<80x128xf32, #tpu.memory_space<vmem_shared>>
      tpu.enqueue_dma source(%dma_start3A_137 : memref<80x128xf32, #tpu.memory_space<vmem_shared>>) target(%dma_start3A_135 : memref<80x128xf32, #tpu.memory_space<vmem>>) target_semaphore(%run_scoped3A : memref<!tpu.dma_semaphore, #tpu.memory_space<semaphore_mem>>)
      %dma_wait3A_138 = arith.constant 0 : i32
      %dma_wait3A_139 = arith.constant 0 : i32
      %dma_wait3A_140 = tpu.memref_slice %arg12[%dma_wait3A_138, %dma_wait3A_139] : memref<112x128xf32, #tpu.memory_space<vmem>> -> memref<80x128xf32, #tpu.memory_space<vmem>>
      %dma_wait3A_141 = arith.constant 0 : i32
      %dma_wait3A_142 = tpu.memref_slice %arg6[%add3A_105, %dma_wait3A_141] : memref<10240x128xf32, #tpu.memory_space<vmem_shared>> -> memref<80x128xf32, #tpu.memory_space<vmem_shared>>
      %dma_wait3A_143 = arith.constant 0 : i32
      %dma_wait3A_144 = arith.constant 0 : i32
      %dma_wait3A_145 = tpu.memref_slice %arg12[%dma_wait3A_143, %dma_wait3A_144] : memref<112x128xf32, #tpu.memory_space<vmem>> -> memref<80x128xf32, #tpu.memory_space<vmem>>
      %dma_wait3A_146 = arith.constant 0 : i32
      %dma_wait3A_147 = tpu.memref_slice %arg6[%add3A_105, %dma_wait3A_146] : memref<10240x128xf32, #tpu.memory_space<vmem_shared>> -> memref<80x128xf32, #tpu.memory_space<vmem_shared>>
      tpu.wait_dma2 semaphore(%run_scoped3A : memref<!tpu.dma_semaphore, #tpu.memory_space<semaphore_mem>>) src(%dma_wait3A_147 : memref<80x128xf32, #tpu.memory_space<vmem_shared>>) dst(%dma_wait3A_145 : memref<80x128xf32, #tpu.memory_space<vmem>>)
      tpu.yield
    }) : () -> ()
    %add3A_106 = arith.constant 160 : i32
    %add3A_107 = arith.addi %add3A_95, %add3A_106 : i32
    "tpu.region"() ({
      %run_scoped3A = tpu.sem_alloc : memref<!tpu.dma_semaphore, #tpu.memory_space<semaphore_mem>>
      %dma_start3A_128 = arith.constant 0 : i32
      %dma_start3A_129 = arith.constant 0 : i32
      %dma_start3A_130 = tpu.memref_slice %arg12[%dma_start3A_128, %dma_start3A_129] : memref<112x128xf32, #tpu.memory_space<vmem>> -> memref<80x128xf32, #tpu.memory_space<vmem>>
      %dma_start3A_131 = arith.constant 0 : i32
      %dma_start3A_132 = tpu.memref_slice %arg5[%add3A_107, %dma_start3A_131] : memref<20480x128xf32, #tpu.memory_space<hbm>> -> memref<80x128xf32, #tpu.memory_space<hbm>>
      %dma_start3A_133 = arith.constant 0 : i32
      %dma_start3A_134 = tpu.memref_slice %arg5[%add3A_107, %dma_start3A_133] : memref<20480x128xf32, #tpu.memory_space<hbm>> -> memref<80x128xf32, #tpu.memory_space<hbm>>
      %dma_start3A_135 = arith.constant 0 : i32
      %dma_start3A_136 = arith.constant 0 : i32
      %dma_start3A_137 = tpu.memref_slice %arg12[%dma_start3A_135, %dma_start3A_136] : memref<112x128xf32, #tpu.memory_space<vmem>> -> memref<80x128xf32, #tpu.memory_space<vmem>>
      tpu.enqueue_dma source(%dma_start3A_137 : memref<80x128xf32, #tpu.memory_space<vmem>>) target(%dma_start3A_134 : memref<80x128xf32, #tpu.memory_space<hbm>>) target_semaphore(%run_scoped3A : memref<!tpu.dma_semaphore, #tpu.memory_space<semaphore_mem>>)
      %dma_wait3A_138 = arith.constant 0 : i32
      %dma_wait3A_139 = arith.constant 0 : i32
      %dma_wait3A_140 = tpu.memref_slice %arg12[%dma_wait3A_138, %dma_wait3A_139] : memref<112x128xf32, #tpu.memory_space<vmem>> -> memref<80x128xf32, #tpu.memory_space<vmem>>
      %dma_wait3A_141 = arith.constant 0 : i32
      %dma_wait3A_142 = tpu.memref_slice %arg5[%add3A_107, %dma_wait3A_141] : memref<20480x128xf32, #tpu.memory_space<hbm>> -> memref<80x128xf32, #tpu.memory_space<hbm>>
      %dma_wait3A_143 = arith.constant 0 : i32
      %dma_wait3A_144 = tpu.memref_slice %arg5[%add3A_107, %dma_wait3A_143] : memref<20480x128xf32, #tpu.memory_space<hbm>> -> memref<80x128xf32, #tpu.memory_space<hbm>>
      %dma_wait3A_145 = arith.constant 0 : i32
      %dma_wait3A_146 = arith.constant 0 : i32
      %dma_wait3A_147 = tpu.memref_slice %arg12[%dma_wait3A_145, %dma_wait3A_146] : memref<112x128xf32, #tpu.memory_space<vmem>> -> memref<80x128xf32, #tpu.memory_space<vmem>>
      tpu.wait_dma2 semaphore(%run_scoped3A : memref<!tpu.dma_semaphore, #tpu.memory_space<semaphore_mem>>) src(%dma_wait3A_147 : memref<80x128xf32, #tpu.memory_space<vmem>>) dst(%dma_wait3A_144 : memref<80x128xf32, #tpu.memory_space<hbm>>)
      tpu.yield
    }) : () -> ()
    %add3A_108 = arith.constant 240 : i32
    %add3A_109 = arith.addi %mul3A_0, %add3A_108 : i32
    "tpu.region"() ({
      %run_scoped3A = tpu.sem_alloc : memref<!tpu.dma_semaphore, #tpu.memory_space<semaphore_mem>>
      %dma_start3A_128 = arith.constant 0 : i32
      %dma_start3A_129 = arith.constant 0 : i32
      %dma_start3A_130 = tpu.memref_slice %arg12[%dma_start3A_128, %dma_start3A_129] : memref<112x128xf32, #tpu.memory_space<vmem>> -> memref<80x128xf32, #tpu.memory_space<vmem>>
      %dma_start3A_131 = arith.constant 0 : i32
      %dma_start3A_132 = tpu.memref_slice %arg6[%add3A_109, %dma_start3A_131] : memref<10240x128xf32, #tpu.memory_space<vmem_shared>> -> memref<80x128xf32, #tpu.memory_space<vmem_shared>>
      %dma_start3A_133 = arith.constant 0 : i32
      %dma_start3A_134 = arith.constant 0 : i32
      %dma_start3A_135 = tpu.memref_slice %arg12[%dma_start3A_133, %dma_start3A_134] : memref<112x128xf32, #tpu.memory_space<vmem>> -> memref<80x128xf32, #tpu.memory_space<vmem>>
      %dma_start3A_136 = arith.constant 0 : i32
      %dma_start3A_137 = tpu.memref_slice %arg6[%add3A_109, %dma_start3A_136] : memref<10240x128xf32, #tpu.memory_space<vmem_shared>> -> memref<80x128xf32, #tpu.memory_space<vmem_shared>>
      tpu.enqueue_dma source(%dma_start3A_137 : memref<80x128xf32, #tpu.memory_space<vmem_shared>>) target(%dma_start3A_135 : memref<80x128xf32, #tpu.memory_space<vmem>>) target_semaphore(%run_scoped3A : memref<!tpu.dma_semaphore, #tpu.memory_space<semaphore_mem>>)
      %dma_wait3A_138 = arith.constant 0 : i32
      %dma_wait3A_139 = arith.constant 0 : i32
      %dma_wait3A_140 = tpu.memref_slice %arg12[%dma_wait3A_138, %dma_wait3A_139] : memref<112x128xf32, #tpu.memory_space<vmem>> -> memref<80x128xf32, #tpu.memory_space<vmem>>
      %dma_wait3A_141 = arith.constant 0 : i32
      %dma_wait3A_142 = tpu.memref_slice %arg6[%add3A_109, %dma_wait3A_141] : memref<10240x128xf32, #tpu.memory_space<vmem_shared>> -> memref<80x128xf32, #tpu.memory_space<vmem_shared>>
      %dma_wait3A_143 = arith.constant 0 : i32
      %dma_wait3A_144 = arith.constant 0 : i32
      %dma_wait3A_145 = tpu.memref_slice %arg12[%dma_wait3A_143, %dma_wait3A_144] : memref<112x128xf32, #tpu.memory_space<vmem>> -> memref<80x128xf32, #tpu.memory_space<vmem>>
      %dma_wait3A_146 = arith.constant 0 : i32
      %dma_wait3A_147 = tpu.memref_slice %arg6[%add3A_109, %dma_wait3A_146] : memref<10240x128xf32, #tpu.memory_space<vmem_shared>> -> memref<80x128xf32, #tpu.memory_space<vmem_shared>>
      tpu.wait_dma2 semaphore(%run_scoped3A : memref<!tpu.dma_semaphore, #tpu.memory_space<semaphore_mem>>) src(%dma_wait3A_147 : memref<80x128xf32, #tpu.memory_space<vmem_shared>>) dst(%dma_wait3A_145 : memref<80x128xf32, #tpu.memory_space<vmem>>)
      tpu.yield
    }) : () -> ()
    %add3A_110 = arith.constant 240 : i32
    %add3A_111 = arith.addi %add3A_95, %add3A_110 : i32
    "tpu.region"() ({
      %run_scoped3A = tpu.sem_alloc : memref<!tpu.dma_semaphore, #tpu.memory_space<semaphore_mem>>
      %dma_start3A_128 = arith.constant 0 : i32
      %dma_start3A_129 = arith.constant 0 : i32
      %dma_start3A_130 = tpu.memref_slice %arg12[%dma_start3A_128, %dma_start3A_129] : memref<112x128xf32, #tpu.memory_space<vmem>> -> memref<80x128xf32, #tpu.memory_space<vmem>>
      %dma_start3A_131 = arith.constant 0 : i32
      %dma_start3A_132 = tpu.memref_slice %arg5[%add3A_111, %dma_start3A_131] : memref<20480x128xf32, #tpu.memory_space<hbm>> -> memref<80x128xf32, #tpu.memory_space<hbm>>
      %dma_start3A_133 = arith.constant 0 : i32
      %dma_start3A_134 = tpu.memref_slice %arg5[%add3A_111, %dma_start3A_133] : memref<20480x128xf32, #tpu.memory_space<hbm>> -> memref<80x128xf32, #tpu.memory_space<hbm>>
      %dma_start3A_135 = arith.constant 0 : i32
      %dma_start3A_136 = arith.constant 0 : i32
      %dma_start3A_137 = tpu.memref_slice %arg12[%dma_start3A_135, %dma_start3A_136] : memref<112x128xf32, #tpu.memory_space<vmem>> -> memref<80x128xf32, #tpu.memory_space<vmem>>
      tpu.enqueue_dma source(%dma_start3A_137 : memref<80x128xf32, #tpu.memory_space<vmem>>) target(%dma_start3A_134 : memref<80x128xf32, #tpu.memory_space<hbm>>) target_semaphore(%run_scoped3A : memref<!tpu.dma_semaphore, #tpu.memory_space<semaphore_mem>>)
      %dma_wait3A_138 = arith.constant 0 : i32
      %dma_wait3A_139 = arith.constant 0 : i32
      %dma_wait3A_140 = tpu.memref_slice %arg12[%dma_wait3A_138, %dma_wait3A_139] : memref<112x128xf32, #tpu.memory_space<vmem>> -> memref<80x128xf32, #tpu.memory_space<vmem>>
      %dma_wait3A_141 = arith.constant 0 : i32
      %dma_wait3A_142 = tpu.memref_slice %arg5[%add3A_111, %dma_wait3A_141] : memref<20480x128xf32, #tpu.memory_space<hbm>> -> memref<80x128xf32, #tpu.memory_space<hbm>>
      %dma_wait3A_143 = arith.constant 0 : i32
      %dma_wait3A_144 = tpu.memref_slice %arg5[%add3A_111, %dma_wait3A_143] : memref<20480x128xf32, #tpu.memory_space<hbm>> -> memref<80x128xf32, #tpu.memory_space<hbm>>
      %dma_wait3A_145 = arith.constant 0 : i32
      %dma_wait3A_146 = arith.constant 0 : i32
      %dma_wait3A_147 = tpu.memref_slice %arg12[%dma_wait3A_145, %dma_wait3A_146] : memref<112x128xf32, #tpu.memory_space<vmem>> -> memref<80x128xf32, #tpu.memory_space<vmem>>
      tpu.wait_dma2 semaphore(%run_scoped3A : memref<!tpu.dma_semaphore, #tpu.memory_space<semaphore_mem>>) src(%dma_wait3A_147 : memref<80x128xf32, #tpu.memory_space<vmem>>) dst(%dma_wait3A_144 : memref<80x128xf32, #tpu.memory_space<hbm>>)
      tpu.yield
    }) : () -> ()
    %add3A_112 = arith.constant 320 : i32
    %add3A_113 = arith.addi %mul3A_0, %add3A_112 : i32
    "tpu.region"() ({
      %run_scoped3A = tpu.sem_alloc : memref<!tpu.dma_semaphore, #tpu.memory_space<semaphore_mem>>
      %dma_start3A_128 = arith.constant 0 : i32
      %dma_start3A_129 = arith.constant 0 : i32
      %dma_start3A_130 = tpu.memref_slice %arg12[%dma_start3A_128, %dma_start3A_129] : memref<112x128xf32, #tpu.memory_space<vmem>> -> memref<80x128xf32, #tpu.memory_space<vmem>>
      %dma_start3A_131 = arith.constant 0 : i32
      %dma_start3A_132 = tpu.memref_slice %arg6[%add3A_113, %dma_start3A_131] : memref<10240x128xf32, #tpu.memory_space<vmem_shared>> -> memref<80x128xf32, #tpu.memory_space<vmem_shared>>
      %dma_start3A_133 = arith.constant 0 : i32
      %dma_start3A_134 = arith.constant 0 : i32
      %dma_start3A_135 = tpu.memref_slice %arg12[%dma_start3A_133, %dma_start3A_134] : memref<112x128xf32, #tpu.memory_space<vmem>> -> memref<80x128xf32, #tpu.memory_space<vmem>>
      %dma_start3A_136 = arith.constant 0 : i32
      %dma_start3A_137 = tpu.memref_slice %arg6[%add3A_113, %dma_start3A_136] : memref<10240x128xf32, #tpu.memory_space<vmem_shared>> -> memref<80x128xf32, #tpu.memory_space<vmem_shared>>
      tpu.enqueue_dma source(%dma_start3A_137 : memref<80x128xf32, #tpu.memory_space<vmem_shared>>) target(%dma_start3A_135 : memref<80x128xf32, #tpu.memory_space<vmem>>) target_semaphore(%run_scoped3A : memref<!tpu.dma_semaphore, #tpu.memory_space<semaphore_mem>>)
      %dma_wait3A_138 = arith.constant 0 : i32
      %dma_wait3A_139 = arith.constant 0 : i32
      %dma_wait3A_140 = tpu.memref_slice %arg12[%dma_wait3A_138, %dma_wait3A_139] : memref<112x128xf32, #tpu.memory_space<vmem>> -> memref<80x128xf32, #tpu.memory_space<vmem>>
      %dma_wait3A_141 = arith.constant 0 : i32
      %dma_wait3A_142 = tpu.memref_slice %arg6[%add3A_113, %dma_wait3A_141] : memref<10240x128xf32, #tpu.memory_space<vmem_shared>> -> memref<80x128xf32, #tpu.memory_space<vmem_shared>>
      %dma_wait3A_143 = arith.constant 0 : i32
      %dma_wait3A_144 = arith.constant 0 : i32
      %dma_wait3A_145 = tpu.memref_slice %arg12[%dma_wait3A_143, %dma_wait3A_144] : memref<112x128xf32, #tpu.memory_space<vmem>> -> memref<80x128xf32, #tpu.memory_space<vmem>>
      %dma_wait3A_146 = arith.constant 0 : i32
      %dma_wait3A_147 = tpu.memref_slice %arg6[%add3A_113, %dma_wait3A_146] : memref<10240x128xf32, #tpu.memory_space<vmem_shared>> -> memref<80x128xf32, #tpu.memory_space<vmem_shared>>
      tpu.wait_dma2 semaphore(%run_scoped3A : memref<!tpu.dma_semaphore, #tpu.memory_space<semaphore_mem>>) src(%dma_wait3A_147 : memref<80x128xf32, #tpu.memory_space<vmem_shared>>) dst(%dma_wait3A_145 : memref<80x128xf32, #tpu.memory_space<vmem>>)
      tpu.yield
    }) : () -> ()
    %add3A_114 = arith.constant 320 : i32
    %add3A_115 = arith.addi %add3A_95, %add3A_114 : i32
    "tpu.region"() ({
      %run_scoped3A = tpu.sem_alloc : memref<!tpu.dma_semaphore, #tpu.memory_space<semaphore_mem>>
      %dma_start3A_128 = arith.constant 0 : i32
      %dma_start3A_129 = arith.constant 0 : i32
      %dma_start3A_130 = tpu.memref_slice %arg12[%dma_start3A_128, %dma_start3A_129] : memref<112x128xf32, #tpu.memory_space<vmem>> -> memref<80x128xf32, #tpu.memory_space<vmem>>
      %dma_start3A_131 = arith.constant 0 : i32
      %dma_start3A_132 = tpu.memref_slice %arg5[%add3A_115, %dma_start3A_131] : memref<20480x128xf32, #tpu.memory_space<hbm>> -> memref<80x128xf32, #tpu.memory_space<hbm>>
      %dma_start3A_133 = arith.constant 0 : i32
      %dma_start3A_134 = tpu.memref_slice %arg5[%add3A_115, %dma_start3A_133] : memref<20480x128xf32, #tpu.memory_space<hbm>> -> memref<80x128xf32, #tpu.memory_space<hbm>>
      %dma_start3A_135 = arith.constant 0 : i32
      %dma_start3A_136 = arith.constant 0 : i32
      %dma_start3A_137 = tpu.memref_slice %arg12[%dma_start3A_135, %dma_start3A_136] : memref<112x128xf32, #tpu.memory_space<vmem>> -> memref<80x128xf32, #tpu.memory_space<vmem>>
      tpu.enqueue_dma source(%dma_start3A_137 : memref<80x128xf32, #tpu.memory_space<vmem>>) target(%dma_start3A_134 : memref<80x128xf32, #tpu.memory_space<hbm>>) target_semaphore(%run_scoped3A : memref<!tpu.dma_semaphore, #tpu.memory_space<semaphore_mem>>)
      %dma_wait3A_138 = arith.constant 0 : i32
      %dma_wait3A_139 = arith.constant 0 : i32
      %dma_wait3A_140 = tpu.memref_slice %arg12[%dma_wait3A_138, %dma_wait3A_139] : memref<112x128xf32, #tpu.memory_space<vmem>> -> memref<80x128xf32, #tpu.memory_space<vmem>>
      %dma_wait3A_141 = arith.constant 0 : i32
      %dma_wait3A_142 = tpu.memref_slice %arg5[%add3A_115, %dma_wait3A_141] : memref<20480x128xf32, #tpu.memory_space<hbm>> -> memref<80x128xf32, #tpu.memory_space<hbm>>
      %dma_wait3A_143 = arith.constant 0 : i32
      %dma_wait3A_144 = tpu.memref_slice %arg5[%add3A_115, %dma_wait3A_143] : memref<20480x128xf32, #tpu.memory_space<hbm>> -> memref<80x128xf32, #tpu.memory_space<hbm>>
      %dma_wait3A_145 = arith.constant 0 : i32
      %dma_wait3A_146 = arith.constant 0 : i32
      %dma_wait3A_147 = tpu.memref_slice %arg12[%dma_wait3A_145, %dma_wait3A_146] : memref<112x128xf32, #tpu.memory_space<vmem>> -> memref<80x128xf32, #tpu.memory_space<vmem>>
      tpu.wait_dma2 semaphore(%run_scoped3A : memref<!tpu.dma_semaphore, #tpu.memory_space<semaphore_mem>>) src(%dma_wait3A_147 : memref<80x128xf32, #tpu.memory_space<vmem>>) dst(%dma_wait3A_144 : memref<80x128xf32, #tpu.memory_space<hbm>>)
      tpu.yield
    }) : () -> ()
    %add3A_116 = arith.constant 400 : i32
    %add3A_117 = arith.addi %mul3A_0, %add3A_116 : i32
    "tpu.region"() ({
      %run_scoped3A = tpu.sem_alloc : memref<!tpu.dma_semaphore, #tpu.memory_space<semaphore_mem>>
      %dma_start3A_128 = arith.constant 0 : i32
      %dma_start3A_129 = arith.constant 0 : i32
      %dma_start3A_130 = tpu.memref_slice %arg12[%dma_start3A_128, %dma_start3A_129] : memref<112x128xf32, #tpu.memory_space<vmem>> -> memref<80x128xf32, #tpu.memory_space<vmem>>
      %dma_start3A_131 = arith.constant 0 : i32
      %dma_start3A_132 = tpu.memref_slice %arg6[%add3A_117, %dma_start3A_131] : memref<10240x128xf32, #tpu.memory_space<vmem_shared>> -> memref<80x128xf32, #tpu.memory_space<vmem_shared>>
      %dma_start3A_133 = arith.constant 0 : i32
      %dma_start3A_134 = arith.constant 0 : i32
      %dma_start3A_135 = tpu.memref_slice %arg12[%dma_start3A_133, %dma_start3A_134] : memref<112x128xf32, #tpu.memory_space<vmem>> -> memref<80x128xf32, #tpu.memory_space<vmem>>
      %dma_start3A_136 = arith.constant 0 : i32
      %dma_start3A_137 = tpu.memref_slice %arg6[%add3A_117, %dma_start3A_136] : memref<10240x128xf32, #tpu.memory_space<vmem_shared>> -> memref<80x128xf32, #tpu.memory_space<vmem_shared>>
      tpu.enqueue_dma source(%dma_start3A_137 : memref<80x128xf32, #tpu.memory_space<vmem_shared>>) target(%dma_start3A_135 : memref<80x128xf32, #tpu.memory_space<vmem>>) target_semaphore(%run_scoped3A : memref<!tpu.dma_semaphore, #tpu.memory_space<semaphore_mem>>)
      %dma_wait3A_138 = arith.constant 0 : i32
      %dma_wait3A_139 = arith.constant 0 : i32
      %dma_wait3A_140 = tpu.memref_slice %arg12[%dma_wait3A_138, %dma_wait3A_139] : memref<112x128xf32, #tpu.memory_space<vmem>> -> memref<80x128xf32, #tpu.memory_space<vmem>>
      %dma_wait3A_141 = arith.constant 0 : i32
      %dma_wait3A_142 = tpu.memref_slice %arg6[%add3A_117, %dma_wait3A_141] : memref<10240x128xf32, #tpu.memory_space<vmem_shared>> -> memref<80x128xf32, #tpu.memory_space<vmem_shared>>
      %dma_wait3A_143 = arith.constant 0 : i32
      %dma_wait3A_144 = arith.constant 0 : i32
      %dma_wait3A_145 = tpu.memref_slice %arg12[%dma_wait3A_143, %dma_wait3A_144] : memref<112x128xf32, #tpu.memory_space<vmem>> -> memref<80x128xf32, #tpu.memory_space<vmem>>
      %dma_wait3A_146 = arith.constant 0 : i32
      %dma_wait3A_147 = tpu.memref_slice %arg6[%add3A_117, %dma_wait3A_146] : memref<10240x128xf32, #tpu.memory_space<vmem_shared>> -> memref<80x128xf32, #tpu.memory_space<vmem_shared>>
      tpu.wait_dma2 semaphore(%run_scoped3A : memref<!tpu.dma_semaphore, #tpu.memory_space<semaphore_mem>>) src(%dma_wait3A_147 : memref<80x128xf32, #tpu.memory_space<vmem_shared>>) dst(%dma_wait3A_145 : memref<80x128xf32, #tpu.memory_space<vmem>>)
      tpu.yield
    }) : () -> ()
    %add3A_118 = arith.constant 400 : i32
    %add3A_119 = arith.addi %add3A_95, %add3A_118 : i32
    "tpu.region"() ({
      %run_scoped3A = tpu.sem_alloc : memref<!tpu.dma_semaphore, #tpu.memory_space<semaphore_mem>>
      %dma_start3A_128 = arith.constant 0 : i32
      %dma_start3A_129 = arith.constant 0 : i32
      %dma_start3A_130 = tpu.memref_slice %arg12[%dma_start3A_128, %dma_start3A_129] : memref<112x128xf32, #tpu.memory_space<vmem>> -> memref<80x128xf32, #tpu.memory_space<vmem>>
      %dma_start3A_131 = arith.constant 0 : i32
      %dma_start3A_132 = tpu.memref_slice %arg5[%add3A_119, %dma_start3A_131] : memref<20480x128xf32, #tpu.memory_space<hbm>> -> memref<80x128xf32, #tpu.memory_space<hbm>>
      %dma_start3A_133 = arith.constant 0 : i32
      %dma_start3A_134 = tpu.memref_slice %arg5[%add3A_119, %dma_start3A_133] : memref<20480x128xf32, #tpu.memory_space<hbm>> -> memref<80x128xf32, #tpu.memory_space<hbm>>
      %dma_start3A_135 = arith.constant 0 : i32
      %dma_start3A_136 = arith.constant 0 : i32
      %dma_start3A_137 = tpu.memref_slice %arg12[%dma_start3A_135, %dma_start3A_136] : memref<112x128xf32, #tpu.memory_space<vmem>> -> memref<80x128xf32, #tpu.memory_space<vmem>>
      tpu.enqueue_dma source(%dma_start3A_137 : memref<80x128xf32, #tpu.memory_space<vmem>>) target(%dma_start3A_134 : memref<80x128xf32, #tpu.memory_space<hbm>>) target_semaphore(%run_scoped3A : memref<!tpu.dma_semaphore, #tpu.memory_space<semaphore_mem>>)
      %dma_wait3A_138 = arith.constant 0 : i32
      %dma_wait3A_139 = arith.constant 0 : i32
      %dma_wait3A_140 = tpu.memref_slice %arg12[%dma_wait3A_138, %dma_wait3A_139] : memref<112x128xf32, #tpu.memory_space<vmem>> -> memref<80x128xf32, #tpu.memory_space<vmem>>
      %dma_wait3A_141 = arith.constant 0 : i32
      %dma_wait3A_142 = tpu.memref_slice %arg5[%add3A_119, %dma_wait3A_141] : memref<20480x128xf32, #tpu.memory_space<hbm>> -> memref<80x128xf32, #tpu.memory_space<hbm>>
      %dma_wait3A_143 = arith.constant 0 : i32
      %dma_wait3A_144 = tpu.memref_slice %arg5[%add3A_119, %dma_wait3A_143] : memref<20480x128xf32, #tpu.memory_space<hbm>> -> memref<80x128xf32, #tpu.memory_space<hbm>>
      %dma_wait3A_145 = arith.constant 0 : i32
      %dma_wait3A_146 = arith.constant 0 : i32
      %dma_wait3A_147 = tpu.memref_slice %arg12[%dma_wait3A_145, %dma_wait3A_146] : memref<112x128xf32, #tpu.memory_space<vmem>> -> memref<80x128xf32, #tpu.memory_space<vmem>>
      tpu.wait_dma2 semaphore(%run_scoped3A : memref<!tpu.dma_semaphore, #tpu.memory_space<semaphore_mem>>) src(%dma_wait3A_147 : memref<80x128xf32, #tpu.memory_space<vmem>>) dst(%dma_wait3A_144 : memref<80x128xf32, #tpu.memory_space<hbm>>)
      tpu.yield
    }) : () -> ()
    %add3A_120 = arith.constant 480 : i32
    %add3A_121 = arith.addi %mul3A_0, %add3A_120 : i32
    "tpu.region"() ({
      %run_scoped3A = tpu.sem_alloc : memref<!tpu.dma_semaphore, #tpu.memory_space<semaphore_mem>>
      %dma_start3A_128 = arith.constant 0 : i32
      %dma_start3A_129 = arith.constant 0 : i32
      %dma_start3A_130 = tpu.memref_slice %arg12[%dma_start3A_128, %dma_start3A_129] : memref<112x128xf32, #tpu.memory_space<vmem>> -> memref<80x128xf32, #tpu.memory_space<vmem>>
      %dma_start3A_131 = arith.constant 0 : i32
      %dma_start3A_132 = tpu.memref_slice %arg6[%add3A_121, %dma_start3A_131] : memref<10240x128xf32, #tpu.memory_space<vmem_shared>> -> memref<80x128xf32, #tpu.memory_space<vmem_shared>>
      %dma_start3A_133 = arith.constant 0 : i32
      %dma_start3A_134 = arith.constant 0 : i32
      %dma_start3A_135 = tpu.memref_slice %arg12[%dma_start3A_133, %dma_start3A_134] : memref<112x128xf32, #tpu.memory_space<vmem>> -> memref<80x128xf32, #tpu.memory_space<vmem>>
      %dma_start3A_136 = arith.constant 0 : i32
      %dma_start3A_137 = tpu.memref_slice %arg6[%add3A_121, %dma_start3A_136] : memref<10240x128xf32, #tpu.memory_space<vmem_shared>> -> memref<80x128xf32, #tpu.memory_space<vmem_shared>>
      tpu.enqueue_dma source(%dma_start3A_137 : memref<80x128xf32, #tpu.memory_space<vmem_shared>>) target(%dma_start3A_135 : memref<80x128xf32, #tpu.memory_space<vmem>>) target_semaphore(%run_scoped3A : memref<!tpu.dma_semaphore, #tpu.memory_space<semaphore_mem>>)
      %dma_wait3A_138 = arith.constant 0 : i32
      %dma_wait3A_139 = arith.constant 0 : i32
      %dma_wait3A_140 = tpu.memref_slice %arg12[%dma_wait3A_138, %dma_wait3A_139] : memref<112x128xf32, #tpu.memory_space<vmem>> -> memref<80x128xf32, #tpu.memory_space<vmem>>
      %dma_wait3A_141 = arith.constant 0 : i32
      %dma_wait3A_142 = tpu.memref_slice %arg6[%add3A_121, %dma_wait3A_141] : memref<10240x128xf32, #tpu.memory_space<vmem_shared>> -> memref<80x128xf32, #tpu.memory_space<vmem_shared>>
      %dma_wait3A_143 = arith.constant 0 : i32
      %dma_wait3A_144 = arith.constant 0 : i32
      %dma_wait3A_145 = tpu.memref_slice %arg12[%dma_wait3A_143, %dma_wait3A_144] : memref<112x128xf32, #tpu.memory_space<vmem>> -> memref<80x128xf32, #tpu.memory_space<vmem>>
      %dma_wait3A_146 = arith.constant 0 : i32
      %dma_wait3A_147 = tpu.memref_slice %arg6[%add3A_121, %dma_wait3A_146] : memref<10240x128xf32, #tpu.memory_space<vmem_shared>> -> memref<80x128xf32, #tpu.memory_space<vmem_shared>>
      tpu.wait_dma2 semaphore(%run_scoped3A : memref<!tpu.dma_semaphore, #tpu.memory_space<semaphore_mem>>) src(%dma_wait3A_147 : memref<80x128xf32, #tpu.memory_space<vmem_shared>>) dst(%dma_wait3A_145 : memref<80x128xf32, #tpu.memory_space<vmem>>)
      tpu.yield
    }) : () -> ()
    %add3A_122 = arith.constant 480 : i32
    %add3A_123 = arith.addi %add3A_95, %add3A_122 : i32
    "tpu.region"() ({
      %run_scoped3A = tpu.sem_alloc : memref<!tpu.dma_semaphore, #tpu.memory_space<semaphore_mem>>
      %dma_start3A_128 = arith.constant 0 : i32
      %dma_start3A_129 = arith.constant 0 : i32
      %dma_start3A_130 = tpu.memref_slice %arg12[%dma_start3A_128, %dma_start3A_129] : memref<112x128xf32, #tpu.memory_space<vmem>> -> memref<80x128xf32, #tpu.memory_space<vmem>>
      %dma_start3A_131 = arith.constant 0 : i32
      %dma_start3A_132 = tpu.memref_slice %arg5[%add3A_123, %dma_start3A_131] : memref<20480x128xf32, #tpu.memory_space<hbm>> -> memref<80x128xf32, #tpu.memory_space<hbm>>
      %dma_start3A_133 = arith.constant 0 : i32
      %dma_start3A_134 = tpu.memref_slice %arg5[%add3A_123, %dma_start3A_133] : memref<20480x128xf32, #tpu.memory_space<hbm>> -> memref<80x128xf32, #tpu.memory_space<hbm>>
      %dma_start3A_135 = arith.constant 0 : i32
      %dma_start3A_136 = arith.constant 0 : i32
      %dma_start3A_137 = tpu.memref_slice %arg12[%dma_start3A_135, %dma_start3A_136] : memref<112x128xf32, #tpu.memory_space<vmem>> -> memref<80x128xf32, #tpu.memory_space<vmem>>
      tpu.enqueue_dma source(%dma_start3A_137 : memref<80x128xf32, #tpu.memory_space<vmem>>) target(%dma_start3A_134 : memref<80x128xf32, #tpu.memory_space<hbm>>) target_semaphore(%run_scoped3A : memref<!tpu.dma_semaphore, #tpu.memory_space<semaphore_mem>>)
      %dma_wait3A_138 = arith.constant 0 : i32
      %dma_wait3A_139 = arith.constant 0 : i32
      %dma_wait3A_140 = tpu.memref_slice %arg12[%dma_wait3A_138, %dma_wait3A_139] : memref<112x128xf32, #tpu.memory_space<vmem>> -> memref<80x128xf32, #tpu.memory_space<vmem>>
      %dma_wait3A_141 = arith.constant 0 : i32
      %dma_wait3A_142 = tpu.memref_slice %arg5[%add3A_123, %dma_wait3A_141] : memref<20480x128xf32, #tpu.memory_space<hbm>> -> memref<80x128xf32, #tpu.memory_space<hbm>>
      %dma_wait3A_143 = arith.constant 0 : i32
      %dma_wait3A_144 = tpu.memref_slice %arg5[%add3A_123, %dma_wait3A_143] : memref<20480x128xf32, #tpu.memory_space<hbm>> -> memref<80x128xf32, #tpu.memory_space<hbm>>
      %dma_wait3A_145 = arith.constant 0 : i32
      %dma_wait3A_146 = arith.constant 0 : i32
      %dma_wait3A_147 = tpu.memref_slice %arg12[%dma_wait3A_145, %dma_wait3A_146] : memref<112x128xf32, #tpu.memory_space<vmem>> -> memref<80x128xf32, #tpu.memory_space<vmem>>
      tpu.wait_dma2 semaphore(%run_scoped3A : memref<!tpu.dma_semaphore, #tpu.memory_space<semaphore_mem>>) src(%dma_wait3A_147 : memref<80x128xf32, #tpu.memory_space<vmem>>) dst(%dma_wait3A_144 : memref<80x128xf32, #tpu.memory_space<hbm>>)
      tpu.yield
    }) : () -> ()
    %add3A_124 = arith.constant 560 : i32
    %add3A_125 = arith.addi %mul3A_0, %add3A_124 : i32
    "tpu.region"() ({
      %run_scoped3A = tpu.sem_alloc : memref<!tpu.dma_semaphore, #tpu.memory_space<semaphore_mem>>
      %dma_start3A_128 = arith.constant 0 : i32
      %dma_start3A_129 = arith.constant 0 : i32
      %dma_start3A_130 = tpu.memref_slice %arg12[%dma_start3A_128, %dma_start3A_129] : memref<112x128xf32, #tpu.memory_space<vmem>> -> memref<80x128xf32, #tpu.memory_space<vmem>>
      %dma_start3A_131 = arith.constant 0 : i32
      %dma_start3A_132 = tpu.memref_slice %arg6[%add3A_125, %dma_start3A_131] : memref<10240x128xf32, #tpu.memory_space<vmem_shared>> -> memref<80x128xf32, #tpu.memory_space<vmem_shared>>
      %dma_start3A_133 = arith.constant 0 : i32
      %dma_start3A_134 = arith.constant 0 : i32
      %dma_start3A_135 = tpu.memref_slice %arg12[%dma_start3A_133, %dma_start3A_134] : memref<112x128xf32, #tpu.memory_space<vmem>> -> memref<80x128xf32, #tpu.memory_space<vmem>>
      %dma_start3A_136 = arith.constant 0 : i32
      %dma_start3A_137 = tpu.memref_slice %arg6[%add3A_125, %dma_start3A_136] : memref<10240x128xf32, #tpu.memory_space<vmem_shared>> -> memref<80x128xf32, #tpu.memory_space<vmem_shared>>
      tpu.enqueue_dma source(%dma_start3A_137 : memref<80x128xf32, #tpu.memory_space<vmem_shared>>) target(%dma_start3A_135 : memref<80x128xf32, #tpu.memory_space<vmem>>) target_semaphore(%run_scoped3A : memref<!tpu.dma_semaphore, #tpu.memory_space<semaphore_mem>>)
      %dma_wait3A_138 = arith.constant 0 : i32
      %dma_wait3A_139 = arith.constant 0 : i32
      %dma_wait3A_140 = tpu.memref_slice %arg12[%dma_wait3A_138, %dma_wait3A_139] : memref<112x128xf32, #tpu.memory_space<vmem>> -> memref<80x128xf32, #tpu.memory_space<vmem>>
      %dma_wait3A_141 = arith.constant 0 : i32
      %dma_wait3A_142 = tpu.memref_slice %arg6[%add3A_125, %dma_wait3A_141] : memref<10240x128xf32, #tpu.memory_space<vmem_shared>> -> memref<80x128xf32, #tpu.memory_space<vmem_shared>>
      %dma_wait3A_143 = arith.constant 0 : i32
      %dma_wait3A_144 = arith.constant 0 : i32
      %dma_wait3A_145 = tpu.memref_slice %arg12[%dma_wait3A_143, %dma_wait3A_144] : memref<112x128xf32, #tpu.memory_space<vmem>> -> memref<80x128xf32, #tpu.memory_space<vmem>>
      %dma_wait3A_146 = arith.constant 0 : i32
      %dma_wait3A_147 = tpu.memref_slice %arg6[%add3A_125, %dma_wait3A_146] : memref<10240x128xf32, #tpu.memory_space<vmem_shared>> -> memref<80x128xf32, #tpu.memory_space<vmem_shared>>
      tpu.wait_dma2 semaphore(%run_scoped3A : memref<!tpu.dma_semaphore, #tpu.memory_space<semaphore_mem>>) src(%dma_wait3A_147 : memref<80x128xf32, #tpu.memory_space<vmem_shared>>) dst(%dma_wait3A_145 : memref<80x128xf32, #tpu.memory_space<vmem>>)
      tpu.yield
    }) : () -> ()
    %add3A_126 = arith.constant 560 : i32
    %add3A_127 = arith.addi %add3A_95, %add3A_126 : i32
    "tpu.region"() ({
      %run_scoped3A = tpu.sem_alloc : memref<!tpu.dma_semaphore, #tpu.memory_space<semaphore_mem>>
      %dma_start3A_128 = arith.constant 0 : i32
      %dma_start3A_129 = arith.constant 0 : i32
      %dma_start3A_130 = tpu.memref_slice %arg12[%dma_start3A_128, %dma_start3A_129] : memref<112x128xf32, #tpu.memory_space<vmem>> -> memref<80x128xf32, #tpu.memory_space<vmem>>
      %dma_start3A_131 = arith.constant 0 : i32
      %dma_start3A_132 = tpu.memref_slice %arg5[%add3A_127, %dma_start3A_131] : memref<20480x128xf32, #tpu.memory_space<hbm>> -> memref<80x128xf32, #tpu.memory_space<hbm>>
      %dma_start3A_133 = arith.constant 0 : i32
      %dma_start3A_134 = tpu.memref_slice %arg5[%add3A_127, %dma_start3A_133] : memref<20480x128xf32, #tpu.memory_space<hbm>> -> memref<80x128xf32, #tpu.memory_space<hbm>>
      %dma_start3A_135 = arith.constant 0 : i32
      %dma_start3A_136 = arith.constant 0 : i32
      %dma_start3A_137 = tpu.memref_slice %arg12[%dma_start3A_135, %dma_start3A_136] : memref<112x128xf32, #tpu.memory_space<vmem>> -> memref<80x128xf32, #tpu.memory_space<vmem>>
      tpu.enqueue_dma source(%dma_start3A_137 : memref<80x128xf32, #tpu.memory_space<vmem>>) target(%dma_start3A_134 : memref<80x128xf32, #tpu.memory_space<hbm>>) target_semaphore(%run_scoped3A : memref<!tpu.dma_semaphore, #tpu.memory_space<semaphore_mem>>)
      %dma_wait3A_138 = arith.constant 0 : i32
      %dma_wait3A_139 = arith.constant 0 : i32
      %dma_wait3A_140 = tpu.memref_slice %arg12[%dma_wait3A_138, %dma_wait3A_139] : memref<112x128xf32, #tpu.memory_space<vmem>> -> memref<80x128xf32, #tpu.memory_space<vmem>>
      %dma_wait3A_141 = arith.constant 0 : i32
      %dma_wait3A_142 = tpu.memref_slice %arg5[%add3A_127, %dma_wait3A_141] : memref<20480x128xf32, #tpu.memory_space<hbm>> -> memref<80x128xf32, #tpu.memory_space<hbm>>
      %dma_wait3A_143 = arith.constant 0 : i32
      %dma_wait3A_144 = tpu.memref_slice %arg5[%add3A_127, %dma_wait3A_143] : memref<20480x128xf32, #tpu.memory_space<hbm>> -> memref<80x128xf32, #tpu.memory_space<hbm>>
      %dma_wait3A_145 = arith.constant 0 : i32
      %dma_wait3A_146 = arith.constant 0 : i32
      %dma_wait3A_147 = tpu.memref_slice %arg12[%dma_wait3A_145, %dma_wait3A_146] : memref<112x128xf32, #tpu.memory_space<vmem>> -> memref<80x128xf32, #tpu.memory_space<vmem>>
      tpu.wait_dma2 semaphore(%run_scoped3A : memref<!tpu.dma_semaphore, #tpu.memory_space<semaphore_mem>>) src(%dma_wait3A_147 : memref<80x128xf32, #tpu.memory_space<vmem>>) dst(%dma_wait3A_144 : memref<80x128xf32, #tpu.memory_space<hbm>>)
      tpu.yield
    }) : () -> ()
    return
  }
}

module attributes {stable_mosaic.version = 14 : i64} {
  func.func @_l0_body(%arg0: i32, %arg1: memref<2x400x128xf32, #tpu.memory_space<vmem>>, %arg2: memref<1x2x400xf32, #tpu.memory_space<vmem>>, %arg3: memref<400x128xf32, #tpu.memory_space<vmem>>, %arg4: memref<128x128xf32, #tpu.memory_space<vmem>>, %arg5: memref<128x128xf32, #tpu.memory_space<vmem>>, %arg6: memref<1x128xf32, #tpu.memory_space<vmem>>, %arg7: memref<400x128xf32, #tpu.memory_space<vmem>>) attributes {dimension_semantics = [#tpu.dimension_semantics<arbitrary>], iteration_bounds = array<i64: 25>, scalar_prefetch = 0 : i64, scratch_operands = 0 : i64, tpu.core_type = #tpu.core_type<tc>, window_params = [{transform_indices = @transform_0, window_bounds = array<i64: 2, 400, 128>}, {transform_indices = @transform_1, window_bounds = array<i64: 1, 2, 400>}, {transform_indices = @transform_2, window_bounds = array<i64: 400, 128>}, {pipeline_mode = #tpu.pipeline_mode<synchronous>, transform_indices = @transform_3, window_bounds = array<i64: 128, 128>}, {pipeline_mode = #tpu.pipeline_mode<synchronous>, transform_indices = @transform_4, window_bounds = array<i64: 128, 128>}, {pipeline_mode = #tpu.pipeline_mode<synchronous>, transform_indices = @transform_5, window_bounds = array<i64: 1, 128>}, {transform_indices = @transform_6, window_bounds = array<i64: 400, 128>}]} {
    %get3A = arith.constant 0 : index
    %get3A_0 = arith.constant 0 : index
    %get3A_1 = arith.constant 0 : index
    %get3A_2 = vector.load %arg1[%get3A, %get3A_0, %get3A_1] : memref<2x400x128xf32, #tpu.memory_space<vmem>>, vector<1x400x128xf32>
    %get3A_3 = vector.shape_cast %get3A_2 : vector<1x400x128xf32> to vector<400x128xf32>
    %get3A_4 = arith.constant 1 : index
    %get3A_5 = arith.constant 0 : index
    %get3A_6 = arith.constant 0 : index
    %get3A_7 = vector.load %arg1[%get3A_4, %get3A_5, %get3A_6] : memref<2x400x128xf32, #tpu.memory_space<vmem>>, vector<1x400x128xf32>
    %get3A_8 = vector.shape_cast %get3A_7 : vector<1x400x128xf32> to vector<400x128xf32>
    %add3A = arith.addf %get3A_3, %get3A_8 : vector<400x128xf32>
    %get3A_9 = arith.constant 0 : index
    %get3A_10 = arith.constant 0 : index
    %get3A_11 = arith.constant 0 : index
    %get3A_12 = vector.load %arg2[%get3A_9, %get3A_10, %get3A_11] : memref<1x2x400xf32, #tpu.memory_space<vmem>>, vector<1x1x400xf32>
    %get3A_13 = vector.shape_cast %get3A_12 : vector<1x1x400xf32> to vector<400xf32>
    %get3A_14 = arith.constant 0 : index
    %get3A_15 = arith.constant 1 : index
    %get3A_16 = arith.constant 0 : index
    %get3A_17 = vector.load %arg2[%get3A_14, %get3A_15, %get3A_16] : memref<1x2x400xf32, #tpu.memory_space<vmem>>, vector<1x1x400xf32>
    %get3A_18 = vector.shape_cast %get3A_17 : vector<1x1x400xf32> to vector<400xf32>
    %add3A_19 = arith.addf %get3A_13, %get3A_18 : vector<400xf32>
    %max3A = arith.constant 1.000000e+00 : f32
    %max3A_20 = vector.broadcast %max3A : f32 to vector<400xf32>
    %max3A_21 = arith.maximumf %add3A_19, %max3A_20 : vector<400xf32>
    %div3A = arith.constant 1.000000e+00 : f32
    %div3A_22 = vector.broadcast %div3A : f32 to vector<400xf32>
    %div3A_23 = arith.divf %div3A_22, %max3A_21 : vector<400xf32>
    %broadcast_in_dim3A = vector.shape_cast %div3A_23 : vector<400xf32> to vector<400x1xf32>
    %mul3A = vector.broadcast %broadcast_in_dim3A : vector<400x1xf32> to vector<400x128xf32>
    %mul3A_24 = arith.mulf %add3A, %mul3A : vector<400x128xf32>
    %get3A_25 = arith.constant 0 : index
    %get3A_26 = arith.constant 0 : index
    %get3A_27 = vector.load %arg4[%get3A_25, %get3A_26] : memref<128x128xf32, #tpu.memory_space<vmem>>, vector<128x128xf32>
    %dot_general3A = arith.constant dense<0.000000e+00> : vector<400x128xf32>
    %dot_general3A_28 = tpu.matmul %mul3A_24, %get3A_27, %dot_general3A {dimension_numbers = #tpu.dot_dimension_numbers<[1], [0], [0], [1], [0, 0, 1, 1], [], []>, transpose_lhs_hint = false} : vector<400x128xf32>, vector<128x128xf32>, vector<400x128xf32> -> vector<400x128xf32>
    %get3A_29 = arith.constant 0 : index
    %get3A_30 = arith.constant 0 : index
    %get3A_31 = vector.load %arg6[%get3A_29, %get3A_30] : memref<1x128xf32, #tpu.memory_space<vmem>>, vector<1x128xf32>
    %add3A_32 = vector.broadcast %get3A_31 : vector<1x128xf32> to vector<400x128xf32>
    %add3A_33 = arith.addf %dot_general3A_28, %add3A_32 : vector<400x128xf32>
    %get3A_34 = arith.constant 0 : index
    %get3A_35 = arith.constant 0 : index
    %get3A_36 = vector.load %arg3[%get3A_34, %get3A_35] : memref<400x128xf32, #tpu.memory_space<vmem>>, vector<400x128xf32>
    %get3A_37 = arith.constant 0 : index
    %get3A_38 = arith.constant 0 : index
    %get3A_39 = vector.load %arg5[%get3A_37, %get3A_38] : memref<128x128xf32, #tpu.memory_space<vmem>>, vector<128x128xf32>
    %dot_general3A_40 = arith.constant dense<0.000000e+00> : vector<400x128xf32>
    %dot_general3A_41 = tpu.matmul %get3A_36, %get3A_39, %dot_general3A_40 {dimension_numbers = #tpu.dot_dimension_numbers<[1], [0], [0], [1], [0, 0, 1, 1], [], []>, transpose_lhs_hint = false} : vector<400x128xf32>, vector<128x128xf32>, vector<400x128xf32> -> vector<400x128xf32>
    %add3A_42 = arith.addf %add3A_33, %dot_general3A_41 : vector<400x128xf32>
    %max3A_43 = arith.constant 0.000000e+00 : f32
    %max3A_44 = vector.broadcast %max3A_43 : f32 to vector<400x128xf32>
    %max3A_45 = arith.maximumf %add3A_42, %max3A_44 : vector<400x128xf32>
    %swap3A = arith.constant 0 : index
    %swap3A_46 = arith.constant 0 : index
    %swap3A_47 = vector.load %arg7[%swap3A, %swap3A_46] : memref<400x128xf32, #tpu.memory_space<vmem>>, vector<400x128xf32>
    tpu.vector_store %arg7[%swap3A, %swap3A_46], %max3A_45 {strides = array<i32>} : memref<400x128xf32, #tpu.memory_space<vmem>>, vector<400x128xf32>,
    return
  }
  func.func @transform_0(%arg0: i32) -> (i32, i32, i32) {
    %c0_i32 = arith.constant 0 : i32
    %c0_i32_0 = arith.constant 0 : i32
    %c0_i32_1 = arith.constant 0 : i32
    return %c0_i32, %arg0, %c0_i32_0 : i32, i32, i32
  }
  func.func @transform_1(%arg0: i32) -> (i32, i32, i32) {
    %c0_i32 = arith.constant 0 : i32
    %c0_i32_0 = arith.constant 0 : i32
    %c0_i32_1 = arith.constant 0 : i32
    return %arg0, %c0_i32, %c0_i32_0 : i32, i32, i32
  }
  func.func @transform_2(%arg0: i32) -> (i32, i32) {
    %c0_i32 = arith.constant 0 : i32
    %c0_i32_0 = arith.constant 0 : i32
    return %arg0, %c0_i32 : i32, i32
  }
  func.func @transform_3(%arg0: i32) -> (i32, i32) {
    %c0_i32 = arith.constant 0 : i32
    %c0_i32_0 = arith.constant 0 : i32
    %c0_i32_1 = arith.constant 0 : i32
    return %c0_i32, %c0_i32_0 : i32, i32
  }
  func.func @transform_4(%arg0: i32) -> (i32, i32) {
    %c0_i32 = arith.constant 0 : i32
    %c0_i32_0 = arith.constant 0 : i32
    %c0_i32_1 = arith.constant 0 : i32
    return %c0_i32, %c0_i32_0 : i32, i32
  }
  func.func @transform_5(%arg0: i32) -> (i32, i32) {
    %c0_i32 = arith.constant 0 : i32
    %c0_i32_0 = arith.constant 0 : i32
    %c0_i32_1 = arith.constant 0 : i32
    return %c0_i32, %c0_i32_0 : i32, i32
  }
  func.func @transform_6(%arg0: i32) -> (i32, i32) {
    %c0_i32 = arith.constant 0 : i32
    %c0_i32_0 = arith.constant 0 : i32
    return %arg0, %c0_i32 : i32, i32
  }
}

module attributes {stable_mosaic.version = 14 : i64} {
  func.func @_l1_body(%arg0: i32, %arg1: memref<2x400x128xf32, #tpu.memory_space<vmem>>, %arg2: memref<1x2x400xf32, #tpu.memory_space<vmem>>, %arg3: memref<400x128xf32, #tpu.memory_space<vmem>>, %arg4: memref<128x128xf32, #tpu.memory_space<vmem>>, %arg5: memref<128x128xf32, #tpu.memory_space<vmem>>, %arg6: memref<1x128xf32, #tpu.memory_space<vmem>>, %arg7: memref<128x128xf32, #tpu.memory_space<vmem>>, %arg8: memref<1x128xf32, #tpu.memory_space<vmem>>, %arg9: memref<128x16xf32, #tpu.memory_space<vmem>>, %arg10: memref<1x16xf32, #tpu.memory_space<vmem>>, %arg11: memref<1x16xf32, #tpu.memory_space<vmem>>, %arg12: memref<1x128xf32, #tpu.memory_space<vmem>>) attributes {dimension_semantics = [#tpu.dimension_semantics<arbitrary>], iteration_bounds = array<i64: 25>, scalar_prefetch = 0 : i64, scratch_operands = 1 : i64, tpu.core_type = #tpu.core_type<tc>, window_params = [{transform_indices = @transform_0, window_bounds = array<i64: 2, 400, 128>}, {transform_indices = @transform_1, window_bounds = array<i64: 1, 2, 400>}, {transform_indices = @transform_2, window_bounds = array<i64: 400, 128>}, {pipeline_mode = #tpu.pipeline_mode<synchronous>, transform_indices = @transform_3, window_bounds = array<i64: 128, 128>}, {pipeline_mode = #tpu.pipeline_mode<synchronous>, transform_indices = @transform_4, window_bounds = array<i64: 128, 128>}, {pipeline_mode = #tpu.pipeline_mode<synchronous>, transform_indices = @transform_5, window_bounds = array<i64: 1, 128>}, {pipeline_mode = #tpu.pipeline_mode<synchronous>, transform_indices = @transform_6, window_bounds = array<i64: 128, 128>}, {pipeline_mode = #tpu.pipeline_mode<synchronous>, transform_indices = @transform_7, window_bounds = array<i64: 1, 128>}, {pipeline_mode = #tpu.pipeline_mode<synchronous>, transform_indices = @transform_8, window_bounds = array<i64: 128, 16>}, {pipeline_mode = #tpu.pipeline_mode<synchronous>, transform_indices = @transform_9, window_bounds = array<i64: 1, 16>}, {pipeline_mode = #tpu.pipeline_mode<synchronous>, transform_indices = @transform_10, window_bounds = array<i64: 1, 16>}]} {
    %get3A = arith.constant 0 : index
    %get3A_0 = arith.constant 0 : index
    %get3A_1 = arith.constant 0 : index
    %get3A_2 = vector.load %arg1[%get3A, %get3A_0, %get3A_1] : memref<2x400x128xf32, #tpu.memory_space<vmem>>, vector<1x400x128xf32>
    %get3A_3 = vector.shape_cast %get3A_2 : vector<1x400x128xf32> to vector<400x128xf32>
    %get3A_4 = arith.constant 1 : index
    %get3A_5 = arith.constant 0 : index
    %get3A_6 = arith.constant 0 : index
    %get3A_7 = vector.load %arg1[%get3A_4, %get3A_5, %get3A_6] : memref<2x400x128xf32, #tpu.memory_space<vmem>>, vector<1x400x128xf32>
    %get3A_8 = vector.shape_cast %get3A_7 : vector<1x400x128xf32> to vector<400x128xf32>
    %add3A = arith.addf %get3A_3, %get3A_8 : vector<400x128xf32>
    %get3A_9 = arith.constant 0 : index
    %get3A_10 = arith.constant 0 : index
    %get3A_11 = arith.constant 0 : index
    %get3A_12 = vector.load %arg2[%get3A_9, %get3A_10, %get3A_11] : memref<1x2x400xf32, #tpu.memory_space<vmem>>, vector<1x1x400xf32>
    %get3A_13 = vector.shape_cast %get3A_12 : vector<1x1x400xf32> to vector<400xf32>
    %get3A_14 = arith.constant 0 : index
    %get3A_15 = arith.constant 1 : index
    %get3A_16 = arith.constant 0 : index
    %get3A_17 = vector.load %arg2[%get3A_14, %get3A_15, %get3A_16] : memref<1x2x400xf32, #tpu.memory_space<vmem>>, vector<1x1x400xf32>
    %get3A_18 = vector.shape_cast %get3A_17 : vector<1x1x400xf32> to vector<400xf32>
    %add3A_19 = arith.addf %get3A_13, %get3A_18 : vector<400xf32>
    %max3A = arith.constant 1.000000e+00 : f32
    %max3A_20 = vector.broadcast %max3A : f32 to vector<400xf32>
    %max3A_21 = arith.maximumf %add3A_19, %max3A_20 : vector<400xf32>
    %div3A = arith.constant 1.000000e+00 : f32
    %div3A_22 = vector.broadcast %div3A : f32 to vector<400xf32>
    %div3A_23 = arith.divf %div3A_22, %max3A_21 : vector<400xf32>
    %broadcast_in_dim3A = vector.shape_cast %div3A_23 : vector<400xf32> to vector<400x1xf32>
    %mul3A = vector.broadcast %broadcast_in_dim3A : vector<400x1xf32> to vector<400x128xf32>
    %mul3A_24 = arith.mulf %add3A, %mul3A : vector<400x128xf32>
    %get3A_25 = arith.constant 0 : index
    %get3A_26 = arith.constant 0 : index
    %get3A_27 = vector.load %arg4[%get3A_25, %get3A_26] : memref<128x128xf32, #tpu.memory_space<vmem>>, vector<128x128xf32>
    %dot_general3A = arith.constant dense<0.000000e+00> : vector<400x128xf32>
    %dot_general3A_28 = tpu.matmul %mul3A_24, %get3A_27, %dot_general3A {dimension_numbers = #tpu.dot_dimension_numbers<[1], [0], [0], [1], [0, 0, 1, 1], [], []>, transpose_lhs_hint = false} : vector<400x128xf32>, vector<128x128xf32>, vector<400x128xf32> -> vector<400x128xf32>
    %get3A_29 = arith.constant 0 : index
    %get3A_30 = arith.constant 0 : index
    %get3A_31 = vector.load %arg6[%get3A_29, %get3A_30] : memref<1x128xf32, #tpu.memory_space<vmem>>, vector<1x128xf32>
    %add3A_32 = vector.broadcast %get3A_31 : vector<1x128xf32> to vector<400x128xf32>
    %add3A_33 = arith.addf %dot_general3A_28, %add3A_32 : vector<400x128xf32>
    %get3A_34 = arith.constant 0 : index
    %get3A_35 = arith.constant 0 : index
    %get3A_36 = vector.load %arg3[%get3A_34, %get3A_35] : memref<400x128xf32, #tpu.memory_space<vmem>>, vector<400x128xf32>
    %get3A_37 = arith.constant 0 : index
    %get3A_38 = arith.constant 0 : index
    %get3A_39 = vector.load %arg5[%get3A_37, %get3A_38] : memref<128x128xf32, #tpu.memory_space<vmem>>, vector<128x128xf32>
    %dot_general3A_40 = arith.constant dense<0.000000e+00> : vector<400x128xf32>
    %dot_general3A_41 = tpu.matmul %get3A_36, %get3A_39, %dot_general3A_40 {dimension_numbers = #tpu.dot_dimension_numbers<[1], [0], [0], [1], [0, 0, 1, 1], [], []>, transpose_lhs_hint = false} : vector<400x128xf32>, vector<128x128xf32>, vector<400x128xf32> -> vector<400x128xf32>
    %add3A_42 = arith.addf %add3A_33, %dot_general3A_41 : vector<400x128xf32>
    %max3A_43 = arith.constant 0.000000e+00 : f32
    %max3A_44 = vector.broadcast %max3A_43 : f32 to vector<400x128xf32>
    %max3A_45 = arith.maximumf %add3A_42, %max3A_44 : vector<400x128xf32>
    %reduce_sum3A = arith.constant dense<0.000000e+00> : vector<128xf32>
    %reduce_sum3A_46 = vector.multi_reduction <add>, %max3A_45, %reduce_sum3A [0] : vector<400x128xf32> to vector<128xf32>
    %broadcast_in_dim3A_47 = vector.shape_cast %reduce_sum3A_46 : vector<128xf32> to vector<1x128xf32>
    %eq3A = arith.constant 0 : i32
    %eq3A_48 = arith.cmpi eq, %arg0, %eq3A : i32
    %convert_element_type3A = arith.extui %eq3A_48 : i1 to i32
    %cond3A = arith.constant 0 : i32
    %cond3A_49 = arith.cmpi ne, %convert_element_type3A, %cond3A : i32
    scf.if %cond3A_49 {
      %swap3A_83 = arith.constant 0 : index
      %swap3A_84 = arith.constant 0 : index
      %swap3A_85 = vector.load %arg12[%swap3A_83, %swap3A_84] : memref<1x128xf32, #tpu.memory_space<vmem>>, vector<1x128xf32>
      tpu.vector_store %arg12[%swap3A_83, %swap3A_84], %broadcast_in_dim3A_47 {strides = array<i32>} : memref<1x128xf32, #tpu.memory_space<vmem>>, vector<1x128xf32>,
    } else {
    }
    %gt3A = arith.constant 0 : i32
    %gt3A_50 = arith.cmpi sgt, %arg0, %gt3A : i32
    %convert_element_type3A_51 = arith.extui %gt3A_50 : i1 to i32
    %cond3A_52 = arith.constant 0 : i32
    %cond3A_53 = arith.cmpi ne, %convert_element_type3A_51, %cond3A_52 : i32
    scf.if %cond3A_53 {
      %get3A_83 = arith.constant 0 : index
      %get3A_84 = arith.constant 0 : index
      %get3A_85 = vector.load %arg12[%get3A_83, %get3A_84] : memref<1x128xf32, #tpu.memory_space<vmem>>, vector<1x128xf32>
      %add3A_86 = arith.addf %get3A_85, %broadcast_in_dim3A_47 : vector<1x128xf32>
      %swap3A_87 = arith.constant 0 : index
      %swap3A_88 = arith.constant 0 : index
      %swap3A_89 = vector.load %arg12[%swap3A_87, %swap3A_88] : memref<1x128xf32, #tpu.memory_space<vmem>>, vector<1x128xf32>
      tpu.vector_store %arg12[%swap3A_87, %swap3A_88], %add3A_86 {strides = array<i32>} : memref<1x128xf32, #tpu.memory_space<vmem>>, vector<1x128xf32>,
    } else {
    }
    %get3A_54 = arith.constant 0 : index
    %get3A_55 = arith.constant 0 : index
    %get3A_56 = vector.load %arg12[%get3A_54, %get3A_55] : memref<1x128xf32, #tpu.memory_space<vmem>>, vector<1x128xf32>
    %mul3A_57 = arith.constant 9.99999974E-5 : f32
    %mul3A_58 = vector.broadcast %mul3A_57 : f32 to vector<1x128xf32>
    %mul3A_59 = arith.mulf %get3A_56, %mul3A_58 : vector<1x128xf32>
    %get3A_60 = arith.constant 0 : index
    %get3A_61 = arith.constant 0 : index
    %get3A_62 = vector.load %arg7[%get3A_60, %get3A_61] : memref<128x128xf32, #tpu.memory_space<vmem>>, vector<128x128xf32>
    %dot_general3A_63 = arith.constant dense<0.000000e+00> : vector<1x128xf32>
    %dot_general3A_64 = tpu.matmul %mul3A_59, %get3A_62, %dot_general3A_63 {dimension_numbers = #tpu.dot_dimension_numbers<[1], [0], [0], [1], [0, 0, 1, 1], [], []>, transpose_lhs_hint = false} : vector<1x128xf32>, vector<128x128xf32>, vector<1x128xf32> -> vector<1x128xf32>
    %get3A_65 = arith.constant 0 : index
    %get3A_66 = arith.constant 0 : index
    %get3A_67 = vector.load %arg8[%get3A_65, %get3A_66] : memref<1x128xf32, #tpu.memory_space<vmem>>, vector<1x128xf32>
    %add3A_68 = arith.addf %dot_general3A_64, %get3A_67 : vector<1x128xf32>
    %max3A_69 = arith.constant 0.000000e+00 : f32
    %max3A_70 = vector.broadcast %max3A_69 : f32 to vector<1x128xf32>
    %max3A_71 = arith.maximumf %add3A_68, %max3A_70 : vector<1x128xf32>
    %get3A_72 = arith.constant 0 : index
    %get3A_73 = arith.constant 0 : index
    %get3A_74 = vector.load %arg9[%get3A_72, %get3A_73] : memref<128x16xf32, #tpu.memory_space<vmem>>, vector<128x16xf32>
    %dot_general3A_75 = arith.constant dense<0.000000e+00> : vector<1x16xf32>
    %dot_general3A_76 = tpu.matmul %max3A_71, %get3A_74, %dot_general3A_75 {dimension_numbers = #tpu.dot_dimension_numbers<[1], [0], [0], [1], [0, 0, 1, 1], [], []>, transpose_lhs_hint = false} : vector<1x128xf32>, vector<128x16xf32>, vector<1x16xf32> -> vector<1x16xf32>
    %get3A_77 = arith.constant 0 : index
    %get3A_78 = arith.constant 0 : index
    %get3A_79 = vector.load %arg10[%get3A_77, %get3A_78] : memref<1x16xf32, #tpu.memory_space<vmem>>, vector<1x16xf32>
    %add3A_80 = arith.addf %dot_general3A_76, %get3A_79 : vector<1x16xf32>
    %swap3A = arith.constant 0 : index
    %swap3A_81 = arith.constant 0 : index
    %swap3A_82 = vector.load %arg11[%swap3A, %swap3A_81] : memref<1x16xf32, #tpu.memory_space<vmem>>, vector<1x16xf32>
    tpu.vector_store %arg11[%swap3A, %swap3A_81], %add3A_80 {strides = array<i32>} : memref<1x16xf32, #tpu.memory_space<vmem>>, vector<1x16xf32>,
    return
  }
  func.func @transform_0(%arg0: i32) -> (i32, i32, i32) {
    %c0_i32 = arith.constant 0 : i32
    %c0_i32_0 = arith.constant 0 : i32
    %c0_i32_1 = arith.constant 0 : i32
    return %c0_i32, %arg0, %c0_i32_0 : i32, i32, i32
  }
  func.func @transform_1(%arg0: i32) -> (i32, i32, i32) {
    %c0_i32 = arith.constant 0 : i32
    %c0_i32_0 = arith.constant 0 : i32
    %c0_i32_1 = arith.constant 0 : i32
    return %arg0, %c0_i32, %c0_i32_0 : i32, i32, i32
  }
  func.func @transform_2(%arg0: i32) -> (i32, i32) {
    %c0_i32 = arith.constant 0 : i32
    %c0_i32_0 = arith.constant 0 : i32
    return %arg0, %c0_i32 : i32, i32
  }
  func.func @transform_3(%arg0: i32) -> (i32, i32) {
    %c0_i32 = arith.constant 0 : i32
    %c0_i32_0 = arith.constant 0 : i32
    %c0_i32_1 = arith.constant 0 : i32
    return %c0_i32, %c0_i32_0 : i32, i32
  }
  func.func @transform_4(%arg0: i32) -> (i32, i32) {
    %c0_i32 = arith.constant 0 : i32
    %c0_i32_0 = arith.constant 0 : i32
    %c0_i32_1 = arith.constant 0 : i32
    return %c0_i32, %c0_i32_0 : i32, i32
  }
  func.func @transform_5(%arg0: i32) -> (i32, i32) {
    %c0_i32 = arith.constant 0 : i32
    %c0_i32_0 = arith.constant 0 : i32
    %c0_i32_1 = arith.constant 0 : i32
    return %c0_i32, %c0_i32_0 : i32, i32
  }
  func.func @transform_6(%arg0: i32) -> (i32, i32) {
    %c0_i32 = arith.constant 0 : i32
    %c0_i32_0 = arith.constant 0 : i32
    %c0_i32_1 = arith.constant 0 : i32
    return %c0_i32, %c0_i32_0 : i32, i32
  }
  func.func @transform_7(%arg0: i32) -> (i32, i32) {
    %c0_i32 = arith.constant 0 : i32
    %c0_i32_0 = arith.constant 0 : i32
    %c0_i32_1 = arith.constant 0 : i32
    return %c0_i32, %c0_i32_0 : i32, i32
  }
  func.func @transform_8(%arg0: i32) -> (i32, i32) {
    %c0_i32 = arith.constant 0 : i32
    %c0_i32_0 = arith.constant 0 : i32
    %c0_i32_1 = arith.constant 0 : i32
    return %c0_i32, %c0_i32_0 : i32, i32
  }
  func.func @transform_9(%arg0: i32) -> (i32, i32) {
    %c0_i32 = arith.constant 0 : i32
    %c0_i32_0 = arith.constant 0 : i32
    %c0_i32_1 = arith.constant 0 : i32
    return %c0_i32, %c0_i32_0 : i32, i32
  }
  func.func @transform_10(%arg0: i32) -> (i32, i32) {
    %c0_i32 = arith.constant 0 : i32
    %c0_i32_0 = arith.constant 0 : i32
    %c0_i32_1 = arith.constant 0 : i32
    return %c0_i32, %c0_i32_0 : i32, i32
  }
}

</mosaic_0001>

<sc_bundles>
// kernel: kernel.6.cloned.1.call-start
scs
__scs_entry_jumppad:
0x0: {  	(pc) =	sbr.rel $0x88, $3  }
0x1: {  	(tag) =	ssettag $0x0;
	lr =	simm.s32 $0x1  }
0x2: {  	[smem:$0x3F95] =	sst lr;
	_ =	strace $0xD0000000  }
0x3: {  	_ = 	snop  }
0x4: {  	_ = 	snop  }
0x5: {  	_ = 	snop  }
0x6: {  	_ = 	snop  }
0x7: {  	_ = 	snop  }
__scs_overlays_trampoline_lowered:
0x8: {  	[smem:$0x3FA4] =	sst s0  }
0x9: {  	[smem:$0x3FA5] =	sst s1  }
0xa: {  	[smem:$0x3FA6] =	sst s2  }
0xb: {  	[smem:$0x3FA7] =	sst s3  }
0xc: {  	[smem:$0x3FA8] =	sst s4  }
0xd: {  	[smem:$0x3FA9] =	sst s5  }
0xe: {  	[smem:$0x3FAA] =	sst s6  }
0xf: {  	[smem:$0x3FAB] =	sst s7  }
0x10: {  	[smem:$0x3FAC] =	sst s8  }
0x11: {  	[smem:$0x3FAD] =	sst s9;
	s0 =	simm.s32 @!p0 $0x0  }
0x12: {  	s1 =	sld [smem:$0x3F93];
	s0 =	simm.s32 @p0 $0x1  }
0x13: {  	[smem:$0x3FAE] =	sst s0;
	s0 =	simm.s32 @!p1 $0x0  }
0x14: {  	s2 =	sld [smem:$0x3F92];
	s0 =	simm.s32 @p1 $0x1  }
0x15: {  	[smem:$0x3FAF] =	sst s0;
	s0 =	simm.s32 @!p2 $0x0  }
0x16: {  	s3 =	sld [smem:$0x3FDB];
	s0 =	simm.s32 @p2 $0x1  }
0x17: {  	s4 =	simm.s32 $0x1BF5;
	[smem:$0x3FB1] =	sst s0  }
0x18: {  	s0 =	sld [smem:$0x3F94];
	_ =	swait.ge [sflag:s4], $0x0  }
0x19: {  	s7 =	sld [smem:$0x3F95]  }
0x1a: {  	s8 =	sadd.s32 $0xFFFFE003, lr  }
0x1b: {  	s9 =	sadd.s32 $0xFFFFFEF7, lr;
	s5 =	simm.s32 $0xFFFFFFFF;
	p2 =	slt.u32 s8, $0xFFFFF086  }
0x1c: {  	p1 =	slt.u32 s9, $0xF7A;
	s5 =	simm.s32 @!p2 $0x0  }
0x1d: {  	s5 =	simm.s32 @p1 $0x1;
	p0 =	seq.s32 s7, s2  }
0x1e: {  	s7 =	smul.u32 @!p0 $0xF7A, s2;
	p2 =	seq.s32 @!p0 s5, $0x0  }
0x1f: {  	s9 =	smul.u32 $0xF7A, s1;
	s8 =	simm.s32 @!p0 $0x1BF5;
	p2 =	por !p2, p0  }
0x20: {  	[sflag:s8] =	ssyncset.s32 @!p0 $0xFFFFF086;
	s6 =	sadd.s32 @!p0 s3, s7;
	s7 =	simm.s32 @!p0 $0x108  }
0x21: {  	s3 =	sadd.s32 s3, s9;
	s6 =	sadd.s32 @!p0 $0x88, s6;
	s7 =	simm.s32 @p2 $0x1082  }
0x22: {  	[simem:s7], [sflag:s8] =	dma.local @!p0 [hbm:s6], $0xF7A  }
0x23: {  	s9 =	sor.u32 $0xD0000000, s2;
	s6 =	simm.s32 $0x108;
	_ =	swait.ge @!p0 [sflag:s8], $0x0  }
0x24: {  	s3 =	sadd.s32 $0x88, s3;
	s6 =	simm.s32 @!p1 $0x1082;
	[sflag:s4] =	ssyncset.s32 $0xFFFFF086  }
0x25: {  	[simem:s6], [sflag:s4] =	dma.local [hbm:s3], $0xF7A  }
0x26: {  	[smem:$0x3F95] =	sst s1;
	(tag) =	ssettag s2;
	_ =	strace s9  }
0x27: {  	s1 =	sld [smem:$0x3FA5]  }
0x28: {  	s2 =	sld [smem:$0x3FA6]  }
0x29: {  	s4 =	sld [smem:$0x3FA8]  }
0x2a: {  	p0 =	seq.s32 s5, $0x0;
	s5 =	sld [smem:$0x3FA9]  }
0x2b: {  	s6 =	sld [smem:$0x3FAA]  }
0x2c: {  	s7 =	sld [smem:$0x3FAB]  }
0x2d: {  	s3 =	simm.s32 $0x108;
	s8 =	sld [smem:$0x3FAC]  }
0x2e: {  	s3 =	simm.s32 @!p0 $0x1082;
	s9 =	sld [smem:$0x3FAD]  }
0x2f: {  	lr =	sadd.s32 s0, s3;
	s0 =	sld [smem:$0x3FA4]  }
0x30: {  	s3 =	sld [smem:$0x3FA7]  }
0x31: {  	[smem:$0x3FB0] =	sst s10  }
0x32: {  	s10 =	sld [smem:$0x3FAE];
	_ =	sdelay $0x3  }
0x33: {  	p0 =	seq.s32 s10, $0x1;
	s10 =	sld [smem:$0x3FB0];
	_ =	sdelay $0x3  }
0x34: {  	[smem:$0x3FB0] =	sst s10  }
0x35: {  	s10 =	sld [smem:$0x3FAF];
	_ =	sdelay $0x3  }
0x36: {  	p1 =	seq.s32 s10, $0x1;
	s10 =	sld [smem:$0x3FB0];
	_ =	sdelay $0x3  }
0x37: {  	[smem:$0x3FB0] =	sst s10  }
0x38: {  	s10 =	sld [smem:$0x3FB1]  }
0x39: {  	_ = 	snop;
	(pc) =	sbr.ind lr, $3  }
0x3a: {  	_ = 	snop  }
0x3b: {  	_ = 	snop  }
0x3c: {  	p2 =	seq.s32 s10, $0x1;
	s10 =	sld [smem:$0x3FB0]  }
0x3d: {  	_ =	shalt  }
0x3e: {  	_ =	shalt  }
0x3f: {  	_ =	shalt  }
0x40: {  	_ =	shalt  }
0x41: {  	_ =	shalt  }
0x42: {  	_ =	shalt  }
0x43: {  	_ =	shalt  }
0x44: {  	_ =	shalt  }
0x45: {  	_ =	shalt  }
0x46: {  	_ =	shalt  }
0x47: {  	_ =	shalt  }
0x48: {  	_ =	shalt  }
0x49: {  	_ =	shalt  }
0x4a: {  	_ =	shalt  }
0x4b: {  	_ =	shalt  }
0x4c: {  	_ =	shalt  }
0x4d: {  	_ =	shalt  }
0x4e: {  	_ =	shalt  }
0x4f: {  	_ =	shalt  }
0x50: {  	_ =	shalt  }
0x51: {  	_ =	shalt  }
0x52: {  	_ =	shalt  }
0x53: {  	_ =	shalt  }
0x54: {  	_ =	shalt  }
0x55: {  	_ =	shalt  }
0x56: {  	_ =	shalt  }
0x57: {  	_ =	shalt  }
0x58: {  	_ =	shalt  }
0x59: {  	_ =	shalt  }
0x5a: {  	_ =	shalt  }
0x5b: {  	_ =	shalt  }
0x5c: {  	_ =	shalt  }
0x5d: {  	_ =	shalt  }
0x5e: {  	_ =	shalt  }
0x5f: {  	_ =	shalt  }
0x60: {  	_ =	shalt  }
0x61: {  	_ =	shalt  }
0x62: {  	_ =	shalt  }
0x63: {  	_ =	shalt  }
0x64: {  	_ =	shalt  }
0x65: {  	_ =	shalt  }
0x66: {  	_ =	shalt  }
0x67: {  	_ =	shalt  }
0x68: {  	_ =	shalt  }
0x69: {  	_ =	shalt  }
0x6a: {  	_ =	shalt  }
0x6b: {  	_ =	shalt  }
0x6c: {  	_ =	shalt  }
0x6d: {  	_ =	shalt  }
0x6e: {  	_ =	shalt  }
0x6f: {  	_ =	shalt  }
0x70: {  	_ =	shalt  }
0x71: {  	_ =	shalt  }
0x72: {  	_ =	shalt  }
0x73: {  	_ =	shalt  }
0x74: {  	_ =	shalt  }
0x75: {  	_ =	shalt  }
0x76: {  	_ =	shalt  }
0x77: {  	_ =	shalt  }
0x78: {  	_ =	shalt  }
0x79: {  	_ =	shalt  }
0x7a: {  	_ =	shalt  }
0x7b: {  	_ =	shalt  }
0x7c: {  	_ =	shalt  }
0x7d: {  	_ =	shalt  }
0x7e: {  	_ =	shalt  }
0x7f: {  	_ =	shalt  }
0x80: {  	_ =	shalt  }
0x81: {  	_ =	shalt  }
0x82: {  	_ =	shalt  }
0x83: {  	_ =	shalt  }
0x84: {  	_ =	shalt  }
0x85: {  	_ =	shalt  }
0x86: {  	_ =	shalt  }
0x87: {  	_ =	shalt  }
.Lfunc_end0:
.L_simem_size_0:
called_computation_lowered:
.L_overlay_start_0:
0x88: {  	s2 =	sld [smem:$0x3FD9]  }
0x89: {  	s3 =	sld [smem:$0x3FFE];
	_ =	sdelay $0x1  }
0x8a: {  	s1 =	srdreg.scid  }
0x8b: {  	s0 =	sand.u32 $0x1, s1  }
0x8c: {  	s17 =	sshll.u32 s0, $0xA;
	s2 =	sadd.s32 s3, s2  }
0x8d: {  	s2 =	sadd.s32 s2, s17  }
0x8e: {  	[smem:$0x3FBC] =	sst s2  }
0x8f: {  	_ = 	snop  }
0x90: {  	s2 =	sld [smem:$0x3FC9];
	(tm) =	ssettm $0x1  }
0x91: {  	s18 =	sld [smem:$0x3FFB];
	_ =	sdelay $0x3  }
0x92: {  	_ =	strace s18  }
0x93: {  	s3 =	sld [smem:$0x3FFC];
	_ =	sdelay $0x3  }
0x94: {  	_ =	strace s3  }
0x95: {  	s3 =	sld [smem:$0x3FFD];
	_ =	sdelay $0x3  }
0x96: {  	_ =	strace s3  }
0x97: {  	_ =	strace $0x8FFFFFFF  }
0x98: {  	s19 =	sld [smem:$0x3FDB];
	_ =	sdelay $0x1  }
0x99: {  	s4 =	simm.s32 $_scs_section_size  }
0x9a: {  	s5 =	simm.s32 $_size__tile_overlayer_lowered;
	s6 =	simm.s32 $_tile_overlayer_lowered  }
0x9b: {  	s22 =	simm.s32 $0x1BFF;
	s21 =	sshll.u32 s6, $0x1;
	s3 =	sadd.s32 s4, s19  }
0x9c: {  	s7 =	simm.s32 $0x0;
	s20 =	sshll.u32 s5, $0x1;
	s5 =	sadd.s32 s21, s3  }
0x9d: {  	[timem:s7], [sflag:s22] =	dma.local [hbm:s5], s20  }
0x9e: {  	_ =	swait.ge [sflag:s22], s20  }
0x9f: {  	s4 =	ssub.s32 $0x0, s20;
	[sflag:s22] =	ssyncset.done $0x0  }
0xa0: {  	[sflag:s22] =	ssyncadd.s32 s4;
	_ =	sdelay $0x1  }
0xa1: {  	s23 =	simm.s32 $0x1B8B  }
0xa2: {  	_ =	swait.ge [sflag:s23], $0x1  }
0xa3: {  	[sflag:s23] =	ssyncset.done $0x0  }
0xa4: {  	s25 =	simm.s32 $0x1B8E;
	s24 =	sld [smem:$0x3FFE];
	[sflag:s23] =	ssyncadd.s32 $0xFFFFFFFF  }
0xa5: {  	s26 =	simm.s32 $execute0_lowered;
	[smem:$0x3FD2] =	sst s25  }
0xa6: {  	s5 =	sshll.u32 s26, $0x1;
	_ =	strace $0x80000046;
	[dreg:$0x1] =	wrdreg $0xFFFFFFFF  }
0xa7: {  	s28 =	simm.s32 $_size_execute0_lowered;
	s3 =	sadd.s32 s3, s5;
	[dreg:$0x0] =	wrdreg $0x0  }
0xa8: {  	s5 =	sshll.u32 s28, $0x1;
	[dreg:$0x2] =	wrdreg s3  }
0xa9: {  	[dreg:$0x3] =	wrdreg s5  }
0xaa: {  	[dreg:$0x4] =	wrdreg $0xC0  }
0xab: {  	_ =	task [dreg:s7], $0x5FFFF  }
0xac: {  	[dreg:$0x1] =	wrdreg $0xFFFFFFFF  }
0xad: {  	[dreg:$0x0] =	wrdreg $0x60  }
0xae: {  	[dreg:$0x2] =	wrdreg s2  }
0xaf: {  	[dreg:$0x3] =	wrdreg s24  }
0xb0: {  	[dreg:$0x4] =	wrdreg $0x0  }
0xb1: {  	[dreg:$0x5] =	wrdreg $0x140000  }
0xb2: {  	[dreg:$0x6] =	wrdreg $0x9  }
0xb3: {  	_ =	task.clear_ibuf [dreg:s7], $0x7FFFF;
	_ =	strace $0x90000046  }
0xb4: {  	s29 =	simm.s32 $0x9;
	_ =	strace $0x80000048  }
0xb5: {  	_ =	swait.ge [sflag:s29], $0x1  }
0xb6: {  	[sflag:s29] =	ssyncadd.s32 $0xFFFFFFFF  }
0xb7: {  	_ =	strace $0x90000048  }
0xb8: {  	_ =	sfence  }
0xb9: {  	s30 =	sld [smem:$0x0];
	_ =	sdelay $0x2  }
0xba: {  	s31 =	sshll.u32 s1, $0xD;
	s1 =	sshrl.u32 s1, $0x2  }
0xbb: {  	s3 =	sand.u32 $0x4000, s31;
	s1 =	sadd.s32 s1, s30  }
0xbc: {  	s0 =	sor.u32 s3, s0;
	s1 =	sshll.u32 s1, $0x11  }
0xbd: {  	s0 =	sor.u32 s1, s0  }
0xbe: {  	s0 =	sadd.s32 $0x8F2B, s0  }
0xbf: {  	[sflag:s0] =	ssyncadd.remote.s32 $0x1  }
0xc0: {  	_ =	sfence.sel $0xFFFF  }
0xc1: {  	[dreg:$0x0] =	wrdreg $0xFFFFFFFF;
	(pc) =	sbr.abs _section_cstart, $3  }
0xc2: {  	[dreg:$0x1] =	wrdreg $0xFFFFFFFF  }
0xc3: {  	_ =	task.clear_ibuf [dreg:s7], $0x2FFFF;
	_ =	strace $0x9FFFFFFF  }
0xc4: {  	(tm) =	ssettm $0x7FFFFFFF  }
0xc5: {  	_ =	shalt  }
tec
execute0_lowered:
.L_overlay_start_1:
0x0: {  	(tag) =	ssettag $0x1  }
0x1: {  	s1 =	rddreg [dreg:$0x0]  }
0x2: {  	s0 =	rddreg [dreg:$0x1]  }
0x3: {  	s3 =	rddreg [dreg:$0x2];
	s14 =	stileid.u32  }
0x4: {  	s2 =	srdreg.scid;
	s9 =	smul.u32 $0x280, s14  }
0x5: {  	s4 =	rddreg [dreg:$0x3];
	s11 =	smul.u32 $0x50000, s14  }
0x6: {  	s5 =	simm.s32 $0x0;
	s2 =	sand.u32 $0x1, s2;
	s15 =	smul.u32 $0x2760, s14  }
0x7: {  	[smem:$0x7FF] =	sst s5;
	s7 =	sadd.s32 $0xC800, s0;
	s6 =	smul.u32 $0x2800, s2  }
0x8: {  	_ =	strace $0x80000047;
	s26 =	ssub.s32 $0x2, s2;
	s12 =	sshll.u32 s2, $0x4  }
0x9: {  	s2 =	smul.u32 $0x27600, s2;
	s13 =	sshrl.u32 s26, $0x1;
	s11 =	sshrl.u32 s11, $0x2  }
0xa: {  	s12 =	sor.u32 s14, s12;
	s8 =	sadd.s32 s9, s6;
	s6 =	sadd.s32 $0x2A00, s0  }
0xb: {  	s13 =	ssub.s32 s26, s13;
	s30 =	sadd.s32 s11, s3;
	s9 =	sadd.s32 s9, s4  }
0xc: {  	s28 =	smul.u32 $0x2760, s12;
	s29 =	sadd.s32 $0x2800, s30;
	[dreg:$0x11] =	wrdreg s9  }
0xd: {  	s2 =	sadd.s32 s15, s2;
	s31 =	sadd.s32 $0x5000, s30;
	[dreg:$0xf] =	wrdreg s29  }
0xe: {  	s24 =	sadd.s32 $0x1C0, s2;
	s19 =	sadd.s32 $0x2A0, s28;
	[dreg:$0x10] =	wrdreg s31  }
0xf: {  	s12 =	sshrl.u32 s28, $0x3;
	s11 =	sadd.s32 $0x310, s28;
	[dreg:$0x5] =	wrdreg s19  }
0x10: {  	s25 =	sshrl.u32 s24, $0x3;
	s24 =	sadd.s32 $0xA000, s30;
	[dreg:$0x6] =	wrdreg s11  }
0x11: {  	s10 =	sshll.u32 s8, $0x4;
	s16 =	sadd.s32 s6, s12;
	[smem:$0x7FA] =	sst s24  }
0x12: {  	s10 =	sadd.s32 s10, s0;
	s17 =	sadd.s32 s7, s12;
	[dreg:$0x12] =	wrdreg s16  }
0x13: {  	s8 =	sshrl.u32 s8, $0x3;
	s22 =	sadd.s32 $0x17000, s10;
	[dreg:$0x13] =	wrdreg s17  }
0x14: {  	s14 =	sadd.s32 $0x150, s2;
	s26 =	sadd.s32 $0x17500, s10;
	[dreg:$0x16] =	wrdreg s22  }
0x15: {  	s0 =	sadd.s32 s8, s0;
	s28 =	sadd.s32 s25, s7;
	[dreg:$0x17] =	wrdreg s26  }
0x16: {  	s9 =	sadd.s32 $0xE, s12;
	s15 =	sadd.s32 $0x17F00, s10;
	[dreg:$0x9] =	wrdreg s28  }
0x17: {  	s12 =	sadd.s32 $0x230, s2;
	s11 =	sadd.s32 s25, s6;
	[dreg:$0x19] =	wrdreg s15  }
0x18: {  	s2 =	sadd.s32 $0xE0, s2;
	s19 =	sadd.s32 $0x18900, s10;
	[dreg:$0xa] =	wrdreg s11  }
0x19: {  	s0 =	sadd.s32 $0x16600, s0;
	s25 =	sadd.s32 $0xC800, s30;
	[dreg:$0x1b] =	wrdreg s19  }
0x1a: {  	s24 =	simm.s32 $0x6;
	s18 =	sadd.s32 s6, s9;
	[dreg:$0x1e] =	wrdreg s0  }
0x1b: {  	s20 =	sadd.s32 s7, s9;
	s21 =	sshrl.u32 s12, $0x3;
	[smem:$0x7FB] =	sst s25  }
0x1c: {  	s12 =	sadd.s32 $0x17A00, s10;
	s2 =	sshrl.u32 s2, $0x3;
	[dreg:$0x14] =	wrdreg s18  }
0x1d: {  	s17 =	sadd.s32 $0x18400, s10;
	s22 =	smax.u32 s13, $0x1;
	[dreg:$0x15] =	wrdreg s20  }
0x1e: {  	s26 =	sadd.s32 $0xF000, s30;
	s28 =	sadd.s32 $0x11800, s30;
	[dreg:$0x18] =	wrdreg s12  }
0x1f: {  	s0 =	simm.s32 $0x9;
	s13 =	simm.s32 $0x14280;
	[dreg:$0x1a] =	wrdreg s17  }
0x20: {  	s15 =	simm.s32 $0x7;
	s19 =	simm.s32 $0x14480;
	[dreg:$0x1f] =	wrdreg s22  }
0x21: {  	s25 =	simm.s32 $0x1B500;
	s11 =	simm.s32 $0x5;
	[smem:$0x7FC] =	sst s26  }
0x22: {  	s23 =	sadd.s32 s21, s7;
	s9 =	sadd.s32 s21, s6;
	[smem:$0x7FD] =	sst s28  }
0x23: {  	s18 =	sadd.s32 s2, s7;
	s2 =	sadd.s32 s2, s6;
	[dreg:$0x7] =	wrdreg s23  }
0x24: {  	s20 =	sadd.s32 $0x18E00, s10;
	s21 =	sadd.s32 $0x19300, s10;
	[dreg:$0x8] =	wrdreg s9  }
0x25: {  	s26 =	simm.s32 $0x1B580;
	s17 =	simm.s32 $0x14300;
	[dreg:$0xd] =	wrdreg s18  }
0x26: {  	s22 =	simm.s32 $0x1;
	s10 =	simm.s32 $0x3;
	[dreg:$0xe] =	wrdreg s2  }
0x27: {  	s12 =	simm.s32 $0x0;
	s9 =	sshrl.u32 s14, $0x3;
	[dreg:$0x1c] =	wrdreg s20  }
0x28: {  	[dreg:$0x1d] =	wrdreg s21;
	s23 =	sadd.s32 $0x7800, s30;
	s2 =	simm.s32 $0x14500  }
0x29: {  	s14 =	simm.s32 $0x14380;
	s18 =	simm.s32 $0x14400;
	s20 =	simm.s32 $0x17D00  }
0x2a: {  	s21 =	simm.s32 $0x8;
	s16 =	sadd.s32 s9, s7;
	[smem:$0x7F9] =	sst s23  }
0x2b: {  	s9 =	sadd.s32 s9, s6;
	s23 =	simm.s32 $0x4;
	[dreg:$0xb] =	wrdreg s16  }
0x2c: {  	v0 =	vimm.f32 $0.0e+00;
	v1 =	vimm.f32 $1.000000000e+00;
	v2 =	vimm.s32 $0x0;
	[dreg:$0xc] =	wrdreg s9;
	s16 =	simm.s32 $0x70;
	s9 =	simm.s32 $0x2  }
.LBB2_1:
0x2d: {  	[smem:$0x7F8] =	sst s12;
	s12 =	simm.s32 $0x0;
	s28 =	simm.s32 $0x200  }
.LBB2_2:
0x2e: {  	p0 =	sne.s32 s28, $0xDE00;
	[tilespmem:s12+$0x14570] =	vst v0  }
0x2f: {  	[tilespmem:s12+$0x14500] =	vst v0  }
0x30: {  	[tilespmem:s12+$0x14510] =	vst v0  }
.Ltmp0:
0x31: {  	[tilespmem:s12+$0x14520] =	vst v0;
	(pc) =	sbr.rel @p0 .LBB2_2-.Ltmp0, $4  }
0x32: {  	[tilespmem:s12+$0x14530] =	vst v0  }
0x33: {  	[tilespmem:s12+$0x14540] =	vst v0  }
0x34: {  	[tilespmem:s12+$0x14550] =	vst v0  }
0x35: {  	[tilespmem:s12+$0x14560] =	vst v0;
	s12 =	sshra.s32 s28, $0x2;
	s28 =	sadd.s32 $0x200, s28  }
0x36: {  	[tilespmem:s12+$0x14570] =	vst v0  }
0x37: {  	[tilespmem:s12+$0x14500] =	vst v0  }
0x38: {  	[tilespmem:s12+$0x14510] =	vst v0  }
0x39: {  	[tilespmem:s12+$0x14520] =	vst v0  }
0x3a: {  	[tilespmem:s12+$0x14530] =	vst v0  }
0x3b: {  	[tilespmem:s12+$0x14540] =	vst v0  }
0x3c: {  	[tilespmem:s12+$0x14550] =	vst v0  }
0x3d: {  	[tilespmem:s12+$0x14560] =	vst v0  }
0x3e: {  	[spmem:s30] =	stream.linear.scatter [tilespmem:s2], [sflag:$0x9], $0x2800, $0x38;
	[tilespmem:$0x1B800] =	vst v63  }
0x3f: {  	_ =	swait.ge [sflag:s0], $0x2800  }
0x40: {  	[sflag:s0] =	ssyncset.done $0x0  }
0x41: {  	[sflag:s0] =	ssyncadd.s32 $0xFFFFD800  }
0x42: {  	[spmem:s29] =	stream.linear.scatter [tilespmem:s2], [sflag:$0x9], $0x2800, $0x38;
	[tilespmem:$0x1B800] =	vst v63  }
0x43: {  	_ =	swait.ge [sflag:s0], $0x2800  }
0x44: {  	[sflag:s0] =	ssyncset.done $0x0  }
0x45: {  	[sflag:s0] =	ssyncadd.s32 $0xFFFFD800  }
0x46: {  	[spmem:s31] =	stream.linear.scatter [tilespmem:s2], [sflag:$0x9], $0x2800, $0x38;
	[tilespmem:$0x1B800] =	vst v63  }
0x47: {  	_ =	swait.ge [sflag:s0], $0x2800  }
0x48: {  	s29 =	sld [smem:$0x7F9]  }
0x49: {  	[sflag:s0] =	ssyncset.done $0x0  }
0x4a: {  	[sflag:s0] =	ssyncadd.s32 $0xFFFFD800  }
0x4b: {  	[spmem:s29] =	stream.linear.scatter [tilespmem:s2], [sflag:$0x9], $0x2800, $0x38;
	[tilespmem:$0x1B800] =	vst v63  }
0x4c: {  	_ =	swait.ge [sflag:s0], $0x2800  }
0x4d: {  	s8 =	smov.u32 s30;
	s30 =	sld [smem:$0x7FA]  }
0x4e: {  	[sflag:s0] =	ssyncset.done $0x0  }
0x4f: {  	[sflag:s0] =	ssyncadd.s32 $0xFFFFD800  }
0x50: {  	[spmem:s30] =	stream.linear.scatter [tilespmem:s2], [sflag:$0x9], $0x2800, $0x38;
	[tilespmem:$0x1B800] =	vst v63  }
0x51: {  	_ =	swait.ge [sflag:s0], $0x2800  }
0x52: {  	s31 =	sld [smem:$0x7FB]  }
0x53: {  	[sflag:s0] =	ssyncset.done $0x0  }
0x54: {  	[sflag:s0] =	ssyncadd.s32 $0xFFFFD800  }
0x55: {  	[spmem:s31] =	stream.linear.scatter [tilespmem:s2], [sflag:$0x9], $0x2800, $0x38;
	[tilespmem:$0x1B800] =	vst v63  }
0x56: {  	_ =	swait.ge [sflag:s0], $0x2800  }
0x57: {  	s29 =	sld [smem:$0x7FC]  }
0x58: {  	[sflag:s0] =	ssyncset.done $0x0  }
0x59: {  	[sflag:s0] =	ssyncadd.s32 $0xFFFFD800  }
0x5a: {  	[spmem:s29] =	stream.linear.scatter [tilespmem:s2], [sflag:$0x9], $0x2800, $0x38;
	[tilespmem:$0x1B800] =	vst v63  }
0x5b: {  	_ =	swait.ge [sflag:s0], $0x2800  }
0x5c: {  	s30 =	sld [smem:$0x7FD]  }
0x5d: {  	[sflag:s0] =	ssyncset.done $0x0  }
0x5e: {  	[sflag:s0] =	ssyncadd.s32 $0xFFFFD800  }
0x5f: {  	[spmem:s30] =	stream.linear.scatter [tilespmem:s2], [sflag:$0x9], $0x2800, $0x38;
	[tilespmem:$0x1B800] =	vst v63  }
0x60: {  	_ =	swait.ge [sflag:s0], $0x2800  }
0x61: {  	[sflag:s0] =	ssyncset.done $0x0  }
0x62: {  	[sflag:s0] =	ssyncadd.s32 $0xFFFFD800  }
0x63: {  	[tilespmem:$0x1B580] =	vst v0  }
0x64: {  	[tilespmem:$0x1B590] =	vst v0  }
0x65: {  	[tilespmem:$0x1B5A0] =	vst v0  }
0x66: {  	[tilespmem:$0x1B5B0] =	vst v0  }
0x67: {  	[tilespmem:$0x1B5C0] =	vst v0  }
0x68: {  	[tilespmem:$0x1B5D0] =	vst v0  }
0x69: {  	[tilespmem:$0x1B5E0] =	vst v0  }
0x6a: {  	[tilespmem:$0x1B5F0] =	vst v0  }
0x6b: {  	[tilespmem:$0x1B600] =	vst v0  }
0x6c: {  	[tilespmem:$0x1B610] =	vst v0  }
0x6d: {  	[tilespmem:$0x1B620] =	vst v0  }
0x6e: {  	[tilespmem:$0x1B630] =	vst v0  }
0x6f: {  	[tilespmem:$0x1B640] =	vst v0  }
0x70: {  	[tilespmem:$0x1B650] =	vst v0  }
0x71: {  	[tilespmem:$0x1B660] =	vst v0  }
0x72: {  	[tilespmem:$0x1B670] =	vst v0  }
0x73: {  	[tilespmem:$0x1B680] =	vst v0  }
0x74: {  	[tilespmem:$0x1B690] =	vst v0  }
0x75: {  	[tilespmem:$0x1B6A0] =	vst v0  }
0x76: {  	[tilespmem:$0x1B6B0] =	vst v0  }
0x77: {  	[tilespmem:$0x1B6C0] =	vst v0  }
0x78: {  	[tilespmem:$0x1B6D0] =	vst v0  }
0x79: {  	[tilespmem:$0x1B6E0] =	vst v0  }
0x7a: {  	[tilespmem:$0x1B6F0] =	vst v0  }
0x7b: {  	[tilespmem:$0x1B700] =	vst v0  }
0x7c: {  	[tilespmem:$0x1B710] =	vst v0  }
0x7d: {  	[tilespmem:$0x1B720] =	vst v0  }
0x7e: {  	[tilespmem:$0x1B730] =	vst v0  }
0x7f: {  	[tilespmem:$0x1B740] =	vst v0  }
0x80: {  	[tilespmem:$0x1B750] =	vst v0  }
0x81: {  	[tilespmem:$0x1B760] =	vst v0  }
0x82: {  	[tilespmem:$0x1B770] =	vst v0  }
0x83: {  	[tilespmem:$0x1B780] =	vst v0  }
0x84: {  	[tilespmem:$0x1B790] =	vst v0  }
0x85: {  	[tilespmem:$0x1B7A0] =	vst v0  }
0x86: {  	[tilespmem:$0x1B7B0] =	vst v0  }
0x87: {  	[tilespmem:$0x1B7C0] =	vst v0  }
0x88: {  	[tilespmem:$0x1B7D0] =	vst v0  }
0x89: {  	[tilespmem:$0x1B7E0] =	vst v0  }
0x8a: {  	s31 =	rddreg [dreg:$0x11];
	[tilespmem:$0x1B7F0] =	vst v0  }
0x8b: {  	[spmem:s31] =	stream.linear.scatter [tilespmem:s26], [sflag:$0x9], $0x280, $0x38;
	[tilespmem:$0x1B800] =	vst v63  }
0x8c: {  	_ =	swait.ge [sflag:s0], $0x280  }
0x8d: {  	[sflag:s0] =	ssyncset.done $0x0  }
0x8e: {  	[sflag:s0] =	ssyncadd.s32 $0xFFFFFD80  }
0x8f: {  	[tilespmem:$0x1B500] =	vst v1  }
0x90: {  	[tilespmem:$0x1B510] =	vst v1  }
0x91: {  	[tilespmem:$0x1B520] =	vst v1  }
0x92: {  	[tilespmem:$0x1B530] =	vst v1  }
0x93: {  	[tilespmem:$0x1B540] =	vst v1  }
0x94: {  	[tilespmem:$0x1B550] =	vst v1  }
0x95: {  	[tilespmem:$0x1B560] =	vst v1  }
0x96: {  	s12 =	simm.s32 $0x0;
	s28 =	simm.s32 $0x200;
	[bflag:$0x0] =	sbarrier.arrive $0xFFFF  }
.LBB2_4:
0x97: {  	p0 =	sne.s32 s28, $0xDE00;
	[tilespmem:s12+$0x17D70] =	vst v0  }
0x98: {  	[tilespmem:s12+$0x17D00] =	vst v0  }
0x99: {  	[tilespmem:s12+$0x17D10] =	vst v0  }
.Ltmp1:
0x9a: {  	[tilespmem:s12+$0x17D20] =	vst v0;
	(pc) =	sbr.rel @p0 .LBB2_4-.Ltmp1, $4  }
0x9b: {  	[tilespmem:s12+$0x17D30] =	vst v0  }
0x9c: {  	[tilespmem:s12+$0x17D40] =	vst v0  }
0x9d: {  	[tilespmem:s12+$0x17D50] =	vst v0  }
0x9e: {  	[tilespmem:s12+$0x17D60] =	vst v0;
	s12 =	sshra.s32 s28, $0x2;
	s28 =	sadd.s32 $0x200, s28  }
0x9f: {  	[tilespmem:s12+$0x17D70] =	vst v0  }
0xa0: {  	[tilespmem:s12+$0x17D00] =	vst v0  }
0xa1: {  	[tilespmem:s12+$0x17D10] =	vst v0  }
0xa2: {  	[tilespmem:s12+$0x17D20] =	vst v0  }
0xa3: {  	[tilespmem:s12+$0x17D30] =	vst v0  }
0xa4: {  	[tilespmem:s12+$0x17D40] =	vst v0  }
0xa5: {  	[tilespmem:s12+$0x17D50] =	vst v0  }
0xa6: {  	[tilespmem:s12+$0x17D60] =	vst v0  }
0xa7: {  	[tilespmem:$0x14480] =	vst v2  }
0xa8: {  	[tilespmem:$0x14490] =	vst v2  }
0xa9: {  	[tilespmem:$0x144A0] =	vst v2  }
0xaa: {  	[tilespmem:$0x144B0] =	vst v2  }
0xab: {  	[tilespmem:$0x144C0] =	vst v2  }
0xac: {  	[tilespmem:$0x144D0] =	vst v2  }
0xad: {  	[tilespmem:$0x144E0] =	vst v2  }
0xae: {  	[bflag:$0x0] =	sbarrier.arrive $0xFFFF  }
0xaf: {  	s28 =	simm.s32 $0x0;
	s29 =	rddreg [dreg:$0x12]  }
0xb0: {  	[tilespmem:s13], [sflag:$0x7] =	stream.linear.gather [hbm4b:s29+s28], $0x70, $0x38;
	[tilespmem:$0x1B800] =	vst v63  }
0xb1: {  	s31 =	rddreg [dreg:$0x13]  }
0xb2: {  	[tilespmem:s14], [sflag:$0x7] =	stream.linear.gather [hbm4b:s31+s28], $0x70, $0x38;
	[tilespmem:$0x1B800] =	vst v63  }
0xb3: {  	_ =	swait.ge [sflag:s15], $0x70  }
0xb4: {  	[sflag:s15] =	ssyncset.done $0x0  }
0xb5: {  	[sflag:s15] =	ssyncadd.s32 $0xFFFFFF90  }
0xb6: {  	_ =	swait.ge [sflag:s15], $0x70  }
0xb7: {  	[sflag:s15] =	ssyncset.done $0x0  }
0xb8: {  	[sflag:s15] =	ssyncadd.s32 $0xFFFFFF90  }
0xb9: {  	[tilespmem:s2], [sflag:$0x1] =	stream.indirect.gather [hbm4b:s1+s16], $0x80, s13, s16, $0xb8;
	[tilespmem:$0x1B800] =	vst v63  }
0xba: {  	s29 =	rddreg [dreg:$0x14]  }
0xbb: {  	[tilespmem:s17], [sflag:$0x8] =	stream.linear.gather [hbm4b:s29+s28], $0x70, $0x38;
	[tilespmem:$0x1B800] =	vst v63  }
0xbc: {  	s31 =	rddreg [dreg:$0x15]  }
0xbd: {  	[tilespmem:s18], [sflag:$0x8] =	stream.linear.gather [hbm4b:s31+s28], $0x70, $0x38;
	[tilespmem:$0x1B800] =	vst v63  }
0xbe: {  	_ = 	snop  }
0xbf: {  	[spmem:s3] =	stream.indirect.scatter.add.f32 [tilespmem:s20], [sflag:$0x4], $0x80, s19, s16, $0xb8;
	[tilespmem:$0x1B800] =	vst v63  }
0xc0: {  	_ = 	snop  }
0xc1: {  	[spmem:s4] =	stream.indirect.scatter.add.f32 [tilespmem:s26], [sflag:$0x6], $0x1, s19, s16, $0xb8;
	[tilespmem:$0x1B800] =	vst v63  }
0xc2: {  	_ =	swait.ge [sflag:s21], $0x70  }
0xc3: {  	[sflag:s21] =	ssyncset.done $0x0  }
0xc4: {  	[sflag:s21] =	ssyncadd.s32 $0xFFFFFF90  }
0xc5: {  	_ =	swait.ge [sflag:s21], $0x70  }
0xc6: {  	[sflag:s21] =	ssyncset.done $0x0  }
0xc7: {  	[sflag:s21] =	ssyncadd.s32 $0xFFFFFF90  }
0xc8: {  	_ =	swait.ge [sflag:s22], $0x3800  }
0xc9: {  	[sflag:s22] =	ssyncset.done $0x0  }
0xca: {  	[sflag:s22] =	ssyncadd.s32 $0xFFFFC800  }
0xcb: {  	_ =	swait.ge [sflag:s23], $0x3800  }
0xcc: {  	[sflag:s23] =	ssyncset.done $0x0  }
0xcd: {  	[sflag:s23] =	ssyncadd.s32 $0xFFFFC800  }
0xce: {  	_ =	swait.ge [sflag:s24], $0x70  }
0xcf: {  	[sflag:s24] =	ssyncset.done $0x0  }
0xd0: {  	[sflag:s24] =	ssyncadd.s32 $0xFFFFFF90  }
0xd1: {  	[spmem:s3] =	stream.indirect.scatter.add.f32 [tilespmem:s2], [sflag:$0x3], $0x80, s14, s16, $0xb8;
	[tilespmem:$0x1B800] =	vst v63  }
0xd2: {  	_ = 	snop  }
0xd3: {  	[spmem:s4] =	stream.indirect.scatter.add.f32 [tilespmem:s25], [sflag:$0x5], $0x1, s14, s16, $0xb8;
	[tilespmem:$0x1B800] =	vst v63  }
0xd4: {  	s26 =	rddreg [dreg:$0xe]  }
0xd5: {  	[tilespmem:s20], [sflag:$0x2] =	stream.indirect.gather [hbm4b:s1+s16], $0x80, s17, s16, $0xb8;
	[tilespmem:$0x1B800] =	vst v63  }
0xd6: {  	s29 =	rddreg [dreg:$0xd];
	s12 =	sadd.s32 $0x0, s26  }
0xd7: {  	[tilespmem:s13], [sflag:$0x7] =	stream.linear.gather [hbm4b:s12+s5], $0x70, $0x38;
	[tilespmem:$0x1B800] =	vst v63  }
0xd8: {  	s29 =	sadd.s32 $0x0, s29  }
0xd9: {  	[tilespmem:s19], [sflag:$0x7] =	stream.linear.gather [hbm4b:s29+s5], $0x70, $0x38;
	[tilespmem:$0x1B800] =	vst v63  }
0xda: {  	_ =	swait.ge [sflag:s15], $0x70  }
0xdb: {  	[sflag:s15] =	ssyncset.done $0x0  }
0xdc: {  	[sflag:s15] =	ssyncadd.s32 $0xFFFFFF90  }
0xdd: {  	_ =	swait.ge [sflag:s15], $0x70  }
0xde: {  	[sflag:s15] =	ssyncset.done $0x0  }
0xdf: {  	[sflag:s15] =	ssyncadd.s32 $0xFFFFFF90  }
0xe0: {  	_ =	swait.ge [sflag:s9], $0x3800  }
0xe1: {  	[sflag:s9] =	ssyncset.done $0x0  }
0xe2: {  	[sflag:s9] =	ssyncadd.s32 $0xFFFFC800  }
0xe3: {  	_ =	swait.ge [sflag:s10], $0x3800  }
0xe4: {  	[sflag:s10] =	ssyncset.done $0x0  }
0xe5: {  	[sflag:s10] =	ssyncadd.s32 $0xFFFFC800  }
0xe6: {  	_ =	swait.ge [sflag:s11], $0x70  }
0xe7: {  	[sflag:s11] =	ssyncset.done $0x0  }
0xe8: {  	[sflag:s11] =	ssyncadd.s32 $0xFFFFFF90  }
0xe9: {  	[spmem:s3] =	stream.indirect.scatter.add.f32 [tilespmem:s20], [sflag:$0x4], $0x80, s18, s16, $0xb8;
	[tilespmem:$0x1B800] =	vst v63  }
0xea: {  	_ = 	snop  }
0xeb: {  	[spmem:s4] =	stream.indirect.scatter.add.f32 [tilespmem:s25], [sflag:$0x6], $0x1, s18, s16, $0xb8;
	[tilespmem:$0x1B800] =	vst v63  }
0xec: {  	s31 =	rddreg [dreg:$0xc]  }
0xed: {  	[tilespmem:s2], [sflag:$0x1] =	stream.indirect.gather [hbm4b:s1+s16], $0x80, s13, s16, $0xb8;
	[tilespmem:$0x1B800] =	vst v63  }
0xee: {  	s26 =	rddreg [dreg:$0xb];
	s12 =	sadd.s32 $0x0, s31  }
0xef: {  	[tilespmem:s17], [sflag:$0x8] =	stream.linear.gather [hbm4b:s12+s5], $0x70, $0x38;
	[tilespmem:$0x1B800] =	vst v63  }
0xf0: {  	s29 =	sadd.s32 $0x0, s26  }
0xf1: {  	[tilespmem:s14], [sflag:$0x8] =	stream.linear.gather [hbm4b:s29+s5], $0x70, $0x38;
	[tilespmem:$0x1B800] =	vst v63  }
0xf2: {  	_ =	swait.ge [sflag:s21], $0x70  }
0xf3: {  	[sflag:s21] =	ssyncset.done $0x0  }
0xf4: {  	[sflag:s21] =	ssyncadd.s32 $0xFFFFFF90  }
0xf5: {  	_ =	swait.ge [sflag:s21], $0x70  }
0xf6: {  	[sflag:s21] =	ssyncset.done $0x0  }
0xf7: {  	[sflag:s21] =	ssyncadd.s32 $0xFFFFFF90  }
0xf8: {  	_ =	swait.ge [sflag:s22], $0x3800  }
0xf9: {  	[sflag:s22] =	ssyncset.done $0x0  }
0xfa: {  	[sflag:s22] =	ssyncadd.s32 $0xFFFFC800  }
0xfb: {  	_ =	swait.ge [sflag:s23], $0x3800  }
0xfc: {  	[sflag:s23] =	ssyncset.done $0x0  }
0xfd: {  	[sflag:s23] =	ssyncadd.s32 $0xFFFFC800  }
0xfe: {  	_ =	swait.ge [sflag:s24], $0x70  }
0xff: {  	[sflag:s24] =	ssyncset.done $0x0  }
0x100: {  	[sflag:s24] =	ssyncadd.s32 $0xFFFFFF90  }
0x101: {  	[spmem:s3] =	stream.indirect.scatter.add.f32 [tilespmem:s2], [sflag:$0x3], $0x80, s19, s16, $0xb8;
	[tilespmem:$0x1B800] =	vst v63  }
0x102: {  	_ = 	snop  }
0x103: {  	[spmem:s4] =	stream.indirect.scatter.add.f32 [tilespmem:s25], [sflag:$0x5], $0x1, s19, s16, $0xb8;
	[tilespmem:$0x1B800] =	vst v63  }
0x104: {  	s31 =	rddreg [dreg:$0xa]  }
0x105: {  	[tilespmem:s20], [sflag:$0x2] =	stream.indirect.gather [hbm4b:s1+s16], $0x80, s17, s16, $0xb8;
	[tilespmem:$0x1B800] =	vst v63  }
0x106: {  	s26 =	rddreg [dreg:$0x9];
	s12 =	sadd.s32 $0x0, s31  }
0x107: {  	[tilespmem:s13], [sflag:$0x7] =	stream.linear.gather [hbm4b:s12+s5], $0x70, $0x38;
	[tilespmem:$0x1B800] =	vst v63  }
0x108: {  	s29 =	sadd.s32 $0x0, s26  }
0x109: {  	[tilespmem:s18], [sflag:$0x7] =	stream.linear.gather [hbm4b:s29+s5], $0x70, $0x38;
	[tilespmem:$0x1B800] =	vst v63  }
0x10a: {  	_ =	swait.ge [sflag:s15], $0x70  }
0x10b: {  	[sflag:s15] =	ssyncset.done $0x0  }
0x10c: {  	[sflag:s15] =	ssyncadd.s32 $0xFFFFFF90  }
0x10d: {  	_ =	swait.ge [sflag:s15], $0x70  }
0x10e: {  	[sflag:s15] =	ssyncset.done $0x0  }
0x10f: {  	[sflag:s15] =	ssyncadd.s32 $0xFFFFFF90  }
0x110: {  	_ =	swait.ge [sflag:s9], $0x3800  }
0x111: {  	[sflag:s9] =	ssyncset.done $0x0  }
0x112: {  	[sflag:s9] =	ssyncadd.s32 $0xFFFFC800  }
0x113: {  	_ =	swait.ge [sflag:s10], $0x3800  }
0x114: {  	[sflag:s10] =	ssyncset.done $0x0  }
0x115: {  	[sflag:s10] =	ssyncadd.s32 $0xFFFFC800  }
0x116: {  	_ =	swait.ge [sflag:s11], $0x70  }
0x117: {  	[sflag:s11] =	ssyncset.done $0x0  }
0x118: {  	[sflag:s11] =	ssyncadd.s32 $0xFFFFFF90  }
0x119: {  	[spmem:s3] =	stream.indirect.scatter.add.f32 [tilespmem:s20], [sflag:$0x4], $0x80, s14, s16, $0xb8;
	[tilespmem:$0x1B800] =	vst v63  }
0x11a: {  	_ = 	snop  }
0x11b: {  	[spmem:s4] =	stream.indirect.scatter.add.f32 [tilespmem:s25], [sflag:$0x6], $0x1, s14, s16, $0xb8;
	[tilespmem:$0x1B800] =	vst v63  }
0x11c: {  	s31 =	rddreg [dreg:$0x8]  }
0x11d: {  	[tilespmem:s2], [sflag:$0x1] =	stream.indirect.gather [hbm4b:s1+s16], $0x80, s13, s16, $0xb8;
	[tilespmem:$0x1B800] =	vst v63  }
0x11e: {  	s26 =	rddreg [dreg:$0x7];
	s12 =	sadd.s32 $0x0, s31  }
0x11f: {  	[tilespmem:s17], [sflag:$0x8] =	stream.linear.gather [hbm4b:s12+s5], $0x70, $0x38;
	[tilespmem:$0x1B800] =	vst v63  }
0x120: {  	s29 =	sadd.s32 $0x0, s26  }
0x121: {  	[tilespmem:s19], [sflag:$0x8] =	stream.linear.gather [hbm4b:s29+s5], $0x70, $0x38;
	[tilespmem:$0x1B800] =	vst v63  }
0x122: {  	_ =	swait.ge [sflag:s21], $0x70  }
0x123: {  	[sflag:s21] =	ssyncset.done $0x0  }
0x124: {  	[sflag:s21] =	ssyncadd.s32 $0xFFFFFF90  }
0x125: {  	_ =	swait.ge [sflag:s21], $0x70  }
0x126: {  	[sflag:s21] =	ssyncset.done $0x0  }
0x127: {  	[sflag:s21] =	ssyncadd.s32 $0xFFFFFF90  }
0x128: {  	_ =	swait.ge [sflag:s22], $0x3800  }
0x129: {  	[sflag:s22] =	ssyncset.done $0x0  }
0x12a: {  	[sflag:s22] =	ssyncadd.s32 $0xFFFFC800  }
0x12b: {  	_ =	swait.ge [sflag:s23], $0x3800  }
0x12c: {  	[sflag:s23] =	ssyncset.done $0x0  }
0x12d: {  	[sflag:s23] =	ssyncadd.s32 $0xFFFFC800  }
0x12e: {  	_ =	swait.ge [sflag:s24], $0x70  }
0x12f: {  	s31 =	smin.u32 s28, $0x53;
	[sflag:s24] =	ssyncset.done $0x0  }
0x130: {  	s12 =	smul.u32 $0x70, s31;
	s26 =	rddreg [dreg:$0x5];
	[sflag:s24] =	ssyncadd.s32 $0xFFFFFF90  }
0x131: {  	[spmem:s3] =	stream.indirect.scatter.add.f32 [tilespmem:s2], [sflag:$0x3], $0x80, s18, s16, $0xb8;
	[tilespmem:$0x1B800] =	vst v63  }
0x132: {  	s12 =	sadd.s32 s12, s26  }
0x133: {  	[spmem:s4] =	stream.indirect.scatter.add.f32 [tilespmem:s25], [sflag:$0x5], $0x1, s18, s16, $0xb8;
	[tilespmem:$0x1B800] =	vst v63  }
0x134: {  	s12 =	sshrl.u32 s12, $0x3  }
0x135: {  	[tilespmem:s20], [sflag:$0x2] =	stream.indirect.gather [hbm4b:s1+s16], $0x80, s17, s16, $0xb8;
	[tilespmem:$0x1B800] =	vst v63  }
0x136: {  	s31 =	sadd.s32 s6, s12  }
0x137: {  	[tilespmem:s13], [sflag:$0x7] =	stream.linear.gather [hbm4b:s31+s5], $0x70, $0x38;
	[tilespmem:$0x1B800] =	vst v63  }
0x138: {  	s12 =	sadd.s32 s7, s12  }
0x139: {  	[tilespmem:s14], [sflag:$0x7] =	stream.linear.gather [hbm4b:s12+s5], $0x70, $0x38;
	[tilespmem:$0x1B800] =	vst v63  }
0x13a: {  	_ =	swait.ge [sflag:s15], $0x70  }
0x13b: {  	[sflag:s15] =	ssyncset.done $0x0  }
0x13c: {  	[sflag:s15] =	ssyncadd.s32 $0xFFFFFF90  }
0x13d: {  	_ =	swait.ge [sflag:s15], $0x70  }
0x13e: {  	[sflag:s15] =	ssyncset.done $0x0  }
0x13f: {  	[sflag:s15] =	ssyncadd.s32 $0xFFFFFF90  }
0x140: {  	_ =	swait.ge [sflag:s9], $0x3800  }
0x141: {  	[sflag:s9] =	ssyncset.done $0x0  }
0x142: {  	[sflag:s9] =	ssyncadd.s32 $0xFFFFC800  }
0x143: {  	_ =	swait.ge [sflag:s10], $0x3800  }
0x144: {  	[sflag:s10] =	ssyncset.done $0x0  }
0x145: {  	[sflag:s10] =	ssyncadd.s32 $0xFFFFC800  }
0x146: {  	_ =	swait.ge [sflag:s11], $0x70  }
0x147: {  	s26 =	smin.u32 s28, $0x52;
	[sflag:s11] =	ssyncset.done $0x0  }
0x148: {  	s12 =	smul.u32 $0x70, s26;
	s31 =	rddreg [dreg:$0x6];
	[sflag:s11] =	ssyncadd.s32 $0xFFFFFF90  }
0x149: {  	[spmem:s3] =	stream.indirect.scatter.add.f32 [tilespmem:s20], [sflag:$0x4], $0x80, s19, s16, $0xb8;
	[tilespmem:$0x1B800] =	vst v63  }
0x14a: {  	s12 =	sadd.s32 s12, s31  }
0x14b: {  	[spmem:s4] =	stream.indirect.scatter.add.f32 [tilespmem:s25], [sflag:$0x6], $0x1, s19, s16, $0xb8;
	[tilespmem:$0x1B800] =	vst v63  }
0x14c: {  	s29 =	sshrl.u32 s12, $0x3  }
0x14d: {  	[tilespmem:s2], [sflag:$0x1] =	stream.indirect.gather [hbm4b:s1+s16], $0x80, s13, s16, $0xb8;
	[tilespmem:$0x1B800] =	vst v63  }
0x14e: {  	s12 =	sadd.s32 s6, s29  }
0x14f: {  	[tilespmem:s17], [sflag:$0x8] =	stream.linear.gather [hbm4b:s12+s5], $0x70, $0x38;
	[tilespmem:$0x1B800] =	vst v63  }
0x150: {  	s30 =	sadd.s32 s7, s29;
	s12 =	simm.s32 $0x54  }
.LBB2_6:
0x151: {  	[tilespmem:s18], [sflag:$0x8] =	stream.linear.gather [hbm4b:s30+s5], $0x70, $0x38;
	[tilespmem:$0x1B800] =	vst v63  }
0x152: {  	_ =	swait.ge [sflag:s21], $0x70  }
0x153: {  	[sflag:s21] =	ssyncset.done $0x0  }
0x154: {  	[sflag:s21] =	ssyncadd.s32 $0xFFFFFF90  }
0x155: {  	_ =	swait.ge [sflag:s21], $0x70  }
0x156: {  	[sflag:s21] =	ssyncset.done $0x0  }
0x157: {  	[sflag:s21] =	ssyncadd.s32 $0xFFFFFF90  }
0x158: {  	_ =	swait.ge [sflag:s22], $0x3800  }
0x159: {  	[sflag:s22] =	ssyncset.done $0x0  }
0x15a: {  	[sflag:s22] =	ssyncadd.s32 $0xFFFFC800  }
0x15b: {  	_ =	swait.ge [sflag:s23], $0x3800  }
0x15c: {  	[sflag:s23] =	ssyncset.done $0x0  }
0x15d: {  	[sflag:s23] =	ssyncadd.s32 $0xFFFFC800  }
0x15e: {  	_ =	swait.ge [sflag:s24], $0x70  }
0x15f: {  	[sflag:s24] =	ssyncset.done $0x0  }
0x160: {  	[sflag:s24] =	ssyncadd.s32 $0xFFFFFF90  }
0x161: {  	[spmem:s3] =	stream.indirect.scatter.add.f32 [tilespmem:s2], [sflag:$0x3], $0x80, s14, s16, $0xb8;
	[tilespmem:$0x1B800] =	vst v63  }
0x162: {  	_ = 	snop  }
0x163: {  	[spmem:s4] =	stream.indirect.scatter.add.f32 [tilespmem:s25], [sflag:$0x5], $0x1, s14, s16, $0xb8;
	[tilespmem:$0x1B800] =	vst v63  }
0x164: {  	s29 =	smov.u32 s12;
	s30 =	rddreg [dreg:$0xe]  }
0x165: {  	[tilespmem:s20], [sflag:$0x2] =	stream.indirect.gather [hbm4b:s1+s16], $0x80, s17, s16, $0xb8;
	[tilespmem:$0x1B800] =	vst v63  }
0x166: {  	s31 =	rddreg [dreg:$0xd];
	s30 =	sadd.s32 s29, s30  }
0x167: {  	[tilespmem:s13], [sflag:$0x7] =	stream.linear.gather [hbm4b:s30+s5], $0x70, $0x38;
	[tilespmem:$0x1B800] =	vst v63  }
0x168: {  	s30 =	sadd.s32 s29, s31  }
0x169: {  	[tilespmem:s19], [sflag:$0x7] =	stream.linear.gather [hbm4b:s30+s5], $0x70, $0x38;
	[tilespmem:$0x1B800] =	vst v63  }
0x16a: {  	_ =	swait.ge [sflag:s15], $0x70  }
0x16b: {  	[sflag:s15] =	ssyncset.done $0x0  }
0x16c: {  	[sflag:s15] =	ssyncadd.s32 $0xFFFFFF90  }
0x16d: {  	_ =	swait.ge [sflag:s15], $0x70  }
0x16e: {  	[sflag:s15] =	ssyncset.done $0x0  }
0x16f: {  	[sflag:s15] =	ssyncadd.s32 $0xFFFFFF90  }
0x170: {  	_ =	swait.ge [sflag:s9], $0x3800  }
0x171: {  	[sflag:s9] =	ssyncset.done $0x0  }
0x172: {  	[sflag:s9] =	ssyncadd.s32 $0xFFFFC800  }
0x173: {  	_ =	swait.ge [sflag:s10], $0x3800  }
0x174: {  	[sflag:s10] =	ssyncset.done $0x0  }
0x175: {  	[sflag:s10] =	ssyncadd.s32 $0xFFFFC800  }
0x176: {  	_ =	swait.ge [sflag:s11], $0x70  }
0x177: {  	[sflag:s11] =	ssyncset.done $0x0  }
0x178: {  	[sflag:s11] =	ssyncadd.s32 $0xFFFFFF90  }
0x179: {  	[spmem:s3] =	stream.indirect.scatter.add.f32 [tilespmem:s20], [sflag:$0x4], $0x80, s18, s16, $0xb8;
	[tilespmem:$0x1B800] =	vst v63  }
0x17a: {  	_ = 	snop  }
0x17b: {  	[spmem:s4] =	stream.indirect.scatter.add.f32 [tilespmem:s25], [sflag:$0x6], $0x1, s18, s16, $0xb8;
	[tilespmem:$0x1B800] =	vst v63  }
0x17c: {  	s30 =	rddreg [dreg:$0xc]  }
0x17d: {  	[tilespmem:s2], [sflag:$0x1] =	stream.indirect.gather [hbm4b:s1+s16], $0x80, s13, s16, $0xb8;
	[tilespmem:$0x1B800] =	vst v63  }
0x17e: {  	s26 =	rddreg [dreg:$0xb];
	s30 =	sadd.s32 s29, s30  }
0x17f: {  	[tilespmem:s17], [sflag:$0x8] =	stream.linear.gather [hbm4b:s30+s5], $0x70, $0x38;
	[tilespmem:$0x1B800] =	vst v63  }
0x180: {  	s30 =	sadd.s32 s29, s26  }
0x181: {  	[tilespmem:s14], [sflag:$0x8] =	stream.linear.gather [hbm4b:s30+s5], $0x70, $0x38;
	[tilespmem:$0x1B800] =	vst v63  }
0x182: {  	_ =	swait.ge [sflag:s21], $0x70  }
0x183: {  	[sflag:s21] =	ssyncset.done $0x0  }
0x184: {  	[sflag:s21] =	ssyncadd.s32 $0xFFFFFF90  }
0x185: {  	_ =	swait.ge [sflag:s21], $0x70  }
0x186: {  	[sflag:s21] =	ssyncset.done $0x0  }
0x187: {  	[sflag:s21] =	ssyncadd.s32 $0xFFFFFF90  }
0x188: {  	_ =	swait.ge [sflag:s22], $0x3800  }
0x189: {  	[sflag:s22] =	ssyncset.done $0x0  }
0x18a: {  	[sflag:s22] =	ssyncadd.s32 $0xFFFFC800  }
0x18b: {  	_ =	swait.ge [sflag:s23], $0x3800  }
0x18c: {  	[sflag:s23] =	ssyncset.done $0x0  }
0x18d: {  	[sflag:s23] =	ssyncadd.s32 $0xFFFFC800  }
0x18e: {  	_ =	swait.ge [sflag:s24], $0x70  }
0x18f: {  	[sflag:s24] =	ssyncset.done $0x0  }
0x190: {  	[sflag:s24] =	ssyncadd.s32 $0xFFFFFF90  }
0x191: {  	[spmem:s3] =	stream.indirect.scatter.add.f32 [tilespmem:s2], [sflag:$0x3], $0x80, s19, s16, $0xb8;
	[tilespmem:$0x1B800] =	vst v63  }
0x192: {  	_ = 	snop  }
0x193: {  	[spmem:s4] =	stream.indirect.scatter.add.f32 [tilespmem:s25], [sflag:$0x5], $0x1, s19, s16, $0xb8;
	[tilespmem:$0x1B800] =	vst v63  }
0x194: {  	s30 =	rddreg [dreg:$0xa]  }
0x195: {  	[tilespmem:s20], [sflag:$0x2] =	stream.indirect.gather [hbm4b:s1+s16], $0x80, s17, s16, $0xb8;
	[tilespmem:$0x1B800] =	vst v63  }
0x196: {  	s26 =	rddreg [dreg:$0x9];
	s30 =	sadd.s32 s29, s30  }
0x197: {  	[tilespmem:s13], [sflag:$0x7] =	stream.linear.gather [hbm4b:s30+s5], $0x70, $0x38;
	[tilespmem:$0x1B800] =	vst v63  }
0x198: {  	s30 =	sadd.s32 s29, s26  }
0x199: {  	[tilespmem:s18], [sflag:$0x7] =	stream.linear.gather [hbm4b:s30+s5], $0x70, $0x38;
	[tilespmem:$0x1B800] =	vst v63  }
0x19a: {  	_ =	swait.ge [sflag:s15], $0x70  }
0x19b: {  	[sflag:s15] =	ssyncset.done $0x0  }
0x19c: {  	[sflag:s15] =	ssyncadd.s32 $0xFFFFFF90  }
0x19d: {  	_ =	swait.ge [sflag:s15], $0x70  }
0x19e: {  	[sflag:s15] =	ssyncset.done $0x0  }
0x19f: {  	[sflag:s15] =	ssyncadd.s32 $0xFFFFFF90  }
0x1a0: {  	_ =	swait.ge [sflag:s9], $0x3800  }
0x1a1: {  	[sflag:s9] =	ssyncset.done $0x0  }
0x1a2: {  	[sflag:s9] =	ssyncadd.s32 $0xFFFFC800  }
0x1a3: {  	_ =	swait.ge [sflag:s10], $0x3800  }
0x1a4: {  	[sflag:s10] =	ssyncset.done $0x0  }
0x1a5: {  	[sflag:s10] =	ssyncadd.s32 $0xFFFFC800  }
0x1a6: {  	_ =	swait.ge [sflag:s11], $0x70  }
0x1a7: {  	[sflag:s11] =	ssyncset.done $0x0  }
0x1a8: {  	[sflag:s11] =	ssyncadd.s32 $0xFFFFFF90  }
0x1a9: {  	[spmem:s3] =	stream.indirect.scatter.add.f32 [tilespmem:s20], [sflag:$0x4], $0x80, s14, s16, $0xb8;
	[tilespmem:$0x1B800] =	vst v63  }
0x1aa: {  	_ = 	snop  }
0x1ab: {  	[spmem:s4] =	stream.indirect.scatter.add.f32 [tilespmem:s25], [sflag:$0x6], $0x1, s14, s16, $0xb8;
	[tilespmem:$0x1B800] =	vst v63  }
0x1ac: {  	s30 =	rddreg [dreg:$0x8]  }
0x1ad: {  	[tilespmem:s2], [sflag:$0x1] =	stream.indirect.gather [hbm4b:s1+s16], $0x80, s13, s16, $0xb8;
	[tilespmem:$0x1B800] =	vst v63  }
0x1ae: {  	s26 =	rddreg [dreg:$0x7];
	s30 =	sadd.s32 s29, s30  }
0x1af: {  	[tilespmem:s17], [sflag:$0x8] =	stream.linear.gather [hbm4b:s30+s5], $0x70, $0x38;
	[tilespmem:$0x1B800] =	vst v63  }
0x1b0: {  	s29 =	sadd.s32 s29, s26  }
0x1b1: {  	[tilespmem:s19], [sflag:$0x8] =	stream.linear.gather [hbm4b:s29+s5], $0x70, $0x38;
	[tilespmem:$0x1B800] =	vst v63  }
0x1b2: {  	_ =	swait.ge [sflag:s21], $0x70  }
0x1b3: {  	[sflag:s21] =	ssyncset.done $0x0  }
0x1b4: {  	[sflag:s21] =	ssyncadd.s32 $0xFFFFFF90  }
0x1b5: {  	_ =	swait.ge [sflag:s21], $0x70  }
0x1b6: {  	[sflag:s21] =	ssyncset.done $0x0  }
0x1b7: {  	[sflag:s21] =	ssyncadd.s32 $0xFFFFFF90  }
0x1b8: {  	_ =	swait.ge [sflag:s22], $0x3800  }
0x1b9: {  	[sflag:s22] =	ssyncset.done $0x0  }
0x1ba: {  	[sflag:s22] =	ssyncadd.s32 $0xFFFFC800  }
0x1bb: {  	_ =	swait.ge [sflag:s23], $0x3800  }
0x1bc: {  	[sflag:s23] =	ssyncset.done $0x0  }
0x1bd: {  	[sflag:s23] =	ssyncadd.s32 $0xFFFFC800  }
0x1be: {  	s28 =	sadd.s32 $0x6, s28;
	_ =	swait.ge [sflag:s24], $0x70  }
0x1bf: {  	s26 =	smin.u32 s28, $0x53;
	[sflag:s24] =	ssyncset.done $0x0  }
0x1c0: {  	s29 =	smul.u32 $0x70, s26;
	s30 =	rddreg [dreg:$0x5];
	[sflag:s24] =	ssyncadd.s32 $0xFFFFFF90  }
0x1c1: {  	[spmem:s3] =	stream.indirect.scatter.add.f32 [tilespmem:s2], [sflag:$0x3], $0x80, s18, s16, $0xb8;
	[tilespmem:$0x1B800] =	vst v63  }
0x1c2: {  	s29 =	sadd.s32 s29, s30  }
0x1c3: {  	[spmem:s4] =	stream.indirect.scatter.add.f32 [tilespmem:s25], [sflag:$0x5], $0x1, s18, s16, $0xb8;
	[tilespmem:$0x1B800] =	vst v63  }
0x1c4: {  	s29 =	sshrl.u32 s29, $0x3  }
0x1c5: {  	[tilespmem:s20], [sflag:$0x2] =	stream.indirect.gather [hbm4b:s1+s16], $0x80, s17, s16, $0xb8;
	[tilespmem:$0x1B800] =	vst v63  }
0x1c6: {  	s30 =	sadd.s32 s6, s29  }
0x1c7: {  	[tilespmem:s13], [sflag:$0x7] =	stream.linear.gather [hbm4b:s30+s5], $0x70, $0x38;
	[tilespmem:$0x1B800] =	vst v63  }
0x1c8: {  	s29 =	sadd.s32 s7, s29  }
0x1c9: {  	[tilespmem:s14], [sflag:$0x7] =	stream.linear.gather [hbm4b:s29+s5], $0x70, $0x38;
	[tilespmem:$0x1B800] =	vst v63  }
0x1ca: {  	_ =	swait.ge [sflag:s15], $0x70  }
0x1cb: {  	[sflag:s15] =	ssyncset.done $0x0  }
0x1cc: {  	[sflag:s15] =	ssyncadd.s32 $0xFFFFFF90  }
0x1cd: {  	_ =	swait.ge [sflag:s15], $0x70  }
0x1ce: {  	[sflag:s15] =	ssyncset.done $0x0  }
0x1cf: {  	[sflag:s15] =	ssyncadd.s32 $0xFFFFFF90  }
0x1d0: {  	_ =	swait.ge [sflag:s9], $0x3800  }
0x1d1: {  	[sflag:s9] =	ssyncset.done $0x0  }
0x1d2: {  	[sflag:s9] =	ssyncadd.s32 $0xFFFFC800  }
0x1d3: {  	_ =	swait.ge [sflag:s10], $0x3800  }
0x1d4: {  	[sflag:s10] =	ssyncset.done $0x0  }
0x1d5: {  	[sflag:s10] =	ssyncadd.s32 $0xFFFFC800  }
0x1d6: {  	_ =	swait.ge [sflag:s11], $0x70  }
0x1d7: {  	[sflag:s11] =	ssyncset.done $0x0  }
0x1d8: {  	s31 =	smin.u32 s28, $0x52;
	[sflag:s11] =	ssyncadd.s32 $0xFFFFFF90  }
0x1d9: {  	[spmem:s3] =	stream.indirect.scatter.add.f32 [tilespmem:s20], [sflag:$0x4], $0x80, s19, s16, $0xb8;
	[tilespmem:$0x1B800] =	vst v63  }
0x1da: {  	p0 =	sne.s32 s12, $0x498;
	s29 =	smul.u32 $0x70, s31;
	s30 =	rddreg [dreg:$0x6]  }
0x1db: {  	[spmem:s4] =	stream.indirect.scatter.add.f32 [tilespmem:s25], [sflag:$0x6], $0x1, s19, s16, $0xb8;
	[tilespmem:$0x1B800] =	vst v63  }
.Ltmp2:
0x1dc: {  	s29 =	sadd.s32 s29, s30;
	(pc) =	sbr.rel @p0 .LBB2_6-.Ltmp2, $4  }
0x1dd: {  	s29 =	sshrl.u32 s29, $0x3  }
0x1de: {  	[tilespmem:s2], [sflag:$0x1] =	stream.indirect.gather [hbm4b:s1+s16], $0x80, s13, s16, $0xb8;
	[tilespmem:$0x1B800] =	vst v63  }
0x1df: {  	s12 =	sadd.s32 $0x54, s12;
	s26 =	sadd.s32 s6, s29;
	s30 =	sadd.s32 s7, s29  }
0x1e0: {  	[tilespmem:s17], [sflag:$0x8] =	stream.linear.gather [hbm4b:s26+s5], $0x70, $0x38;
	[tilespmem:$0x1B800] =	vst v63  }
0x1e1: {  	[tilespmem:s18], [sflag:$0x8] =	stream.linear.gather [hbm4b:s30+s5], $0x70, $0x38;
	[tilespmem:$0x1B800] =	vst v63  }
0x1e2: {  	_ =	swait.ge [sflag:s22], $0x3800  }
0x1e3: {  	[sflag:s22] =	ssyncset.done $0x0  }
0x1e4: {  	[sflag:s22] =	ssyncadd.s32 $0xFFFFC800  }
0x1e5: {  	_ =	swait.ge [sflag:s23], $0x3800  }
0x1e6: {  	[sflag:s23] =	ssyncset.done $0x0  }
0x1e7: {  	[sflag:s23] =	ssyncadd.s32 $0xFFFFC800  }
0x1e8: {  	_ =	swait.ge [sflag:s24], $0x70  }
0x1e9: {  	[sflag:s24] =	ssyncset.done $0x0  }
0x1ea: {  	[sflag:s24] =	ssyncadd.s32 $0xFFFFFF90  }
0x1eb: {  	_ =	swait.ge [sflag:s21], $0x70  }
0x1ec: {  	[sflag:s21] =	ssyncset.done $0x0  }
0x1ed: {  	[sflag:s21] =	ssyncadd.s32 $0xFFFFFF90  }
0x1ee: {  	_ =	swait.ge [sflag:s21], $0x70  }
0x1ef: {  	[sflag:s21] =	ssyncset.done $0x0  }
0x1f0: {  	[sflag:s21] =	ssyncadd.s32 $0xFFFFFF90  }
0x1f1: {  	[bflag:$0x0] =	sbarrier.arrive $0xFFFF  }
0x1f2: {  	[tilespmem:s2], [sflag:$0x9] =	stream.linear.gather [spmem:s8], $0x2800, $0x38;
	[tilespmem:$0x1B800] =	vst v63  }
0x1f3: {  	_ =	swait.ge [sflag:s0], $0x2800  }
0x1f4: {  	[sflag:s0] =	ssyncset.done $0x0  }
0x1f5: {  	s12 =	rddreg [dreg:$0x16];
	[sflag:s0] =	ssyncadd.s32 $0xFFFFD800  }
0x1f6: {  	[hbm4b:s12+s5] =	stream.linear.scatter [tilespmem:s2], [sflag:$0x9], $0x2800, $0x38;
	[tilespmem:$0x1B800] =	vst v63  }
0x1f7: {  	_ =	swait.ge [sflag:s0], $0x2800  }
0x1f8: {  	[sflag:s0] =	ssyncset.done $0x0  }
0x1f9: {  	s29 =	rddreg [dreg:$0xf];
	[sflag:s0] =	ssyncadd.s32 $0xFFFFD800  }
0x1fa: {  	[tilespmem:s2], [sflag:$0x9] =	stream.linear.gather [spmem:s29], $0x2800, $0x38;
	[tilespmem:$0x1B800] =	vst v63  }
0x1fb: {  	_ =	swait.ge [sflag:s0], $0x2800  }
0x1fc: {  	[sflag:s0] =	ssyncset.done $0x0  }
0x1fd: {  	s26 =	rddreg [dreg:$0x17];
	[sflag:s0] =	ssyncadd.s32 $0xFFFFD800  }
0x1fe: {  	[hbm4b:s26+s5] =	stream.linear.scatter [tilespmem:s2], [sflag:$0x9], $0x2800, $0x38;
	[tilespmem:$0x1B800] =	vst v63  }
0x1ff: {  	_ =	swait.ge [sflag:s0], $0x2800  }
0x200: {  	[sflag:s0] =	ssyncset.done $0x0  }
0x201: {  	s31 =	rddreg [dreg:$0x10];
	[sflag:s0] =	ssyncadd.s32 $0xFFFFD800  }
0x202: {  	[tilespmem:s2], [sflag:$0x9] =	stream.linear.gather [spmem:s31], $0x2800, $0x38;
	[tilespmem:$0x1B800] =	vst v63  }
0x203: {  	_ =	swait.ge [sflag:s0], $0x2800  }
0x204: {  	[sflag:s0] =	ssyncset.done $0x0  }
0x205: {  	s28 =	rddreg [dreg:$0x18];
	[sflag:s0] =	ssyncadd.s32 $0xFFFFD800  }
0x206: {  	[hbm4b:s28+s5] =	stream.linear.scatter [tilespmem:s2], [sflag:$0x9], $0x2800, $0x38;
	[tilespmem:$0x1B800] =	vst v63  }
0x207: {  	_ =	swait.ge [sflag:s0], $0x2800  }
0x208: {  	s12 =	sld [smem:$0x7F9]  }
0x209: {  	[sflag:s0] =	ssyncset.done $0x0  }
0x20a: {  	[sflag:s0] =	ssyncadd.s32 $0xFFFFD800  }
0x20b: {  	[tilespmem:s2], [sflag:$0x9] =	stream.linear.gather [spmem:s12], $0x2800, $0x38;
	[tilespmem:$0x1B800] =	vst v63  }
0x20c: {  	_ =	swait.ge [sflag:s0], $0x2800  }
0x20d: {  	[sflag:s0] =	ssyncset.done $0x0  }
0x20e: {  	s26 =	rddreg [dreg:$0x19];
	[sflag:s0] =	ssyncadd.s32 $0xFFFFD800  }
0x20f: {  	[hbm4b:s26+s5] =	stream.linear.scatter [tilespmem:s2], [sflag:$0x9], $0x2800, $0x38;
	[tilespmem:$0x1B800] =	vst v63  }
0x210: {  	_ =	swait.ge [sflag:s0], $0x2800  }
0x211: {  	s28 =	sld [smem:$0x7FA]  }
0x212: {  	[sflag:s0] =	ssyncset.done $0x0  }
0x213: {  	[sflag:s0] =	ssyncadd.s32 $0xFFFFD800  }
0x214: {  	[tilespmem:s2], [sflag:$0x9] =	stream.linear.gather [spmem:s28], $0x2800, $0x38;
	[tilespmem:$0x1B800] =	vst v63  }
0x215: {  	_ =	swait.ge [sflag:s0], $0x2800  }
0x216: {  	[sflag:s0] =	ssyncset.done $0x0  }
0x217: {  	s12 =	rddreg [dreg:$0x1a];
	[sflag:s0] =	ssyncadd.s32 $0xFFFFD800  }
0x218: {  	[hbm4b:s12+s5] =	stream.linear.scatter [tilespmem:s2], [sflag:$0x9], $0x2800, $0x38;
	[tilespmem:$0x1B800] =	vst v63  }
0x219: {  	_ =	swait.ge [sflag:s0], $0x2800  }
0x21a: {  	s26 =	sld [smem:$0x7FB]  }
0x21b: {  	[sflag:s0] =	ssyncset.done $0x0  }
0x21c: {  	[sflag:s0] =	ssyncadd.s32 $0xFFFFD800  }
0x21d: {  	[tilespmem:s2], [sflag:$0x9] =	stream.linear.gather [spmem:s26], $0x2800, $0x38;
	[tilespmem:$0x1B800] =	vst v63  }
0x21e: {  	_ =	swait.ge [sflag:s0], $0x2800  }
0x21f: {  	[sflag:s0] =	ssyncset.done $0x0  }
0x220: {  	s28 =	rddreg [dreg:$0x1b];
	[sflag:s0] =	ssyncadd.s32 $0xFFFFD800  }
0x221: {  	[hbm4b:s28+s5] =	stream.linear.scatter [tilespmem:s2], [sflag:$0x9], $0x2800, $0x38;
	[tilespmem:$0x1B800] =	vst v63  }
0x222: {  	_ =	swait.ge [sflag:s0], $0x2800  }
0x223: {  	s12 =	sld [smem:$0x7FC]  }
0x224: {  	[sflag:s0] =	ssyncset.done $0x0  }
0x225: {  	[sflag:s0] =	ssyncadd.s32 $0xFFFFD800  }
0x226: {  	[tilespmem:s2], [sflag:$0x9] =	stream.linear.gather [spmem:s12], $0x2800, $0x38;
	[tilespmem:$0x1B800] =	vst v63  }
0x227: {  	_ =	swait.ge [sflag:s0], $0x2800  }
0x228: {  	[sflag:s0] =	ssyncset.done $0x0  }
0x229: {  	s26 =	rddreg [dreg:$0x1c];
	[sflag:s0] =	ssyncadd.s32 $0xFFFFD800  }
0x22a: {  	[hbm4b:s26+s5] =	stream.linear.scatter [tilespmem:s2], [sflag:$0x9], $0x2800, $0x38;
	[tilespmem:$0x1B800] =	vst v63  }
0x22b: {  	_ =	swait.ge [sflag:s0], $0x2800  }
0x22c: {  	s28 =	sld [smem:$0x7FD]  }
0x22d: {  	[sflag:s0] =	ssyncset.done $0x0  }
0x22e: {  	[sflag:s0] =	ssyncadd.s32 $0xFFFFD800  }
0x22f: {  	[tilespmem:s2], [sflag:$0x9] =	stream.linear.gather [spmem:s28], $0x2800, $0x38;
	[tilespmem:$0x1B800] =	vst v63  }
0x230: {  	_ =	swait.ge [sflag:s0], $0x2800  }
0x231: {  	[sflag:s0] =	ssyncset.done $0x0  }
0x232: {  	s12 =	rddreg [dreg:$0x1d];
	[sflag:s0] =	ssyncadd.s32 $0xFFFFD800  }
0x233: {  	[hbm4b:s12+s5] =	stream.linear.scatter [tilespmem:s2], [sflag:$0x9], $0x2800, $0x38;
	[tilespmem:$0x1B800] =	vst v63  }
0x234: {  	_ =	swait.ge [sflag:s0], $0x2800  }
0x235: {  	[sflag:s0] =	ssyncset.done $0x0  }
0x236: {  	s12 =	simm.s32 $0x1B580;
	s26 =	rddreg [dreg:$0x11];
	[sflag:s0] =	ssyncadd.s32 $0xFFFFD800  }
0x237: {  	[tilespmem:s12], [sflag:$0x9] =	stream.linear.gather [spmem:s26], $0x280, $0x38;
	[tilespmem:$0x1B800] =	vst v63  }
0x238: {  	_ =	swait.ge [sflag:s0], $0x280  }
0x239: {  	[sflag:s0] =	ssyncset.done $0x0  }
0x23a: {  	s28 =	rddreg [dreg:$0x1e];
	[sflag:s0] =	ssyncadd.s32 $0xFFFFFD80  }
0x23b: {  	[hbm4b:s28+s5] =	stream.linear.scatter [tilespmem:s12], [sflag:$0x9], $0x280, $0x38;
	[tilespmem:$0x1B800] =	vst v63  }
0x23c: {  	_ =	swait.ge [sflag:s0], $0x280  }
0x23d: {  	s30 =	smov.u32 s8;
	s8 =	sld [smem:$0x7F8];
	_ =	sdelay $0x2  }
0x23e: {  	s28 =	rddreg [dreg:$0x1f];
	s12 =	sadd.s32 $0x1, s8  }
0x23f: {  	p0 =	sne.s32 s12, s28  }
.Ltmp3:
0x240: {  	_ = 	snop;
	(pc) =	sbr.rel @p0 .LBB2_1-.Ltmp3, $3  }
0x241: {  	_ =	sdelay $0x1  }
0x242: {  	[sflag:s0] =	ssyncset.done $0x0  }
0x243: {  	s26 =	simm.s32 $0x1B580;
	[sflag:s0] =	ssyncadd.s32 $0xFFFFFD80  }
0x244: {  	_ =	sfence.sel $0x180000  }
0x245: {  	[bflag:$0x0] =	sbarrier.arrive $0xFFFF  }
0x246: {  	_ =	strace $0x90000047  }
0x247: {  	s0 =	stileid.u32;
	[bflag:$0x2] =	sbarrier.arrive $0xFFFF  }
0x248: {  	p0 =	sne.s32 s0, $0x0;
	s0 =	rddreg [dreg:$0x4]  }
0x249: {  	s0 =	sadd.s32 @!p0 $0x100000, s0  }
0x24a: {  	[sflag:s0] =	ssyncadd.tile.s32 @!p0 $0x1;
	_ =	shalt  }
.Lfunc_end2:
_tile_overlayer_lowered:
.L_overlay_start_2:
0x24b: {  	(tag) =	ssettag $0x2  }
0x24c: {  	s0 =	rddreg [dreg:$0x0];
	s2 =	stileid.u32  }
0x24d: {  	s1 =	rddreg [dreg:$0x1];
	p0 =	sne.s32 s2, $0x0  }
0x24e: {  	s3 =	rddreg [dreg:$0x2];
	[bflag:$0x3] =	sbarrier.arrive $0xFFFF;
	s2 =	simm.s32 @!p0 $0x1C09  }
0x24f: {  	[timem:s3], [sflag:s2] =	dma.local @!p0 [hbm:s0], s1  }
0x250: {  	s0 =	simm.s32 @!p0 $0x9  }
0x251: {  	_ =	swait.ge @!p0 [sflag:s0], s1  }
0x252: {  	s1 =	ssub.s32 @!p0 $0x0, s1;
	[sflag:s0] =	ssyncset.done @!p0 $0x0  }
0x253: {  	[sflag:s0] =	ssyncadd.s32 @!p0 s1  }
0x254: {  	[bflag:$0x3] =	sbarrier.arrive $0xFFFF  }
0x255: {  	_ =	shalt  }

// kernel: kernel.9.cloned.1.call-start
scs
__scs_entry_jumppad:
0x0: {  	(pc) =	sbr.rel $0x88, $3  }
0x1: {  	(tag) =	ssettag $0x0;
	lr =	simm.s32 $0x1  }
0x2: {  	[smem:$0x3F95] =	sst lr;
	_ =	strace $0xD0000000  }
0x3: {  	_ = 	snop  }
0x4: {  	_ = 	snop  }
0x5: {  	_ = 	snop  }
0x6: {  	_ = 	snop  }
0x7: {  	_ = 	snop  }
__scs_overlays_trampoline_lowered:
0x8: {  	[smem:$0x3FA4] =	sst s0  }
0x9: {  	[smem:$0x3FA5] =	sst s1  }
0xa: {  	[smem:$0x3FA6] =	sst s2  }
0xb: {  	[smem:$0x3FA7] =	sst s3  }
0xc: {  	[smem:$0x3FA8] =	sst s4  }
0xd: {  	[smem:$0x3FA9] =	sst s5  }
0xe: {  	[smem:$0x3FAA] =	sst s6  }
0xf: {  	[smem:$0x3FAB] =	sst s7  }
0x10: {  	[smem:$0x3FAC] =	sst s8  }
0x11: {  	[smem:$0x3FAD] =	sst s9;
	s0 =	simm.s32 @!p0 $0x0  }
0x12: {  	s1 =	sld [smem:$0x3F93];
	s0 =	simm.s32 @p0 $0x1  }
0x13: {  	[smem:$0x3FAE] =	sst s0;
	s0 =	simm.s32 @!p1 $0x0  }
0x14: {  	s2 =	sld [smem:$0x3F92];
	s0 =	simm.s32 @p1 $0x1  }
0x15: {  	[smem:$0x3FAF] =	sst s0;
	s0 =	simm.s32 @!p2 $0x0  }
0x16: {  	s3 =	sld [smem:$0x3FDB];
	s0 =	simm.s32 @p2 $0x1  }
0x17: {  	s4 =	simm.s32 $0x1BF5;
	[smem:$0x3FB1] =	sst s0  }
0x18: {  	s0 =	sld [smem:$0x3F94];
	_ =	swait.ge [sflag:s4], $0x0  }
0x19: {  	s7 =	sld [smem:$0x3F95]  }
0x1a: {  	s8 =	sadd.s32 $0xFFFFE003, lr  }
0x1b: {  	s9 =	sadd.s32 $0xFFFFFEF7, lr;
	s5 =	simm.s32 $0xFFFFFFFF;
	p2 =	slt.u32 s8, $0xFFFFF086  }
0x1c: {  	p1 =	slt.u32 s9, $0xF7A;
	s5 =	simm.s32 @!p2 $0x0  }
0x1d: {  	s5 =	simm.s32 @p1 $0x1;
	p0 =	seq.s32 s7, s2  }
0x1e: {  	s7 =	smul.u32 @!p0 $0xF7A, s2;
	p2 =	seq.s32 @!p0 s5, $0x0  }
0x1f: {  	s9 =	smul.u32 $0xF7A, s1;
	s8 =	simm.s32 @!p0 $0x1BF5;
	p2 =	por !p2, p0  }
0x20: {  	[sflag:s8] =	ssyncset.s32 @!p0 $0xFFFFF086;
	s6 =	sadd.s32 @!p0 s3, s7;
	s7 =	simm.s32 @!p0 $0x108  }
0x21: {  	s3 =	sadd.s32 s3, s9;
	s6 =	sadd.s32 @!p0 $0x88, s6;
	s7 =	simm.s32 @p2 $0x1082  }
0x22: {  	[simem:s7], [sflag:s8] =	dma.local @!p0 [hbm:s6], $0xF7A  }
0x23: {  	s9 =	sor.u32 $0xD0000000, s2;
	s6 =	simm.s32 $0x108;
	_ =	swait.ge @!p0 [sflag:s8], $0x0  }
0x24: {  	s3 =	sadd.s32 $0x88, s3;
	s6 =	simm.s32 @!p1 $0x1082;
	[sflag:s4] =	ssyncset.s32 $0xFFFFF086  }
0x25: {  	[simem:s6], [sflag:s4] =	dma.local [hbm:s3], $0xF7A  }
0x26: {  	[smem:$0x3F95] =	sst s1;
	(tag) =	ssettag s2;
	_ =	strace s9  }
0x27: {  	s1 =	sld [smem:$0x3FA5]  }
0x28: {  	s2 =	sld [smem:$0x3FA6]  }
0x29: {  	s4 =	sld [smem:$0x3FA8]  }
0x2a: {  	p0 =	seq.s32 s5, $0x0;
	s5 =	sld [smem:$0x3FA9]  }
0x2b: {  	s6 =	sld [smem:$0x3FAA]  }
0x2c: {  	s7 =	sld [smem:$0x3FAB]  }
0x2d: {  	s3 =	simm.s32 $0x108;
	s8 =	sld [smem:$0x3FAC]  }
0x2e: {  	s3 =	simm.s32 @!p0 $0x1082;
	s9 =	sld [smem:$0x3FAD]  }
0x2f: {  	lr =	sadd.s32 s0, s3;
	s0 =	sld [smem:$0x3FA4]  }
0x30: {  	s3 =	sld [smem:$0x3FA7]  }
0x31: {  	[smem:$0x3FB0] =	sst s10  }
0x32: {  	s10 =	sld [smem:$0x3FAE];
	_ =	sdelay $0x3  }
0x33: {  	p0 =	seq.s32 s10, $0x1;
	s10 =	sld [smem:$0x3FB0];
	_ =	sdelay $0x3  }
0x34: {  	[smem:$0x3FB0] =	sst s10  }
0x35: {  	s10 =	sld [smem:$0x3FAF];
	_ =	sdelay $0x3  }
0x36: {  	p1 =	seq.s32 s10, $0x1;
	s10 =	sld [smem:$0x3FB0];
	_ =	sdelay $0x3  }
0x37: {  	[smem:$0x3FB0] =	sst s10  }
0x38: {  	s10 =	sld [smem:$0x3FB1]  }
0x39: {  	_ = 	snop;
	(pc) =	sbr.ind lr, $3  }
0x3a: {  	_ = 	snop  }
0x3b: {  	_ = 	snop  }
0x3c: {  	p2 =	seq.s32 s10, $0x1;
	s10 =	sld [smem:$0x3FB0]  }
0x3d: {  	_ =	shalt  }
0x3e: {  	_ =	shalt  }
0x3f: {  	_ =	shalt  }
0x40: {  	_ =	shalt  }
0x41: {  	_ =	shalt  }
0x42: {  	_ =	shalt  }
0x43: {  	_ =	shalt  }
0x44: {  	_ =	shalt  }
0x45: {  	_ =	shalt  }
0x46: {  	_ =	shalt  }
0x47: {  	_ =	shalt  }
0x48: {  	_ =	shalt  }
0x49: {  	_ =	shalt  }
0x4a: {  	_ =	shalt  }
0x4b: {  	_ =	shalt  }
0x4c: {  	_ =	shalt  }
0x4d: {  	_ =	shalt  }
0x4e: {  	_ =	shalt  }
0x4f: {  	_ =	shalt  }
0x50: {  	_ =	shalt  }
0x51: {  	_ =	shalt  }
0x52: {  	_ =	shalt  }
0x53: {  	_ =	shalt  }
0x54: {  	_ =	shalt  }
0x55: {  	_ =	shalt  }
0x56: {  	_ =	shalt  }
0x57: {  	_ =	shalt  }
0x58: {  	_ =	shalt  }
0x59: {  	_ =	shalt  }
0x5a: {  	_ =	shalt  }
0x5b: {  	_ =	shalt  }
0x5c: {  	_ =	shalt  }
0x5d: {  	_ =	shalt  }
0x5e: {  	_ =	shalt  }
0x5f: {  	_ =	shalt  }
0x60: {  	_ =	shalt  }
0x61: {  	_ =	shalt  }
0x62: {  	_ =	shalt  }
0x63: {  	_ =	shalt  }
0x64: {  	_ =	shalt  }
0x65: {  	_ =	shalt  }
0x66: {  	_ =	shalt  }
0x67: {  	_ =	shalt  }
0x68: {  	_ =	shalt  }
0x69: {  	_ =	shalt  }
0x6a: {  	_ =	shalt  }
0x6b: {  	_ =	shalt  }
0x6c: {  	_ =	shalt  }
0x6d: {  	_ =	shalt  }
0x6e: {  	_ =	shalt  }
0x6f: {  	_ =	shalt  }
0x70: {  	_ =	shalt  }
0x71: {  	_ =	shalt  }
0x72: {  	_ =	shalt  }
0x73: {  	_ =	shalt  }
0x74: {  	_ =	shalt  }
0x75: {  	_ =	shalt  }
0x76: {  	_ =	shalt  }
0x77: {  	_ =	shalt  }
0x78: {  	_ =	shalt  }
0x79: {  	_ =	shalt  }
0x7a: {  	_ =	shalt  }
0x7b: {  	_ =	shalt  }
0x7c: {  	_ =	shalt  }
0x7d: {  	_ =	shalt  }
0x7e: {  	_ =	shalt  }
0x7f: {  	_ =	shalt  }
0x80: {  	_ =	shalt  }
0x81: {  	_ =	shalt  }
0x82: {  	_ =	shalt  }
0x83: {  	_ =	shalt  }
0x84: {  	_ =	shalt  }
0x85: {  	_ =	shalt  }
0x86: {  	_ =	shalt  }
0x87: {  	_ =	shalt  }
.Lfunc_end0:
.L_simem_size_0:
called_computation.1_lowered:
.L_overlay_start_0:
0x88: {  	s2 =	sld [smem:$0x3FD9]  }
0x89: {  	s3 =	sld [smem:$0x3FFE];
	_ =	sdelay $0x1  }
0x8a: {  	s1 =	srdreg.scid  }
0x8b: {  	s0 =	sand.u32 $0x1, s1  }
0x8c: {  	s16 =	sshll.u32 s0, $0xA;
	s2 =	sadd.s32 s3, s2  }
0x8d: {  	s2 =	sadd.s32 s2, s16  }
0x8e: {  	[smem:$0x3FBC] =	sst s2  }
0x8f: {  	_ = 	snop  }
0x90: {  	(tm) =	ssettm $0x1  }
0x91: {  	s17 =	sld [smem:$0x3FFB];
	_ =	sdelay $0x3  }
0x92: {  	_ =	strace s17  }
0x93: {  	s2 =	sld [smem:$0x3FFC];
	_ =	sdelay $0x3  }
0x94: {  	_ =	strace s2  }
0x95: {  	s2 =	sld [smem:$0x3FFD];
	_ =	sdelay $0x3  }
0x96: {  	_ =	strace s2  }
0x97: {  	_ =	strace $0x8FFFFFFF  }
0x98: {  	s18 =	sld [smem:$0x3FDB];
	_ =	sdelay $0x1  }
0x99: {  	s19 =	simm.s32 $_scs_section_size  }
0x9a: {  	s4 =	simm.s32 $_size__tile_overlayer_lowered;
	s5 =	simm.s32 $_tile_overlayer_lowered  }
0x9b: {  	s22 =	simm.s32 $0x1BFF;
	s21 =	sshll.u32 s5, $0x1;
	s2 =	sadd.s32 s19, s18  }
0x9c: {  	s6 =	simm.s32 $0x0;
	s20 =	sshll.u32 s4, $0x1;
	s4 =	sadd.s32 s21, s2  }
0x9d: {  	[timem:s6], [sflag:s22] =	dma.local [hbm:s4], s20  }
0x9e: {  	_ =	swait.ge [sflag:s22], s20  }
0x9f: {  	s3 =	ssub.s32 $0x0, s20;
	[sflag:s22] =	ssyncset.done $0x0  }
0xa0: {  	[sflag:s22] =	ssyncadd.s32 s3;
	_ =	sdelay $0x1  }
0xa1: {  	s23 =	simm.s32 $0x1B8B  }
0xa2: {  	_ =	swait.ge [sflag:s23], $0x1  }
0xa3: {  	[sflag:s23] =	ssyncset.done $0x0  }
0xa4: {  	s25 =	simm.s32 $0x1B8E;
	s24 =	sld [smem:$0x3FFE];
	[sflag:s23] =	ssyncadd.s32 $0xFFFFFFFF  }
0xa5: {  	s26 =	simm.s32 $execute0_lowered;
	[smem:$0x3FD2] =	sst s25  }
0xa6: {  	s4 =	sshll.u32 s26, $0x1;
	_ =	strace $0x80000049;
	[dreg:$0x1] =	wrdreg $0xFFFFFFFF  }
0xa7: {  	s28 =	simm.s32 $_size_execute0_lowered;
	s2 =	sadd.s32 s2, s4;
	[dreg:$0x0] =	wrdreg $0x0  }
0xa8: {  	s4 =	sshll.u32 s28, $0x1;
	[dreg:$0x2] =	wrdreg s2  }
0xa9: {  	[dreg:$0x3] =	wrdreg s4  }
0xaa: {  	[dreg:$0x4] =	wrdreg $0xC0  }
0xab: {  	_ =	task [dreg:s6], $0x5FFFF  }
0xac: {  	[dreg:$0x1] =	wrdreg $0xFFFFFFFF  }
0xad: {  	[dreg:$0x0] =	wrdreg $0x60  }
0xae: {  	[dreg:$0x2] =	wrdreg s24  }
0xaf: {  	[dreg:$0x3] =	wrdreg $0x0  }
0xb0: {  	[dreg:$0x4] =	wrdreg $0x9  }
0xb1: {  	_ =	task.clear_ibuf [dreg:s6], $0x5FFFF;
	_ =	strace $0x90000049  }
0xb2: {  	s29 =	simm.s32 $0x9;
	_ =	strace $0x8000004B  }
0xb3: {  	_ =	swait.ge [sflag:s29], $0x1  }
0xb4: {  	[sflag:s29] =	ssyncadd.s32 $0xFFFFFFFF  }
0xb5: {  	_ =	strace $0x9000004B  }
0xb6: {  	_ =	sfence  }
0xb7: {  	s30 =	sld [smem:$0x0];
	_ =	sdelay $0x2  }
0xb8: {  	s31 =	sshll.u32 s1, $0xD;
	s1 =	sshrl.u32 s1, $0x2  }
0xb9: {  	s3 =	sand.u32 $0x4000, s31;
	s1 =	sadd.s32 s1, s30  }
0xba: {  	s0 =	sor.u32 s3, s0;
	s1 =	sshll.u32 s1, $0x11  }
0xbb: {  	s0 =	sor.u32 s1, s0  }
0xbc: {  	s0 =	sadd.s32 $0x8F2B, s0  }
0xbd: {  	[sflag:s0] =	ssyncadd.remote.s32 $0x1  }
0xbe: {  	_ =	sfence.sel $0xFFFF  }
0xbf: {  	[dreg:$0x0] =	wrdreg $0xFFFFFFFF;
	(pc) =	sbr.abs _section_cstart, $3  }
0xc0: {  	[dreg:$0x1] =	wrdreg $0xFFFFFFFF  }
0xc1: {  	_ =	task.clear_ibuf [dreg:s6], $0x2FFFF;
	_ =	strace $0x9FFFFFFF  }
0xc2: {  	(tm) =	ssettm $0x7FFFFFFF  }
0xc3: {  	_ =	shalt  }
tec
execute0_lowered:
.L_overlay_start_1:
0x0: {  	(tag) =	ssettag $0x1  }
0x1: {  	s0 =	rddreg [dreg:$0x0]  }
0x2: {  	s2 =	rddreg [dreg:$0x1]  }
0x3: {  	s1 =	srdreg.scid;
	s15 =	stileid.u32;
	s3 =	simm.s32 $0x0  }
0x4: {  	s29 =	simm.s32 $0x14280;
	s30 =	simm.s32 $0x7;
	s1 =	sand.u32 $0x1, s1  }
0x5: {  	s6 =	smul.u32 $0x280, s15;
	[smem:$0x7FF] =	sst s3;
	s4 =	sadd.s32 $0x16600, s0  }
0x6: {  	s5 =	sadd.s32 $0x2A00, s0;
	s7 =	smul.u32 $0x2800, s1;
	s9 =	sshll.u32 s1, $0x4  }
0x7: {  	s8 =	smul.u32 $0x50000, s15;
	_ =	strace $0x8000004A;
	s9 =	sor.u32 s15, s9  }
0x8: {  	s21 =	ssub.s32 $0x2, s1;
	s7 =	sadd.s32 s6, s7;
	s22 =	smul.u32 $0x2760, s9  }
0x9: {  	s1 =	smul.u32 $0x27600, s1;
	s8 =	sshrl.u32 s8, $0x2;
	s7 =	sshll.u32 s7, $0x4  }
0xa: {  	s6 =	sadd.s32 $0xC800, s0;
	s0 =	sadd.s32 s7, s0;
	s18 =	sadd.s32 $0x2A0, s22  }
0xb: {  	s7 =	sadd.s32 s8, s2;
	s8 =	sadd.s32 $0x310, s22;
	[dreg:$0x3] =	wrdreg s18  }
0xc: {  	s10 =	sshrl.u32 s21, $0x1;
	s23 =	sadd.s32 $0x7800, s7;
	[dreg:$0x4] =	wrdreg s8  }
0xd: {  	s15 =	smul.u32 $0x2760, s15;
	s24 =	sadd.s32 $0xA000, s7;
	[dreg:$0xd] =	wrdreg s23  }
0xe: {  	s26 =	sshrl.u32 s22, $0x3;
	s11 =	sadd.s32 $0xC800, s7;
	[dreg:$0xe] =	wrdreg s24  }
0xf: {  	s13 =	ssub.s32 s21, s10;
	s12 =	sadd.s32 s5, s26;
	[dreg:$0xf] =	wrdreg s11  }
0x10: {  	s1 =	sadd.s32 s15, s1;
	s9 =	sadd.s32 s6, s26;
	[dreg:$0x10] =	wrdreg s12  }
0x11: {  	s19 =	sadd.s32 $0x230, s1;
	s20 =	sadd.s32 $0x3D800, s0;
	[dreg:$0x11] =	wrdreg s9  }
0x12: {  	s14 =	sadd.s32 $0xE, s26;
	s22 =	sadd.s32 $0x3DD00, s0;
	[dreg:$0x14] =	wrdreg s20  }
0x13: {  	s21 =	sshrl.u32 s19, $0x3;
	s19 =	sadd.s32 $0x3E200, s0;
	[dreg:$0x15] =	wrdreg s22  }
0x14: {  	s31 =	simm.s32 $0x14000;
	s16 =	sadd.s32 s5, s14;
	[dreg:$0x16] =	wrdreg s19  }
0x15: {  	s10 =	sadd.s32 $0x2800, s7;
	s17 =	sadd.s32 s6, s14;
	[dreg:$0x12] =	wrdreg s16  }
0x16: {  	s25 =	sadd.s32 $0x5000, s7;
	s23 =	sadd.s32 s21, s6;
	[dreg:$0x13] =	wrdreg s17  }
0x17: {  	s28 =	sadd.s32 $0x11800, s7;
	s8 =	sadd.s32 s21, s5;
	[dreg:$0x5] =	wrdreg s23  }
0x18: {  	s24 =	sadd.s32 $0x1C0, s1;
	s21 =	sadd.s32 $0x3E700, s0;
	[dreg:$0x6] =	wrdreg s8  }
0x19: {  	s12 =	sadd.s32 $0x150, s1;
	s22 =	sadd.s32 $0x3EC00, s0;
	[dreg:$0x17] =	wrdreg s21  }
0x1a: {  	s1 =	sadd.s32 $0xE0, s1;
	[dreg:$0x18] =	wrdreg s22;
	s23 =	sadd.s32 $0x3F100, s0  }
0x1b: {  	s26 =	sshrl.u32 s24, $0x3;
	s24 =	sadd.s32 $0x3F600, s0;
	[dreg:$0x19] =	wrdreg s23  }
0x1c: {  	s14 =	simm.s32 $0x14080;
	s0 =	sadd.s32 $0x3FB00, s0;
	[dreg:$0x1a] =	wrdreg s24  }
0x1d: {  	s19 =	simm.s32 $0x1;
	s11 =	sadd.s32 s26, s6;
	[dreg:$0x1b] =	wrdreg s0  }
0x1e: {  	s16 =	sshrl.u32 s12, $0x3;
	s15 =	sadd.s32 s26, s5;
	[dreg:$0x7] =	wrdreg s11  }
0x1f: {  	s1 =	sshrl.u32 s1, $0x3;
	s17 =	sadd.s32 s16, s6;
	[dreg:$0x8] =	wrdreg s15  }
0x20: {  	s21 =	simm.s32 $0x2;
	s18 =	sadd.s32 s16, s5;
	[dreg:$0x9] =	wrdreg s17  }
0x21: {  	s22 =	simm.s32 $0x3;
	s20 =	sadd.s32 s1, s6;
	[dreg:$0xa] =	wrdreg s18  }
0x22: {  	s1 =	sadd.s32 s1, s5;
	s26 =	smax.u32 s13, $0x1;
	[dreg:$0xb] =	wrdreg s20  }
0x23: {  	s0 =	simm.s32 $0x14100;
	s13 =	simm.s32 $0x70;
	[dreg:$0xc] =	wrdreg s1  }
0x24: {  	s16 =	simm.s32 $0x14200;
	s23 =	simm.s32 $0x0;
	[dreg:$0x1c] =	wrdreg s26  }
0x25: {  	s26 =	sadd.s32 $0xF000, s7;
	s1 =	simm.s32 $0x5;
	s15 =	simm.s32 $0x14180  }
0x26: {  	v0 =	vimm.f32 $0.0e+00;
	v1 =	vimm.s32 $0x0;
	s17 =	simm.s32 $0x17A80;
	s18 =	simm.s32 $0x6;
	s20 =	simm.s32 $0x4  }
.LBB2_1:
0x27: {  	s8 =	simm.s32 $0x0;
	s24 =	simm.s32 $0x200  }
.LBB2_2:
0x28: {  	p0 =	sne.s32 s24, $0xDE00;
	[tilespmem:s8+$0x142F0] =	vst v0  }
0x29: {  	[tilespmem:s8+$0x14280] =	vst v0  }
0x2a: {  	[tilespmem:s8+$0x14290] =	vst v0  }
.Ltmp0:
0x2b: {  	[tilespmem:s8+$0x142A0] =	vst v0;
	(pc) =	sbr.rel @p0 .LBB2_2-.Ltmp0, $4  }
0x2c: {  	[tilespmem:s8+$0x142B0] =	vst v0  }
0x2d: {  	[tilespmem:s8+$0x142C0] =	vst v0  }
0x2e: {  	[tilespmem:s8+$0x142D0] =	vst v0  }
0x2f: {  	[tilespmem:s8+$0x142E0] =	vst v0;
	s8 =	sshra.s32 s24, $0x2;
	s24 =	sadd.s32 $0x200, s24  }
0x30: {  	[tilespmem:s8+$0x142F0] =	vst v0  }
0x31: {  	[tilespmem:s8+$0x14280] =	vst v0  }
0x32: {  	[tilespmem:s8+$0x14290] =	vst v0  }
0x33: {  	[tilespmem:s8+$0x142A0] =	vst v0  }
0x34: {  	[tilespmem:s8+$0x142B0] =	vst v0  }
0x35: {  	[tilespmem:s8+$0x142C0] =	vst v0  }
0x36: {  	[tilespmem:s8+$0x142D0] =	vst v0  }
0x37: {  	[tilespmem:s8+$0x142E0] =	vst v0  }
0x38: {  	[spmem:s7] =	stream.linear.scatter [tilespmem:s29], [sflag:$0x7], $0x2800, $0x38;
	[tilespmem:$0x1B280] =	vst v63  }
0x39: {  	_ =	swait.ge [sflag:s30], $0x2800  }
0x3a: {  	[sflag:s30] =	ssyncset.done $0x0  }
0x3b: {  	[sflag:s30] =	ssyncadd.s32 $0xFFFFD800  }
0x3c: {  	[spmem:s10] =	stream.linear.scatter [tilespmem:s29], [sflag:$0x7], $0x2800, $0x38;
	[tilespmem:$0x1B280] =	vst v63  }
0x3d: {  	_ =	swait.ge [sflag:s30], $0x2800  }
0x3e: {  	[sflag:s30] =	ssyncset.done $0x0  }
0x3f: {  	[sflag:s30] =	ssyncadd.s32 $0xFFFFD800  }
0x40: {  	[spmem:s25] =	stream.linear.scatter [tilespmem:s29], [sflag:$0x7], $0x2800, $0x38;
	[tilespmem:$0x1B280] =	vst v63  }
0x41: {  	_ =	swait.ge [sflag:s30], $0x2800  }
0x42: {  	[sflag:s30] =	ssyncset.done $0x0  }
0x43: {  	s11 =	smov.u32 s10;
	s10 =	rddreg [dreg:$0xd];
	[sflag:s30] =	ssyncadd.s32 $0xFFFFD800  }
0x44: {  	[spmem:s10] =	stream.linear.scatter [tilespmem:s29], [sflag:$0x7], $0x2800, $0x38;
	[tilespmem:$0x1B280] =	vst v63  }
0x45: {  	_ =	swait.ge [sflag:s30], $0x2800  }
0x46: {  	[sflag:s30] =	ssyncset.done $0x0  }
0x47: {  	s24 =	rddreg [dreg:$0xe];
	[sflag:s30] =	ssyncadd.s32 $0xFFFFD800  }
0x48: {  	[spmem:s24] =	stream.linear.scatter [tilespmem:s29], [sflag:$0x7], $0x2800, $0x38;
	[tilespmem:$0x1B280] =	vst v63  }
0x49: {  	_ =	swait.ge [sflag:s30], $0x2800  }
0x4a: {  	[sflag:s30] =	ssyncset.done $0x0  }
0x4b: {  	s12 =	smov.u32 s25;
	s25 =	rddreg [dreg:$0xf];
	[sflag:s30] =	ssyncadd.s32 $0xFFFFD800  }
0x4c: {  	[spmem:s25] =	stream.linear.scatter [tilespmem:s29], [sflag:$0x7], $0x2800, $0x38;
	[tilespmem:$0x1B280] =	vst v63  }
0x4d: {  	_ =	swait.ge [sflag:s30], $0x2800  }
0x4e: {  	[sflag:s30] =	ssyncset.done $0x0  }
0x4f: {  	[sflag:s30] =	ssyncadd.s32 $0xFFFFD800  }
0x50: {  	[spmem:s26] =	stream.linear.scatter [tilespmem:s29], [sflag:$0x7], $0x2800, $0x38;
	[tilespmem:$0x1B280] =	vst v63  }
0x51: {  	_ =	swait.ge [sflag:s30], $0x2800  }
0x52: {  	[sflag:s30] =	ssyncset.done $0x0  }
0x53: {  	[sflag:s30] =	ssyncadd.s32 $0xFFFFD800  }
0x54: {  	[spmem:s28] =	stream.linear.scatter [tilespmem:s29], [sflag:$0x7], $0x2800, $0x38;
	[tilespmem:$0x1B280] =	vst v63  }
0x55: {  	_ =	swait.ge [sflag:s30], $0x2800  }
0x56: {  	[sflag:s30] =	ssyncset.done $0x0  }
0x57: {  	[sflag:s30] =	ssyncadd.s32 $0xFFFFD800  }
0x58: {  	s8 =	simm.s32 $0x0;
	s24 =	simm.s32 $0x200;
	[bflag:$0x0] =	sbarrier.arrive $0xFFFF  }
.LBB2_4:
0x59: {  	p0 =	sne.s32 s24, $0xDE00;
	[tilespmem:s8+$0x17AF0] =	vst v0  }
0x5a: {  	[tilespmem:s8+$0x17A80] =	vst v0  }
0x5b: {  	[tilespmem:s8+$0x17A90] =	vst v0  }
.Ltmp1:
0x5c: {  	[tilespmem:s8+$0x17AA0] =	vst v0;
	(pc) =	sbr.rel @p0 .LBB2_4-.Ltmp1, $4  }
0x5d: {  	[tilespmem:s8+$0x17AB0] =	vst v0  }
0x5e: {  	[tilespmem:s8+$0x17AC0] =	vst v0  }
0x5f: {  	[tilespmem:s8+$0x17AD0] =	vst v0  }
0x60: {  	[tilespmem:s8+$0x17AE0] =	vst v0;
	s8 =	sshra.s32 s24, $0x2;
	s24 =	sadd.s32 $0x200, s24  }
0x61: {  	[tilespmem:s8+$0x17AF0] =	vst v0  }
0x62: {  	[tilespmem:s8+$0x17A80] =	vst v0  }
0x63: {  	[tilespmem:s8+$0x17A90] =	vst v0  }
0x64: {  	[tilespmem:s8+$0x17AA0] =	vst v0  }
0x65: {  	[tilespmem:s8+$0x17AB0] =	vst v0  }
0x66: {  	[tilespmem:s8+$0x17AC0] =	vst v0  }
0x67: {  	[tilespmem:s8+$0x17AD0] =	vst v0  }
0x68: {  	[tilespmem:s8+$0x17AE0] =	vst v0  }
0x69: {  	[tilespmem:$0x14200] =	vst v1  }
0x6a: {  	[tilespmem:$0x14210] =	vst v1  }
0x6b: {  	[tilespmem:$0x14220] =	vst v1  }
0x6c: {  	[tilespmem:$0x14230] =	vst v1  }
0x6d: {  	[tilespmem:$0x14240] =	vst v1  }
0x6e: {  	[tilespmem:$0x14250] =	vst v1  }
0x6f: {  	[tilespmem:$0x14260] =	vst v1  }
0x70: {  	[bflag:$0x0] =	sbarrier.arrive $0xFFFF  }
0x71: {  	s8 =	simm.s32 $0x0;
	s9 =	rddreg [dreg:$0x10]  }
0x72: {  	[tilespmem:s31], [sflag:$0x5] =	stream.linear.gather [hbm4b:s9+s8], $0x70, $0x38;
	[tilespmem:$0x1B280] =	vst v63  }
0x73: {  	s25 =	rddreg [dreg:$0x11]  }
0x74: {  	[tilespmem:s0], [sflag:$0x5] =	stream.linear.gather [hbm4b:s25+s8], $0x70, $0x38;
	[tilespmem:$0x1B280] =	vst v63  }
0x75: {  	_ =	swait.ge [sflag:s1], $0x70  }
0x76: {  	[sflag:s1] =	ssyncset.done $0x0  }
0x77: {  	[sflag:s1] =	ssyncadd.s32 $0xFFFFFF90  }
0x78: {  	_ =	swait.ge [sflag:s1], $0x70  }
0x79: {  	[sflag:s1] =	ssyncset.done $0x0  }
0x7a: {  	[sflag:s1] =	ssyncadd.s32 $0xFFFFFF90  }
0x7b: {  	[tilespmem:s29], [sflag:$0x1] =	stream.indirect.gather [hbm4b:s4+s13], $0x80, s31, s13, $0xb8;
	[tilespmem:$0x1B280] =	vst v63  }
0x7c: {  	s10 =	rddreg [dreg:$0x12]  }
0x7d: {  	[tilespmem:s14], [sflag:$0x6] =	stream.linear.gather [hbm4b:s10+s8], $0x70, $0x38;
	[tilespmem:$0x1B280] =	vst v63  }
0x7e: {  	s24 =	rddreg [dreg:$0x13]  }
0x7f: {  	[tilespmem:s15], [sflag:$0x6] =	stream.linear.gather [hbm4b:s24+s8], $0x70, $0x38;
	[tilespmem:$0x1B280] =	vst v63  }
0x80: {  	_ = 	snop  }
0x81: {  	[spmem:s2] =	stream.indirect.scatter.add.f32 [tilespmem:s17], [sflag:$0x4], $0x80, s16, s13, $0xb8;
	[tilespmem:$0x1B280] =	vst v63  }
0x82: {  	_ =	swait.ge [sflag:s18], $0x70  }
0x83: {  	[sflag:s18] =	ssyncset.done $0x0  }
0x84: {  	[sflag:s18] =	ssyncadd.s32 $0xFFFFFF90  }
0x85: {  	_ =	swait.ge [sflag:s18], $0x70  }
0x86: {  	[sflag:s18] =	ssyncset.done $0x0  }
0x87: {  	[sflag:s18] =	ssyncadd.s32 $0xFFFFFF90  }
0x88: {  	_ =	swait.ge [sflag:s19], $0x3800  }
0x89: {  	[sflag:s19] =	ssyncset.done $0x0  }
0x8a: {  	[sflag:s19] =	ssyncadd.s32 $0xFFFFC800  }
0x8b: {  	_ =	swait.ge [sflag:s20], $0x3800  }
0x8c: {  	[sflag:s20] =	ssyncset.done $0x0  }
0x8d: {  	[sflag:s20] =	ssyncadd.s32 $0xFFFFC800  }
0x8e: {  	[spmem:s2] =	stream.indirect.scatter.add.f32 [tilespmem:s29], [sflag:$0x3], $0x80, s0, s13, $0xb8;
	[tilespmem:$0x1B280] =	vst v63  }
0x8f: {  	s25 =	rddreg [dreg:$0xc]  }
0x90: {  	[tilespmem:s17], [sflag:$0x2] =	stream.indirect.gather [hbm4b:s4+s13], $0x80, s14, s13, $0xb8;
	[tilespmem:$0x1B280] =	vst v63  }
0x91: {  	s24 =	rddreg [dreg:$0xb];
	s9 =	sadd.s32 $0x0, s25  }
0x92: {  	[tilespmem:s31], [sflag:$0x5] =	stream.linear.gather [hbm4b:s9+s3], $0x70, $0x38;
	[tilespmem:$0x1B280] =	vst v63  }
0x93: {  	s10 =	sadd.s32 $0x0, s24  }
0x94: {  	[tilespmem:s16], [sflag:$0x5] =	stream.linear.gather [hbm4b:s10+s3], $0x70, $0x38;
	[tilespmem:$0x1B280] =	vst v63  }
0x95: {  	_ =	swait.ge [sflag:s1], $0x70  }
0x96: {  	[sflag:s1] =	ssyncset.done $0x0  }
0x97: {  	[sflag:s1] =	ssyncadd.s32 $0xFFFFFF90  }
0x98: {  	_ =	swait.ge [sflag:s1], $0x70  }
0x99: {  	[sflag:s1] =	ssyncset.done $0x0  }
0x9a: {  	[sflag:s1] =	ssyncadd.s32 $0xFFFFFF90  }
0x9b: {  	_ =	swait.ge [sflag:s21], $0x3800  }
0x9c: {  	[sflag:s21] =	ssyncset.done $0x0  }
0x9d: {  	[sflag:s21] =	ssyncadd.s32 $0xFFFFC800  }
0x9e: {  	_ =	swait.ge [sflag:s22], $0x3800  }
0x9f: {  	[sflag:s22] =	ssyncset.done $0x0  }
0xa0: {  	[sflag:s22] =	ssyncadd.s32 $0xFFFFC800  }
0xa1: {  	[spmem:s2] =	stream.indirect.scatter.add.f32 [tilespmem:s17], [sflag:$0x4], $0x80, s15, s13, $0xb8;
	[tilespmem:$0x1B280] =	vst v63  }
0xa2: {  	s24 =	rddreg [dreg:$0xa]  }
0xa3: {  	[tilespmem:s29], [sflag:$0x1] =	stream.indirect.gather [hbm4b:s4+s13], $0x80, s31, s13, $0xb8;
	[tilespmem:$0x1B280] =	vst v63  }
0xa4: {  	s25 =	rddreg [dreg:$0x9];
	s9 =	sadd.s32 $0x0, s24  }
0xa5: {  	[tilespmem:s14], [sflag:$0x6] =	stream.linear.gather [hbm4b:s9+s3], $0x70, $0x38;
	[tilespmem:$0x1B280] =	vst v63  }
0xa6: {  	s10 =	sadd.s32 $0x0, s25  }
0xa7: {  	[tilespmem:s0], [sflag:$0x6] =	stream.linear.gather [hbm4b:s10+s3], $0x70, $0x38;
	[tilespmem:$0x1B280] =	vst v63  }
0xa8: {  	_ =	swait.ge [sflag:s18], $0x70  }
0xa9: {  	[sflag:s18] =	ssyncset.done $0x0  }
0xaa: {  	[sflag:s18] =	ssyncadd.s32 $0xFFFFFF90  }
0xab: {  	_ =	swait.ge [sflag:s18], $0x70  }
0xac: {  	[sflag:s18] =	ssyncset.done $0x0  }
0xad: {  	[sflag:s18] =	ssyncadd.s32 $0xFFFFFF90  }
0xae: {  	_ =	swait.ge [sflag:s19], $0x3800  }
0xaf: {  	[sflag:s19] =	ssyncset.done $0x0  }
0xb0: {  	[sflag:s19] =	ssyncadd.s32 $0xFFFFC800  }
0xb1: {  	_ =	swait.ge [sflag:s20], $0x3800  }
0xb2: {  	[sflag:s20] =	ssyncset.done $0x0  }
0xb3: {  	[sflag:s20] =	ssyncadd.s32 $0xFFFFC800  }
0xb4: {  	[spmem:s2] =	stream.indirect.scatter.add.f32 [tilespmem:s29], [sflag:$0x3], $0x80, s16, s13, $0xb8;
	[tilespmem:$0x1B280] =	vst v63  }
0xb5: {  	s24 =	rddreg [dreg:$0x8]  }
0xb6: {  	[tilespmem:s17], [sflag:$0x2] =	stream.indirect.gather [hbm4b:s4+s13], $0x80, s14, s13, $0xb8;
	[tilespmem:$0x1B280] =	vst v63  }
0xb7: {  	s25 =	rddreg [dreg:$0x7];
	s9 =	sadd.s32 $0x0, s24  }
0xb8: {  	[tilespmem:s31], [sflag:$0x5] =	stream.linear.gather [hbm4b:s9+s3], $0x70, $0x38;
	[tilespmem:$0x1B280] =	vst v63  }
0xb9: {  	s10 =	sadd.s32 $0x0, s25  }
0xba: {  	[tilespmem:s15], [sflag:$0x5] =	stream.linear.gather [hbm4b:s10+s3], $0x70, $0x38;
	[tilespmem:$0x1B280] =	vst v63  }
0xbb: {  	_ =	swait.ge [sflag:s1], $0x70  }
0xbc: {  	[sflag:s1] =	ssyncset.done $0x0  }
0xbd: {  	[sflag:s1] =	ssyncadd.s32 $0xFFFFFF90  }
0xbe: {  	_ =	swait.ge [sflag:s1], $0x70  }
0xbf: {  	[sflag:s1] =	ssyncset.done $0x0  }
0xc0: {  	[sflag:s1] =	ssyncadd.s32 $0xFFFFFF90  }
0xc1: {  	_ =	swait.ge [sflag:s21], $0x3800  }
0xc2: {  	[sflag:s21] =	ssyncset.done $0x0  }
0xc3: {  	[sflag:s21] =	ssyncadd.s32 $0xFFFFC800  }
0xc4: {  	_ =	swait.ge [sflag:s22], $0x3800  }
0xc5: {  	[sflag:s22] =	ssyncset.done $0x0  }
0xc6: {  	[sflag:s22] =	ssyncadd.s32 $0xFFFFC800  }
0xc7: {  	[spmem:s2] =	stream.indirect.scatter.add.f32 [tilespmem:s17], [sflag:$0x4], $0x80, s0, s13, $0xb8;
	[tilespmem:$0x1B280] =	vst v63  }
0xc8: {  	s24 =	rddreg [dreg:$0x6]  }
0xc9: {  	[tilespmem:s29], [sflag:$0x1] =	stream.indirect.gather [hbm4b:s4+s13], $0x80, s31, s13, $0xb8;
	[tilespmem:$0x1B280] =	vst v63  }
0xca: {  	s25 =	rddreg [dreg:$0x5];
	s9 =	sadd.s32 $0x0, s24  }
0xcb: {  	[tilespmem:s14], [sflag:$0x6] =	stream.linear.gather [hbm4b:s9+s3], $0x70, $0x38;
	[tilespmem:$0x1B280] =	vst v63  }
0xcc: {  	s10 =	sadd.s32 $0x0, s25  }
0xcd: {  	[tilespmem:s16], [sflag:$0x6] =	stream.linear.gather [hbm4b:s10+s3], $0x70, $0x38;
	[tilespmem:$0x1B280] =	vst v63  }
0xce: {  	_ =	swait.ge [sflag:s18], $0x70  }
0xcf: {  	[sflag:s18] =	ssyncset.done $0x0  }
0xd0: {  	[sflag:s18] =	ssyncadd.s32 $0xFFFFFF90  }
0xd1: {  	_ =	swait.ge [sflag:s18], $0x70  }
0xd2: {  	[sflag:s18] =	ssyncset.done $0x0  }
0xd3: {  	[sflag:s18] =	ssyncadd.s32 $0xFFFFFF90  }
0xd4: {  	_ =	swait.ge [sflag:s19], $0x3800  }
0xd5: {  	[sflag:s19] =	ssyncset.done $0x0  }
0xd6: {  	s24 =	smin.u32 s8, $0x53;
	[sflag:s19] =	ssyncadd.s32 $0xFFFFC800  }
0xd7: {  	s9 =	smul.u32 $0x70, s24;
	_ =	swait.ge [sflag:s20], $0x3800  }
0xd8: {  	[sflag:s20] =	ssyncset.done $0x0;
	s25 =	rddreg [dreg:$0x3]  }
0xd9: {  	[sflag:s20] =	ssyncadd.s32 $0xFFFFC800;
	s9 =	sadd.s32 s9, s25  }
0xda: {  	[spmem:s2] =	stream.indirect.scatter.add.f32 [tilespmem:s29], [sflag:$0x3], $0x80, s15, s13, $0xb8;
	[tilespmem:$0x1B280] =	vst v63  }
0xdb: {  	s9 =	sshrl.u32 s9, $0x3  }
0xdc: {  	[tilespmem:s17], [sflag:$0x2] =	stream.indirect.gather [hbm4b:s4+s13], $0x80, s14, s13, $0xb8;
	[tilespmem:$0x1B280] =	vst v63  }
0xdd: {  	s10 =	sadd.s32 s5, s9  }
0xde: {  	[tilespmem:s31], [sflag:$0x5] =	stream.linear.gather [hbm4b:s10+s3], $0x70, $0x38;
	[tilespmem:$0x1B280] =	vst v63  }
0xdf: {  	s9 =	sadd.s32 s6, s9  }
0xe0: {  	[tilespmem:s0], [sflag:$0x5] =	stream.linear.gather [hbm4b:s9+s3], $0x70, $0x38;
	[tilespmem:$0x1B280] =	vst v63  }
0xe1: {  	_ =	swait.ge [sflag:s1], $0x70  }
0xe2: {  	[sflag:s1] =	ssyncset.done $0x0  }
0xe3: {  	[sflag:s1] =	ssyncadd.s32 $0xFFFFFF90  }
0xe4: {  	_ =	swait.ge [sflag:s1], $0x70  }
0xe5: {  	[sflag:s1] =	ssyncset.done $0x0  }
0xe6: {  	[sflag:s1] =	ssyncadd.s32 $0xFFFFFF90  }
0xe7: {  	_ =	swait.ge [sflag:s21], $0x3800  }
0xe8: {  	[sflag:s21] =	ssyncset.done $0x0  }
0xe9: {  	s8 =	smin.u32 s8, $0x52;
	[sflag:s21] =	ssyncadd.s32 $0xFFFFC800  }
0xea: {  	s8 =	smul.u32 $0x70, s8;
	_ =	swait.ge [sflag:s22], $0x3800  }
0xeb: {  	[sflag:s22] =	ssyncset.done $0x0;
	s25 =	rddreg [dreg:$0x4]  }
0xec: {  	[sflag:s22] =	ssyncadd.s32 $0xFFFFC800;
	s8 =	sadd.s32 s8, s25  }
0xed: {  	[spmem:s2] =	stream.indirect.scatter.add.f32 [tilespmem:s17], [sflag:$0x4], $0x80, s16, s13, $0xb8;
	[tilespmem:$0x1B280] =	vst v63  }
0xee: {  	s24 =	simm.s32 $0x54;
	s9 =	sshrl.u32 s8, $0x3  }
0xef: {  	s25 =	simm.s32 $0x6;
	s8 =	sadd.s32 s5, s9;
	s9 =	sadd.s32 s6, s9  }
0xf0: {  	[tilespmem:s29], [sflag:$0x1] =	stream.indirect.gather [hbm4b:s4+s13], $0x80, s31, s13, $0xb8;
	[tilespmem:$0x1B280] =	vst v63  }
.LBB2_6:
0xf1: {  	[tilespmem:s14], [sflag:$0x6] =	stream.linear.gather [hbm4b:s8+s3], $0x70, $0x38;
	[tilespmem:$0x1B280] =	vst v63  }
0xf2: {  	_ = 	snop  }
0xf3: {  	[tilespmem:s15], [sflag:$0x6] =	stream.linear.gather [hbm4b:s9+s3], $0x70, $0x38;
	[tilespmem:$0x1B280] =	vst v63  }
0xf4: {  	_ =	swait.ge [sflag:s18], $0x70  }
0xf5: {  	[sflag:s18] =	ssyncset.done $0x0  }
0xf6: {  	[sflag:s18] =	ssyncadd.s32 $0xFFFFFF90  }
0xf7: {  	_ =	swait.ge [sflag:s18], $0x70  }
0xf8: {  	[sflag:s18] =	ssyncset.done $0x0  }
0xf9: {  	[sflag:s18] =	ssyncadd.s32 $0xFFFFFF90  }
0xfa: {  	_ =	swait.ge [sflag:s19], $0x3800  }
0xfb: {  	[sflag:s19] =	ssyncset.done $0x0  }
0xfc: {  	[sflag:s19] =	ssyncadd.s32 $0xFFFFC800  }
0xfd: {  	_ =	swait.ge [sflag:s20], $0x3800  }
0xfe: {  	[sflag:s20] =	ssyncset.done $0x0  }
0xff: {  	[sflag:s20] =	ssyncadd.s32 $0xFFFFC800  }
0x100: {  	[spmem:s2] =	stream.indirect.scatter.add.f32 [tilespmem:s29], [sflag:$0x3], $0x80, s0, s13, $0xb8;
	[tilespmem:$0x1B280] =	vst v63  }
0x101: {  	s8 =	smov.u32 s24;
	s9 =	rddreg [dreg:$0xc]  }
0x102: {  	[tilespmem:s17], [sflag:$0x2] =	stream.indirect.gather [hbm4b:s4+s13], $0x80, s14, s13, $0xb8;
	[tilespmem:$0x1B280] =	vst v63  }
0x103: {  	s10 =	rddreg [dreg:$0xb];
	s9 =	sadd.s32 s8, s9  }
0x104: {  	[tilespmem:s31], [sflag:$0x5] =	stream.linear.gather [hbm4b:s9+s3], $0x70, $0x38;
	[tilespmem:$0x1B280] =	vst v63  }
0x105: {  	s10 =	sadd.s32 s8, s10  }
0x106: {  	[tilespmem:s16], [sflag:$0x5] =	stream.linear.gather [hbm4b:s10+s3], $0x70, $0x38;
	[tilespmem:$0x1B280] =	vst v63  }
0x107: {  	_ =	swait.ge [sflag:s1], $0x70  }
0x108: {  	[sflag:s1] =	ssyncset.done $0x0  }
0x109: {  	[sflag:s1] =	ssyncadd.s32 $0xFFFFFF90  }
0x10a: {  	_ =	swait.ge [sflag:s1], $0x70  }
0x10b: {  	[sflag:s1] =	ssyncset.done $0x0  }
0x10c: {  	[sflag:s1] =	ssyncadd.s32 $0xFFFFFF90  }
0x10d: {  	_ =	swait.ge [sflag:s21], $0x3800  }
0x10e: {  	[sflag:s21] =	ssyncset.done $0x0  }
0x10f: {  	[sflag:s21] =	ssyncadd.s32 $0xFFFFC800  }
0x110: {  	_ =	swait.ge [sflag:s22], $0x3800  }
0x111: {  	[sflag:s22] =	ssyncset.done $0x0  }
0x112: {  	[sflag:s22] =	ssyncadd.s32 $0xFFFFC800  }
0x113: {  	[spmem:s2] =	stream.indirect.scatter.add.f32 [tilespmem:s17], [sflag:$0x4], $0x80, s15, s13, $0xb8;
	[tilespmem:$0x1B280] =	vst v63  }
0x114: {  	s9 =	rddreg [dreg:$0xa]  }
0x115: {  	[tilespmem:s29], [sflag:$0x1] =	stream.indirect.gather [hbm4b:s4+s13], $0x80, s31, s13, $0xb8;
	[tilespmem:$0x1B280] =	vst v63  }
0x116: {  	s10 =	rddreg [dreg:$0x9];
	s9 =	sadd.s32 s8, s9  }
0x117: {  	[tilespmem:s14], [sflag:$0x6] =	stream.linear.gather [hbm4b:s9+s3], $0x70, $0x38;
	[tilespmem:$0x1B280] =	vst v63  }
0x118: {  	s10 =	sadd.s32 s8, s10  }
0x119: {  	[tilespmem:s0], [sflag:$0x6] =	stream.linear.gather [hbm4b:s10+s3], $0x70, $0x38;
	[tilespmem:$0x1B280] =	vst v63  }
0x11a: {  	_ =	swait.ge [sflag:s18], $0x70  }
0x11b: {  	[sflag:s18] =	ssyncset.done $0x0  }
0x11c: {  	[sflag:s18] =	ssyncadd.s32 $0xFFFFFF90  }
0x11d: {  	_ =	swait.ge [sflag:s18], $0x70  }
0x11e: {  	[sflag:s18] =	ssyncset.done $0x0  }
0x11f: {  	[sflag:s18] =	ssyncadd.s32 $0xFFFFFF90  }
0x120: {  	_ =	swait.ge [sflag:s19], $0x3800  }
0x121: {  	[sflag:s19] =	ssyncset.done $0x0  }
0x122: {  	[sflag:s19] =	ssyncadd.s32 $0xFFFFC800  }
0x123: {  	_ =	swait.ge [sflag:s20], $0x3800  }
0x124: {  	[sflag:s20] =	ssyncset.done $0x0  }
0x125: {  	[sflag:s20] =	ssyncadd.s32 $0xFFFFC800  }
0x126: {  	[spmem:s2] =	stream.indirect.scatter.add.f32 [tilespmem:s29], [sflag:$0x3], $0x80, s16, s13, $0xb8;
	[tilespmem:$0x1B280] =	vst v63  }
0x127: {  	s9 =	rddreg [dreg:$0x8]  }
0x128: {  	[tilespmem:s17], [sflag:$0x2] =	stream.indirect.gather [hbm4b:s4+s13], $0x80, s14, s13, $0xb8;
	[tilespmem:$0x1B280] =	vst v63  }
0x129: {  	s10 =	rddreg [dreg:$0x7];
	s9 =	sadd.s32 s8, s9  }
0x12a: {  	[tilespmem:s31], [sflag:$0x5] =	stream.linear.gather [hbm4b:s9+s3], $0x70, $0x38;
	[tilespmem:$0x1B280] =	vst v63  }
0x12b: {  	s10 =	sadd.s32 s8, s10  }
0x12c: {  	[tilespmem:s15], [sflag:$0x5] =	stream.linear.gather [hbm4b:s10+s3], $0x70, $0x38;
	[tilespmem:$0x1B280] =	vst v63  }
0x12d: {  	_ =	swait.ge [sflag:s1], $0x70  }
0x12e: {  	[sflag:s1] =	ssyncset.done $0x0  }
0x12f: {  	[sflag:s1] =	ssyncadd.s32 $0xFFFFFF90  }
0x130: {  	_ =	swait.ge [sflag:s1], $0x70  }
0x131: {  	[sflag:s1] =	ssyncset.done $0x0  }
0x132: {  	[sflag:s1] =	ssyncadd.s32 $0xFFFFFF90  }
0x133: {  	_ =	swait.ge [sflag:s21], $0x3800  }
0x134: {  	[sflag:s21] =	ssyncset.done $0x0  }
0x135: {  	[sflag:s21] =	ssyncadd.s32 $0xFFFFC800  }
0x136: {  	_ =	swait.ge [sflag:s22], $0x3800  }
0x137: {  	[sflag:s22] =	ssyncset.done $0x0  }
0x138: {  	[sflag:s22] =	ssyncadd.s32 $0xFFFFC800  }
0x139: {  	[spmem:s2] =	stream.indirect.scatter.add.f32 [tilespmem:s17], [sflag:$0x4], $0x80, s0, s13, $0xb8;
	[tilespmem:$0x1B280] =	vst v63  }
0x13a: {  	s9 =	rddreg [dreg:$0x6]  }
0x13b: {  	[tilespmem:s29], [sflag:$0x1] =	stream.indirect.gather [hbm4b:s4+s13], $0x80, s31, s13, $0xb8;
	[tilespmem:$0x1B280] =	vst v63  }
0x13c: {  	s10 =	rddreg [dreg:$0x5];
	s9 =	sadd.s32 s8, s9  }
0x13d: {  	[tilespmem:s14], [sflag:$0x6] =	stream.linear.gather [hbm4b:s9+s3], $0x70, $0x38;
	[tilespmem:$0x1B280] =	vst v63  }
0x13e: {  	s8 =	sadd.s32 s8, s10  }
0x13f: {  	[tilespmem:s16], [sflag:$0x6] =	stream.linear.gather [hbm4b:s8+s3], $0x70, $0x38;
	[tilespmem:$0x1B280] =	vst v63  }
0x140: {  	_ =	swait.ge [sflag:s18], $0x70  }
0x141: {  	[sflag:s18] =	ssyncset.done $0x0  }
0x142: {  	[sflag:s18] =	ssyncadd.s32 $0xFFFFFF90  }
0x143: {  	_ =	swait.ge [sflag:s18], $0x70  }
0x144: {  	[sflag:s18] =	ssyncset.done $0x0  }
0x145: {  	[sflag:s18] =	ssyncadd.s32 $0xFFFFFF90  }
0x146: {  	_ =	swait.ge [sflag:s19], $0x3800  }
0x147: {  	[sflag:s19] =	ssyncset.done $0x0  }
0x148: {  	s9 =	smin.u32 s25, $0x53;
	[sflag:s19] =	ssyncadd.s32 $0xFFFFC800  }
0x149: {  	s8 =	smul.u32 $0x70, s9;
	_ =	swait.ge [sflag:s20], $0x3800  }
0x14a: {  	[sflag:s20] =	ssyncset.done $0x0;
	s10 =	rddreg [dreg:$0x3]  }
0x14b: {  	[sflag:s20] =	ssyncadd.s32 $0xFFFFC800;
	s8 =	sadd.s32 s8, s10  }
0x14c: {  	[spmem:s2] =	stream.indirect.scatter.add.f32 [tilespmem:s29], [sflag:$0x3], $0x80, s15, s13, $0xb8;
	[tilespmem:$0x1B280] =	vst v63  }
0x14d: {  	s8 =	sshrl.u32 s8, $0x3  }
0x14e: {  	[tilespmem:s17], [sflag:$0x2] =	stream.indirect.gather [hbm4b:s4+s13], $0x80, s14, s13, $0xb8;
	[tilespmem:$0x1B280] =	vst v63  }
0x14f: {  	s10 =	sadd.s32 s5, s8  }
0x150: {  	[tilespmem:s31], [sflag:$0x5] =	stream.linear.gather [hbm4b:s10+s3], $0x70, $0x38;
	[tilespmem:$0x1B280] =	vst v63  }
0x151: {  	s8 =	sadd.s32 s6, s8  }
0x152: {  	[tilespmem:s0], [sflag:$0x5] =	stream.linear.gather [hbm4b:s8+s3], $0x70, $0x38;
	[tilespmem:$0x1B280] =	vst v63  }
0x153: {  	_ =	swait.ge [sflag:s1], $0x70  }
0x154: {  	[sflag:s1] =	ssyncset.done $0x0  }
0x155: {  	[sflag:s1] =	ssyncadd.s32 $0xFFFFFF90  }
0x156: {  	_ =	swait.ge [sflag:s1], $0x70  }
0x157: {  	[sflag:s1] =	ssyncset.done $0x0  }
0x158: {  	[sflag:s1] =	ssyncadd.s32 $0xFFFFFF90  }
0x159: {  	_ =	swait.ge [sflag:s21], $0x3800  }
0x15a: {  	[sflag:s21] =	ssyncset.done $0x0  }
0x15b: {  	s9 =	smin.u32 s25, $0x52;
	[sflag:s21] =	ssyncadd.s32 $0xFFFFC800  }
0x15c: {  	s8 =	smul.u32 $0x70, s9;
	_ =	swait.ge [sflag:s22], $0x3800  }
0x15d: {  	p0 =	sne.s32 s24, $0x498;
	[sflag:s22] =	ssyncset.done $0x0;
	s10 =	rddreg [dreg:$0x4]  }
.Ltmp2:
0x15e: {  	[sflag:s22] =	ssyncadd.s32 $0xFFFFC800;
	s8 =	sadd.s32 s8, s10;
	(pc) =	sbr.rel @p0 .LBB2_6-.Ltmp2, $4  }
0x15f: {  	[spmem:s2] =	stream.indirect.scatter.add.f32 [tilespmem:s17], [sflag:$0x4], $0x80, s16, s13, $0xb8;
	[tilespmem:$0x1B280] =	vst v63  }
0x160: {  	s24 =	sadd.s32 $0x54, s24;
	s9 =	sshrl.u32 s8, $0x3  }
0x161: {  	s25 =	sadd.s32 $0x6, s25;
	s8 =	sadd.s32 s5, s9;
	s9 =	sadd.s32 s6, s9  }
0x162: {  	[tilespmem:s29], [sflag:$0x1] =	stream.indirect.gather [hbm4b:s4+s13], $0x80, s31, s13, $0xb8;
	[tilespmem:$0x1B280] =	vst v63  }
0x163: {  	[tilespmem:s14], [sflag:$0x6] =	stream.linear.gather [hbm4b:s8+s3], $0x70, $0x38;
	[tilespmem:$0x1B280] =	vst v63  }
0x164: {  	_ = 	snop  }
0x165: {  	[tilespmem:s15], [sflag:$0x6] =	stream.linear.gather [hbm4b:s9+s3], $0x70, $0x38;
	[tilespmem:$0x1B280] =	vst v63  }
0x166: {  	_ =	swait.ge [sflag:s19], $0x3800  }
0x167: {  	[sflag:s19] =	ssyncset.done $0x0  }
0x168: {  	[sflag:s19] =	ssyncadd.s32 $0xFFFFC800  }
0x169: {  	_ =	swait.ge [sflag:s20], $0x3800  }
0x16a: {  	[sflag:s20] =	ssyncset.done $0x0  }
0x16b: {  	[sflag:s20] =	ssyncadd.s32 $0xFFFFC800  }
0x16c: {  	_ =	swait.ge [sflag:s18], $0x70  }
0x16d: {  	[sflag:s18] =	ssyncset.done $0x0  }
0x16e: {  	[sflag:s18] =	ssyncadd.s32 $0xFFFFFF90  }
0x16f: {  	_ =	swait.ge [sflag:s18], $0x70  }
0x170: {  	[sflag:s18] =	ssyncset.done $0x0  }
0x171: {  	[sflag:s18] =	ssyncadd.s32 $0xFFFFFF90  }
0x172: {  	[bflag:$0x0] =	sbarrier.arrive $0xFFFF  }
0x173: {  	[tilespmem:s29], [sflag:$0x7] =	stream.linear.gather [spmem:s7], $0x2800, $0x38;
	[tilespmem:$0x1B280] =	vst v63  }
0x174: {  	_ =	swait.ge [sflag:s30], $0x2800  }
0x175: {  	[sflag:s30] =	ssyncset.done $0x0  }
0x176: {  	s10 =	rddreg [dreg:$0x14];
	[sflag:s30] =	ssyncadd.s32 $0xFFFFD800  }
0x177: {  	[hbm4b:s10+s3] =	stream.linear.scatter [tilespmem:s29], [sflag:$0x7], $0x2800, $0x38;
	[tilespmem:$0x1B280] =	vst v63  }
0x178: {  	_ =	swait.ge [sflag:s30], $0x2800  }
0x179: {  	[sflag:s30] =	ssyncset.done $0x0  }
0x17a: {  	[sflag:s30] =	ssyncadd.s32 $0xFFFFD800  }
0x17b: {  	[tilespmem:s29], [sflag:$0x7] =	stream.linear.gather [spmem:s11], $0x2800, $0x38;
	[tilespmem:$0x1B280] =	vst v63  }
0x17c: {  	_ =	swait.ge [sflag:s30], $0x2800  }
0x17d: {  	[sflag:s30] =	ssyncset.done $0x0  }
0x17e: {  	s10 =	smov.u32 s11;
	s11 =	rddreg [dreg:$0x15];
	[sflag:s30] =	ssyncadd.s32 $0xFFFFD800  }
0x17f: {  	[hbm4b:s11+s3] =	stream.linear.scatter [tilespmem:s29], [sflag:$0x7], $0x2800, $0x38;
	[tilespmem:$0x1B280] =	vst v63  }
0x180: {  	_ =	swait.ge [sflag:s30], $0x2800  }
0x181: {  	[sflag:s30] =	ssyncset.done $0x0  }
0x182: {  	[sflag:s30] =	ssyncadd.s32 $0xFFFFD800  }
0x183: {  	[tilespmem:s29], [sflag:$0x7] =	stream.linear.gather [spmem:s12], $0x2800, $0x38;
	[tilespmem:$0x1B280] =	vst v63  }
0x184: {  	_ =	swait.ge [sflag:s30], $0x2800  }
0x185: {  	[sflag:s30] =	ssyncset.done $0x0  }
0x186: {  	s25 =	smov.u32 s12;
	s12 =	rddreg [dreg:$0x16];
	[sflag:s30] =	ssyncadd.s32 $0xFFFFD800  }
0x187: {  	[hbm4b:s12+s3] =	stream.linear.scatter [tilespmem:s29], [sflag:$0x7], $0x2800, $0x38;
	[tilespmem:$0x1B280] =	vst v63  }
0x188: {  	_ =	swait.ge [sflag:s30], $0x2800  }
0x189: {  	[sflag:s30] =	ssyncset.done $0x0  }
0x18a: {  	s24 =	rddreg [dreg:$0xd];
	[sflag:s30] =	ssyncadd.s32 $0xFFFFD800  }
0x18b: {  	[tilespmem:s29], [sflag:$0x7] =	stream.linear.gather [spmem:s24], $0x2800, $0x38;
	[tilespmem:$0x1B280] =	vst v63  }
0x18c: {  	_ =	swait.ge [sflag:s30], $0x2800  }
0x18d: {  	[sflag:s30] =	ssyncset.done $0x0  }
0x18e: {  	s9 =	rddreg [dreg:$0x17];
	[sflag:s30] =	ssyncadd.s32 $0xFFFFD800  }
0x18f: {  	[hbm4b:s9+s3] =	stream.linear.scatter [tilespmem:s29], [sflag:$0x7], $0x2800, $0x38;
	[tilespmem:$0x1B280] =	vst v63  }
0x190: {  	_ =	swait.ge [sflag:s30], $0x2800  }
0x191: {  	[sflag:s30] =	ssyncset.done $0x0  }
0x192: {  	s11 =	rddreg [dreg:$0xe];
	[sflag:s30] =	ssyncadd.s32 $0xFFFFD800  }
0x193: {  	[tilespmem:s29], [sflag:$0x7] =	stream.linear.gather [spmem:s11], $0x2800, $0x38;
	[tilespmem:$0x1B280] =	vst v63  }
0x194: {  	_ =	swait.ge [sflag:s30], $0x2800  }
0x195: {  	[sflag:s30] =	ssyncset.done $0x0  }
0x196: {  	s12 =	rddreg [dreg:$0x18];
	[sflag:s30] =	ssyncadd.s32 $0xFFFFD800  }
0x197: {  	[hbm4b:s12+s3] =	stream.linear.scatter [tilespmem:s29], [sflag:$0x7], $0x2800, $0x38;
	[tilespmem:$0x1B280] =	vst v63  }
0x198: {  	_ =	swait.ge [sflag:s30], $0x2800  }
0x199: {  	[sflag:s30] =	ssyncset.done $0x0  }
0x19a: {  	s24 =	rddreg [dreg:$0xf];
	[sflag:s30] =	ssyncadd.s32 $0xFFFFD800  }
0x19b: {  	[tilespmem:s29], [sflag:$0x7] =	stream.linear.gather [spmem:s24], $0x2800, $0x38;
	[tilespmem:$0x1B280] =	vst v63  }
0x19c: {  	_ =	swait.ge [sflag:s30], $0x2800  }
0x19d: {  	[sflag:s30] =	ssyncset.done $0x0  }
0x19e: {  	s9 =	rddreg [dreg:$0x19];
	[sflag:s30] =	ssyncadd.s32 $0xFFFFD800  }
0x19f: {  	[hbm4b:s9+s3] =	stream.linear.scatter [tilespmem:s29], [sflag:$0x7], $0x2800, $0x38;
	[tilespmem:$0x1B280] =	vst v63  }
0x1a0: {  	_ =	swait.ge [sflag:s30], $0x2800  }
0x1a1: {  	[sflag:s30] =	ssyncset.done $0x0  }
0x1a2: {  	[sflag:s30] =	ssyncadd.s32 $0xFFFFD800  }
0x1a3: {  	[tilespmem:s29], [sflag:$0x7] =	stream.linear.gather [spmem:s26], $0x2800, $0x38;
	[tilespmem:$0x1B280] =	vst v63  }
0x1a4: {  	_ =	swait.ge [sflag:s30], $0x2800  }
0x1a5: {  	[sflag:s30] =	ssyncset.done $0x0  }
0x1a6: {  	s11 =	rddreg [dreg:$0x1a];
	[sflag:s30] =	ssyncadd.s32 $0xFFFFD800  }
0x1a7: {  	[hbm4b:s11+s3] =	stream.linear.scatter [tilespmem:s29], [sflag:$0x7], $0x2800, $0x38;
	[tilespmem:$0x1B280] =	vst v63  }
0x1a8: {  	_ =	swait.ge [sflag:s30], $0x2800  }
0x1a9: {  	[sflag:s30] =	ssyncset.done $0x0  }
0x1aa: {  	[sflag:s30] =	ssyncadd.s32 $0xFFFFD800  }
0x1ab: {  	[tilespmem:s29], [sflag:$0x7] =	stream.linear.gather [spmem:s28], $0x2800, $0x38;
	[tilespmem:$0x1B280] =	vst v63  }
0x1ac: {  	_ =	swait.ge [sflag:s30], $0x2800  }
0x1ad: {  	[sflag:s30] =	ssyncset.done $0x0  }
0x1ae: {  	s12 =	rddreg [dreg:$0x1b];
	[sflag:s30] =	ssyncadd.s32 $0xFFFFD800  }
0x1af: {  	[hbm4b:s12+s3] =	stream.linear.scatter [tilespmem:s29], [sflag:$0x7], $0x2800, $0x38;
	[tilespmem:$0x1B280] =	vst v63  }
0x1b0: {  	_ =	swait.ge [sflag:s30], $0x2800  }
0x1b1: {  	s23 =	sadd.s32 $0x1, s23;
	s24 =	rddreg [dreg:$0x1c]  }
0x1b2: {  	p0 =	sne.s32 s23, s24  }
.Ltmp3:
0x1b3: {  	_ = 	snop;
	(pc) =	sbr.rel @p0 .LBB2_1-.Ltmp3, $3  }
0x1b4: {  	_ =	sdelay $0x1  }
0x1b5: {  	[sflag:s30] =	ssyncset.done $0x0  }
0x1b6: {  	[sflag:s30] =	ssyncadd.s32 $0xFFFFD800  }
0x1b7: {  	_ =	sfence.sel $0x180000  }
0x1b8: {  	[bflag:$0x0] =	sbarrier.arrive $0xFFFF  }
0x1b9: {  	_ =	strace $0x9000004A  }
0x1ba: {  	s0 =	stileid.u32;
	[bflag:$0x2] =	sbarrier.arrive $0xFFFF  }
0x1bb: {  	p0 =	sne.s32 s0, $0x0;
	s0 =	rddreg [dreg:$0x2]  }
0x1bc: {  	s0 =	sadd.s32 @!p0 $0x100000, s0  }
0x1bd: {  	[sflag:s0] =	ssyncadd.tile.s32 @!p0 $0x1;
	_ =	shalt  }
.Lfunc_end2:
_tile_overlayer_lowered:
.L_overlay_start_2:
0x1be: {  	(tag) =	ssettag $0x2  }
0x1bf: {  	s0 =	rddreg [dreg:$0x0];
	s2 =	stileid.u32  }
0x1c0: {  	s1 =	rddreg [dreg:$0x1];
	p0 =	sne.s32 s2, $0x0  }
0x1c1: {  	s3 =	rddreg [dreg:$0x2];
	[bflag:$0x3] =	sbarrier.arrive $0xFFFF;
	s2 =	simm.s32 @!p0 $0x1C07  }
0x1c2: {  	[timem:s3], [sflag:s2] =	dma.local @!p0 [hbm:s0], s1  }
0x1c3: {  	s0 =	simm.s32 @!p0 $0x7  }
0x1c4: {  	_ =	swait.ge @!p0 [sflag:s0], s1  }
0x1c5: {  	s1 =	ssub.s32 @!p0 $0x0, s1;
	[sflag:s0] =	ssyncset.done @!p0 $0x0  }
0x1c6: {  	[sflag:s0] =	ssyncadd.s32 @!p0 s1  }
0x1c7: {  	[bflag:$0x3] =	sbarrier.arrive $0xFFFF  }
0x1c8: {  	_ =	shalt  }

</sc_bundles>
